<compile_context>
chip_gen: v7x
topology: tpu7x:2x2x1
jax: 0.10.2.dev20260603
libtpu: 0.0.44.dev20260713+nightly
codegen_flags: <defaults>
</compile_context>

<pallas_src>
import functools

import jax
import jax.numpy as jnp
from jax import lax
from jax.experimental import pallas as pl
from jax.experimental.pallas import tpu as pltpu
from jax.experimental.pallas import tpu_sc as plsc

B = 16384
V = 1000000
D = 32
CTX = 6
H1 = 100
H2 = 10
O = 45

BF = B * CTX
NC = 2
NS = 16
NW = NC * NS
B_PER_W = BF // NW
CW = 128
NCHUNK = B_PER_W // CW


def _gather_kernel(idx_hbm, table_hbm, out_hbm, idx_v, stg_a, stg_b,
                   rows_f, sem_a, sem_b, sem_out):
    wid = lax.axis_index("s") * NC + lax.axis_index("c")
    base = wid * B_PER_W
    pltpu.sync_copy(idx_hbm.at[wid], idx_v)

    def gcopy(stg, sem, j):
        return pltpu.make_async_copy(table_hbm.at[idx_v.at[j]], stg, sem)

    def unpack(stg, j):
        @plsc.parallel_loop(0, CW, unroll=4)
        def _(r):
            u = stg[r, :]
            evens = plsc.bitcast(u << 16, jnp.float32)
            odds = plsc.bitcast(u & jnp.int32(-65536), jnp.float32)
            off = (j * CW + r) * D
            rows_f[pl.ds(off, 16)] = evens
            rows_f[pl.ds(off + 16, 16)] = odds

    gcopy(stg_a, sem_a, 0).start()

    def body(i2, carry):
        ja = 2 * i2
        jb = 2 * i2 + 1
        gcopy(stg_a, sem_a, ja).wait()

        @pl.when(jb < NCHUNK)
        def _():
            gcopy(stg_b, sem_b, jb).start()

        unpack(stg_a, ja)

        @pl.when(jb < NCHUNK)
        def _():
            gcopy(stg_b, sem_b, jb).wait()

            @pl.when(jb + 1 < NCHUNK)
            def _():
                gcopy(stg_a, sem_a, jb + 1).start()

            unpack(stg_b, jb)

        return carry

    lax.fori_loop(0, (NCHUNK + 1) // 2, body, 0)

    pltpu.async_copy(rows_f, out_hbm.at[pl.ds(base * D, B_PER_W * D)],
                     sem_out)
    pltpu.make_async_copy(rows_f, out_hbm.at[pl.ds(base * D, B_PER_W * D)],
                          sem_out).wait()


CHUNK_V = 512
TGROUPS = V // CHUNK_V
TG_PER_W = TGROUPS // NW
TG_EXTRA = TGROUPS - TG_PER_W * NW
TAIL_VB = TGROUPS * CHUNK_V
TAIL_N = V - TAIL_VB


def _relayout_kernel(embT_hbm, tail_hbm, out_hbm, st_a, st_b, ost_a, ost_b,
                     sin_a, sin_b, sout_a, sout_b):
    wid = lax.axis_index("s") * NC + lax.axis_index("c")
    nw = TG_PER_W + jnp.where(wid < TG_EXTRA, 1, 0)
    iota16 = lax.iota(jnp.int32, 16)
    sc_idx = iota16 * 16

    def t_of(i):
        return wid + i * NW

    def in_copy(st, sin, i):
        vb = pl.multiple_of(t_of(i) * CHUNK_V, 128)
        return pltpu.make_async_copy(
            embT_hbm.at[:, pl.ds(vb, CHUNK_V)], st, sin)

    def out_copy(ost, sout, i):
        ob = pl.multiple_of(t_of(i) * CHUNK_V * 16, 8)
        return pltpu.make_async_copy(
            ost, out_hbm.at[pl.ds(ob, CHUNK_V * 16)], sout)

    def compute(st, ost, ngroups):
        half = jnp.uint32(0x8000)
        himask = jnp.uint32(0xFFFF0000)

        @plsc.parallel_loop(0, ngroups, unroll=2)
        def _(v0c):
            v0 = v0c * 16
            for k in range(16):
                lo = plsc.bitcast(st[2 * k, pl.ds(v0, 16)], jnp.uint32)
                hi = plsc.bitcast(st[2 * k + 1, pl.ds(v0, 16)], jnp.uint32)
                w = ((lo + half) >> 16) | ((hi + half) & himask)
                plsc.store_scatter(ost, [sc_idx + (v0 * 16 + k)],
                                   plsc.bitcast(w, jnp.int32))

    @pl.when(nw > 0)
    def _():
        in_copy(st_a, sin_a, 0).start()

    def body(i2, carry):
        ia = 2 * i2
        ib = 2 * i2 + 1

        @pl.when(ia < nw)
        def _():
            in_copy(st_a, sin_a, ia).wait()

            @pl.when(ib < nw)
            def _():
                in_copy(st_b, sin_b, ib).start()

            @pl.when(ia >= 2)
            def _():
                out_copy(ost_a, sout_a, ia - 2).wait()

            compute(st_a, ost_a, CHUNK_V // 16)
            out_copy(ost_a, sout_a, ia).start()

        @pl.when(ib < nw)
        def _():
            in_copy(st_b, sin_b, ib).wait()

            @pl.when(ib + 1 < nw)
            def _():
                in_copy(st_a, sin_a, ib + 1).start()

            @pl.when(ib >= 2)
            def _():
                out_copy(ost_b, sout_b, ib - 2).wait()

            compute(st_b, ost_b, CHUNK_V // 16)
            out_copy(ost_b, sout_b, ib).start()

        return carry

    lax.fori_loop(0, (TG_PER_W + 2) // 2, body, 0)

    last_a = ((nw - 1) // 2) * 2
    last_b = ((nw - 2) // 2) * 2 + 1

    @pl.when(nw >= 1)
    def _():
        out_copy(ost_a, sout_a, last_a).wait()

    @pl.when(nw >= 2)
    def _():
        out_copy(ost_b, sout_b, last_b).wait()

    @pl.when(wid == NW - 1)
    def _():
        pltpu.sync_copy(tail_hbm,
                        out_hbm.at[pl.ds(TAIL_VB * (D // 2), TAIL_N * (D // 2))])


@functools.cache
def _build_sc_relayout():
    return functools.partial(
        pl.kernel,
        mesh=plsc.VectorSubcoreMesh(
            core_axis_name="c", subcore_axis_name="s",
            num_cores=NC, num_subcores=NS),
        out_type=jax.ShapeDtypeStruct((V * D // 2,), jnp.int32),
        scratch_types=[
            pltpu.VMEM((D, CHUNK_V), jnp.float32),
            pltpu.VMEM((D, CHUNK_V), jnp.float32),
            pltpu.VMEM((CHUNK_V * 16,), jnp.int32),
            pltpu.VMEM((CHUNK_V * 16,), jnp.int32),
            pltpu.SemaphoreType.DMA,
            pltpu.SemaphoreType.DMA,
            pltpu.SemaphoreType.DMA,
            pltpu.SemaphoreType.DMA,
        ],
        compiler_params=pltpu.CompilerParams(
            use_tc_tiling_on_sc=True, needs_layout_passes=False),
    )(_relayout_kernel)


@functools.cache
def _build_sc_gather():
    return functools.partial(
        pl.kernel,
        mesh=plsc.VectorSubcoreMesh(
            core_axis_name="c", subcore_axis_name="s",
            num_cores=NC, num_subcores=NS),
        out_type=jax.ShapeDtypeStruct((BF * D,), jnp.float32),
        scratch_types=[
            pltpu.VMEM((NCHUNK, CW), jnp.int32),
            pltpu.VMEM((CW, D // 2), jnp.int32),
            pltpu.VMEM((CW, D // 2), jnp.int32),
            pltpu.VMEM((B_PER_W * D,), jnp.float32),
            pltpu.SemaphoreType.DMA,
            pltpu.SemaphoreType.DMA,
            pltpu.SemaphoreType.DMA,
        ],
        compiler_params=pltpu.CompilerParams(
            use_tc_tiling_on_sc=False, needs_layout_passes=False),
    )(_gather_kernel)


import numpy as _np

_H_PERM = _np.concatenate([
    c * D + _np.concatenate([_np.arange(0, D, 2), _np.arange(1, D, 2)])
    for c in range(CTX)
])


def _mlp_kernel(h_ref, w1_ref, b1_ref, w2_ref, b2_ref, w3_ref, b3_ref, o_ref):
    h = h_ref[...]
    h1 = lax.dot_general(h, w1_ref[...], (((1,), (0,)), ((), ())),
                         preferred_element_type=jnp.float32)
    h1 = jnp.maximum(h1 + b1_ref[...], 0.0)
    h2 = lax.dot_general(h1, w2_ref[...], (((1,), (0,)), ((), ())),
                         preferred_element_type=jnp.float32)
    h2 = jnp.maximum(h2 + b2_ref[...], 0.0)
    logits = lax.dot_general(h2, w3_ref[...], (((1,), (0,)), ((), ())),
                             preferred_element_type=jnp.float32)
    logits = logits + b3_ref[...]
    m = jnp.max(logits, axis=1, keepdims=True)
    z = logits - m
    lse = jnp.log(jnp.sum(jnp.exp(z), axis=1, keepdims=True))
    o_ref[...] = z - lse


_MLP_BLOCK = 2048


def _mlp(h, W1, b1, W2, b2, W3, b3):
    grid = (B // _MLP_BLOCK,)
    full = lambda i: (0, 0)
    return pl.pallas_call(
        _mlp_kernel,
        grid=grid,
        in_specs=[
            pl.BlockSpec((_MLP_BLOCK, D * CTX), lambda i: (i, 0)),
            pl.BlockSpec((D * CTX, H1), full),
            pl.BlockSpec((1, H1), full),
            pl.BlockSpec((H1, H2), full),
            pl.BlockSpec((1, H2), full),
            pl.BlockSpec((H2, O), full),
            pl.BlockSpec((1, O), full),
        ],
        out_specs=pl.BlockSpec((_MLP_BLOCK, O), lambda i: (i, 0)),
        out_shape=jax.ShapeDtypeStruct((B, O), jnp.float32),
    )(h, W1, b1, W2, b2, W3, b3)


def kernel(x, emb, W1, b1, W2, b2, W3, b3):
    idx = x.reshape(NW, NCHUNK, CW).astype(jnp.int32)
    tail_bf = emb[TAIL_VB:].astype(jnp.bfloat16)
    tail_words = jax.lax.bitcast_convert_type(
        tail_bf.reshape(TAIL_N, D // 2, 2), jnp.int32).reshape(TAIL_N * D // 2)
    table = _build_sc_relayout()(emb.T, tail_words).reshape(V, D // 2)
    gathered = _build_sc_gather()(idx, table)
    h = gathered.reshape(B, CTX * D)
    W1p = W1[_H_PERM, :]
    return _mlp(h, W1p, b1.reshape(1, H1), W2, b2.reshape(1, H2),
                W3, b3.reshape(1, O))

# --- scband reference (transcript-rebuilt; emitter-appended) ---
"""Pipeline reference for scband-model-63977832841634 (READ-ONLY COPY).

The authoritative reference and input builder live on the scoring server;
editing this copy changes nothing except your own understanding.
"""

import jax, jax.numpy as jnp
import numpy as np

B = 16384
V = 1000000
D = 32
CTX = 6
H1 = 100
H2 = 10
O = 45

def setup_inputs(seed: int = 0) -> dict:
    key = jax.random.key(seed)
    ks = jax.random.split(key, 8)
    x = jax.random.randint(ks[0], (B, CTX), 0, V)
    emb = jax.random.normal(ks[1], (V, D), dtype=jnp.float32) * 0.02
    W1 = jax.random.normal(ks[2], (D * CTX, H1), dtype=jnp.float32) * (1.0 / np.sqrt(D * CTX))
    b1 = jnp.zeros((H1,), dtype=jnp.float32)
    W2 = jax.random.normal(ks[3], (H1, H2), dtype=jnp.float32) * (1.0 / np.sqrt(H1))
    b2 = jnp.zeros((H2,), dtype=jnp.float32)
    W3 = jax.random.normal(ks[4], (H2, O), dtype=jnp.float32) * (1.0 / np.sqrt(H2))
    b3 = jnp.zeros((O,), dtype=jnp.float32)
    return {"x": x, "emb": emb, "W1": W1, "b1": b1, "W2": W2, "b2": b2, "W3": W3, "b3": b3}

def reference(x, emb, W1, b1, W2, b2, W3, b3):
    h = jnp.take(emb, x, axis=0)              # [B, 6, 32] embedding gather
    h = h.reshape(h.shape[0], -1)             # flatten -> [B, 192]
    h = jax.nn.relu(h @ W1 + b1)              # dense1 + relu
    h = jax.nn.relu(h @ W2 + b2)              # dense2 + relu
    logits = h @ W3 + b3                      # dense3
    return jax.nn.log_softmax(logits, axis=1) # LogSoftmax(dim=1)

if __name__ == "__main__":
    import jax
    _d = setup_inputs()
    print(jax.jit(kernel)(*tuple(_d.values())))

</pallas_src>

<mosaic_0001>
#map = affine_map<(d0, d1) -> (0, 0, 0)>
#map1 = affine_map<(d0, d1) -> (0, 0)>
#map2 = affine_map<(d0, d1) -> (0)>
module attributes {stable_mosaic.version = 14 : i64} {
  func.func @_gather_kernel(%arg0: i32, %arg1: i32, %arg2: memref<32x24x128xi32, #tpu.memory_space<hbm>>, %arg3: memref<1000000x16xi32, #tpu.memory_space<hbm>>, %arg4: memref<3145728xf32, #tpu.memory_space<hbm>>, %arg5: memref<24x128xi32, #tpu.memory_space<vmem>>, %arg6: memref<128x16xi32, #tpu.memory_space<vmem>>, %arg7: memref<128x16xi32, #tpu.memory_space<vmem>>, %arg8: memref<98304xf32, #tpu.memory_space<vmem>>, %arg9: memref<!tpu.dma_semaphore, #tpu.memory_space<semaphore_mem>>, %arg10: memref<!tpu.dma_semaphore, #tpu.memory_space<semaphore_mem>>, %arg11: memref<!tpu.dma_semaphore, #tpu.memory_space<semaphore_mem>>) attributes {dimension_semantics = [#tpu.dimension_semantics<core_parallel>, #tpu.dimension_semantics<subcore_parallel>], iteration_bounds = array<i64: 2, 16>, scalar_prefetch = 0 : i64, scratch_operands = 7 : i64, tpu.core_type = #tpu.core_type<sc_vector_subcore>, window_params = [{transform_indices = #map}, {transform_indices = #map1}, {transform_indices = #map2}]} {
    %mul3A = arith.constant 2 : i32
    %mul3A_0 = arith.muli %arg1, %mul3A : i32
    %add3A = arith.addi %mul3A_0, %arg0 : i32
    %mul3A_1 = arith.constant 3072 : i32
    %mul3A_2 = arith.muli %add3A, %mul3A_1 : i32
    "tpu.region"() ({
      %run_scoped3A = tpu.sem_alloc : memref<!tpu.dma_semaphore, #tpu.memory_space<semaphore_mem>>
      %dma_start3A_21 = arith.constant 0 : i32
      %dma_start3A_22 = arith.constant 0 : i32
      %dma_start3A_23 = tpu.memref_slice %arg2[%add3A, %dma_start3A_21, %dma_start3A_22] : memref<32x24x128xi32, #tpu.memory_space<hbm>> -> memref<1x24x128xi32, #tpu.memory_space<hbm>>
      %dma_start3A_24 = tpu.memref_squeeze %dma_start3A_23 : memref<1x24x128xi32, #tpu.memory_space<hbm>> -> memref<24x128xi32, #tpu.memory_space<hbm>>
      %dma_start3A_25 = arith.constant 0 : i32
      %dma_start3A_26 = arith.constant 0 : i32
      %dma_start3A_27 = tpu.memref_slice %arg2[%add3A, %dma_start3A_25, %dma_start3A_26] : memref<32x24x128xi32, #tpu.memory_space<hbm>> -> memref<1x24x128xi32, #tpu.memory_space<hbm>>
      %dma_start3A_28 = tpu.memref_squeeze %dma_start3A_27 : memref<1x24x128xi32, #tpu.memory_space<hbm>> -> memref<24x128xi32, #tpu.memory_space<hbm>>
      tpu.enqueue_dma source(%dma_start3A_28 : memref<24x128xi32, #tpu.memory_space<hbm>>) target(%arg5 : memref<24x128xi32, #tpu.memory_space<vmem>>) target_semaphore(%run_scoped3A : memref<!tpu.dma_semaphore, #tpu.memory_space<semaphore_mem>>)
      %dma_wait3A_29 = arith.constant 0 : i32
      %dma_wait3A_30 = arith.constant 0 : i32
      %dma_wait3A_31 = tpu.memref_slice %arg2[%add3A, %dma_wait3A_29, %dma_wait3A_30] : memref<32x24x128xi32, #tpu.memory_space<hbm>> -> memref<1x24x128xi32, #tpu.memory_space<hbm>>
      %dma_wait3A_32 = tpu.memref_squeeze %dma_wait3A_31 : memref<1x24x128xi32, #tpu.memory_space<hbm>> -> memref<24x128xi32, #tpu.memory_space<hbm>>
      %dma_wait3A_33 = arith.constant 0 : i32
      %dma_wait3A_34 = arith.constant 0 : i32
      %dma_wait3A_35 = tpu.memref_slice %arg2[%add3A, %dma_wait3A_33, %dma_wait3A_34] : memref<32x24x128xi32, #tpu.memory_space<hbm>> -> memref<1x24x128xi32, #tpu.memory_space<hbm>>
      %dma_wait3A_36 = tpu.memref_squeeze %dma_wait3A_35 : memref<1x24x128xi32, #tpu.memory_space<hbm>> -> memref<24x128xi32, #tpu.memory_space<hbm>>
      tpu.wait_dma2 semaphore(%run_scoped3A : memref<!tpu.dma_semaphore, #tpu.memory_space<semaphore_mem>>) src(%dma_wait3A_36 : memref<24x128xi32, #tpu.memory_space<hbm>>) dst(%arg5 : memref<24x128xi32, #tpu.memory_space<vmem>>)
      tpu.yield
    }) : () -> ()
    %dma_start3A = arith.constant 0 : i32
    %dma_start3A_3 = arith.constant 0 : i32
    %dma_start3A_4 = tpu.memref_slice %arg5[%dma_start3A, %dma_start3A_3] : memref<24x128xi32, #tpu.memory_space<vmem>> -> memref<1x128xi32, #tpu.memory_space<vmem>>
    %dma_start3A_5 = tpu.memref_squeeze %dma_start3A_4 : memref<1x128xi32, #tpu.memory_space<vmem>> -> memref<128xi32, #tpu.memory_space<vmem>>
    %dma_start3A_6 = arith.constant 0 : i32
    %dma_start3A_7 = arith.constant 0 : i32
    %dma_start3A_8 = tpu.memref_slice %arg3[%dma_start3A_6, %dma_start3A_7] : memref<1000000x16xi32, #tpu.memory_space<hbm>> -> memref<1000000x16xi32, #tpu.memory_space<hbm>>
    tpu.enqueue_indirect_dma source(%dma_start3A_8 : memref<1000000x16xi32, #tpu.memory_space<hbm>>) target(%arg6 : memref<128x16xi32, #tpu.memory_space<vmem>>) offsets(%dma_start3A_5 : memref<128xi32, #tpu.memory_space<vmem>>) semaphore(%arg9 : memref<!tpu.dma_semaphore, #tpu.memory_space<semaphore_mem>>)
    %scan3A = arith.constant 0 : i32
    %scan3A_9 = arith.constant 0 : i32
    %scan3A_10 = arith.constant 12 : i32
    %scan3A_11 = arith.addi %scan3A_9, %scan3A_10 : i32
    %scan3A_12 = arith.constant 1 : i32
    scf.for %scan3A_21 = %scan3A_9 to %scan3A_11 step %scan3A_12  : i32 {
      %mul3A_22 = arith.constant 2 : i32
      %mul3A_23 = arith.muli %mul3A_22, %scan3A_21 : i32
      %mul3A_24 = arith.constant 2 : i32
      %mul3A_25 = arith.muli %mul3A_24, %scan3A_21 : i32
      %add3A_26 = arith.constant 1 : i32
      %add3A_27 = arith.addi %mul3A_25, %add3A_26 : i32
      %dma_wait3A_28 = arith.constant 0 : i32
      %dma_wait3A_29 = tpu.memref_slice %arg5[%mul3A_23, %dma_wait3A_28] : memref<24x128xi32, #tpu.memory_space<vmem>> -> memref<1x128xi32, #tpu.memory_space<vmem>>
      %dma_wait3A_30 = tpu.memref_squeeze %dma_wait3A_29 : memref<1x128xi32, #tpu.memory_space<vmem>> -> memref<128xi32, #tpu.memory_space<vmem>>
      %dma_wait3A_31 = arith.constant 0 : i32
      %dma_wait3A_32 = arith.constant 0 : i32
      %dma_wait3A_33 = tpu.memref_slice %arg3[%dma_wait3A_31, %dma_wait3A_32] : memref<1000000x16xi32, #tpu.memory_space<hbm>> -> memref<1000000x16xi32, #tpu.memory_space<hbm>>
      tpu.wait_indirect_dma semaphore(%arg9 : memref<!tpu.dma_semaphore, #tpu.memory_space<semaphore_mem>>) src(%dma_wait3A_33 : memref<1000000x16xi32, #tpu.memory_space<hbm>>) dst(%arg6 : memref<128x16xi32, #tpu.memory_space<vmem>>)
      %lt3A = arith.constant 24 : i32
      %lt3A_34 = arith.cmpi slt, %add3A_27, %lt3A : i32
      %convert_element_type3A = arith.extui %lt3A_34 : i1 to i32
      %cond3A = arith.constant 0 : i32
      %cond3A_35 = arith.cmpi ne, %convert_element_type3A, %cond3A : i32
      scf.if %cond3A_35 {
        %dma_start3A_43 = arith.constant 0 : i32
        %dma_start3A_44 = tpu.memref_slice %arg5[%add3A_27, %dma_start3A_43] : memref<24x128xi32, #tpu.memory_space<vmem>> -> memref<1x128xi32, #tpu.memory_space<vmem>>
        %dma_start3A_45 = tpu.memref_squeeze %dma_start3A_44 : memref<1x128xi32, #tpu.memory_space<vmem>> -> memref<128xi32, #tpu.memory_space<vmem>>
        %dma_start3A_46 = arith.constant 0 : i32
        %dma_start3A_47 = arith.constant 0 : i32
        %dma_start3A_48 = tpu.memref_slice %arg3[%dma_start3A_46, %dma_start3A_47] : memref<1000000x16xi32, #tpu.memory_space<hbm>> -> memref<1000000x16xi32, #tpu.memory_space<hbm>>
        tpu.enqueue_indirect_dma source(%dma_start3A_48 : memref<1000000x16xi32, #tpu.memory_space<hbm>>) target(%arg7 : memref<128x16xi32, #tpu.memory_space<vmem>>) offsets(%dma_start3A_45 : memref<128xi32, #tpu.memory_space<vmem>>) semaphore(%arg10 : memref<!tpu.dma_semaphore, #tpu.memory_space<semaphore_mem>>)
      } else {
      }
      %parallel_loop3A = arith.constant 0 : i32
      %parallel_loop3A_36 = arith.constant 128 : i32
      %parallel_loop3A_37 = arith.constant 1 : i32
      scf.for %parallel_loop3A_43 = %parallel_loop3A to %parallel_loop3A_36 step %parallel_loop3A_37  : i32 {
        %parallel_loop3A_44 = arith.index_cast %parallel_loop3A_43 : i32 to index
        %parallel_loop3A_45 = arith.constant 0 : index
        %parallel_loop3A_46 = tpu.vector_load %arg6[%parallel_loop3A_44, %parallel_loop3A_45] {strides = array<i32>} : memref<128x16xi32, #tpu.memory_space<vmem>>, vector<16xi32>,
        %parallel_loop3A_47 = arith.constant 16 : i32
        %parallel_loop3A_48 = vector.broadcast %parallel_loop3A_47 : i32 to vector<16xi32>
        %parallel_loop3A_49 = arith.shli %parallel_loop3A_46, %parallel_loop3A_48 : vector<16xi32>
        %parallel_loop3A_50 = vector.bitcast %parallel_loop3A_49 : vector<16xi32> to vector<16xf32>
        %parallel_loop3A_51 = arith.constant -65536 : i32
        %parallel_loop3A_52 = vector.broadcast %parallel_loop3A_51 : i32 to vector<16xi32>
        %parallel_loop3A_53 = arith.andi %parallel_loop3A_46, %parallel_loop3A_52 : vector<16xi32>
        %parallel_loop3A_54 = vector.bitcast %parallel_loop3A_53 : vector<16xi32> to vector<16xf32>
        %parallel_loop3A_55 = arith.constant 128 : i32
        %parallel_loop3A_56 = arith.muli %mul3A_23, %parallel_loop3A_55 : i32
        %parallel_loop3A_57 = arith.addi %parallel_loop3A_56, %parallel_loop3A_43 : i32
        %parallel_loop3A_58 = arith.constant 32 : i32
        %parallel_loop3A_59 = arith.muli %parallel_loop3A_57, %parallel_loop3A_58 : i32
        %parallel_loop3A_60 = arith.index_cast %parallel_loop3A_59 : i32 to index
        %parallel_loop3A_61 = tpu.vector_load %arg8[%parallel_loop3A_60] {strides = array<i32>} : memref<98304xf32, #tpu.memory_space<vmem>>, vector<16xf32>,
        tpu.vector_store %arg8[%parallel_loop3A_60], %parallel_loop3A_50 {strides = array<i32>} : memref<98304xf32, #tpu.memory_space<vmem>>, vector<16xf32>,
        %parallel_loop3A_62 = arith.constant 16 : i32
        %parallel_loop3A_63 = arith.addi %parallel_loop3A_59, %parallel_loop3A_62 : i32
        %parallel_loop3A_64 = arith.index_cast %parallel_loop3A_63 : i32 to index
        %parallel_loop3A_65 = tpu.vector_load %arg8[%parallel_loop3A_64] {strides = array<i32>} : memref<98304xf32, #tpu.memory_space<vmem>>, vector<16xf32>,
        tpu.vector_store %arg8[%parallel_loop3A_64], %parallel_loop3A_54 {strides = array<i32>} : memref<98304xf32, #tpu.memory_space<vmem>>, vector<16xf32>,
      } {sc.loop_unroll_factor = 4 : i64, sc.parallel_access}
      %lt3A_38 = arith.constant 24 : i32
      %lt3A_39 = arith.cmpi slt, %add3A_27, %lt3A_38 : i32
      %convert_element_type3A_40 = arith.extui %lt3A_39 : i1 to i32
      %cond3A_41 = arith.constant 0 : i32
      %cond3A_42 = arith.cmpi ne, %convert_element_type3A_40, %cond3A_41 : i32
      scf.if %cond3A_42 {
        %dma_wait3A_43 = arith.constant 0 : i32
        %dma_wait3A_44 = tpu.memref_slice %arg5[%add3A_27, %dma_wait3A_43] : memref<24x128xi32, #tpu.memory_space<vmem>> -> memref<1x128xi32, #tpu.memory_space<vmem>>
        %dma_wait3A_45 = tpu.memref_squeeze %dma_wait3A_44 : memref<1x128xi32, #tpu.memory_space<vmem>> -> memref<128xi32, #tpu.memory_space<vmem>>
        %dma_wait3A_46 = arith.constant 0 : i32
        %dma_wait3A_47 = arith.constant 0 : i32
        %dma_wait3A_48 = tpu.memref_slice %arg3[%dma_wait3A_46, %dma_wait3A_47] : memref<1000000x16xi32, #tpu.memory_space<hbm>> -> memref<1000000x16xi32, #tpu.memory_space<hbm>>
        tpu.wait_indirect_dma semaphore(%arg10 : memref<!tpu.dma_semaphore, #tpu.memory_space<semaphore_mem>>) src(%dma_wait3A_48 : memref<1000000x16xi32, #tpu.memory_space<hbm>>) dst(%arg7 : memref<128x16xi32, #tpu.memory_space<vmem>>)
        %add3A_49 = arith.constant 1 : i32
        %add3A_50 = arith.addi %add3A_27, %add3A_49 : i32
        %lt3A_51 = arith.constant 24 : i32
        %lt3A_52 = arith.cmpi slt, %add3A_50, %lt3A_51 : i32
        %convert_element_type3A_53 = arith.extui %lt3A_52 : i1 to i32
        %cond3A_54 = arith.constant 0 : i32
        %cond3A_55 = arith.cmpi ne, %convert_element_type3A_53, %cond3A_54 : i32
        scf.if %cond3A_55 {
          %add3A_59 = arith.constant 1 : i32
          %add3A_60 = arith.addi %add3A_27, %add3A_59 : i32
          %dma_start3A_61 = arith.constant 0 : i32
          %dma_start3A_62 = tpu.memref_slice %arg5[%add3A_60, %dma_start3A_61] : memref<24x128xi32, #tpu.memory_space<vmem>> -> memref<1x128xi32, #tpu.memory_space<vmem>>
          %dma_start3A_63 = tpu.memref_squeeze %dma_start3A_62 : memref<1x128xi32, #tpu.memory_space<vmem>> -> memref<128xi32, #tpu.memory_space<vmem>>
          %dma_start3A_64 = arith.constant 0 : i32
          %dma_start3A_65 = arith.constant 0 : i32
          %dma_start3A_66 = tpu.memref_slice %arg3[%dma_start3A_64, %dma_start3A_65] : memref<1000000x16xi32, #tpu.memory_space<hbm>> -> memref<1000000x16xi32, #tpu.memory_space<hbm>>
          tpu.enqueue_indirect_dma source(%dma_start3A_66 : memref<1000000x16xi32, #tpu.memory_space<hbm>>) target(%arg6 : memref<128x16xi32, #tpu.memory_space<vmem>>) offsets(%dma_start3A_63 : memref<128xi32, #tpu.memory_space<vmem>>) semaphore(%arg9 : memref<!tpu.dma_semaphore, #tpu.memory_space<semaphore_mem>>)
        } else {
        }
        %parallel_loop3A_56 = arith.constant 0 : i32
        %parallel_loop3A_57 = arith.constant 128 : i32
        %parallel_loop3A_58 = arith.constant 1 : i32
        scf.for %parallel_loop3A_59 = %parallel_loop3A_56 to %parallel_loop3A_57 step %parallel_loop3A_58  : i32 {
          %parallel_loop3A_60 = arith.index_cast %parallel_loop3A_59 : i32 to index
          %parallel_loop3A_61 = arith.constant 0 : index
          %parallel_loop3A_62 = tpu.vector_load %arg7[%parallel_loop3A_60, %parallel_loop3A_61] {strides = array<i32>} : memref<128x16xi32, #tpu.memory_space<vmem>>, vector<16xi32>,
          %parallel_loop3A_63 = arith.constant 16 : i32
          %parallel_loop3A_64 = vector.broadcast %parallel_loop3A_63 : i32 to vector<16xi32>
          %parallel_loop3A_65 = arith.shli %parallel_loop3A_62, %parallel_loop3A_64 : vector<16xi32>
          %parallel_loop3A_66 = vector.bitcast %parallel_loop3A_65 : vector<16xi32> to vector<16xf32>
          %parallel_loop3A_67 = arith.constant -65536 : i32
          %parallel_loop3A_68 = vector.broadcast %parallel_loop3A_67 : i32 to vector<16xi32>
          %parallel_loop3A_69 = arith.andi %parallel_loop3A_62, %parallel_loop3A_68 : vector<16xi32>
          %parallel_loop3A_70 = vector.bitcast %parallel_loop3A_69 : vector<16xi32> to vector<16xf32>
          %parallel_loop3A_71 = arith.constant 128 : i32
          %parallel_loop3A_72 = arith.muli %add3A_27, %parallel_loop3A_71 : i32
          %parallel_loop3A_73 = arith.addi %parallel_loop3A_72, %parallel_loop3A_59 : i32
          %parallel_loop3A_74 = arith.constant 32 : i32
          %parallel_loop3A_75 = arith.muli %parallel_loop3A_73, %parallel_loop3A_74 : i32
          %parallel_loop3A_76 = arith.index_cast %parallel_loop3A_75 : i32 to index
          %parallel_loop3A_77 = tpu.vector_load %arg8[%parallel_loop3A_76] {strides = array<i32>} : memref<98304xf32, #tpu.memory_space<vmem>>, vector<16xf32>,
          tpu.vector_store %arg8[%parallel_loop3A_76], %parallel_loop3A_66 {strides = array<i32>} : memref<98304xf32, #tpu.memory_space<vmem>>, vector<16xf32>,
          %parallel_loop3A_78 = arith.constant 16 : i32
          %parallel_loop3A_79 = arith.addi %parallel_loop3A_75, %parallel_loop3A_78 : i32
          %parallel_loop3A_80 = arith.index_cast %parallel_loop3A_79 : i32 to index
          %parallel_loop3A_81 = tpu.vector_load %arg8[%parallel_loop3A_80] {strides = array<i32>} : memref<98304xf32, #tpu.memory_space<vmem>>, vector<16xf32>,
          tpu.vector_store %arg8[%parallel_loop3A_80], %parallel_loop3A_70 {strides = array<i32>} : memref<98304xf32, #tpu.memory_space<vmem>>, vector<16xf32>,
        } {sc.loop_unroll_factor = 4 : i64, sc.parallel_access}
      } else {
      }
    }
    %scan3A_13 = arith.constant 12 : i32
    %mul3A_14 = arith.constant 32 : i32
    %mul3A_15 = arith.muli %mul3A_2, %mul3A_14 : i32
    %dma_start3A_16 = tpu.memref_slice %arg4[%mul3A_15] : memref<3145728xf32, #tpu.memory_space<hbm>> -> memref<98304xf32, #tpu.memory_space<hbm>>
    %dma_start3A_17 = tpu.memref_slice %arg4[%mul3A_15] : memref<3145728xf32, #tpu.memory_space<hbm>> -> memref<98304xf32, #tpu.memory_space<hbm>>
    tpu.enqueue_dma source(%arg8 : memref<98304xf32, #tpu.memory_space<vmem>>) target(%dma_start3A_17 : memref<98304xf32, #tpu.memory_space<hbm>>) target_semaphore(%arg11 : memref<!tpu.dma_semaphore, #tpu.memory_space<semaphore_mem>>)
    %mul3A_18 = arith.constant 32 : i32
    %mul3A_19 = arith.muli %mul3A_2, %mul3A_18 : i32
    %dma_wait3A = tpu.memref_slice %arg4[%mul3A_19] : memref<3145728xf32, #tpu.memory_space<hbm>> -> memref<98304xf32, #tpu.memory_space<hbm>>
    %dma_wait3A_20 = tpu.memref_slice %arg4[%mul3A_19] : memref<3145728xf32, #tpu.memory_space<hbm>> -> memref<98304xf32, #tpu.memory_space<hbm>>
    tpu.wait_dma2 semaphore(%arg11 : memref<!tpu.dma_semaphore, #tpu.memory_space<semaphore_mem>>) src(%arg8 : memref<98304xf32, #tpu.memory_space<vmem>>) dst(%dma_wait3A_20 : memref<98304xf32, #tpu.memory_space<hbm>>)
    return
  }
}

#map = affine_map<(d0, d1) -> (0, 0)>
#map1 = affine_map<(d0, d1) -> (0)>
module attributes {stable_mosaic.version = 14 : i64} {
  func.func @_relayout_kernel(%arg0: i32, %arg1: i32, %arg2: memref<32x1000000xf32, #tpu.memory_space<hbm>>, %arg3: memref<1024xi32, #tpu.memory_space<hbm>>, %arg4: memref<16000000xi32, #tpu.memory_space<hbm>>, %arg5: memref<32x512xf32, #tpu.memory_space<vmem>>, %arg6: memref<32x512xf32, #tpu.memory_space<vmem>>, %arg7: memref<8192xi32, #tpu.memory_space<vmem>>, %arg8: memref<8192xi32, #tpu.memory_space<vmem>>, %arg9: memref<!tpu.dma_semaphore, #tpu.memory_space<semaphore_mem>>, %arg10: memref<!tpu.dma_semaphore, #tpu.memory_space<semaphore_mem>>, %arg11: memref<!tpu.dma_semaphore, #tpu.memory_space<semaphore_mem>>, %arg12: memref<!tpu.dma_semaphore, #tpu.memory_space<semaphore_mem>>) attributes {dimension_semantics = [#tpu.dimension_semantics<core_parallel>, #tpu.dimension_semantics<subcore_parallel>], iteration_bounds = array<i64: 2, 16>, scalar_prefetch = 0 : i64, scratch_operands = 8 : i64, tpu.core_type = #tpu.core_type<sc_vector_subcore>, window_params = [{transform_indices = #map}, {transform_indices = #map1}, {transform_indices = #map1}]} {
    %mul3A = arith.constant 2 : i32
    %mul3A_0 = arith.muli %arg1, %mul3A : i32
    %add3A = arith.addi %mul3A_0, %arg0 : i32
    %lt3A = arith.constant 1 : i32
    %lt3A_1 = arith.cmpi slt, %add3A, %lt3A : i32
    %jit3A = arith.constant 1 : i32
    %jit3A_2 = arith.constant 0 : i32
    %select_n3A = arith.select %lt3A_1, %jit3A, %jit3A_2 : i32
    %add3A_3 = arith.constant 61 : i32
    %add3A_4 = arith.addi %add3A_3, %select_n3A : i32
    %iota3A = tpu.iota {dimensions = array<i32: 0>} : vector<16xi32>
    %mul3A_5 = arith.constant 16 : i32
    %mul3A_6 = vector.broadcast %mul3A_5 : i32 to vector<16xi32>
    %mul3A_7 = arith.muli %iota3A, %mul3A_6 : vector<16xi32>
    %gt3A = arith.constant 0 : i32
    %gt3A_8 = arith.cmpi sgt, %add3A_4, %gt3A : i32
    %convert_element_type3A = arith.extui %gt3A_8 : i1 to i32
    %cond3A = arith.constant 0 : i32
    %cond3A_9 = arith.cmpi ne, %convert_element_type3A, %cond3A : i32
    scf.if %cond3A_9 {
      %add3A_80 = arith.constant 0 : i32
      %add3A_81 = arith.addi %add3A, %add3A_80 : i32
      %mul3A_82 = arith.constant 512 : i32
      %mul3A_83 = arith.muli %add3A_81, %mul3A_82 : i32
      %multiple_of3A = tpu.assume_multiple %mul3A_83, 128 : i32
      %dma_start3A = arith.constant 0 : i32
      %dma_start3A_84 = tpu.memref_slice %arg2[%dma_start3A, %multiple_of3A] : memref<32x1000000xf32, #tpu.memory_space<hbm>> -> memref<32x512xf32, #tpu.memory_space<hbm>>
      %dma_start3A_85 = arith.constant 0 : i32
      %dma_start3A_86 = tpu.memref_slice %arg2[%dma_start3A_85, %multiple_of3A] : memref<32x1000000xf32, #tpu.memory_space<hbm>> -> memref<32x512xf32, #tpu.memory_space<hbm>>
      tpu.enqueue_dma source(%dma_start3A_86 : memref<32x512xf32, #tpu.memory_space<hbm>>) target(%arg5 : memref<32x512xf32, #tpu.memory_space<vmem>>) target_semaphore(%arg9 : memref<!tpu.dma_semaphore, #tpu.memory_space<semaphore_mem>>)
    } else {
    }
    %scan3A = arith.constant 0 : i32
    %scan3A_10 = arith.constant 0 : i32
    %scan3A_11 = arith.constant 31 : i32
    %scan3A_12 = arith.addi %scan3A_10, %scan3A_11 : i32
    %scan3A_13 = arith.constant 1 : i32
    scf.for %scan3A_80 = %scan3A_10 to %scan3A_12 step %scan3A_13  : i32 {
      %mul3A_81 = arith.constant 2 : i32
      %mul3A_82 = arith.muli %mul3A_81, %scan3A_80 : i32
      %mul3A_83 = arith.constant 2 : i32
      %mul3A_84 = arith.muli %mul3A_83, %scan3A_80 : i32
      %add3A_85 = arith.constant 1 : i32
      %add3A_86 = arith.addi %mul3A_84, %add3A_85 : i32
      %lt3A_87 = arith.cmpi slt, %mul3A_82, %add3A_4 : i32
      %convert_element_type3A_88 = arith.extui %lt3A_87 : i1 to i32
      %cond3A_89 = arith.constant 0 : i32
      %cond3A_90 = arith.cmpi ne, %convert_element_type3A_88, %cond3A_89 : i32
      scf.if %cond3A_90 {
        %mul3A_95 = arith.constant 32 : i32
        %mul3A_96 = arith.muli %mul3A_82, %mul3A_95 : i32
        %add3A_97 = arith.addi %add3A, %mul3A_96 : i32
        %mul3A_98 = arith.constant 512 : i32
        %mul3A_99 = arith.muli %add3A_97, %mul3A_98 : i32
        %multiple_of3A = tpu.assume_multiple %mul3A_99, 128 : i32
        %dma_wait3A = arith.constant 0 : i32
        %dma_wait3A_100 = tpu.memref_slice %arg2[%dma_wait3A, %multiple_of3A] : memref<32x1000000xf32, #tpu.memory_space<hbm>> -> memref<32x512xf32, #tpu.memory_space<hbm>>
        %dma_wait3A_101 = arith.constant 0 : i32
        %dma_wait3A_102 = tpu.memref_slice %arg2[%dma_wait3A_101, %multiple_of3A] : memref<32x1000000xf32, #tpu.memory_space<hbm>> -> memref<32x512xf32, #tpu.memory_space<hbm>>
        tpu.wait_dma2 semaphore(%arg9 : memref<!tpu.dma_semaphore, #tpu.memory_space<semaphore_mem>>) src(%dma_wait3A_102 : memref<32x512xf32, #tpu.memory_space<hbm>>) dst(%arg5 : memref<32x512xf32, #tpu.memory_space<vmem>>)
        %lt3A_103 = arith.cmpi slt, %add3A_86, %add3A_4 : i32
        %convert_element_type3A_104 = arith.extui %lt3A_103 : i1 to i32
        %cond3A_105 = arith.constant 0 : i32
        %cond3A_106 = arith.cmpi ne, %convert_element_type3A_104, %cond3A_105 : i32
        scf.if %cond3A_106 {
          %mul3A_125 = arith.constant 32 : i32
          %mul3A_126 = arith.muli %add3A_86, %mul3A_125 : i32
          %add3A_127 = arith.addi %add3A, %mul3A_126 : i32
          %mul3A_128 = arith.constant 512 : i32
          %mul3A_129 = arith.muli %add3A_127, %mul3A_128 : i32
          %multiple_of3A_130 = tpu.assume_multiple %mul3A_129, 128 : i32
          %dma_start3A_131 = arith.constant 0 : i32
          %dma_start3A_132 = tpu.memref_slice %arg2[%dma_start3A_131, %multiple_of3A_130] : memref<32x1000000xf32, #tpu.memory_space<hbm>> -> memref<32x512xf32, #tpu.memory_space<hbm>>
          %dma_start3A_133 = arith.constant 0 : i32
          %dma_start3A_134 = tpu.memref_slice %arg2[%dma_start3A_133, %multiple_of3A_130] : memref<32x1000000xf32, #tpu.memory_space<hbm>> -> memref<32x512xf32, #tpu.memory_space<hbm>>
          tpu.enqueue_dma source(%dma_start3A_134 : memref<32x512xf32, #tpu.memory_space<hbm>>) target(%arg6 : memref<32x512xf32, #tpu.memory_space<vmem>>) target_semaphore(%arg10 : memref<!tpu.dma_semaphore, #tpu.memory_space<semaphore_mem>>)
        } else {
        }
        %ge3A_107 = arith.constant 2 : i32
        %ge3A_108 = arith.cmpi sge, %mul3A_82, %ge3A_107 : i32
        %convert_element_type3A_109 = arith.extui %ge3A_108 : i1 to i32
        %cond3A_110 = arith.constant 0 : i32
        %cond3A_111 = arith.cmpi ne, %convert_element_type3A_109, %cond3A_110 : i32
        scf.if %cond3A_111 {
          %sub3A_125 = arith.constant 2 : i32
          %sub3A_126 = arith.subi %mul3A_82, %sub3A_125 : i32
          %mul3A_127 = arith.constant 32 : i32
          %mul3A_128 = arith.muli %sub3A_126, %mul3A_127 : i32
          %add3A_129 = arith.addi %add3A, %mul3A_128 : i32
          %mul3A_130 = arith.constant 512 : i32
          %mul3A_131 = arith.muli %add3A_129, %mul3A_130 : i32
          %mul3A_132 = arith.constant 16 : i32
          %mul3A_133 = arith.muli %mul3A_131, %mul3A_132 : i32
          %multiple_of3A_134 = tpu.assume_multiple %mul3A_133, 8 : i32
          %dma_wait3A_135 = tpu.memref_slice %arg4[%multiple_of3A_134] : memref<16000000xi32, #tpu.memory_space<hbm>> -> memref<8192xi32, #tpu.memory_space<hbm>>
          %dma_wait3A_136 = tpu.memref_slice %arg4[%multiple_of3A_134] : memref<16000000xi32, #tpu.memory_space<hbm>> -> memref<8192xi32, #tpu.memory_space<hbm>>
          tpu.wait_dma2 semaphore(%arg11 : memref<!tpu.dma_semaphore, #tpu.memory_space<semaphore_mem>>) src(%arg7 : memref<8192xi32, #tpu.memory_space<vmem>>) dst(%dma_wait3A_136 : memref<8192xi32, #tpu.memory_space<hbm>>)
        } else {
        }
        %parallel_loop3A = arith.constant 0 : i32
        %parallel_loop3A_112 = arith.constant 32 : i32
        %parallel_loop3A_113 = arith.constant 1 : i32
        %parallel_loop3A_114 = arith.constant 32768 : i32
        %parallel_loop3A_115 = arith.constant -65536 : i32
        scf.for %parallel_loop3A_125 = %parallel_loop3A to %parallel_loop3A_112 step %parallel_loop3A_113  : i32 {
          %parallel_loop3A_126 = arith.constant 16 : i32
          %parallel_loop3A_127 = arith.muli %parallel_loop3A_125, %parallel_loop3A_126 : i32
          %parallel_loop3A_128 = arith.constant 0 : i32
          %parallel_loop3A_129 = arith.index_cast %parallel_loop3A_128 : i32 to index
          %parallel_loop3A_130 = arith.index_cast %parallel_loop3A_127 : i32 to index
          %parallel_loop3A_131 = tpu.vector_load %arg5[%parallel_loop3A_129, %parallel_loop3A_130] {strides = array<i32>} : memref<32x512xf32, #tpu.memory_space<vmem>>, vector<16xf32>,
          %parallel_loop3A_132 = vector.bitcast %parallel_loop3A_131 : vector<16xf32> to vector<16xi32>
          %parallel_loop3A_133 = arith.constant 1 : i32
          %parallel_loop3A_134 = arith.index_cast %parallel_loop3A_133 : i32 to index
          %parallel_loop3A_135 = arith.index_cast %parallel_loop3A_127 : i32 to index
          %parallel_loop3A_136 = tpu.vector_load %arg5[%parallel_loop3A_134, %parallel_loop3A_135] {strides = array<i32>} : memref<32x512xf32, #tpu.memory_space<vmem>>, vector<16xf32>,
          %parallel_loop3A_137 = vector.bitcast %parallel_loop3A_136 : vector<16xf32> to vector<16xi32>
          %parallel_loop3A_138 = vector.broadcast %parallel_loop3A_114 : i32 to vector<16xi32>
          %parallel_loop3A_139 = arith.addi %parallel_loop3A_132, %parallel_loop3A_138 : vector<16xi32>
          %parallel_loop3A_140 = arith.constant 16 : i32
          %parallel_loop3A_141 = vector.broadcast %parallel_loop3A_140 : i32 to vector<16xi32>
          %parallel_loop3A_142 = arith.shrui %parallel_loop3A_139, %parallel_loop3A_141 : vector<16xi32>
          %parallel_loop3A_143 = vector.broadcast %parallel_loop3A_114 : i32 to vector<16xi32>
          %parallel_loop3A_144 = arith.addi %parallel_loop3A_137, %parallel_loop3A_143 : vector<16xi32>
          %parallel_loop3A_145 = vector.broadcast %parallel_loop3A_115 : i32 to vector<16xi32>
          %parallel_loop3A_146 = arith.andi %parallel_loop3A_144, %parallel_loop3A_145 : vector<16xi32>
          %parallel_loop3A_147 = arith.ori %parallel_loop3A_142, %parallel_loop3A_146 : vector<16xi32>
          %parallel_loop3A_148 = arith.constant 16 : i32
          %parallel_loop3A_149 = arith.muli %parallel_loop3A_127, %parallel_loop3A_148 : i32
          %parallel_loop3A_150 = arith.constant 0 : i32
          %parallel_loop3A_151 = arith.addi %parallel_loop3A_149, %parallel_loop3A_150 : i32
          %parallel_loop3A_152 = vector.broadcast %parallel_loop3A_151 : i32 to vector<16xi32>
          %parallel_loop3A_153 = arith.addi %mul3A_7, %parallel_loop3A_152 : vector<16xi32>
          %parallel_loop3A_154 = vector.bitcast %parallel_loop3A_147 : vector<16xi32> to vector<16xi32>
          tpu.vector_store_idx %arg7[%parallel_loop3A_153], %parallel_loop3A_154 : memref<8192xi32, #tpu.memory_space<vmem>>[vector<16xi32>], vector<16xi32>,
          %parallel_loop3A_155 = arith.constant 2 : i32
          %parallel_loop3A_156 = arith.index_cast %parallel_loop3A_155 : i32 to index
          %parallel_loop3A_157 = arith.index_cast %parallel_loop3A_127 : i32 to index
          %parallel_loop3A_158 = tpu.vector_load %arg5[%parallel_loop3A_156, %parallel_loop3A_157] {strides = array<i32>} : memref<32x512xf32, #tpu.memory_space<vmem>>, vector<16xf32>,
          %parallel_loop3A_159 = vector.bitcast %parallel_loop3A_158 : vector<16xf32> to vector<16xi32>
          %parallel_loop3A_160 = arith.constant 3 : i32
          %parallel_loop3A_161 = arith.index_cast %parallel_loop3A_160 : i32 to index
          %parallel_loop3A_162 = arith.index_cast %parallel_loop3A_127 : i32 to index
          %parallel_loop3A_163 = tpu.vector_load %arg5[%parallel_loop3A_161, %parallel_loop3A_162] {strides = array<i32>} : memref<32x512xf32, #tpu.memory_space<vmem>>, vector<16xf32>,
          %parallel_loop3A_164 = vector.bitcast %parallel_loop3A_163 : vector<16xf32> to vector<16xi32>
          %parallel_loop3A_165 = vector.broadcast %parallel_loop3A_114 : i32 to vector<16xi32>
          %parallel_loop3A_166 = arith.addi %parallel_loop3A_159, %parallel_loop3A_165 : vector<16xi32>
          %parallel_loop3A_167 = arith.constant 16 : i32
          %parallel_loop3A_168 = vector.broadcast %parallel_loop3A_167 : i32 to vector<16xi32>
          %parallel_loop3A_169 = arith.shrui %parallel_loop3A_166, %parallel_loop3A_168 : vector<16xi32>
          %parallel_loop3A_170 = vector.broadcast %parallel_loop3A_114 : i32 to vector<16xi32>
          %parallel_loop3A_171 = arith.addi %parallel_loop3A_164, %parallel_loop3A_170 : vector<16xi32>
          %parallel_loop3A_172 = vector.broadcast %parallel_loop3A_115 : i32 to vector<16xi32>
          %parallel_loop3A_173 = arith.andi %parallel_loop3A_171, %parallel_loop3A_172 : vector<16xi32>
          %parallel_loop3A_174 = arith.ori %parallel_loop3A_169, %parallel_loop3A_173 : vector<16xi32>
          %parallel_loop3A_175 = arith.constant 16 : i32
          %parallel_loop3A_176 = arith.muli %parallel_loop3A_127, %parallel_loop3A_175 : i32
          %parallel_loop3A_177 = arith.constant 1 : i32
          %parallel_loop3A_178 = arith.addi %parallel_loop3A_176, %parallel_loop3A_177 : i32
          %parallel_loop3A_179 = vector.broadcast %parallel_loop3A_178 : i32 to vector<16xi32>
          %parallel_loop3A_180 = arith.addi %mul3A_7, %parallel_loop3A_179 : vector<16xi32>
          %parallel_loop3A_181 = vector.bitcast %parallel_loop3A_174 : vector<16xi32> to vector<16xi32>
          tpu.vector_store_idx %arg7[%parallel_loop3A_180], %parallel_loop3A_181 : memref<8192xi32, #tpu.memory_space<vmem>>[vector<16xi32>], vector<16xi32>,
          %parallel_loop3A_182 = arith.constant 4 : i32
          %parallel_loop3A_183 = arith.index_cast %parallel_loop3A_182 : i32 to index
          %parallel_loop3A_184 = arith.index_cast %parallel_loop3A_127 : i32 to index
          %parallel_loop3A_185 = tpu.vector_load %arg5[%parallel_loop3A_183, %parallel_loop3A_184] {strides = array<i32>} : memref<32x512xf32, #tpu.memory_space<vmem>>, vector<16xf32>,
          %parallel_loop3A_186 = vector.bitcast %parallel_loop3A_185 : vector<16xf32> to vector<16xi32>
          %parallel_loop3A_187 = arith.constant 5 : i32
          %parallel_loop3A_188 = arith.index_cast %parallel_loop3A_187 : i32 to index
          %parallel_loop3A_189 = arith.index_cast %parallel_loop3A_127 : i32 to index
          %parallel_loop3A_190 = tpu.vector_load %arg5[%parallel_loop3A_188, %parallel_loop3A_189] {strides = array<i32>} : memref<32x512xf32, #tpu.memory_space<vmem>>, vector<16xf32>,
          %parallel_loop3A_191 = vector.bitcast %parallel_loop3A_190 : vector<16xf32> to vector<16xi32>
          %parallel_loop3A_192 = vector.broadcast %parallel_loop3A_114 : i32 to vector<16xi32>
          %parallel_loop3A_193 = arith.addi %parallel_loop3A_186, %parallel_loop3A_192 : vector<16xi32>
          %parallel_loop3A_194 = arith.constant 16 : i32
          %parallel_loop3A_195 = vector.broadcast %parallel_loop3A_194 : i32 to vector<16xi32>
          %parallel_loop3A_196 = arith.shrui %parallel_loop3A_193, %parallel_loop3A_195 : vector<16xi32>
          %parallel_loop3A_197 = vector.broadcast %parallel_loop3A_114 : i32 to vector<16xi32>
          %parallel_loop3A_198 = arith.addi %parallel_loop3A_191, %parallel_loop3A_197 : vector<16xi32>
          %parallel_loop3A_199 = vector.broadcast %parallel_loop3A_115 : i32 to vector<16xi32>
          %parallel_loop3A_200 = arith.andi %parallel_loop3A_198, %parallel_loop3A_199 : vector<16xi32>
          %parallel_loop3A_201 = arith.ori %parallel_loop3A_196, %parallel_loop3A_200 : vector<16xi32>
          %parallel_loop3A_202 = arith.constant 16 : i32
          %parallel_loop3A_203 = arith.muli %parallel_loop3A_127, %parallel_loop3A_202 : i32
          %parallel_loop3A_204 = arith.constant 2 : i32
          %parallel_loop3A_205 = arith.addi %parallel_loop3A_203, %parallel_loop3A_204 : i32
          %parallel_loop3A_206 = vector.broadcast %parallel_loop3A_205 : i32 to vector<16xi32>
          %parallel_loop3A_207 = arith.addi %mul3A_7, %parallel_loop3A_206 : vector<16xi32>
          %parallel_loop3A_208 = vector.bitcast %parallel_loop3A_201 : vector<16xi32> to vector<16xi32>
          tpu.vector_store_idx %arg7[%parallel_loop3A_207], %parallel_loop3A_208 : memref<8192xi32, #tpu.memory_space<vmem>>[vector<16xi32>], vector<16xi32>,
          %parallel_loop3A_209 = arith.constant 6 : i32
          %parallel_loop3A_210 = arith.index_cast %parallel_loop3A_209 : i32 to index
          %parallel_loop3A_211 = arith.index_cast %parallel_loop3A_127 : i32 to index
          %parallel_loop3A_212 = tpu.vector_load %arg5[%parallel_loop3A_210, %parallel_loop3A_211] {strides = array<i32>} : memref<32x512xf32, #tpu.memory_space<vmem>>, vector<16xf32>,
          %parallel_loop3A_213 = vector.bitcast %parallel_loop3A_212 : vector<16xf32> to vector<16xi32>
          %parallel_loop3A_214 = arith.constant 7 : i32
          %parallel_loop3A_215 = arith.index_cast %parallel_loop3A_214 : i32 to index
          %parallel_loop3A_216 = arith.index_cast %parallel_loop3A_127 : i32 to index
          %parallel_loop3A_217 = tpu.vector_load %arg5[%parallel_loop3A_215, %parallel_loop3A_216] {strides = array<i32>} : memref<32x512xf32, #tpu.memory_space<vmem>>, vector<16xf32>,
          %parallel_loop3A_218 = vector.bitcast %parallel_loop3A_217 : vector<16xf32> to vector<16xi32>
          %parallel_loop3A_219 = vector.broadcast %parallel_loop3A_114 : i32 to vector<16xi32>
          %parallel_loop3A_220 = arith.addi %parallel_loop3A_213, %parallel_loop3A_219 : vector<16xi32>
          %parallel_loop3A_221 = arith.constant 16 : i32
          %parallel_loop3A_222 = vector.broadcast %parallel_loop3A_221 : i32 to vector<16xi32>
          %parallel_loop3A_223 = arith.shrui %parallel_loop3A_220, %parallel_loop3A_222 : vector<16xi32>
          %parallel_loop3A_224 = vector.broadcast %parallel_loop3A_114 : i32 to vector<16xi32>
          %parallel_loop3A_225 = arith.addi %parallel_loop3A_218, %parallel_loop3A_224 : vector<16xi32>
          %parallel_loop3A_226 = vector.broadcast %parallel_loop3A_115 : i32 to vector<16xi32>
          %parallel_loop3A_227 = arith.andi %parallel_loop3A_225, %parallel_loop3A_226 : vector<16xi32>
          %parallel_loop3A_228 = arith.ori %parallel_loop3A_223, %parallel_loop3A_227 : vector<16xi32>
          %parallel_loop3A_229 = arith.constant 16 : i32
          %parallel_loop3A_230 = arith.muli %parallel_loop3A_127, %parallel_loop3A_229 : i32
          %parallel_loop3A_231 = arith.constant 3 : i32
          %parallel_loop3A_232 = arith.addi %parallel_loop3A_230, %parallel_loop3A_231 : i32
          %parallel_loop3A_233 = vector.broadcast %parallel_loop3A_232 : i32 to vector<16xi32>
          %parallel_loop3A_234 = arith.addi %mul3A_7, %parallel_loop3A_233 : vector<16xi32>
          %parallel_loop3A_235 = vector.bitcast %parallel_loop3A_228 : vector<16xi32> to vector<16xi32>
          tpu.vector_store_idx %arg7[%parallel_loop3A_234], %parallel_loop3A_235 : memref<8192xi32, #tpu.memory_space<vmem>>[vector<16xi32>], vector<16xi32>,
          %parallel_loop3A_236 = arith.constant 8 : i32
          %parallel_loop3A_237 = arith.index_cast %parallel_loop3A_236 : i32 to index
          %parallel_loop3A_238 = arith.index_cast %parallel_loop3A_127 : i32 to index
          %parallel_loop3A_239 = tpu.vector_load %arg5[%parallel_loop3A_237, %parallel_loop3A_238] {strides = array<i32>} : memref<32x512xf32, #tpu.memory_space<vmem>>, vector<16xf32>,
          %parallel_loop3A_240 = vector.bitcast %parallel_loop3A_239 : vector<16xf32> to vector<16xi32>
          %parallel_loop3A_241 = arith.constant 9 : i32
          %parallel_loop3A_242 = arith.index_cast %parallel_loop3A_241 : i32 to index
          %parallel_loop3A_243 = arith.index_cast %parallel_loop3A_127 : i32 to index
          %parallel_loop3A_244 = tpu.vector_load %arg5[%parallel_loop3A_242, %parallel_loop3A_243] {strides = array<i32>} : memref<32x512xf32, #tpu.memory_space<vmem>>, vector<16xf32>,
          %parallel_loop3A_245 = vector.bitcast %parallel_loop3A_244 : vector<16xf32> to vector<16xi32>
          %parallel_loop3A_246 = vector.broadcast %parallel_loop3A_114 : i32 to vector<16xi32>
          %parallel_loop3A_247 = arith.addi %parallel_loop3A_240, %parallel_loop3A_246 : vector<16xi32>
          %parallel_loop3A_248 = arith.constant 16 : i32
          %parallel_loop3A_249 = vector.broadcast %parallel_loop3A_248 : i32 to vector<16xi32>
          %parallel_loop3A_250 = arith.shrui %parallel_loop3A_247, %parallel_loop3A_249 : vector<16xi32>
          %parallel_loop3A_251 = vector.broadcast %parallel_loop3A_114 : i32 to vector<16xi32>
          %parallel_loop3A_252 = arith.addi %parallel_loop3A_245, %parallel_loop3A_251 : vector<16xi32>
          %parallel_loop3A_253 = vector.broadcast %parallel_loop3A_115 : i32 to vector<16xi32>
          %parallel_loop3A_254 = arith.andi %parallel_loop3A_252, %parallel_loop3A_253 : vector<16xi32>
          %parallel_loop3A_255 = arith.ori %parallel_loop3A_250, %parallel_loop3A_254 : vector<16xi32>
          %parallel_loop3A_256 = arith.constant 16 : i32
          %parallel_loop3A_257 = arith.muli %parallel_loop3A_127, %parallel_loop3A_256 : i32
          %parallel_loop3A_258 = arith.constant 4 : i32
          %parallel_loop3A_259 = arith.addi %parallel_loop3A_257, %parallel_loop3A_258 : i32
          %parallel_loop3A_260 = vector.broadcast %parallel_loop3A_259 : i32 to vector<16xi32>
          %parallel_loop3A_261 = arith.addi %mul3A_7, %parallel_loop3A_260 : vector<16xi32>
          %parallel_loop3A_262 = vector.bitcast %parallel_loop3A_255 : vector<16xi32> to vector<16xi32>
          tpu.vector_store_idx %arg7[%parallel_loop3A_261], %parallel_loop3A_262 : memref<8192xi32, #tpu.memory_space<vmem>>[vector<16xi32>], vector<16xi32>,
          %parallel_loop3A_263 = arith.constant 10 : i32
          %parallel_loop3A_264 = arith.index_cast %parallel_loop3A_263 : i32 to index
          %parallel_loop3A_265 = arith.index_cast %parallel_loop3A_127 : i32 to index
          %parallel_loop3A_266 = tpu.vector_load %arg5[%parallel_loop3A_264, %parallel_loop3A_265] {strides = array<i32>} : memref<32x512xf32, #tpu.memory_space<vmem>>, vector<16xf32>,
          %parallel_loop3A_267 = vector.bitcast %parallel_loop3A_266 : vector<16xf32> to vector<16xi32>
          %parallel_loop3A_268 = arith.constant 11 : i32
          %parallel_loop3A_269 = arith.index_cast %parallel_loop3A_268 : i32 to index
          %parallel_loop3A_270 = arith.index_cast %parallel_loop3A_127 : i32 to index
          %parallel_loop3A_271 = tpu.vector_load %arg5[%parallel_loop3A_269, %parallel_loop3A_270] {strides = array<i32>} : memref<32x512xf32, #tpu.memory_space<vmem>>, vector<16xf32>,
          %parallel_loop3A_272 = vector.bitcast %parallel_loop3A_271 : vector<16xf32> to vector<16xi32>
          %parallel_loop3A_273 = vector.broadcast %parallel_loop3A_114 : i32 to vector<16xi32>
          %parallel_loop3A_274 = arith.addi %parallel_loop3A_267, %parallel_loop3A_273 : vector<16xi32>
          %parallel_loop3A_275 = arith.constant 16 : i32
          %parallel_loop3A_276 = vector.broadcast %parallel_loop3A_275 : i32 to vector<16xi32>
          %parallel_loop3A_277 = arith.shrui %parallel_loop3A_274, %parallel_loop3A_276 : vector<16xi32>
          %parallel_loop3A_278 = vector.broadcast %parallel_loop3A_114 : i32 to vector<16xi32>
          %parallel_loop3A_279 = arith.addi %parallel_loop3A_272, %parallel_loop3A_278 : vector<16xi32>
          %parallel_loop3A_280 = vector.broadcast %parallel_loop3A_115 : i32 to vector<16xi32>
          %parallel_loop3A_281 = arith.andi %parallel_loop3A_279, %parallel_loop3A_280 : vector<16xi32>
          %parallel_loop3A_282 = arith.ori %parallel_loop3A_277, %parallel_loop3A_281 : vector<16xi32>
          %parallel_loop3A_283 = arith.constant 16 : i32
          %parallel_loop3A_284 = arith.muli %parallel_loop3A_127, %parallel_loop3A_283 : i32
          %parallel_loop3A_285 = arith.constant 5 : i32
          %parallel_loop3A_286 = arith.addi %parallel_loop3A_284, %parallel_loop3A_285 : i32
          %parallel_loop3A_287 = vector.broadcast %parallel_loop3A_286 : i32 to vector<16xi32>
          %parallel_loop3A_288 = arith.addi %mul3A_7, %parallel_loop3A_287 : vector<16xi32>
          %parallel_loop3A_289 = vector.bitcast %parallel_loop3A_282 : vector<16xi32> to vector<16xi32>
          tpu.vector_store_idx %arg7[%parallel_loop3A_288], %parallel_loop3A_289 : memref<8192xi32, #tpu.memory_space<vmem>>[vector<16xi32>], vector<16xi32>,
          %parallel_loop3A_290 = arith.constant 12 : i32
          %parallel_loop3A_291 = arith.index_cast %parallel_loop3A_290 : i32 to index
          %parallel_loop3A_292 = arith.index_cast %parallel_loop3A_127 : i32 to index
          %parallel_loop3A_293 = tpu.vector_load %arg5[%parallel_loop3A_291, %parallel_loop3A_292] {strides = array<i32>} : memref<32x512xf32, #tpu.memory_space<vmem>>, vector<16xf32>,
          %parallel_loop3A_294 = vector.bitcast %parallel_loop3A_293 : vector<16xf32> to vector<16xi32>
          %parallel_loop3A_295 = arith.constant 13 : i32
          %parallel_loop3A_296 = arith.index_cast %parallel_loop3A_295 : i32 to index
          %parallel_loop3A_297 = arith.index_cast %parallel_loop3A_127 : i32 to index
          %parallel_loop3A_298 = tpu.vector_load %arg5[%parallel_loop3A_296, %parallel_loop3A_297] {strides = array<i32>} : memref<32x512xf32, #tpu.memory_space<vmem>>, vector<16xf32>,
          %parallel_loop3A_299 = vector.bitcast %parallel_loop3A_298 : vector<16xf32> to vector<16xi32>
          %parallel_loop3A_300 = vector.broadcast %parallel_loop3A_114 : i32 to vector<16xi32>
          %parallel_loop3A_301 = arith.addi %parallel_loop3A_294, %parallel_loop3A_300 : vector<16xi32>
          %parallel_loop3A_302 = arith.constant 16 : i32
          %parallel_loop3A_303 = vector.broadcast %parallel_loop3A_302 : i32 to vector<16xi32>
          %parallel_loop3A_304 = arith.shrui %parallel_loop3A_301, %parallel_loop3A_303 : vector<16xi32>
          %parallel_loop3A_305 = vector.broadcast %parallel_loop3A_114 : i32 to vector<16xi32>
          %parallel_loop3A_306 = arith.addi %parallel_loop3A_299, %parallel_loop3A_305 : vector<16xi32>
          %parallel_loop3A_307 = vector.broadcast %parallel_loop3A_115 : i32 to vector<16xi32>
          %parallel_loop3A_308 = arith.andi %parallel_loop3A_306, %parallel_loop3A_307 : vector<16xi32>
          %parallel_loop3A_309 = arith.ori %parallel_loop3A_304, %parallel_loop3A_308 : vector<16xi32>
          %parallel_loop3A_310 = arith.constant 16 : i32
          %parallel_loop3A_311 = arith.muli %parallel_loop3A_127, %parallel_loop3A_310 : i32
          %parallel_loop3A_312 = arith.constant 6 : i32
          %parallel_loop3A_313 = arith.addi %parallel_loop3A_311, %parallel_loop3A_312 : i32
          %parallel_loop3A_314 = vector.broadcast %parallel_loop3A_313 : i32 to vector<16xi32>
          %parallel_loop3A_315 = arith.addi %mul3A_7, %parallel_loop3A_314 : vector<16xi32>
          %parallel_loop3A_316 = vector.bitcast %parallel_loop3A_309 : vector<16xi32> to vector<16xi32>
          tpu.vector_store_idx %arg7[%parallel_loop3A_315], %parallel_loop3A_316 : memref<8192xi32, #tpu.memory_space<vmem>>[vector<16xi32>], vector<16xi32>,
          %parallel_loop3A_317 = arith.constant 14 : i32
          %parallel_loop3A_318 = arith.index_cast %parallel_loop3A_317 : i32 to index
          %parallel_loop3A_319 = arith.index_cast %parallel_loop3A_127 : i32 to index
          %parallel_loop3A_320 = tpu.vector_load %arg5[%parallel_loop3A_318, %parallel_loop3A_319] {strides = array<i32>} : memref<32x512xf32, #tpu.memory_space<vmem>>, vector<16xf32>,
          %parallel_loop3A_321 = vector.bitcast %parallel_loop3A_320 : vector<16xf32> to vector<16xi32>
          %parallel_loop3A_322 = arith.constant 15 : i32
          %parallel_loop3A_323 = arith.index_cast %parallel_loop3A_322 : i32 to index
          %parallel_loop3A_324 = arith.index_cast %parallel_loop3A_127 : i32 to index
          %parallel_loop3A_325 = tpu.vector_load %arg5[%parallel_loop3A_323, %parallel_loop3A_324] {strides = array<i32>} : memref<32x512xf32, #tpu.memory_space<vmem>>, vector<16xf32>,
          %parallel_loop3A_326 = vector.bitcast %parallel_loop3A_325 : vector<16xf32> to vector<16xi32>
          %parallel_loop3A_327 = vector.broadcast %parallel_loop3A_114 : i32 to vector<16xi32>
          %parallel_loop3A_328 = arith.addi %parallel_loop3A_321, %parallel_loop3A_327 : vector<16xi32>
          %parallel_loop3A_329 = arith.constant 16 : i32
          %parallel_loop3A_330 = vector.broadcast %parallel_loop3A_329 : i32 to vector<16xi32>
          %parallel_loop3A_331 = arith.shrui %parallel_loop3A_328, %parallel_loop3A_330 : vector<16xi32>
          %parallel_loop3A_332 = vector.broadcast %parallel_loop3A_114 : i32 to vector<16xi32>
          %parallel_loop3A_333 = arith.addi %parallel_loop3A_326, %parallel_loop3A_332 : vector<16xi32>
          %parallel_loop3A_334 = vector.broadcast %parallel_loop3A_115 : i32 to vector<16xi32>
          %parallel_loop3A_335 = arith.andi %parallel_loop3A_333, %parallel_loop3A_334 : vector<16xi32>
          %parallel_loop3A_336 = arith.ori %parallel_loop3A_331, %parallel_loop3A_335 : vector<16xi32>
          %parallel_loop3A_337 = arith.constant 16 : i32
          %parallel_loop3A_338 = arith.muli %parallel_loop3A_127, %parallel_loop3A_337 : i32
          %parallel_loop3A_339 = arith.constant 7 : i32
          %parallel_loop3A_340 = arith.addi %parallel_loop3A_338, %parallel_loop3A_339 : i32
          %parallel_loop3A_341 = vector.broadcast %parallel_loop3A_340 : i32 to vector<16xi32>
          %parallel_loop3A_342 = arith.addi %mul3A_7, %parallel_loop3A_341 : vector<16xi32>
          %parallel_loop3A_343 = vector.bitcast %parallel_loop3A_336 : vector<16xi32> to vector<16xi32>
          tpu.vector_store_idx %arg7[%parallel_loop3A_342], %parallel_loop3A_343 : memref<8192xi32, #tpu.memory_space<vmem>>[vector<16xi32>], vector<16xi32>,
          %parallel_loop3A_344 = arith.constant 16 : i32
          %parallel_loop3A_345 = arith.index_cast %parallel_loop3A_344 : i32 to index
          %parallel_loop3A_346 = arith.index_cast %parallel_loop3A_127 : i32 to index
          %parallel_loop3A_347 = tpu.vector_load %arg5[%parallel_loop3A_345, %parallel_loop3A_346] {strides = array<i32>} : memref<32x512xf32, #tpu.memory_space<vmem>>, vector<16xf32>,
          %parallel_loop3A_348 = vector.bitcast %parallel_loop3A_347 : vector<16xf32> to vector<16xi32>
          %parallel_loop3A_349 = arith.constant 17 : i32
          %parallel_loop3A_350 = arith.index_cast %parallel_loop3A_349 : i32 to index
          %parallel_loop3A_351 = arith.index_cast %parallel_loop3A_127 : i32 to index
          %parallel_loop3A_352 = tpu.vector_load %arg5[%parallel_loop3A_350, %parallel_loop3A_351] {strides = array<i32>} : memref<32x512xf32, #tpu.memory_space<vmem>>, vector<16xf32>,
          %parallel_loop3A_353 = vector.bitcast %parallel_loop3A_352 : vector<16xf32> to vector<16xi32>
          %parallel_loop3A_354 = vector.broadcast %parallel_loop3A_114 : i32 to vector<16xi32>
          %parallel_loop3A_355 = arith.addi %parallel_loop3A_348, %parallel_loop3A_354 : vector<16xi32>
          %parallel_loop3A_356 = arith.constant 16 : i32
          %parallel_loop3A_357 = vector.broadcast %parallel_loop3A_356 : i32 to vector<16xi32>
          %parallel_loop3A_358 = arith.shrui %parallel_loop3A_355, %parallel_loop3A_357 : vector<16xi32>
          %parallel_loop3A_359 = vector.broadcast %parallel_loop3A_114 : i32 to vector<16xi32>
          %parallel_loop3A_360 = arith.addi %parallel_loop3A_353, %parallel_loop3A_359 : vector<16xi32>
          %parallel_loop3A_361 = vector.broadcast %parallel_loop3A_115 : i32 to vector<16xi32>
          %parallel_loop3A_362 = arith.andi %parallel_loop3A_360, %parallel_loop3A_361 : vector<16xi32>
          %parallel_loop3A_363 = arith.ori %parallel_loop3A_358, %parallel_loop3A_362 : vector<16xi32>
          %parallel_loop3A_364 = arith.constant 16 : i32
          %parallel_loop3A_365 = arith.muli %parallel_loop3A_127, %parallel_loop3A_364 : i32
          %parallel_loop3A_366 = arith.constant 8 : i32
          %parallel_loop3A_367 = arith.addi %parallel_loop3A_365, %parallel_loop3A_366 : i32
          %parallel_loop3A_368 = vector.broadcast %parallel_loop3A_367 : i32 to vector<16xi32>
          %parallel_loop3A_369 = arith.addi %mul3A_7, %parallel_loop3A_368 : vector<16xi32>
          %parallel_loop3A_370 = vector.bitcast %parallel_loop3A_363 : vector<16xi32> to vector<16xi32>
          tpu.vector_store_idx %arg7[%parallel_loop3A_369], %parallel_loop3A_370 : memref<8192xi32, #tpu.memory_space<vmem>>[vector<16xi32>], vector<16xi32>,
          %parallel_loop3A_371 = arith.constant 18 : i32
          %parallel_loop3A_372 = arith.index_cast %parallel_loop3A_371 : i32 to index
          %parallel_loop3A_373 = arith.index_cast %parallel_loop3A_127 : i32 to index
          %parallel_loop3A_374 = tpu.vector_load %arg5[%parallel_loop3A_372, %parallel_loop3A_373] {strides = array<i32>} : memref<32x512xf32, #tpu.memory_space<vmem>>, vector<16xf32>,
          %parallel_loop3A_375 = vector.bitcast %parallel_loop3A_374 : vector<16xf32> to vector<16xi32>
          %parallel_loop3A_376 = arith.constant 19 : i32
          %parallel_loop3A_377 = arith.index_cast %parallel_loop3A_376 : i32 to index
          %parallel_loop3A_378 = arith.index_cast %parallel_loop3A_127 : i32 to index
          %parallel_loop3A_379 = tpu.vector_load %arg5[%parallel_loop3A_377, %parallel_loop3A_378] {strides = array<i32>} : memref<32x512xf32, #tpu.memory_space<vmem>>, vector<16xf32>,
          %parallel_loop3A_380 = vector.bitcast %parallel_loop3A_379 : vector<16xf32> to vector<16xi32>
          %parallel_loop3A_381 = vector.broadcast %parallel_loop3A_114 : i32 to vector<16xi32>
          %parallel_loop3A_382 = arith.addi %parallel_loop3A_375, %parallel_loop3A_381 : vector<16xi32>
          %parallel_loop3A_383 = arith.constant 16 : i32
          %parallel_loop3A_384 = vector.broadcast %parallel_loop3A_383 : i32 to vector<16xi32>
          %parallel_loop3A_385 = arith.shrui %parallel_loop3A_382, %parallel_loop3A_384 : vector<16xi32>
          %parallel_loop3A_386 = vector.broadcast %parallel_loop3A_114 : i32 to vector<16xi32>
          %parallel_loop3A_387 = arith.addi %parallel_loop3A_380, %parallel_loop3A_386 : vector<16xi32>
          %parallel_loop3A_388 = vector.broadcast %parallel_loop3A_115 : i32 to vector<16xi32>
          %parallel_loop3A_389 = arith.andi %parallel_loop3A_387, %parallel_loop3A_388 : vector<16xi32>
          %parallel_loop3A_390 = arith.ori %parallel_loop3A_385, %parallel_loop3A_389 : vector<16xi32>
          %parallel_loop3A_391 = arith.constant 16 : i32
          %parallel_loop3A_392 = arith.muli %parallel_loop3A_127, %parallel_loop3A_391 : i32
          %parallel_loop3A_393 = arith.constant 9 : i32
          %parallel_loop3A_394 = arith.addi %parallel_loop3A_392, %parallel_loop3A_393 : i32
          %parallel_loop3A_395 = vector.broadcast %parallel_loop3A_394 : i32 to vector<16xi32>
          %parallel_loop3A_396 = arith.addi %mul3A_7, %parallel_loop3A_395 : vector<16xi32>
          %parallel_loop3A_397 = vector.bitcast %parallel_loop3A_390 : vector<16xi32> to vector<16xi32>
          tpu.vector_store_idx %arg7[%parallel_loop3A_396], %parallel_loop3A_397 : memref<8192xi32, #tpu.memory_space<vmem>>[vector<16xi32>], vector<16xi32>,
          %parallel_loop3A_398 = arith.constant 20 : i32
          %parallel_loop3A_399 = arith.index_cast %parallel_loop3A_398 : i32 to index
          %parallel_loop3A_400 = arith.index_cast %parallel_loop3A_127 : i32 to index
          %parallel_loop3A_401 = tpu.vector_load %arg5[%parallel_loop3A_399, %parallel_loop3A_400] {strides = array<i32>} : memref<32x512xf32, #tpu.memory_space<vmem>>, vector<16xf32>,
          %parallel_loop3A_402 = vector.bitcast %parallel_loop3A_401 : vector<16xf32> to vector<16xi32>
          %parallel_loop3A_403 = arith.constant 21 : i32
          %parallel_loop3A_404 = arith.index_cast %parallel_loop3A_403 : i32 to index
          %parallel_loop3A_405 = arith.index_cast %parallel_loop3A_127 : i32 to index
          %parallel_loop3A_406 = tpu.vector_load %arg5[%parallel_loop3A_404, %parallel_loop3A_405] {strides = array<i32>} : memref<32x512xf32, #tpu.memory_space<vmem>>, vector<16xf32>,
          %parallel_loop3A_407 = vector.bitcast %parallel_loop3A_406 : vector<16xf32> to vector<16xi32>
          %parallel_loop3A_408 = vector.broadcast %parallel_loop3A_114 : i32 to vector<16xi32>
          %parallel_loop3A_409 = arith.addi %parallel_loop3A_402, %parallel_loop3A_408 : vector<16xi32>
          %parallel_loop3A_410 = arith.constant 16 : i32
          %parallel_loop3A_411 = vector.broadcast %parallel_loop3A_410 : i32 to vector<16xi32>
          %parallel_loop3A_412 = arith.shrui %parallel_loop3A_409, %parallel_loop3A_411 : vector<16xi32>
          %parallel_loop3A_413 = vector.broadcast %parallel_loop3A_114 : i32 to vector<16xi32>
          %parallel_loop3A_414 = arith.addi %parallel_loop3A_407, %parallel_loop3A_413 : vector<16xi32>
          %parallel_loop3A_415 = vector.broadcast %parallel_loop3A_115 : i32 to vector<16xi32>
          %parallel_loop3A_416 = arith.andi %parallel_loop3A_414, %parallel_loop3A_415 : vector<16xi32>
          %parallel_loop3A_417 = arith.ori %parallel_loop3A_412, %parallel_loop3A_416 : vector<16xi32>
          %parallel_loop3A_418 = arith.constant 16 : i32
          %parallel_loop3A_419 = arith.muli %parallel_loop3A_127, %parallel_loop3A_418 : i32
          %parallel_loop3A_420 = arith.constant 10 : i32
          %parallel_loop3A_421 = arith.addi %parallel_loop3A_419, %parallel_loop3A_420 : i32
          %parallel_loop3A_422 = vector.broadcast %parallel_loop3A_421 : i32 to vector<16xi32>
          %parallel_loop3A_423 = arith.addi %mul3A_7, %parallel_loop3A_422 : vector<16xi32>
          %parallel_loop3A_424 = vector.bitcast %parallel_loop3A_417 : vector<16xi32> to vector<16xi32>
          tpu.vector_store_idx %arg7[%parallel_loop3A_423], %parallel_loop3A_424 : memref<8192xi32, #tpu.memory_space<vmem>>[vector<16xi32>], vector<16xi32>,
          %parallel_loop3A_425 = arith.constant 22 : i32
          %parallel_loop3A_426 = arith.index_cast %parallel_loop3A_425 : i32 to index
          %parallel_loop3A_427 = arith.index_cast %parallel_loop3A_127 : i32 to index
          %parallel_loop3A_428 = tpu.vector_load %arg5[%parallel_loop3A_426, %parallel_loop3A_427] {strides = array<i32>} : memref<32x512xf32, #tpu.memory_space<vmem>>, vector<16xf32>,
          %parallel_loop3A_429 = vector.bitcast %parallel_loop3A_428 : vector<16xf32> to vector<16xi32>
          %parallel_loop3A_430 = arith.constant 23 : i32
          %parallel_loop3A_431 = arith.index_cast %parallel_loop3A_430 : i32 to index
          %parallel_loop3A_432 = arith.index_cast %parallel_loop3A_127 : i32 to index
          %parallel_loop3A_433 = tpu.vector_load %arg5[%parallel_loop3A_431, %parallel_loop3A_432] {strides = array<i32>} : memref<32x512xf32, #tpu.memory_space<vmem>>, vector<16xf32>,
          %parallel_loop3A_434 = vector.bitcast %parallel_loop3A_433 : vector<16xf32> to vector<16xi32>
          %parallel_loop3A_435 = vector.broadcast %parallel_loop3A_114 : i32 to vector<16xi32>
          %parallel_loop3A_436 = arith.addi %parallel_loop3A_429, %parallel_loop3A_435 : vector<16xi32>
          %parallel_loop3A_437 = arith.constant 16 : i32
          %parallel_loop3A_438 = vector.broadcast %parallel_loop3A_437 : i32 to vector<16xi32>
          %parallel_loop3A_439 = arith.shrui %parallel_loop3A_436, %parallel_loop3A_438 : vector<16xi32>
          %parallel_loop3A_440 = vector.broadcast %parallel_loop3A_114 : i32 to vector<16xi32>
          %parallel_loop3A_441 = arith.addi %parallel_loop3A_434, %parallel_loop3A_440 : vector<16xi32>
          %parallel_loop3A_442 = vector.broadcast %parallel_loop3A_115 : i32 to vector<16xi32>
          %parallel_loop3A_443 = arith.andi %parallel_loop3A_441, %parallel_loop3A_442 : vector<16xi32>
          %parallel_loop3A_444 = arith.ori %parallel_loop3A_439, %parallel_loop3A_443 : vector<16xi32>
          %parallel_loop3A_445 = arith.constant 16 : i32
          %parallel_loop3A_446 = arith.muli %parallel_loop3A_127, %parallel_loop3A_445 : i32
          %parallel_loop3A_447 = arith.constant 11 : i32
          %parallel_loop3A_448 = arith.addi %parallel_loop3A_446, %parallel_loop3A_447 : i32
          %parallel_loop3A_449 = vector.broadcast %parallel_loop3A_448 : i32 to vector<16xi32>
          %parallel_loop3A_450 = arith.addi %mul3A_7, %parallel_loop3A_449 : vector<16xi32>
          %parallel_loop3A_451 = vector.bitcast %parallel_loop3A_444 : vector<16xi32> to vector<16xi32>
          tpu.vector_store_idx %arg7[%parallel_loop3A_450], %parallel_loop3A_451 : memref<8192xi32, #tpu.memory_space<vmem>>[vector<16xi32>], vector<16xi32>,
          %parallel_loop3A_452 = arith.constant 24 : i32
          %parallel_loop3A_453 = arith.index_cast %parallel_loop3A_452 : i32 to index
          %parallel_loop3A_454 = arith.index_cast %parallel_loop3A_127 : i32 to index
          %parallel_loop3A_455 = tpu.vector_load %arg5[%parallel_loop3A_453, %parallel_loop3A_454] {strides = array<i32>} : memref<32x512xf32, #tpu.memory_space<vmem>>, vector<16xf32>,
          %parallel_loop3A_456 = vector.bitcast %parallel_loop3A_455 : vector<16xf32> to vector<16xi32>
          %parallel_loop3A_457 = arith.constant 25 : i32
          %parallel_loop3A_458 = arith.index_cast %parallel_loop3A_457 : i32 to index
          %parallel_loop3A_459 = arith.index_cast %parallel_loop3A_127 : i32 to index
          %parallel_loop3A_460 = tpu.vector_load %arg5[%parallel_loop3A_458, %parallel_loop3A_459] {strides = array<i32>} : memref<32x512xf32, #tpu.memory_space<vmem>>, vector<16xf32>,
          %parallel_loop3A_461 = vector.bitcast %parallel_loop3A_460 : vector<16xf32> to vector<16xi32>
          %parallel_loop3A_462 = vector.broadcast %parallel_loop3A_114 : i32 to vector<16xi32>
          %parallel_loop3A_463 = arith.addi %parallel_loop3A_456, %parallel_loop3A_462 : vector<16xi32>
          %parallel_loop3A_464 = arith.constant 16 : i32
          %parallel_loop3A_465 = vector.broadcast %parallel_loop3A_464 : i32 to vector<16xi32>
          %parallel_loop3A_466 = arith.shrui %parallel_loop3A_463, %parallel_loop3A_465 : vector<16xi32>
          %parallel_loop3A_467 = vector.broadcast %parallel_loop3A_114 : i32 to vector<16xi32>
          %parallel_loop3A_468 = arith.addi %parallel_loop3A_461, %parallel_loop3A_467 : vector<16xi32>
          %parallel_loop3A_469 = vector.broadcast %parallel_loop3A_115 : i32 to vector<16xi32>
          %parallel_loop3A_470 = arith.andi %parallel_loop3A_468, %parallel_loop3A_469 : vector<16xi32>
          %parallel_loop3A_471 = arith.ori %parallel_loop3A_466, %parallel_loop3A_470 : vector<16xi32>
          %parallel_loop3A_472 = arith.constant 16 : i32
          %parallel_loop3A_473 = arith.muli %parallel_loop3A_127, %parallel_loop3A_472 : i32
          %parallel_loop3A_474 = arith.constant 12 : i32
          %parallel_loop3A_475 = arith.addi %parallel_loop3A_473, %parallel_loop3A_474 : i32
          %parallel_loop3A_476 = vector.broadcast %parallel_loop3A_475 : i32 to vector<16xi32>
          %parallel_loop3A_477 = arith.addi %mul3A_7, %parallel_loop3A_476 : vector<16xi32>
          %parallel_loop3A_478 = vector.bitcast %parallel_loop3A_471 : vector<16xi32> to vector<16xi32>
          tpu.vector_store_idx %arg7[%parallel_loop3A_477], %parallel_loop3A_478 : memref<8192xi32, #tpu.memory_space<vmem>>[vector<16xi32>], vector<16xi32>,
          %parallel_loop3A_479 = arith.constant 26 : i32
          %parallel_loop3A_480 = arith.index_cast %parallel_loop3A_479 : i32 to index
          %parallel_loop3A_481 = arith.index_cast %parallel_loop3A_127 : i32 to index
          %parallel_loop3A_482 = tpu.vector_load %arg5[%parallel_loop3A_480, %parallel_loop3A_481] {strides = array<i32>} : memref<32x512xf32, #tpu.memory_space<vmem>>, vector<16xf32>,
          %parallel_loop3A_483 = vector.bitcast %parallel_loop3A_482 : vector<16xf32> to vector<16xi32>
          %parallel_loop3A_484 = arith.constant 27 : i32
          %parallel_loop3A_485 = arith.index_cast %parallel_loop3A_484 : i32 to index
          %parallel_loop3A_486 = arith.index_cast %parallel_loop3A_127 : i32 to index
          %parallel_loop3A_487 = tpu.vector_load %arg5[%parallel_loop3A_485, %parallel_loop3A_486] {strides = array<i32>} : memref<32x512xf32, #tpu.memory_space<vmem>>, vector<16xf32>,
          %parallel_loop3A_488 = vector.bitcast %parallel_loop3A_487 : vector<16xf32> to vector<16xi32>
          %parallel_loop3A_489 = vector.broadcast %parallel_loop3A_114 : i32 to vector<16xi32>
          %parallel_loop3A_490 = arith.addi %parallel_loop3A_483, %parallel_loop3A_489 : vector<16xi32>
          %parallel_loop3A_491 = arith.constant 16 : i32
          %parallel_loop3A_492 = vector.broadcast %parallel_loop3A_491 : i32 to vector<16xi32>
          %parallel_loop3A_493 = arith.shrui %parallel_loop3A_490, %parallel_loop3A_492 : vector<16xi32>
          %parallel_loop3A_494 = vector.broadcast %parallel_loop3A_114 : i32 to vector<16xi32>
          %parallel_loop3A_495 = arith.addi %parallel_loop3A_488, %parallel_loop3A_494 : vector<16xi32>
          %parallel_loop3A_496 = vector.broadcast %parallel_loop3A_115 : i32 to vector<16xi32>
          %parallel_loop3A_497 = arith.andi %parallel_loop3A_495, %parallel_loop3A_496 : vector<16xi32>
          %parallel_loop3A_498 = arith.ori %parallel_loop3A_493, %parallel_loop3A_497 : vector<16xi32>
          %parallel_loop3A_499 = arith.constant 16 : i32
          %parallel_loop3A_500 = arith.muli %parallel_loop3A_127, %parallel_loop3A_499 : i32
          %parallel_loop3A_501 = arith.constant 13 : i32
          %parallel_loop3A_502 = arith.addi %parallel_loop3A_500, %parallel_loop3A_501 : i32
          %parallel_loop3A_503 = vector.broadcast %parallel_loop3A_502 : i32 to vector<16xi32>
          %parallel_loop3A_504 = arith.addi %mul3A_7, %parallel_loop3A_503 : vector<16xi32>
          %parallel_loop3A_505 = vector.bitcast %parallel_loop3A_498 : vector<16xi32> to vector<16xi32>
          tpu.vector_store_idx %arg7[%parallel_loop3A_504], %parallel_loop3A_505 : memref<8192xi32, #tpu.memory_space<vmem>>[vector<16xi32>], vector<16xi32>,
          %parallel_loop3A_506 = arith.constant 28 : i32
          %parallel_loop3A_507 = arith.index_cast %parallel_loop3A_506 : i32 to index
          %parallel_loop3A_508 = arith.index_cast %parallel_loop3A_127 : i32 to index
          %parallel_loop3A_509 = tpu.vector_load %arg5[%parallel_loop3A_507, %parallel_loop3A_508] {strides = array<i32>} : memref<32x512xf32, #tpu.memory_space<vmem>>, vector<16xf32>,
          %parallel_loop3A_510 = vector.bitcast %parallel_loop3A_509 : vector<16xf32> to vector<16xi32>
          %parallel_loop3A_511 = arith.constant 29 : i32
          %parallel_loop3A_512 = arith.index_cast %parallel_loop3A_511 : i32 to index
          %parallel_loop3A_513 = arith.index_cast %parallel_loop3A_127 : i32 to index
          %parallel_loop3A_514 = tpu.vector_load %arg5[%parallel_loop3A_512, %parallel_loop3A_513] {strides = array<i32>} : memref<32x512xf32, #tpu.memory_space<vmem>>, vector<16xf32>,
          %parallel_loop3A_515 = vector.bitcast %parallel_loop3A_514 : vector<16xf32> to vector<16xi32>
          %parallel_loop3A_516 = vector.broadcast %parallel_loop3A_114 : i32 to vector<16xi32>
          %parallel_loop3A_517 = arith.addi %parallel_loop3A_510, %parallel_loop3A_516 : vector<16xi32>
          %parallel_loop3A_518 = arith.constant 16 : i32
          %parallel_loop3A_519 = vector.broadcast %parallel_loop3A_518 : i32 to vector<16xi32>
          %parallel_loop3A_520 = arith.shrui %parallel_loop3A_517, %parallel_loop3A_519 : vector<16xi32>
          %parallel_loop3A_521 = vector.broadcast %parallel_loop3A_114 : i32 to vector<16xi32>
          %parallel_loop3A_522 = arith.addi %parallel_loop3A_515, %parallel_loop3A_521 : vector<16xi32>
          %parallel_loop3A_523 = vector.broadcast %parallel_loop3A_115 : i32 to vector<16xi32>
          %parallel_loop3A_524 = arith.andi %parallel_loop3A_522, %parallel_loop3A_523 : vector<16xi32>
          %parallel_loop3A_525 = arith.ori %parallel_loop3A_520, %parallel_loop3A_524 : vector<16xi32>
          %parallel_loop3A_526 = arith.constant 16 : i32
          %parallel_loop3A_527 = arith.muli %parallel_loop3A_127, %parallel_loop3A_526 : i32
          %parallel_loop3A_528 = arith.constant 14 : i32
          %parallel_loop3A_529 = arith.addi %parallel_loop3A_527, %parallel_loop3A_528 : i32
          %parallel_loop3A_530 = vector.broadcast %parallel_loop3A_529 : i32 to vector<16xi32>
          %parallel_loop3A_531 = arith.addi %mul3A_7, %parallel_loop3A_530 : vector<16xi32>
          %parallel_loop3A_532 = vector.bitcast %parallel_loop3A_525 : vector<16xi32> to vector<16xi32>
          tpu.vector_store_idx %arg7[%parallel_loop3A_531], %parallel_loop3A_532 : memref<8192xi32, #tpu.memory_space<vmem>>[vector<16xi32>], vector<16xi32>,
          %parallel_loop3A_533 = arith.constant 30 : i32
          %parallel_loop3A_534 = arith.index_cast %parallel_loop3A_533 : i32 to index
          %parallel_loop3A_535 = arith.index_cast %parallel_loop3A_127 : i32 to index
          %parallel_loop3A_536 = tpu.vector_load %arg5[%parallel_loop3A_534, %parallel_loop3A_535] {strides = array<i32>} : memref<32x512xf32, #tpu.memory_space<vmem>>, vector<16xf32>,
          %parallel_loop3A_537 = vector.bitcast %parallel_loop3A_536 : vector<16xf32> to vector<16xi32>
          %parallel_loop3A_538 = arith.constant 31 : i32
          %parallel_loop3A_539 = arith.index_cast %parallel_loop3A_538 : i32 to index
          %parallel_loop3A_540 = arith.index_cast %parallel_loop3A_127 : i32 to index
          %parallel_loop3A_541 = tpu.vector_load %arg5[%parallel_loop3A_539, %parallel_loop3A_540] {strides = array<i32>} : memref<32x512xf32, #tpu.memory_space<vmem>>, vector<16xf32>,
          %parallel_loop3A_542 = vector.bitcast %parallel_loop3A_541 : vector<16xf32> to vector<16xi32>
          %parallel_loop3A_543 = vector.broadcast %parallel_loop3A_114 : i32 to vector<16xi32>
          %parallel_loop3A_544 = arith.addi %parallel_loop3A_537, %parallel_loop3A_543 : vector<16xi32>
          %parallel_loop3A_545 = arith.constant 16 : i32
          %parallel_loop3A_546 = vector.broadcast %parallel_loop3A_545 : i32 to vector<16xi32>
          %parallel_loop3A_547 = arith.shrui %parallel_loop3A_544, %parallel_loop3A_546 : vector<16xi32>
          %parallel_loop3A_548 = vector.broadcast %parallel_loop3A_114 : i32 to vector<16xi32>
          %parallel_loop3A_549 = arith.addi %parallel_loop3A_542, %parallel_loop3A_548 : vector<16xi32>
          %parallel_loop3A_550 = vector.broadcast %parallel_loop3A_115 : i32 to vector<16xi32>
          %parallel_loop3A_551 = arith.andi %parallel_loop3A_549, %parallel_loop3A_550 : vector<16xi32>
          %parallel_loop3A_552 = arith.ori %parallel_loop3A_547, %parallel_loop3A_551 : vector<16xi32>
          %parallel_loop3A_553 = arith.constant 16 : i32
          %parallel_loop3A_554 = arith.muli %parallel_loop3A_127, %parallel_loop3A_553 : i32
          %parallel_loop3A_555 = arith.constant 15 : i32
          %parallel_loop3A_556 = arith.addi %parallel_loop3A_554, %parallel_loop3A_555 : i32
          %parallel_loop3A_557 = vector.broadcast %parallel_loop3A_556 : i32 to vector<16xi32>
          %parallel_loop3A_558 = arith.addi %mul3A_7, %parallel_loop3A_557 : vector<16xi32>
          %parallel_loop3A_559 = vector.bitcast %parallel_loop3A_552 : vector<16xi32> to vector<16xi32>
          tpu.vector_store_idx %arg7[%parallel_loop3A_558], %parallel_loop3A_559 : memref<8192xi32, #tpu.memory_space<vmem>>[vector<16xi32>], vector<16xi32>,
        } {sc.loop_unroll_factor = 2 : i64, sc.parallel_access}
        %mul3A_116 = arith.constant 32 : i32
        %mul3A_117 = arith.muli %mul3A_82, %mul3A_116 : i32
        %add3A_118 = arith.addi %add3A, %mul3A_117 : i32
        %mul3A_119 = arith.constant 512 : i32
        %mul3A_120 = arith.muli %add3A_118, %mul3A_119 : i32
        %mul3A_121 = arith.constant 16 : i32
        %mul3A_122 = arith.muli %mul3A_120, %mul3A_121 : i32
        %multiple_of3A_123 = tpu.assume_multiple %mul3A_122, 8 : i32
        %dma_start3A = tpu.memref_slice %arg4[%multiple_of3A_123] : memref<16000000xi32, #tpu.memory_space<hbm>> -> memref<8192xi32, #tpu.memory_space<hbm>>
        %dma_start3A_124 = tpu.memref_slice %arg4[%multiple_of3A_123] : memref<16000000xi32, #tpu.memory_space<hbm>> -> memref<8192xi32, #tpu.memory_space<hbm>>
        tpu.enqueue_dma source(%arg7 : memref<8192xi32, #tpu.memory_space<vmem>>) target(%dma_start3A_124 : memref<8192xi32, #tpu.memory_space<hbm>>) target_semaphore(%arg11 : memref<!tpu.dma_semaphore, #tpu.memory_space<semaphore_mem>>)
      } else {
      }
      %lt3A_91 = arith.cmpi slt, %add3A_86, %add3A_4 : i32
      %convert_element_type3A_92 = arith.extui %lt3A_91 : i1 to i32
      %cond3A_93 = arith.constant 0 : i32
      %cond3A_94 = arith.cmpi ne, %convert_element_type3A_92, %cond3A_93 : i32
      scf.if %cond3A_94 {
        %mul3A_95 = arith.constant 32 : i32
        %mul3A_96 = arith.muli %add3A_86, %mul3A_95 : i32
        %add3A_97 = arith.addi %add3A, %mul3A_96 : i32
        %mul3A_98 = arith.constant 512 : i32
        %mul3A_99 = arith.muli %add3A_97, %mul3A_98 : i32
        %multiple_of3A = tpu.assume_multiple %mul3A_99, 128 : i32
        %dma_wait3A = arith.constant 0 : i32
        %dma_wait3A_100 = tpu.memref_slice %arg2[%dma_wait3A, %multiple_of3A] : memref<32x1000000xf32, #tpu.memory_space<hbm>> -> memref<32x512xf32, #tpu.memory_space<hbm>>
        %dma_wait3A_101 = arith.constant 0 : i32
        %dma_wait3A_102 = tpu.memref_slice %arg2[%dma_wait3A_101, %multiple_of3A] : memref<32x1000000xf32, #tpu.memory_space<hbm>> -> memref<32x512xf32, #tpu.memory_space<hbm>>
        tpu.wait_dma2 semaphore(%arg10 : memref<!tpu.dma_semaphore, #tpu.memory_space<semaphore_mem>>) src(%dma_wait3A_102 : memref<32x512xf32, #tpu.memory_space<hbm>>) dst(%arg6 : memref<32x512xf32, #tpu.memory_space<vmem>>)
        %add3A_103 = arith.constant 1 : i32
        %add3A_104 = arith.addi %add3A_86, %add3A_103 : i32
        %lt3A_105 = arith.cmpi slt, %add3A_104, %add3A_4 : i32
        %convert_element_type3A_106 = arith.extui %lt3A_105 : i1 to i32
        %cond3A_107 = arith.constant 0 : i32
        %cond3A_108 = arith.cmpi ne, %convert_element_type3A_106, %cond3A_107 : i32
        scf.if %cond3A_108 {
          %add3A_127 = arith.constant 1 : i32
          %add3A_128 = arith.addi %add3A_86, %add3A_127 : i32
          %mul3A_129 = arith.constant 32 : i32
          %mul3A_130 = arith.muli %add3A_128, %mul3A_129 : i32
          %add3A_131 = arith.addi %add3A, %mul3A_130 : i32
          %mul3A_132 = arith.constant 512 : i32
          %mul3A_133 = arith.muli %add3A_131, %mul3A_132 : i32
          %multiple_of3A_134 = tpu.assume_multiple %mul3A_133, 128 : i32
          %dma_start3A_135 = arith.constant 0 : i32
          %dma_start3A_136 = tpu.memref_slice %arg2[%dma_start3A_135, %multiple_of3A_134] : memref<32x1000000xf32, #tpu.memory_space<hbm>> -> memref<32x512xf32, #tpu.memory_space<hbm>>
          %dma_start3A_137 = arith.constant 0 : i32
          %dma_start3A_138 = tpu.memref_slice %arg2[%dma_start3A_137, %multiple_of3A_134] : memref<32x1000000xf32, #tpu.memory_space<hbm>> -> memref<32x512xf32, #tpu.memory_space<hbm>>
          tpu.enqueue_dma source(%dma_start3A_138 : memref<32x512xf32, #tpu.memory_space<hbm>>) target(%arg5 : memref<32x512xf32, #tpu.memory_space<vmem>>) target_semaphore(%arg9 : memref<!tpu.dma_semaphore, #tpu.memory_space<semaphore_mem>>)
        } else {
        }
        %ge3A_109 = arith.constant 2 : i32
        %ge3A_110 = arith.cmpi sge, %add3A_86, %ge3A_109 : i32
        %convert_element_type3A_111 = arith.extui %ge3A_110 : i1 to i32
        %cond3A_112 = arith.constant 0 : i32
        %cond3A_113 = arith.cmpi ne, %convert_element_type3A_111, %cond3A_112 : i32
        scf.if %cond3A_113 {
          %sub3A_127 = arith.constant 2 : i32
          %sub3A_128 = arith.subi %add3A_86, %sub3A_127 : i32
          %mul3A_129 = arith.constant 32 : i32
          %mul3A_130 = arith.muli %sub3A_128, %mul3A_129 : i32
          %add3A_131 = arith.addi %add3A, %mul3A_130 : i32
          %mul3A_132 = arith.constant 512 : i32
          %mul3A_133 = arith.muli %add3A_131, %mul3A_132 : i32
          %mul3A_134 = arith.constant 16 : i32
          %mul3A_135 = arith.muli %mul3A_133, %mul3A_134 : i32
          %multiple_of3A_136 = tpu.assume_multiple %mul3A_135, 8 : i32
          %dma_wait3A_137 = tpu.memref_slice %arg4[%multiple_of3A_136] : memref<16000000xi32, #tpu.memory_space<hbm>> -> memref<8192xi32, #tpu.memory_space<hbm>>
          %dma_wait3A_138 = tpu.memref_slice %arg4[%multiple_of3A_136] : memref<16000000xi32, #tpu.memory_space<hbm>> -> memref<8192xi32, #tpu.memory_space<hbm>>
          tpu.wait_dma2 semaphore(%arg12 : memref<!tpu.dma_semaphore, #tpu.memory_space<semaphore_mem>>) src(%arg8 : memref<8192xi32, #tpu.memory_space<vmem>>) dst(%dma_wait3A_138 : memref<8192xi32, #tpu.memory_space<hbm>>)
        } else {
        }
        %parallel_loop3A = arith.constant 0 : i32
        %parallel_loop3A_114 = arith.constant 32 : i32
        %parallel_loop3A_115 = arith.constant 1 : i32
        %parallel_loop3A_116 = arith.constant 32768 : i32
        %parallel_loop3A_117 = arith.constant -65536 : i32
        scf.for %parallel_loop3A_127 = %parallel_loop3A to %parallel_loop3A_114 step %parallel_loop3A_115  : i32 {
          %parallel_loop3A_128 = arith.constant 16 : i32
          %parallel_loop3A_129 = arith.muli %parallel_loop3A_127, %parallel_loop3A_128 : i32
          %parallel_loop3A_130 = arith.constant 0 : i32
          %parallel_loop3A_131 = arith.index_cast %parallel_loop3A_130 : i32 to index
          %parallel_loop3A_132 = arith.index_cast %parallel_loop3A_129 : i32 to index
          %parallel_loop3A_133 = tpu.vector_load %arg6[%parallel_loop3A_131, %parallel_loop3A_132] {strides = array<i32>} : memref<32x512xf32, #tpu.memory_space<vmem>>, vector<16xf32>,
          %parallel_loop3A_134 = vector.bitcast %parallel_loop3A_133 : vector<16xf32> to vector<16xi32>
          %parallel_loop3A_135 = arith.constant 1 : i32
          %parallel_loop3A_136 = arith.index_cast %parallel_loop3A_135 : i32 to index
          %parallel_loop3A_137 = arith.index_cast %parallel_loop3A_129 : i32 to index
          %parallel_loop3A_138 = tpu.vector_load %arg6[%parallel_loop3A_136, %parallel_loop3A_137] {strides = array<i32>} : memref<32x512xf32, #tpu.memory_space<vmem>>, vector<16xf32>,
          %parallel_loop3A_139 = vector.bitcast %parallel_loop3A_138 : vector<16xf32> to vector<16xi32>
          %parallel_loop3A_140 = vector.broadcast %parallel_loop3A_116 : i32 to vector<16xi32>
          %parallel_loop3A_141 = arith.addi %parallel_loop3A_134, %parallel_loop3A_140 : vector<16xi32>
          %parallel_loop3A_142 = arith.constant 16 : i32
          %parallel_loop3A_143 = vector.broadcast %parallel_loop3A_142 : i32 to vector<16xi32>
          %parallel_loop3A_144 = arith.shrui %parallel_loop3A_141, %parallel_loop3A_143 : vector<16xi32>
          %parallel_loop3A_145 = vector.broadcast %parallel_loop3A_116 : i32 to vector<16xi32>
          %parallel_loop3A_146 = arith.addi %parallel_loop3A_139, %parallel_loop3A_145 : vector<16xi32>
          %parallel_loop3A_147 = vector.broadcast %parallel_loop3A_117 : i32 to vector<16xi32>
          %parallel_loop3A_148 = arith.andi %parallel_loop3A_146, %parallel_loop3A_147 : vector<16xi32>
          %parallel_loop3A_149 = arith.ori %parallel_loop3A_144, %parallel_loop3A_148 : vector<16xi32>
          %parallel_loop3A_150 = arith.constant 16 : i32
          %parallel_loop3A_151 = arith.muli %parallel_loop3A_129, %parallel_loop3A_150 : i32
          %parallel_loop3A_152 = arith.constant 0 : i32
          %parallel_loop3A_153 = arith.addi %parallel_loop3A_151, %parallel_loop3A_152 : i32
          %parallel_loop3A_154 = vector.broadcast %parallel_loop3A_153 : i32 to vector<16xi32>
          %parallel_loop3A_155 = arith.addi %mul3A_7, %parallel_loop3A_154 : vector<16xi32>
          %parallel_loop3A_156 = vector.bitcast %parallel_loop3A_149 : vector<16xi32> to vector<16xi32>
          tpu.vector_store_idx %arg8[%parallel_loop3A_155], %parallel_loop3A_156 : memref<8192xi32, #tpu.memory_space<vmem>>[vector<16xi32>], vector<16xi32>,
          %parallel_loop3A_157 = arith.constant 2 : i32
          %parallel_loop3A_158 = arith.index_cast %parallel_loop3A_157 : i32 to index
          %parallel_loop3A_159 = arith.index_cast %parallel_loop3A_129 : i32 to index
          %parallel_loop3A_160 = tpu.vector_load %arg6[%parallel_loop3A_158, %parallel_loop3A_159] {strides = array<i32>} : memref<32x512xf32, #tpu.memory_space<vmem>>, vector<16xf32>,
          %parallel_loop3A_161 = vector.bitcast %parallel_loop3A_160 : vector<16xf32> to vector<16xi32>
          %parallel_loop3A_162 = arith.constant 3 : i32
          %parallel_loop3A_163 = arith.index_cast %parallel_loop3A_162 : i32 to index
          %parallel_loop3A_164 = arith.index_cast %parallel_loop3A_129 : i32 to index
          %parallel_loop3A_165 = tpu.vector_load %arg6[%parallel_loop3A_163, %parallel_loop3A_164] {strides = array<i32>} : memref<32x512xf32, #tpu.memory_space<vmem>>, vector<16xf32>,
          %parallel_loop3A_166 = vector.bitcast %parallel_loop3A_165 : vector<16xf32> to vector<16xi32>
          %parallel_loop3A_167 = vector.broadcast %parallel_loop3A_116 : i32 to vector<16xi32>
          %parallel_loop3A_168 = arith.addi %parallel_loop3A_161, %parallel_loop3A_167 : vector<16xi32>
          %parallel_loop3A_169 = arith.constant 16 : i32
          %parallel_loop3A_170 = vector.broadcast %parallel_loop3A_169 : i32 to vector<16xi32>
          %parallel_loop3A_171 = arith.shrui %parallel_loop3A_168, %parallel_loop3A_170 : vector<16xi32>
          %parallel_loop3A_172 = vector.broadcast %parallel_loop3A_116 : i32 to vector<16xi32>
          %parallel_loop3A_173 = arith.addi %parallel_loop3A_166, %parallel_loop3A_172 : vector<16xi32>
          %parallel_loop3A_174 = vector.broadcast %parallel_loop3A_117 : i32 to vector<16xi32>
          %parallel_loop3A_175 = arith.andi %parallel_loop3A_173, %parallel_loop3A_174 : vector<16xi32>
          %parallel_loop3A_176 = arith.ori %parallel_loop3A_171, %parallel_loop3A_175 : vector<16xi32>
          %parallel_loop3A_177 = arith.constant 16 : i32
          %parallel_loop3A_178 = arith.muli %parallel_loop3A_129, %parallel_loop3A_177 : i32
          %parallel_loop3A_179 = arith.constant 1 : i32
          %parallel_loop3A_180 = arith.addi %parallel_loop3A_178, %parallel_loop3A_179 : i32
          %parallel_loop3A_181 = vector.broadcast %parallel_loop3A_180 : i32 to vector<16xi32>
          %parallel_loop3A_182 = arith.addi %mul3A_7, %parallel_loop3A_181 : vector<16xi32>
          %parallel_loop3A_183 = vector.bitcast %parallel_loop3A_176 : vector<16xi32> to vector<16xi32>
          tpu.vector_store_idx %arg8[%parallel_loop3A_182], %parallel_loop3A_183 : memref<8192xi32, #tpu.memory_space<vmem>>[vector<16xi32>], vector<16xi32>,
          %parallel_loop3A_184 = arith.constant 4 : i32
          %parallel_loop3A_185 = arith.index_cast %parallel_loop3A_184 : i32 to index
          %parallel_loop3A_186 = arith.index_cast %parallel_loop3A_129 : i32 to index
          %parallel_loop3A_187 = tpu.vector_load %arg6[%parallel_loop3A_185, %parallel_loop3A_186] {strides = array<i32>} : memref<32x512xf32, #tpu.memory_space<vmem>>, vector<16xf32>,
          %parallel_loop3A_188 = vector.bitcast %parallel_loop3A_187 : vector<16xf32> to vector<16xi32>
          %parallel_loop3A_189 = arith.constant 5 : i32
          %parallel_loop3A_190 = arith.index_cast %parallel_loop3A_189 : i32 to index
          %parallel_loop3A_191 = arith.index_cast %parallel_loop3A_129 : i32 to index
          %parallel_loop3A_192 = tpu.vector_load %arg6[%parallel_loop3A_190, %parallel_loop3A_191] {strides = array<i32>} : memref<32x512xf32, #tpu.memory_space<vmem>>, vector<16xf32>,
          %parallel_loop3A_193 = vector.bitcast %parallel_loop3A_192 : vector<16xf32> to vector<16xi32>
          %parallel_loop3A_194 = vector.broadcast %parallel_loop3A_116 : i32 to vector<16xi32>
          %parallel_loop3A_195 = arith.addi %parallel_loop3A_188, %parallel_loop3A_194 : vector<16xi32>
          %parallel_loop3A_196 = arith.constant 16 : i32
          %parallel_loop3A_197 = vector.broadcast %parallel_loop3A_196 : i32 to vector<16xi32>
          %parallel_loop3A_198 = arith.shrui %parallel_loop3A_195, %parallel_loop3A_197 : vector<16xi32>
          %parallel_loop3A_199 = vector.broadcast %parallel_loop3A_116 : i32 to vector<16xi32>
          %parallel_loop3A_200 = arith.addi %parallel_loop3A_193, %parallel_loop3A_199 : vector<16xi32>
          %parallel_loop3A_201 = vector.broadcast %parallel_loop3A_117 : i32 to vector<16xi32>
          %parallel_loop3A_202 = arith.andi %parallel_loop3A_200, %parallel_loop3A_201 : vector<16xi32>
          %parallel_loop3A_203 = arith.ori %parallel_loop3A_198, %parallel_loop3A_202 : vector<16xi32>
          %parallel_loop3A_204 = arith.constant 16 : i32
          %parallel_loop3A_205 = arith.muli %parallel_loop3A_129, %parallel_loop3A_204 : i32
          %parallel_loop3A_206 = arith.constant 2 : i32
          %parallel_loop3A_207 = arith.addi %parallel_loop3A_205, %parallel_loop3A_206 : i32
          %parallel_loop3A_208 = vector.broadcast %parallel_loop3A_207 : i32 to vector<16xi32>
          %parallel_loop3A_209 = arith.addi %mul3A_7, %parallel_loop3A_208 : vector<16xi32>
          %parallel_loop3A_210 = vector.bitcast %parallel_loop3A_203 : vector<16xi32> to vector<16xi32>
          tpu.vector_store_idx %arg8[%parallel_loop3A_209], %parallel_loop3A_210 : memref<8192xi32, #tpu.memory_space<vmem>>[vector<16xi32>], vector<16xi32>,
          %parallel_loop3A_211 = arith.constant 6 : i32
          %parallel_loop3A_212 = arith.index_cast %parallel_loop3A_211 : i32 to index
          %parallel_loop3A_213 = arith.index_cast %parallel_loop3A_129 : i32 to index
          %parallel_loop3A_214 = tpu.vector_load %arg6[%parallel_loop3A_212, %parallel_loop3A_213] {strides = array<i32>} : memref<32x512xf32, #tpu.memory_space<vmem>>, vector<16xf32>,
          %parallel_loop3A_215 = vector.bitcast %parallel_loop3A_214 : vector<16xf32> to vector<16xi32>
          %parallel_loop3A_216 = arith.constant 7 : i32
          %parallel_loop3A_217 = arith.index_cast %parallel_loop3A_216 : i32 to index
          %parallel_loop3A_218 = arith.index_cast %parallel_loop3A_129 : i32 to index
          %parallel_loop3A_219 = tpu.vector_load %arg6[%parallel_loop3A_217, %parallel_loop3A_218] {strides = array<i32>} : memref<32x512xf32, #tpu.memory_space<vmem>>, vector<16xf32>,
          %parallel_loop3A_220 = vector.bitcast %parallel_loop3A_219 : vector<16xf32> to vector<16xi32>
          %parallel_loop3A_221 = vector.broadcast %parallel_loop3A_116 : i32 to vector<16xi32>
          %parallel_loop3A_222 = arith.addi %parallel_loop3A_215, %parallel_loop3A_221 : vector<16xi32>
          %parallel_loop3A_223 = arith.constant 16 : i32
          %parallel_loop3A_224 = vector.broadcast %parallel_loop3A_223 : i32 to vector<16xi32>
          %parallel_loop3A_225 = arith.shrui %parallel_loop3A_222, %parallel_loop3A_224 : vector<16xi32>
          %parallel_loop3A_226 = vector.broadcast %parallel_loop3A_116 : i32 to vector<16xi32>
          %parallel_loop3A_227 = arith.addi %parallel_loop3A_220, %parallel_loop3A_226 : vector<16xi32>
          %parallel_loop3A_228 = vector.broadcast %parallel_loop3A_117 : i32 to vector<16xi32>
          %parallel_loop3A_229 = arith.andi %parallel_loop3A_227, %parallel_loop3A_228 : vector<16xi32>
          %parallel_loop3A_230 = arith.ori %parallel_loop3A_225, %parallel_loop3A_229 : vector<16xi32>
          %parallel_loop3A_231 = arith.constant 16 : i32
          %parallel_loop3A_232 = arith.muli %parallel_loop3A_129, %parallel_loop3A_231 : i32
          %parallel_loop3A_233 = arith.constant 3 : i32
          %parallel_loop3A_234 = arith.addi %parallel_loop3A_232, %parallel_loop3A_233 : i32
          %parallel_loop3A_235 = vector.broadcast %parallel_loop3A_234 : i32 to vector<16xi32>
          %parallel_loop3A_236 = arith.addi %mul3A_7, %parallel_loop3A_235 : vector<16xi32>
          %parallel_loop3A_237 = vector.bitcast %parallel_loop3A_230 : vector<16xi32> to vector<16xi32>
          tpu.vector_store_idx %arg8[%parallel_loop3A_236], %parallel_loop3A_237 : memref<8192xi32, #tpu.memory_space<vmem>>[vector<16xi32>], vector<16xi32>,
          %parallel_loop3A_238 = arith.constant 8 : i32
          %parallel_loop3A_239 = arith.index_cast %parallel_loop3A_238 : i32 to index
          %parallel_loop3A_240 = arith.index_cast %parallel_loop3A_129 : i32 to index
          %parallel_loop3A_241 = tpu.vector_load %arg6[%parallel_loop3A_239, %parallel_loop3A_240] {strides = array<i32>} : memref<32x512xf32, #tpu.memory_space<vmem>>, vector<16xf32>,
          %parallel_loop3A_242 = vector.bitcast %parallel_loop3A_241 : vector<16xf32> to vector<16xi32>
          %parallel_loop3A_243 = arith.constant 9 : i32
          %parallel_loop3A_244 = arith.index_cast %parallel_loop3A_243 : i32 to index
          %parallel_loop3A_245 = arith.index_cast %parallel_loop3A_129 : i32 to index
          %parallel_loop3A_246 = tpu.vector_load %arg6[%parallel_loop3A_244, %parallel_loop3A_245] {strides = array<i32>} : memref<32x512xf32, #tpu.memory_space<vmem>>, vector<16xf32>,
          %parallel_loop3A_247 = vector.bitcast %parallel_loop3A_246 : vector<16xf32> to vector<16xi32>
          %parallel_loop3A_248 = vector.broadcast %parallel_loop3A_116 : i32 to vector<16xi32>
          %parallel_loop3A_249 = arith.addi %parallel_loop3A_242, %parallel_loop3A_248 : vector<16xi32>
          %parallel_loop3A_250 = arith.constant 16 : i32
          %parallel_loop3A_251 = vector.broadcast %parallel_loop3A_250 : i32 to vector<16xi32>
          %parallel_loop3A_252 = arith.shrui %parallel_loop3A_249, %parallel_loop3A_251 : vector<16xi32>
          %parallel_loop3A_253 = vector.broadcast %parallel_loop3A_116 : i32 to vector<16xi32>
          %parallel_loop3A_254 = arith.addi %parallel_loop3A_247, %parallel_loop3A_253 : vector<16xi32>
          %parallel_loop3A_255 = vector.broadcast %parallel_loop3A_117 : i32 to vector<16xi32>
          %parallel_loop3A_256 = arith.andi %parallel_loop3A_254, %parallel_loop3A_255 : vector<16xi32>
          %parallel_loop3A_257 = arith.ori %parallel_loop3A_252, %parallel_loop3A_256 : vector<16xi32>
          %parallel_loop3A_258 = arith.constant 16 : i32
          %parallel_loop3A_259 = arith.muli %parallel_loop3A_129, %parallel_loop3A_258 : i32
          %parallel_loop3A_260 = arith.constant 4 : i32
          %parallel_loop3A_261 = arith.addi %parallel_loop3A_259, %parallel_loop3A_260 : i32
          %parallel_loop3A_262 = vector.broadcast %parallel_loop3A_261 : i32 to vector<16xi32>
          %parallel_loop3A_263 = arith.addi %mul3A_7, %parallel_loop3A_262 : vector<16xi32>
          %parallel_loop3A_264 = vector.bitcast %parallel_loop3A_257 : vector<16xi32> to vector<16xi32>
          tpu.vector_store_idx %arg8[%parallel_loop3A_263], %parallel_loop3A_264 : memref<8192xi32, #tpu.memory_space<vmem>>[vector<16xi32>], vector<16xi32>,
          %parallel_loop3A_265 = arith.constant 10 : i32
          %parallel_loop3A_266 = arith.index_cast %parallel_loop3A_265 : i32 to index
          %parallel_loop3A_267 = arith.index_cast %parallel_loop3A_129 : i32 to index
          %parallel_loop3A_268 = tpu.vector_load %arg6[%parallel_loop3A_266, %parallel_loop3A_267] {strides = array<i32>} : memref<32x512xf32, #tpu.memory_space<vmem>>, vector<16xf32>,
          %parallel_loop3A_269 = vector.bitcast %parallel_loop3A_268 : vector<16xf32> to vector<16xi32>
          %parallel_loop3A_270 = arith.constant 11 : i32
          %parallel_loop3A_271 = arith.index_cast %parallel_loop3A_270 : i32 to index
          %parallel_loop3A_272 = arith.index_cast %parallel_loop3A_129 : i32 to index
          %parallel_loop3A_273 = tpu.vector_load %arg6[%parallel_loop3A_271, %parallel_loop3A_272] {strides = array<i32>} : memref<32x512xf32, #tpu.memory_space<vmem>>, vector<16xf32>,
          %parallel_loop3A_274 = vector.bitcast %parallel_loop3A_273 : vector<16xf32> to vector<16xi32>
          %parallel_loop3A_275 = vector.broadcast %parallel_loop3A_116 : i32 to vector<16xi32>
          %parallel_loop3A_276 = arith.addi %parallel_loop3A_269, %parallel_loop3A_275 : vector<16xi32>
          %parallel_loop3A_277 = arith.constant 16 : i32
          %parallel_loop3A_278 = vector.broadcast %parallel_loop3A_277 : i32 to vector<16xi32>
          %parallel_loop3A_279 = arith.shrui %parallel_loop3A_276, %parallel_loop3A_278 : vector<16xi32>
          %parallel_loop3A_280 = vector.broadcast %parallel_loop3A_116 : i32 to vector<16xi32>
          %parallel_loop3A_281 = arith.addi %parallel_loop3A_274, %parallel_loop3A_280 : vector<16xi32>
          %parallel_loop3A_282 = vector.broadcast %parallel_loop3A_117 : i32 to vector<16xi32>
          %parallel_loop3A_283 = arith.andi %parallel_loop3A_281, %parallel_loop3A_282 : vector<16xi32>
          %parallel_loop3A_284 = arith.ori %parallel_loop3A_279, %parallel_loop3A_283 : vector<16xi32>
          %parallel_loop3A_285 = arith.constant 16 : i32
          %parallel_loop3A_286 = arith.muli %parallel_loop3A_129, %parallel_loop3A_285 : i32
          %parallel_loop3A_287 = arith.constant 5 : i32
          %parallel_loop3A_288 = arith.addi %parallel_loop3A_286, %parallel_loop3A_287 : i32
          %parallel_loop3A_289 = vector.broadcast %parallel_loop3A_288 : i32 to vector<16xi32>
          %parallel_loop3A_290 = arith.addi %mul3A_7, %parallel_loop3A_289 : vector<16xi32>
          %parallel_loop3A_291 = vector.bitcast %parallel_loop3A_284 : vector<16xi32> to vector<16xi32>
          tpu.vector_store_idx %arg8[%parallel_loop3A_290], %parallel_loop3A_291 : memref<8192xi32, #tpu.memory_space<vmem>>[vector<16xi32>], vector<16xi32>,
          %parallel_loop3A_292 = arith.constant 12 : i32
          %parallel_loop3A_293 = arith.index_cast %parallel_loop3A_292 : i32 to index
          %parallel_loop3A_294 = arith.index_cast %parallel_loop3A_129 : i32 to index
          %parallel_loop3A_295 = tpu.vector_load %arg6[%parallel_loop3A_293, %parallel_loop3A_294] {strides = array<i32>} : memref<32x512xf32, #tpu.memory_space<vmem>>, vector<16xf32>,
          %parallel_loop3A_296 = vector.bitcast %parallel_loop3A_295 : vector<16xf32> to vector<16xi32>
          %parallel_loop3A_297 = arith.constant 13 : i32
          %parallel_loop3A_298 = arith.index_cast %parallel_loop3A_297 : i32 to index
          %parallel_loop3A_299 = arith.index_cast %parallel_loop3A_129 : i32 to index
          %parallel_loop3A_300 = tpu.vector_load %arg6[%parallel_loop3A_298, %parallel_loop3A_299] {strides = array<i32>} : memref<32x512xf32, #tpu.memory_space<vmem>>, vector<16xf32>,
          %parallel_loop3A_301 = vector.bitcast %parallel_loop3A_300 : vector<16xf32> to vector<16xi32>
          %parallel_loop3A_302 = vector.broadcast %parallel_loop3A_116 : i32 to vector<16xi32>
          %parallel_loop3A_303 = arith.addi %parallel_loop3A_296, %parallel_loop3A_302 : vector<16xi32>
          %parallel_loop3A_304 = arith.constant 16 : i32
          %parallel_loop3A_305 = vector.broadcast %parallel_loop3A_304 : i32 to vector<16xi32>
          %parallel_loop3A_306 = arith.shrui %parallel_loop3A_303, %parallel_loop3A_305 : vector<16xi32>
          %parallel_loop3A_307 = vector.broadcast %parallel_loop3A_116 : i32 to vector<16xi32>
          %parallel_loop3A_308 = arith.addi %parallel_loop3A_301, %parallel_loop3A_307 : vector<16xi32>
          %parallel_loop3A_309 = vector.broadcast %parallel_loop3A_117 : i32 to vector<16xi32>
          %parallel_loop3A_310 = arith.andi %parallel_loop3A_308, %parallel_loop3A_309 : vector<16xi32>
          %parallel_loop3A_311 = arith.ori %parallel_loop3A_306, %parallel_loop3A_310 : vector<16xi32>
          %parallel_loop3A_312 = arith.constant 16 : i32
          %parallel_loop3A_313 = arith.muli %parallel_loop3A_129, %parallel_loop3A_312 : i32
          %parallel_loop3A_314 = arith.constant 6 : i32
          %parallel_loop3A_315 = arith.addi %parallel_loop3A_313, %parallel_loop3A_314 : i32
          %parallel_loop3A_316 = vector.broadcast %parallel_loop3A_315 : i32 to vector<16xi32>
          %parallel_loop3A_317 = arith.addi %mul3A_7, %parallel_loop3A_316 : vector<16xi32>
          %parallel_loop3A_318 = vector.bitcast %parallel_loop3A_311 : vector<16xi32> to vector<16xi32>
          tpu.vector_store_idx %arg8[%parallel_loop3A_317], %parallel_loop3A_318 : memref<8192xi32, #tpu.memory_space<vmem>>[vector<16xi32>], vector<16xi32>,
          %parallel_loop3A_319 = arith.constant 14 : i32
          %parallel_loop3A_320 = arith.index_cast %parallel_loop3A_319 : i32 to index
          %parallel_loop3A_321 = arith.index_cast %parallel_loop3A_129 : i32 to index
          %parallel_loop3A_322 = tpu.vector_load %arg6[%parallel_loop3A_320, %parallel_loop3A_321] {strides = array<i32>} : memref<32x512xf32, #tpu.memory_space<vmem>>, vector<16xf32>,
          %parallel_loop3A_323 = vector.bitcast %parallel_loop3A_322 : vector<16xf32> to vector<16xi32>
          %parallel_loop3A_324 = arith.constant 15 : i32
          %parallel_loop3A_325 = arith.index_cast %parallel_loop3A_324 : i32 to index
          %parallel_loop3A_326 = arith.index_cast %parallel_loop3A_129 : i32 to index
          %parallel_loop3A_327 = tpu.vector_load %arg6[%parallel_loop3A_325, %parallel_loop3A_326] {strides = array<i32>} : memref<32x512xf32, #tpu.memory_space<vmem>>, vector<16xf32>,
          %parallel_loop3A_328 = vector.bitcast %parallel_loop3A_327 : vector<16xf32> to vector<16xi32>
          %parallel_loop3A_329 = vector.broadcast %parallel_loop3A_116 : i32 to vector<16xi32>
          %parallel_loop3A_330 = arith.addi %parallel_loop3A_323, %parallel_loop3A_329 : vector<16xi32>
          %parallel_loop3A_331 = arith.constant 16 : i32
          %parallel_loop3A_332 = vector.broadcast %parallel_loop3A_331 : i32 to vector<16xi32>
          %parallel_loop3A_333 = arith.shrui %parallel_loop3A_330, %parallel_loop3A_332 : vector<16xi32>
          %parallel_loop3A_334 = vector.broadcast %parallel_loop3A_116 : i32 to vector<16xi32>
          %parallel_loop3A_335 = arith.addi %parallel_loop3A_328, %parallel_loop3A_334 : vector<16xi32>
          %parallel_loop3A_336 = vector.broadcast %parallel_loop3A_117 : i32 to vector<16xi32>
          %parallel_loop3A_337 = arith.andi %parallel_loop3A_335, %parallel_loop3A_336 : vector<16xi32>
          %parallel_loop3A_338 = arith.ori %parallel_loop3A_333, %parallel_loop3A_337 : vector<16xi32>
          %parallel_loop3A_339 = arith.constant 16 : i32
          %parallel_loop3A_340 = arith.muli %parallel_loop3A_129, %parallel_loop3A_339 : i32
          %parallel_loop3A_341 = arith.constant 7 : i32
          %parallel_loop3A_342 = arith.addi %parallel_loop3A_340, %parallel_loop3A_341 : i32
          %parallel_loop3A_343 = vector.broadcast %parallel_loop3A_342 : i32 to vector<16xi32>
          %parallel_loop3A_344 = arith.addi %mul3A_7, %parallel_loop3A_343 : vector<16xi32>
          %parallel_loop3A_345 = vector.bitcast %parallel_loop3A_338 : vector<16xi32> to vector<16xi32>
          tpu.vector_store_idx %arg8[%parallel_loop3A_344], %parallel_loop3A_345 : memref<8192xi32, #tpu.memory_space<vmem>>[vector<16xi32>], vector<16xi32>,
          %parallel_loop3A_346 = arith.constant 16 : i32
          %parallel_loop3A_347 = arith.index_cast %parallel_loop3A_346 : i32 to index
          %parallel_loop3A_348 = arith.index_cast %parallel_loop3A_129 : i32 to index
          %parallel_loop3A_349 = tpu.vector_load %arg6[%parallel_loop3A_347, %parallel_loop3A_348] {strides = array<i32>} : memref<32x512xf32, #tpu.memory_space<vmem>>, vector<16xf32>,
          %parallel_loop3A_350 = vector.bitcast %parallel_loop3A_349 : vector<16xf32> to vector<16xi32>
          %parallel_loop3A_351 = arith.constant 17 : i32
          %parallel_loop3A_352 = arith.index_cast %parallel_loop3A_351 : i32 to index
          %parallel_loop3A_353 = arith.index_cast %parallel_loop3A_129 : i32 to index
          %parallel_loop3A_354 = tpu.vector_load %arg6[%parallel_loop3A_352, %parallel_loop3A_353] {strides = array<i32>} : memref<32x512xf32, #tpu.memory_space<vmem>>, vector<16xf32>,
          %parallel_loop3A_355 = vector.bitcast %parallel_loop3A_354 : vector<16xf32> to vector<16xi32>
          %parallel_loop3A_356 = vector.broadcast %parallel_loop3A_116 : i32 to vector<16xi32>
          %parallel_loop3A_357 = arith.addi %parallel_loop3A_350, %parallel_loop3A_356 : vector<16xi32>
          %parallel_loop3A_358 = arith.constant 16 : i32
          %parallel_loop3A_359 = vector.broadcast %parallel_loop3A_358 : i32 to vector<16xi32>
          %parallel_loop3A_360 = arith.shrui %parallel_loop3A_357, %parallel_loop3A_359 : vector<16xi32>
          %parallel_loop3A_361 = vector.broadcast %parallel_loop3A_116 : i32 to vector<16xi32>
          %parallel_loop3A_362 = arith.addi %parallel_loop3A_355, %parallel_loop3A_361 : vector<16xi32>
          %parallel_loop3A_363 = vector.broadcast %parallel_loop3A_117 : i32 to vector<16xi32>
          %parallel_loop3A_364 = arith.andi %parallel_loop3A_362, %parallel_loop3A_363 : vector<16xi32>
          %parallel_loop3A_365 = arith.ori %parallel_loop3A_360, %parallel_loop3A_364 : vector<16xi32>
          %parallel_loop3A_366 = arith.constant 16 : i32
          %parallel_loop3A_367 = arith.muli %parallel_loop3A_129, %parallel_loop3A_366 : i32
          %parallel_loop3A_368 = arith.constant 8 : i32
          %parallel_loop3A_369 = arith.addi %parallel_loop3A_367, %parallel_loop3A_368 : i32
          %parallel_loop3A_370 = vector.broadcast %parallel_loop3A_369 : i32 to vector<16xi32>
          %parallel_loop3A_371 = arith.addi %mul3A_7, %parallel_loop3A_370 : vector<16xi32>
          %parallel_loop3A_372 = vector.bitcast %parallel_loop3A_365 : vector<16xi32> to vector<16xi32>
          tpu.vector_store_idx %arg8[%parallel_loop3A_371], %parallel_loop3A_372 : memref<8192xi32, #tpu.memory_space<vmem>>[vector<16xi32>], vector<16xi32>,
          %parallel_loop3A_373 = arith.constant 18 : i32
          %parallel_loop3A_374 = arith.index_cast %parallel_loop3A_373 : i32 to index
          %parallel_loop3A_375 = arith.index_cast %parallel_loop3A_129 : i32 to index
          %parallel_loop3A_376 = tpu.vector_load %arg6[%parallel_loop3A_374, %parallel_loop3A_375] {strides = array<i32>} : memref<32x512xf32, #tpu.memory_space<vmem>>, vector<16xf32>,
          %parallel_loop3A_377 = vector.bitcast %parallel_loop3A_376 : vector<16xf32> to vector<16xi32>
          %parallel_loop3A_378 = arith.constant 19 : i32
          %parallel_loop3A_379 = arith.index_cast %parallel_loop3A_378 : i32 to index
          %parallel_loop3A_380 = arith.index_cast %parallel_loop3A_129 : i32 to index
          %parallel_loop3A_381 = tpu.vector_load %arg6[%parallel_loop3A_379, %parallel_loop3A_380] {strides = array<i32>} : memref<32x512xf32, #tpu.memory_space<vmem>>, vector<16xf32>,
          %parallel_loop3A_382 = vector.bitcast %parallel_loop3A_381 : vector<16xf32> to vector<16xi32>
          %parallel_loop3A_383 = vector.broadcast %parallel_loop3A_116 : i32 to vector<16xi32>
          %parallel_loop3A_384 = arith.addi %parallel_loop3A_377, %parallel_loop3A_383 : vector<16xi32>
          %parallel_loop3A_385 = arith.constant 16 : i32
          %parallel_loop3A_386 = vector.broadcast %parallel_loop3A_385 : i32 to vector<16xi32>
          %parallel_loop3A_387 = arith.shrui %parallel_loop3A_384, %parallel_loop3A_386 : vector<16xi32>
          %parallel_loop3A_388 = vector.broadcast %parallel_loop3A_116 : i32 to vector<16xi32>
          %parallel_loop3A_389 = arith.addi %parallel_loop3A_382, %parallel_loop3A_388 : vector<16xi32>
          %parallel_loop3A_390 = vector.broadcast %parallel_loop3A_117 : i32 to vector<16xi32>
          %parallel_loop3A_391 = arith.andi %parallel_loop3A_389, %parallel_loop3A_390 : vector<16xi32>
          %parallel_loop3A_392 = arith.ori %parallel_loop3A_387, %parallel_loop3A_391 : vector<16xi32>
          %parallel_loop3A_393 = arith.constant 16 : i32
          %parallel_loop3A_394 = arith.muli %parallel_loop3A_129, %parallel_loop3A_393 : i32
          %parallel_loop3A_395 = arith.constant 9 : i32
          %parallel_loop3A_396 = arith.addi %parallel_loop3A_394, %parallel_loop3A_395 : i32
          %parallel_loop3A_397 = vector.broadcast %parallel_loop3A_396 : i32 to vector<16xi32>
          %parallel_loop3A_398 = arith.addi %mul3A_7, %parallel_loop3A_397 : vector<16xi32>
          %parallel_loop3A_399 = vector.bitcast %parallel_loop3A_392 : vector<16xi32> to vector<16xi32>
          tpu.vector_store_idx %arg8[%parallel_loop3A_398], %parallel_loop3A_399 : memref<8192xi32, #tpu.memory_space<vmem>>[vector<16xi32>], vector<16xi32>,
          %parallel_loop3A_400 = arith.constant 20 : i32
          %parallel_loop3A_401 = arith.index_cast %parallel_loop3A_400 : i32 to index
          %parallel_loop3A_402 = arith.index_cast %parallel_loop3A_129 : i32 to index
          %parallel_loop3A_403 = tpu.vector_load %arg6[%parallel_loop3A_401, %parallel_loop3A_402] {strides = array<i32>} : memref<32x512xf32, #tpu.memory_space<vmem>>, vector<16xf32>,
          %parallel_loop3A_404 = vector.bitcast %parallel_loop3A_403 : vector<16xf32> to vector<16xi32>
          %parallel_loop3A_405 = arith.constant 21 : i32
          %parallel_loop3A_406 = arith.index_cast %parallel_loop3A_405 : i32 to index
          %parallel_loop3A_407 = arith.index_cast %parallel_loop3A_129 : i32 to index
          %parallel_loop3A_408 = tpu.vector_load %arg6[%parallel_loop3A_406, %parallel_loop3A_407] {strides = array<i32>} : memref<32x512xf32, #tpu.memory_space<vmem>>, vector<16xf32>,
          %parallel_loop3A_409 = vector.bitcast %parallel_loop3A_408 : vector<16xf32> to vector<16xi32>
          %parallel_loop3A_410 = vector.broadcast %parallel_loop3A_116 : i32 to vector<16xi32>
          %parallel_loop3A_411 = arith.addi %parallel_loop3A_404, %parallel_loop3A_410 : vector<16xi32>
          %parallel_loop3A_412 = arith.constant 16 : i32
          %parallel_loop3A_413 = vector.broadcast %parallel_loop3A_412 : i32 to vector<16xi32>
          %parallel_loop3A_414 = arith.shrui %parallel_loop3A_411, %parallel_loop3A_413 : vector<16xi32>
          %parallel_loop3A_415 = vector.broadcast %parallel_loop3A_116 : i32 to vector<16xi32>
          %parallel_loop3A_416 = arith.addi %parallel_loop3A_409, %parallel_loop3A_415 : vector<16xi32>
          %parallel_loop3A_417 = vector.broadcast %parallel_loop3A_117 : i32 to vector<16xi32>
          %parallel_loop3A_418 = arith.andi %parallel_loop3A_416, %parallel_loop3A_417 : vector<16xi32>
          %parallel_loop3A_419 = arith.ori %parallel_loop3A_414, %parallel_loop3A_418 : vector<16xi32>
          %parallel_loop3A_420 = arith.constant 16 : i32
          %parallel_loop3A_421 = arith.muli %parallel_loop3A_129, %parallel_loop3A_420 : i32
          %parallel_loop3A_422 = arith.constant 10 : i32
          %parallel_loop3A_423 = arith.addi %parallel_loop3A_421, %parallel_loop3A_422 : i32
          %parallel_loop3A_424 = vector.broadcast %parallel_loop3A_423 : i32 to vector<16xi32>
          %parallel_loop3A_425 = arith.addi %mul3A_7, %parallel_loop3A_424 : vector<16xi32>
          %parallel_loop3A_426 = vector.bitcast %parallel_loop3A_419 : vector<16xi32> to vector<16xi32>
          tpu.vector_store_idx %arg8[%parallel_loop3A_425], %parallel_loop3A_426 : memref<8192xi32, #tpu.memory_space<vmem>>[vector<16xi32>], vector<16xi32>,
          %parallel_loop3A_427 = arith.constant 22 : i32
          %parallel_loop3A_428 = arith.index_cast %parallel_loop3A_427 : i32 to index
          %parallel_loop3A_429 = arith.index_cast %parallel_loop3A_129 : i32 to index
          %parallel_loop3A_430 = tpu.vector_load %arg6[%parallel_loop3A_428, %parallel_loop3A_429] {strides = array<i32>} : memref<32x512xf32, #tpu.memory_space<vmem>>, vector<16xf32>,
          %parallel_loop3A_431 = vector.bitcast %parallel_loop3A_430 : vector<16xf32> to vector<16xi32>
          %parallel_loop3A_432 = arith.constant 23 : i32
          %parallel_loop3A_433 = arith.index_cast %parallel_loop3A_432 : i32 to index
          %parallel_loop3A_434 = arith.index_cast %parallel_loop3A_129 : i32 to index
          %parallel_loop3A_435 = tpu.vector_load %arg6[%parallel_loop3A_433, %parallel_loop3A_434] {strides = array<i32>} : memref<32x512xf32, #tpu.memory_space<vmem>>, vector<16xf32>,
          %parallel_loop3A_436 = vector.bitcast %parallel_loop3A_435 : vector<16xf32> to vector<16xi32>
          %parallel_loop3A_437 = vector.broadcast %parallel_loop3A_116 : i32 to vector<16xi32>
          %parallel_loop3A_438 = arith.addi %parallel_loop3A_431, %parallel_loop3A_437 : vector<16xi32>
          %parallel_loop3A_439 = arith.constant 16 : i32
          %parallel_loop3A_440 = vector.broadcast %parallel_loop3A_439 : i32 to vector<16xi32>
          %parallel_loop3A_441 = arith.shrui %parallel_loop3A_438, %parallel_loop3A_440 : vector<16xi32>
          %parallel_loop3A_442 = vector.broadcast %parallel_loop3A_116 : i32 to vector<16xi32>
          %parallel_loop3A_443 = arith.addi %parallel_loop3A_436, %parallel_loop3A_442 : vector<16xi32>
          %parallel_loop3A_444 = vector.broadcast %parallel_loop3A_117 : i32 to vector<16xi32>
          %parallel_loop3A_445 = arith.andi %parallel_loop3A_443, %parallel_loop3A_444 : vector<16xi32>
          %parallel_loop3A_446 = arith.ori %parallel_loop3A_441, %parallel_loop3A_445 : vector<16xi32>
          %parallel_loop3A_447 = arith.constant 16 : i32
          %parallel_loop3A_448 = arith.muli %parallel_loop3A_129, %parallel_loop3A_447 : i32
          %parallel_loop3A_449 = arith.constant 11 : i32
          %parallel_loop3A_450 = arith.addi %parallel_loop3A_448, %parallel_loop3A_449 : i32
          %parallel_loop3A_451 = vector.broadcast %parallel_loop3A_450 : i32 to vector<16xi32>
          %parallel_loop3A_452 = arith.addi %mul3A_7, %parallel_loop3A_451 : vector<16xi32>
          %parallel_loop3A_453 = vector.bitcast %parallel_loop3A_446 : vector<16xi32> to vector<16xi32>
          tpu.vector_store_idx %arg8[%parallel_loop3A_452], %parallel_loop3A_453 : memref<8192xi32, #tpu.memory_space<vmem>>[vector<16xi32>], vector<16xi32>,
          %parallel_loop3A_454 = arith.constant 24 : i32
          %parallel_loop3A_455 = arith.index_cast %parallel_loop3A_454 : i32 to index
          %parallel_loop3A_456 = arith.index_cast %parallel_loop3A_129 : i32 to index
          %parallel_loop3A_457 = tpu.vector_load %arg6[%parallel_loop3A_455, %parallel_loop3A_456] {strides = array<i32>} : memref<32x512xf32, #tpu.memory_space<vmem>>, vector<16xf32>,
          %parallel_loop3A_458 = vector.bitcast %parallel_loop3A_457 : vector<16xf32> to vector<16xi32>
          %parallel_loop3A_459 = arith.constant 25 : i32
          %parallel_loop3A_460 = arith.index_cast %parallel_loop3A_459 : i32 to index
          %parallel_loop3A_461 = arith.index_cast %parallel_loop3A_129 : i32 to index
          %parallel_loop3A_462 = tpu.vector_load %arg6[%parallel_loop3A_460, %parallel_loop3A_461] {strides = array<i32>} : memref<32x512xf32, #tpu.memory_space<vmem>>, vector<16xf32>,
          %parallel_loop3A_463 = vector.bitcast %parallel_loop3A_462 : vector<16xf32> to vector<16xi32>
          %parallel_loop3A_464 = vector.broadcast %parallel_loop3A_116 : i32 to vector<16xi32>
          %parallel_loop3A_465 = arith.addi %parallel_loop3A_458, %parallel_loop3A_464 : vector<16xi32>
          %parallel_loop3A_466 = arith.constant 16 : i32
          %parallel_loop3A_467 = vector.broadcast %parallel_loop3A_466 : i32 to vector<16xi32>
          %parallel_loop3A_468 = arith.shrui %parallel_loop3A_465, %parallel_loop3A_467 : vector<16xi32>
          %parallel_loop3A_469 = vector.broadcast %parallel_loop3A_116 : i32 to vector<16xi32>
          %parallel_loop3A_470 = arith.addi %parallel_loop3A_463, %parallel_loop3A_469 : vector<16xi32>
          %parallel_loop3A_471 = vector.broadcast %parallel_loop3A_117 : i32 to vector<16xi32>
          %parallel_loop3A_472 = arith.andi %parallel_loop3A_470, %parallel_loop3A_471 : vector<16xi32>
          %parallel_loop3A_473 = arith.ori %parallel_loop3A_468, %parallel_loop3A_472 : vector<16xi32>
          %parallel_loop3A_474 = arith.constant 16 : i32
          %parallel_loop3A_475 = arith.muli %parallel_loop3A_129, %parallel_loop3A_474 : i32
          %parallel_loop3A_476 = arith.constant 12 : i32
          %parallel_loop3A_477 = arith.addi %parallel_loop3A_475, %parallel_loop3A_476 : i32
          %parallel_loop3A_478 = vector.broadcast %parallel_loop3A_477 : i32 to vector<16xi32>
          %parallel_loop3A_479 = arith.addi %mul3A_7, %parallel_loop3A_478 : vector<16xi32>
          %parallel_loop3A_480 = vector.bitcast %parallel_loop3A_473 : vector<16xi32> to vector<16xi32>
          tpu.vector_store_idx %arg8[%parallel_loop3A_479], %parallel_loop3A_480 : memref<8192xi32, #tpu.memory_space<vmem>>[vector<16xi32>], vector<16xi32>,
          %parallel_loop3A_481 = arith.constant 26 : i32
          %parallel_loop3A_482 = arith.index_cast %parallel_loop3A_481 : i32 to index
          %parallel_loop3A_483 = arith.index_cast %parallel_loop3A_129 : i32 to index
          %parallel_loop3A_484 = tpu.vector_load %arg6[%parallel_loop3A_482, %parallel_loop3A_483] {strides = array<i32>} : memref<32x512xf32, #tpu.memory_space<vmem>>, vector<16xf32>,
          %parallel_loop3A_485 = vector.bitcast %parallel_loop3A_484 : vector<16xf32> to vector<16xi32>
          %parallel_loop3A_486 = arith.constant 27 : i32
          %parallel_loop3A_487 = arith.index_cast %parallel_loop3A_486 : i32 to index
          %parallel_loop3A_488 = arith.index_cast %parallel_loop3A_129 : i32 to index
          %parallel_loop3A_489 = tpu.vector_load %arg6[%parallel_loop3A_487, %parallel_loop3A_488] {strides = array<i32>} : memref<32x512xf32, #tpu.memory_space<vmem>>, vector<16xf32>,
          %parallel_loop3A_490 = vector.bitcast %parallel_loop3A_489 : vector<16xf32> to vector<16xi32>
          %parallel_loop3A_491 = vector.broadcast %parallel_loop3A_116 : i32 to vector<16xi32>
          %parallel_loop3A_492 = arith.addi %parallel_loop3A_485, %parallel_loop3A_491 : vector<16xi32>
          %parallel_loop3A_493 = arith.constant 16 : i32
          %parallel_loop3A_494 = vector.broadcast %parallel_loop3A_493 : i32 to vector<16xi32>
          %parallel_loop3A_495 = arith.shrui %parallel_loop3A_492, %parallel_loop3A_494 : vector<16xi32>
          %parallel_loop3A_496 = vector.broadcast %parallel_loop3A_116 : i32 to vector<16xi32>
          %parallel_loop3A_497 = arith.addi %parallel_loop3A_490, %parallel_loop3A_496 : vector<16xi32>
          %parallel_loop3A_498 = vector.broadcast %parallel_loop3A_117 : i32 to vector<16xi32>
          %parallel_loop3A_499 = arith.andi %parallel_loop3A_497, %parallel_loop3A_498 : vector<16xi32>
          %parallel_loop3A_500 = arith.ori %parallel_loop3A_495, %parallel_loop3A_499 : vector<16xi32>
          %parallel_loop3A_501 = arith.constant 16 : i32
          %parallel_loop3A_502 = arith.muli %parallel_loop3A_129, %parallel_loop3A_501 : i32
          %parallel_loop3A_503 = arith.constant 13 : i32
          %parallel_loop3A_504 = arith.addi %parallel_loop3A_502, %parallel_loop3A_503 : i32
          %parallel_loop3A_505 = vector.broadcast %parallel_loop3A_504 : i32 to vector<16xi32>
          %parallel_loop3A_506 = arith.addi %mul3A_7, %parallel_loop3A_505 : vector<16xi32>
          %parallel_loop3A_507 = vector.bitcast %parallel_loop3A_500 : vector<16xi32> to vector<16xi32>
          tpu.vector_store_idx %arg8[%parallel_loop3A_506], %parallel_loop3A_507 : memref<8192xi32, #tpu.memory_space<vmem>>[vector<16xi32>], vector<16xi32>,
          %parallel_loop3A_508 = arith.constant 28 : i32
          %parallel_loop3A_509 = arith.index_cast %parallel_loop3A_508 : i32 to index
          %parallel_loop3A_510 = arith.index_cast %parallel_loop3A_129 : i32 to index
          %parallel_loop3A_511 = tpu.vector_load %arg6[%parallel_loop3A_509, %parallel_loop3A_510] {strides = array<i32>} : memref<32x512xf32, #tpu.memory_space<vmem>>, vector<16xf32>,
          %parallel_loop3A_512 = vector.bitcast %parallel_loop3A_511 : vector<16xf32> to vector<16xi32>
          %parallel_loop3A_513 = arith.constant 29 : i32
          %parallel_loop3A_514 = arith.index_cast %parallel_loop3A_513 : i32 to index
          %parallel_loop3A_515 = arith.index_cast %parallel_loop3A_129 : i32 to index
          %parallel_loop3A_516 = tpu.vector_load %arg6[%parallel_loop3A_514, %parallel_loop3A_515] {strides = array<i32>} : memref<32x512xf32, #tpu.memory_space<vmem>>, vector<16xf32>,
          %parallel_loop3A_517 = vector.bitcast %parallel_loop3A_516 : vector<16xf32> to vector<16xi32>
          %parallel_loop3A_518 = vector.broadcast %parallel_loop3A_116 : i32 to vector<16xi32>
          %parallel_loop3A_519 = arith.addi %parallel_loop3A_512, %parallel_loop3A_518 : vector<16xi32>
          %parallel_loop3A_520 = arith.constant 16 : i32
          %parallel_loop3A_521 = vector.broadcast %parallel_loop3A_520 : i32 to vector<16xi32>
          %parallel_loop3A_522 = arith.shrui %parallel_loop3A_519, %parallel_loop3A_521 : vector<16xi32>
          %parallel_loop3A_523 = vector.broadcast %parallel_loop3A_116 : i32 to vector<16xi32>
          %parallel_loop3A_524 = arith.addi %parallel_loop3A_517, %parallel_loop3A_523 : vector<16xi32>
          %parallel_loop3A_525 = vector.broadcast %parallel_loop3A_117 : i32 to vector<16xi32>
          %parallel_loop3A_526 = arith.andi %parallel_loop3A_524, %parallel_loop3A_525 : vector<16xi32>
          %parallel_loop3A_527 = arith.ori %parallel_loop3A_522, %parallel_loop3A_526 : vector<16xi32>
          %parallel_loop3A_528 = arith.constant 16 : i32
          %parallel_loop3A_529 = arith.muli %parallel_loop3A_129, %parallel_loop3A_528 : i32
          %parallel_loop3A_530 = arith.constant 14 : i32
          %parallel_loop3A_531 = arith.addi %parallel_loop3A_529, %parallel_loop3A_530 : i32
          %parallel_loop3A_532 = vector.broadcast %parallel_loop3A_531 : i32 to vector<16xi32>
          %parallel_loop3A_533 = arith.addi %mul3A_7, %parallel_loop3A_532 : vector<16xi32>
          %parallel_loop3A_534 = vector.bitcast %parallel_loop3A_527 : vector<16xi32> to vector<16xi32>
          tpu.vector_store_idx %arg8[%parallel_loop3A_533], %parallel_loop3A_534 : memref<8192xi32, #tpu.memory_space<vmem>>[vector<16xi32>], vector<16xi32>,
          %parallel_loop3A_535 = arith.constant 30 : i32
          %parallel_loop3A_536 = arith.index_cast %parallel_loop3A_535 : i32 to index
          %parallel_loop3A_537 = arith.index_cast %parallel_loop3A_129 : i32 to index
          %parallel_loop3A_538 = tpu.vector_load %arg6[%parallel_loop3A_536, %parallel_loop3A_537] {strides = array<i32>} : memref<32x512xf32, #tpu.memory_space<vmem>>, vector<16xf32>,
          %parallel_loop3A_539 = vector.bitcast %parallel_loop3A_538 : vector<16xf32> to vector<16xi32>
          %parallel_loop3A_540 = arith.constant 31 : i32
          %parallel_loop3A_541 = arith.index_cast %parallel_loop3A_540 : i32 to index
          %parallel_loop3A_542 = arith.index_cast %parallel_loop3A_129 : i32 to index
          %parallel_loop3A_543 = tpu.vector_load %arg6[%parallel_loop3A_541, %parallel_loop3A_542] {strides = array<i32>} : memref<32x512xf32, #tpu.memory_space<vmem>>, vector<16xf32>,
          %parallel_loop3A_544 = vector.bitcast %parallel_loop3A_543 : vector<16xf32> to vector<16xi32>
          %parallel_loop3A_545 = vector.broadcast %parallel_loop3A_116 : i32 to vector<16xi32>
          %parallel_loop3A_546 = arith.addi %parallel_loop3A_539, %parallel_loop3A_545 : vector<16xi32>
          %parallel_loop3A_547 = arith.constant 16 : i32
          %parallel_loop3A_548 = vector.broadcast %parallel_loop3A_547 : i32 to vector<16xi32>
          %parallel_loop3A_549 = arith.shrui %parallel_loop3A_546, %parallel_loop3A_548 : vector<16xi32>
          %parallel_loop3A_550 = vector.broadcast %parallel_loop3A_116 : i32 to vector<16xi32>
          %parallel_loop3A_551 = arith.addi %parallel_loop3A_544, %parallel_loop3A_550 : vector<16xi32>
          %parallel_loop3A_552 = vector.broadcast %parallel_loop3A_117 : i32 to vector<16xi32>
          %parallel_loop3A_553 = arith.andi %parallel_loop3A_551, %parallel_loop3A_552 : vector<16xi32>
          %parallel_loop3A_554 = arith.ori %parallel_loop3A_549, %parallel_loop3A_553 : vector<16xi32>
          %parallel_loop3A_555 = arith.constant 16 : i32
          %parallel_loop3A_556 = arith.muli %parallel_loop3A_129, %parallel_loop3A_555 : i32
          %parallel_loop3A_557 = arith.constant 15 : i32
          %parallel_loop3A_558 = arith.addi %parallel_loop3A_556, %parallel_loop3A_557 : i32
          %parallel_loop3A_559 = vector.broadcast %parallel_loop3A_558 : i32 to vector<16xi32>
          %parallel_loop3A_560 = arith.addi %mul3A_7, %parallel_loop3A_559 : vector<16xi32>
          %parallel_loop3A_561 = vector.bitcast %parallel_loop3A_554 : vector<16xi32> to vector<16xi32>
          tpu.vector_store_idx %arg8[%parallel_loop3A_560], %parallel_loop3A_561 : memref<8192xi32, #tpu.memory_space<vmem>>[vector<16xi32>], vector<16xi32>,
        } {sc.loop_unroll_factor = 2 : i64, sc.parallel_access}
        %mul3A_118 = arith.constant 32 : i32
        %mul3A_119 = arith.muli %add3A_86, %mul3A_118 : i32
        %add3A_120 = arith.addi %add3A, %mul3A_119 : i32
        %mul3A_121 = arith.constant 512 : i32
        %mul3A_122 = arith.muli %add3A_120, %mul3A_121 : i32
        %mul3A_123 = arith.constant 16 : i32
        %mul3A_124 = arith.muli %mul3A_122, %mul3A_123 : i32
        %multiple_of3A_125 = tpu.assume_multiple %mul3A_124, 8 : i32
        %dma_start3A = tpu.memref_slice %arg4[%multiple_of3A_125] : memref<16000000xi32, #tpu.memory_space<hbm>> -> memref<8192xi32, #tpu.memory_space<hbm>>
        %dma_start3A_126 = tpu.memref_slice %arg4[%multiple_of3A_125] : memref<16000000xi32, #tpu.memory_space<hbm>> -> memref<8192xi32, #tpu.memory_space<hbm>>
        tpu.enqueue_dma source(%arg8 : memref<8192xi32, #tpu.memory_space<vmem>>) target(%dma_start3A_126 : memref<8192xi32, #tpu.memory_space<hbm>>) target_semaphore(%arg12 : memref<!tpu.dma_semaphore, #tpu.memory_space<semaphore_mem>>)
      } else {
      }
    }
    %scan3A_14 = arith.constant 31 : i32
    %sub3A = arith.constant 1 : i32
    %sub3A_15 = arith.subi %add3A_4, %sub3A : i32
    %jit3A_16 = arith.constant 2 : i32
    %div3A = arith.divsi %sub3A_15, %jit3A_16 : i32
    %sign3A = arith.constant 0 : i32
    %sign3A_17 = arith.cmpi sgt, %sub3A_15, %sign3A : i32
    %sign3A_18 = arith.extui %sign3A_17 : i1 to i32
    %sign3A_19 = arith.constant 0 : i32
    %sign3A_20 = arith.cmpi slt, %sub3A_15, %sign3A_19 : i32
    %sign3A_21 = arith.extui %sign3A_20 : i1 to i32
    %sign3A_22 = arith.subi %sign3A_18, %sign3A_21 : i32
    %sign3A_23 = arith.constant 0 : i32
    %sign3A_24 = arith.cmpi sgt, %jit3A_16, %sign3A_23 : i32
    %sign3A_25 = arith.extui %sign3A_24 : i1 to i32
    %sign3A_26 = arith.constant 0 : i32
    %sign3A_27 = arith.cmpi slt, %jit3A_16, %sign3A_26 : i32
    %sign3A_28 = arith.extui %sign3A_27 : i1 to i32
    %sign3A_29 = arith.subi %sign3A_25, %sign3A_28 : i32
    %ne3A = arith.cmpi ne, %sign3A_22, %sign3A_29 : i32
    %rem3A = arith.remsi %sub3A_15, %jit3A_16 : i32
    %ne3A_30 = arith.constant 0 : i32
    %ne3A_31 = arith.cmpi ne, %rem3A, %ne3A_30 : i32
    %and3A = arith.andi %ne3A, %ne3A_31 : i1
    %sub3A_32 = arith.constant 1 : i32
    %sub3A_33 = arith.subi %div3A, %sub3A_32 : i32
    %select_n3A_34 = arith.select %and3A, %sub3A_33, %div3A : i32
    %mul3A_35 = arith.constant 2 : i32
    %mul3A_36 = arith.muli %select_n3A_34, %mul3A_35 : i32
    %sub3A_37 = arith.constant 2 : i32
    %sub3A_38 = arith.subi %add3A_4, %sub3A_37 : i32
    %jit3A_39 = arith.constant 2 : i32
    %div3A_40 = arith.divsi %sub3A_38, %jit3A_39 : i32
    %sign3A_41 = arith.constant 0 : i32
    %sign3A_42 = arith.cmpi sgt, %sub3A_38, %sign3A_41 : i32
    %sign3A_43 = arith.extui %sign3A_42 : i1 to i32
    %sign3A_44 = arith.constant 0 : i32
    %sign3A_45 = arith.cmpi slt, %sub3A_38, %sign3A_44 : i32
    %sign3A_46 = arith.extui %sign3A_45 : i1 to i32
    %sign3A_47 = arith.subi %sign3A_43, %sign3A_46 : i32
    %sign3A_48 = arith.constant 0 : i32
    %sign3A_49 = arith.cmpi sgt, %jit3A_39, %sign3A_48 : i32
    %sign3A_50 = arith.extui %sign3A_49 : i1 to i32
    %sign3A_51 = arith.constant 0 : i32
    %sign3A_52 = arith.cmpi slt, %jit3A_39, %sign3A_51 : i32
    %sign3A_53 = arith.extui %sign3A_52 : i1 to i32
    %sign3A_54 = arith.subi %sign3A_50, %sign3A_53 : i32
    %ne3A_55 = arith.cmpi ne, %sign3A_47, %sign3A_54 : i32
    %rem3A_56 = arith.remsi %sub3A_38, %jit3A_39 : i32
    %ne3A_57 = arith.constant 0 : i32
    %ne3A_58 = arith.cmpi ne, %rem3A_56, %ne3A_57 : i32
    %and3A_59 = arith.andi %ne3A_55, %ne3A_58 : i1
    %sub3A_60 = arith.constant 1 : i32
    %sub3A_61 = arith.subi %div3A_40, %sub3A_60 : i32
    %select_n3A_62 = arith.select %and3A_59, %sub3A_61, %div3A_40 : i32
    %mul3A_63 = arith.constant 2 : i32
    %mul3A_64 = arith.muli %select_n3A_62, %mul3A_63 : i32
    %add3A_65 = arith.constant 1 : i32
    %add3A_66 = arith.addi %mul3A_64, %add3A_65 : i32
    %ge3A = arith.constant 1 : i32
    %ge3A_67 = arith.cmpi sge, %add3A_4, %ge3A : i32
    %convert_element_type3A_68 = arith.extui %ge3A_67 : i1 to i32
    %cond3A_69 = arith.constant 0 : i32
    %cond3A_70 = arith.cmpi ne, %convert_element_type3A_68, %cond3A_69 : i32
    scf.if %cond3A_70 {
      %mul3A_80 = arith.constant 32 : i32
      %mul3A_81 = arith.muli %mul3A_36, %mul3A_80 : i32
      %add3A_82 = arith.addi %add3A, %mul3A_81 : i32
      %mul3A_83 = arith.constant 512 : i32
      %mul3A_84 = arith.muli %add3A_82, %mul3A_83 : i32
      %mul3A_85 = arith.constant 16 : i32
      %mul3A_86 = arith.muli %mul3A_84, %mul3A_85 : i32
      %multiple_of3A = tpu.assume_multiple %mul3A_86, 8 : i32
      %dma_wait3A = tpu.memref_slice %arg4[%multiple_of3A] : memref<16000000xi32, #tpu.memory_space<hbm>> -> memref<8192xi32, #tpu.memory_space<hbm>>
      %dma_wait3A_87 = tpu.memref_slice %arg4[%multiple_of3A] : memref<16000000xi32, #tpu.memory_space<hbm>> -> memref<8192xi32, #tpu.memory_space<hbm>>
      tpu.wait_dma2 semaphore(%arg11 : memref<!tpu.dma_semaphore, #tpu.memory_space<semaphore_mem>>) src(%arg7 : memref<8192xi32, #tpu.memory_space<vmem>>) dst(%dma_wait3A_87 : memref<8192xi32, #tpu.memory_space<hbm>>)
    } else {
    }
    %ge3A_71 = arith.constant 2 : i32
    %ge3A_72 = arith.cmpi sge, %add3A_4, %ge3A_71 : i32
    %convert_element_type3A_73 = arith.extui %ge3A_72 : i1 to i32
    %cond3A_74 = arith.constant 0 : i32
    %cond3A_75 = arith.cmpi ne, %convert_element_type3A_73, %cond3A_74 : i32
    scf.if %cond3A_75 {
      %mul3A_80 = arith.constant 32 : i32
      %mul3A_81 = arith.muli %add3A_66, %mul3A_80 : i32
      %add3A_82 = arith.addi %add3A, %mul3A_81 : i32
      %mul3A_83 = arith.constant 512 : i32
      %mul3A_84 = arith.muli %add3A_82, %mul3A_83 : i32
      %mul3A_85 = arith.constant 16 : i32
      %mul3A_86 = arith.muli %mul3A_84, %mul3A_85 : i32
      %multiple_of3A = tpu.assume_multiple %mul3A_86, 8 : i32
      %dma_wait3A = tpu.memref_slice %arg4[%multiple_of3A] : memref<16000000xi32, #tpu.memory_space<hbm>> -> memref<8192xi32, #tpu.memory_space<hbm>>
      %dma_wait3A_87 = tpu.memref_slice %arg4[%multiple_of3A] : memref<16000000xi32, #tpu.memory_space<hbm>> -> memref<8192xi32, #tpu.memory_space<hbm>>
      tpu.wait_dma2 semaphore(%arg12 : memref<!tpu.dma_semaphore, #tpu.memory_space<semaphore_mem>>) src(%arg8 : memref<8192xi32, #tpu.memory_space<vmem>>) dst(%dma_wait3A_87 : memref<8192xi32, #tpu.memory_space<hbm>>)
    } else {
    }
    %eq3A = arith.constant 31 : i32
    %eq3A_76 = arith.cmpi eq, %add3A, %eq3A : i32
    %convert_element_type3A_77 = arith.extui %eq3A_76 : i1 to i32
    %cond3A_78 = arith.constant 0 : i32
    %cond3A_79 = arith.cmpi ne, %convert_element_type3A_77, %cond3A_78 : i32
    scf.if %cond3A_79 {
      "tpu.region"() ({
        %run_scoped3A = tpu.sem_alloc : memref<!tpu.dma_semaphore, #tpu.memory_space<semaphore_mem>>
        %dma_start3A = arith.constant 15998976 : i32
        %dma_start3A_80 = tpu.memref_slice %arg4[%dma_start3A] : memref<16000000xi32, #tpu.memory_space<hbm>> -> memref<1024xi32, #tpu.memory_space<hbm>>
        tpu.enqueue_dma source(%arg3 : memref<1024xi32, #tpu.memory_space<hbm>>) target(%dma_start3A_80 : memref<1024xi32, #tpu.memory_space<hbm>>) target_semaphore(%run_scoped3A : memref<!tpu.dma_semaphore, #tpu.memory_space<semaphore_mem>>)
        %dma_wait3A = arith.constant 15998976 : i32
        %dma_wait3A_81 = tpu.memref_slice %arg4[%dma_wait3A] : memref<16000000xi32, #tpu.memory_space<hbm>> -> memref<1024xi32, #tpu.memory_space<hbm>>
        tpu.wait_dma2 semaphore(%run_scoped3A : memref<!tpu.dma_semaphore, #tpu.memory_space<semaphore_mem>>) src(%arg3 : memref<1024xi32, #tpu.memory_space<hbm>>) dst(%dma_wait3A_81 : memref<1024xi32, #tpu.memory_space<hbm>>)
        tpu.yield
      }) : () -> ()
    } else {
    }
    return
  }
}

module attributes {stable_mosaic.version = 14 : i64} {
  func.func @_mlp_kernel(%arg0: i32, %arg1: memref<2048x192xf32, #tpu.memory_space<vmem>>, %arg2: memref<192x100xf32, #tpu.memory_space<vmem>>, %arg3: memref<1x100xf32, #tpu.memory_space<vmem>>, %arg4: memref<100x10xf32, #tpu.memory_space<vmem>>, %arg5: memref<1x10xf32, #tpu.memory_space<vmem>>, %arg6: memref<10x45xf32, #tpu.memory_space<vmem>>, %arg7: memref<1x45xf32, #tpu.memory_space<vmem>>, %arg8: memref<2048x45xf32, #tpu.memory_space<vmem>>) attributes {dimension_semantics = [#tpu.dimension_semantics<arbitrary>], iteration_bounds = array<i64: 8>, scalar_prefetch = 0 : i64, scratch_operands = 0 : i64, tpu.core_type = #tpu.core_type<tc>, window_params = [{transform_indices = @transform_0, window_bounds = array<i64: 2048, 192>}, {pipeline_mode = #tpu.pipeline_mode<synchronous>, transform_indices = @transform_1, window_bounds = array<i64: 192, 100>}, {pipeline_mode = #tpu.pipeline_mode<synchronous>, transform_indices = @transform_2, window_bounds = array<i64: 1, 100>}, {pipeline_mode = #tpu.pipeline_mode<synchronous>, transform_indices = @transform_3, window_bounds = array<i64: 100, 10>}, {pipeline_mode = #tpu.pipeline_mode<synchronous>, transform_indices = @transform_4, window_bounds = array<i64: 1, 10>}, {pipeline_mode = #tpu.pipeline_mode<synchronous>, transform_indices = @transform_5, window_bounds = array<i64: 10, 45>}, {pipeline_mode = #tpu.pipeline_mode<synchronous>, transform_indices = @transform_6, window_bounds = array<i64: 1, 45>}, {transform_indices = @transform_7, window_bounds = array<i64: 2048, 45>}]} {
    %get3A = arith.constant 0 : index
    %get3A_0 = arith.constant 0 : index
    %get3A_1 = vector.load %arg1[%get3A, %get3A_0] : memref<2048x192xf32, #tpu.memory_space<vmem>>, vector<2048x192xf32>
    %get3A_2 = arith.constant 0 : index
    %get3A_3 = arith.constant 0 : index
    %get3A_4 = vector.load %arg2[%get3A_2, %get3A_3] : memref<192x100xf32, #tpu.memory_space<vmem>>, vector<192x100xf32>
    %dot_general3A = arith.constant dense<0.000000e+00> : vector<2048x100xf32>
    %dot_general3A_5 = tpu.matmul %get3A_1, %get3A_4, %dot_general3A {dimension_numbers = #tpu.dot_dimension_numbers<[1], [0], [0], [1], [0, 0, 1, 1], [], []>, transpose_lhs_hint = false} : vector<2048x192xf32>, vector<192x100xf32>, vector<2048x100xf32> -> vector<2048x100xf32>
    %get3A_6 = arith.constant 0 : index
    %get3A_7 = arith.constant 0 : index
    %get3A_8 = vector.load %arg3[%get3A_6, %get3A_7] : memref<1x100xf32, #tpu.memory_space<vmem>>, vector<1x100xf32>
    %add3A = vector.broadcast %get3A_8 : vector<1x100xf32> to vector<2048x100xf32>
    %add3A_9 = arith.addf %dot_general3A_5, %add3A : vector<2048x100xf32>
    %max3A = arith.constant 0.000000e+00 : f32
    %max3A_10 = vector.broadcast %max3A : f32 to vector<2048x100xf32>
    %max3A_11 = arith.maximumf %add3A_9, %max3A_10 : vector<2048x100xf32>
    %get3A_12 = arith.constant 0 : index
    %get3A_13 = arith.constant 0 : index
    %get3A_14 = vector.load %arg4[%get3A_12, %get3A_13] : memref<100x10xf32, #tpu.memory_space<vmem>>, vector<100x10xf32>
    %dot_general3A_15 = arith.constant dense<0.000000e+00> : vector<2048x10xf32>
    %dot_general3A_16 = tpu.matmul %max3A_11, %get3A_14, %dot_general3A_15 {dimension_numbers = #tpu.dot_dimension_numbers<[1], [0], [0], [1], [0, 0, 1, 1], [], []>, transpose_lhs_hint = false} : vector<2048x100xf32>, vector<100x10xf32>, vector<2048x10xf32> -> vector<2048x10xf32>
    %get3A_17 = arith.constant 0 : index
    %get3A_18 = arith.constant 0 : index
    %get3A_19 = vector.load %arg5[%get3A_17, %get3A_18] : memref<1x10xf32, #tpu.memory_space<vmem>>, vector<1x10xf32>
    %add3A_20 = vector.broadcast %get3A_19 : vector<1x10xf32> to vector<2048x10xf32>
    %add3A_21 = arith.addf %dot_general3A_16, %add3A_20 : vector<2048x10xf32>
    %max3A_22 = arith.constant 0.000000e+00 : f32
    %max3A_23 = vector.broadcast %max3A_22 : f32 to vector<2048x10xf32>
    %max3A_24 = arith.maximumf %add3A_21, %max3A_23 : vector<2048x10xf32>
    %get3A_25 = arith.constant 0 : index
    %get3A_26 = arith.constant 0 : index
    %get3A_27 = vector.load %arg6[%get3A_25, %get3A_26] : memref<10x45xf32, #tpu.memory_space<vmem>>, vector<10x45xf32>
    %dot_general3A_28 = arith.constant dense<0.000000e+00> : vector<2048x45xf32>
    %dot_general3A_29 = tpu.matmul %max3A_24, %get3A_27, %dot_general3A_28 {dimension_numbers = #tpu.dot_dimension_numbers<[1], [0], [0], [1], [0, 0, 1, 1], [], []>, transpose_lhs_hint = false} : vector<2048x10xf32>, vector<10x45xf32>, vector<2048x45xf32> -> vector<2048x45xf32>
    %get3A_30 = arith.constant 0 : index
    %get3A_31 = arith.constant 0 : index
    %get3A_32 = vector.load %arg7[%get3A_30, %get3A_31] : memref<1x45xf32, #tpu.memory_space<vmem>>, vector<1x45xf32>
    %add3A_33 = vector.broadcast %get3A_32 : vector<1x45xf32> to vector<2048x45xf32>
    %add3A_34 = arith.addf %dot_general3A_29, %add3A_33 : vector<2048x45xf32>
    %reduce_max3A = arith.constant dense<0xFF800000> : vector<2048xf32>
    %reduce_max3A_35 = vector.multi_reduction <maximumf>, %add3A_34, %reduce_max3A [1] : vector<2048x45xf32> to vector<2048xf32>
    %broadcast_in_dim3A = vector.shape_cast %reduce_max3A_35 : vector<2048xf32> to vector<2048x1xf32>
    %sub3A = vector.broadcast %broadcast_in_dim3A : vector<2048x1xf32> to vector<2048x45xf32>
    %sub3A_36 = arith.subf %add3A_34, %sub3A : vector<2048x45xf32>
    %exp3A = math.exp %sub3A_36 : vector<2048x45xf32>
    %reduce_sum3A = arith.constant dense<0.000000e+00> : vector<2048xf32>
    %reduce_sum3A_37 = vector.multi_reduction <add>, %exp3A, %reduce_sum3A [1] : vector<2048x45xf32> to vector<2048xf32>
    %broadcast_in_dim3A_38 = vector.shape_cast %reduce_sum3A_37 : vector<2048xf32> to vector<2048x1xf32>
    %log3A = math.log %broadcast_in_dim3A_38 : vector<2048x1xf32>
    %sub3A_39 = vector.broadcast %log3A : vector<2048x1xf32> to vector<2048x45xf32>
    %sub3A_40 = arith.subf %sub3A_36, %sub3A_39 : vector<2048x45xf32>
    %swap3A = arith.constant 0 : index
    %swap3A_41 = arith.constant 0 : index
    %swap3A_42 = vector.load %arg8[%swap3A, %swap3A_41] : memref<2048x45xf32, #tpu.memory_space<vmem>>, vector<2048x45xf32>
    tpu.vector_store %arg8[%swap3A, %swap3A_41], %sub3A_40 {strides = array<i32>} : memref<2048x45xf32, #tpu.memory_space<vmem>>, vector<2048x45xf32>,
    return
  }
  func.func @transform_0(%arg0: i32) -> (i32, i32) {
    %c0_i32 = arith.constant 0 : i32
    %c0_i32_0 = arith.constant 0 : i32
    return %arg0, %c0_i32 : i32, i32
  }
  func.func @transform_1(%arg0: i32) -> (i32, i32) {
    %c0_i32 = arith.constant 0 : i32
    %c0_i32_0 = arith.constant 0 : i32
    %c0_i32_1 = arith.constant 0 : i32
    return %c0_i32, %c0_i32_0 : i32, i32
  }
  func.func @transform_2(%arg0: i32) -> (i32, i32) {
    %c0_i32 = arith.constant 0 : i32
    %c0_i32_0 = arith.constant 0 : i32
    %c0_i32_1 = arith.constant 0 : i32
    return %c0_i32, %c0_i32_0 : i32, i32
  }
  func.func @transform_3(%arg0: i32) -> (i32, i32) {
    %c0_i32 = arith.constant 0 : i32
    %c0_i32_0 = arith.constant 0 : i32
    %c0_i32_1 = arith.constant 0 : i32
    return %c0_i32, %c0_i32_0 : i32, i32
  }
  func.func @transform_4(%arg0: i32) -> (i32, i32) {
    %c0_i32 = arith.constant 0 : i32
    %c0_i32_0 = arith.constant 0 : i32
    %c0_i32_1 = arith.constant 0 : i32
    return %c0_i32, %c0_i32_0 : i32, i32
  }
  func.func @transform_5(%arg0: i32) -> (i32, i32) {
    %c0_i32 = arith.constant 0 : i32
    %c0_i32_0 = arith.constant 0 : i32
    %c0_i32_1 = arith.constant 0 : i32
    return %c0_i32, %c0_i32_0 : i32, i32
  }
  func.func @transform_6(%arg0: i32) -> (i32, i32) {
    %c0_i32 = arith.constant 0 : i32
    %c0_i32_0 = arith.constant 0 : i32
    %c0_i32_1 = arith.constant 0 : i32
    return %c0_i32, %c0_i32_0 : i32, i32
  }
  func.func @transform_7(%arg0: i32) -> (i32, i32) {
    %c0_i32 = arith.constant 0 : i32
    %c0_i32_0 = arith.constant 0 : i32
    return %arg0, %c0_i32 : i32, i32
  }
}

</mosaic_0001>

<sc_bundles>
// kernel: kernel.5.cloned.1.call-start
scs
__scs_entry_jumppad:
0x0: {  	(pc) =	sbr.rel $0x88, $3  }
0x1: {  	(tag) =	ssettag $0x0;
	lr =	simm.s32 $0x1  }
0x2: {  	[smem:$0x3F99] =	sst lr;
	_ =	strace $0xD0000000  }
0x3: {  	_ = 	snop  }
0x4: {  	_ = 	snop  }
0x5: {  	_ = 	snop  }
0x6: {  	_ = 	snop  }
0x7: {  	_ = 	snop  }
__scs_overlays_trampoline_lowered:
0x8: {  	[smem:$0x3FA8] =	sst s0  }
0x9: {  	[smem:$0x3FA9] =	sst s1  }
0xa: {  	[smem:$0x3FAA] =	sst s2  }
0xb: {  	[smem:$0x3FAB] =	sst s3  }
0xc: {  	[smem:$0x3FAC] =	sst s4  }
0xd: {  	[smem:$0x3FAD] =	sst s5  }
0xe: {  	[smem:$0x3FAE] =	sst s6  }
0xf: {  	[smem:$0x3FAF] =	sst s7  }
0x10: {  	[smem:$0x3FB0] =	sst s8  }
0x11: {  	[smem:$0x3FB1] =	sst s9;
	s0 =	simm.s32 @!p0 $0x0  }
0x12: {  	s1 =	sld [smem:$0x3F97];
	s0 =	simm.s32 @p0 $0x1  }
0x13: {  	[smem:$0x3FB2] =	sst s0;
	s0 =	simm.s32 @!p1 $0x0  }
0x14: {  	s2 =	sld [smem:$0x3F96];
	s0 =	simm.s32 @p1 $0x1  }
0x15: {  	[smem:$0x3FB3] =	sst s0;
	s0 =	simm.s32 @!p2 $0x0  }
0x16: {  	s3 =	sld [smem:$0x3FDB];
	s0 =	simm.s32 @p2 $0x1  }
0x17: {  	s4 =	simm.s32 $0x1BF5;
	[smem:$0x3FB5] =	sst s0  }
0x18: {  	s0 =	sld [smem:$0x3F98];
	_ =	swait.ge [sflag:s4], $0x0  }
0x19: {  	s7 =	sld [smem:$0x3F99]  }
0x1a: {  	s8 =	sadd.s32 $0xFFFFE003, lr  }
0x1b: {  	s9 =	sadd.s32 $0xFFFFFEF7, lr;
	s5 =	simm.s32 $0xFFFFFFFF;
	p2 =	slt.u32 s8, $0xFFFFF086  }
0x1c: {  	p1 =	slt.u32 s9, $0xF7A;
	s5 =	simm.s32 @!p2 $0x0  }
0x1d: {  	s5 =	simm.s32 @p1 $0x1;
	p0 =	seq.s32 s7, s2  }
0x1e: {  	s7 =	smul.u32 @!p0 $0xF7A, s2;
	p2 =	seq.s32 @!p0 s5, $0x0  }
0x1f: {  	s9 =	smul.u32 $0xF7A, s1;
	s8 =	simm.s32 @!p0 $0x1BF5;
	p2 =	por !p2, p0  }
0x20: {  	[sflag:s8] =	ssyncset.s32 @!p0 $0xFFFFF086;
	s6 =	sadd.s32 @!p0 s3, s7;
	s7 =	simm.s32 @!p0 $0x108  }
0x21: {  	s3 =	sadd.s32 s3, s9;
	s6 =	sadd.s32 @!p0 $0x88, s6;
	s7 =	simm.s32 @p2 $0x1082  }
0x22: {  	[simem:s7], [sflag:s8] =	dma.local @!p0 [hbm:s6], $0xF7A  }
0x23: {  	s9 =	sor.u32 $0xD0000000, s2;
	s6 =	simm.s32 $0x108;
	_ =	swait.ge @!p0 [sflag:s8], $0x0  }
0x24: {  	s3 =	sadd.s32 $0x88, s3;
	s6 =	simm.s32 @!p1 $0x1082;
	[sflag:s4] =	ssyncset.s32 $0xFFFFF086  }
0x25: {  	[simem:s6], [sflag:s4] =	dma.local [hbm:s3], $0xF7A  }
0x26: {  	[smem:$0x3F99] =	sst s1;
	(tag) =	ssettag s2;
	_ =	strace s9  }
0x27: {  	s1 =	sld [smem:$0x3FA9]  }
0x28: {  	s2 =	sld [smem:$0x3FAA]  }
0x29: {  	s4 =	sld [smem:$0x3FAC]  }
0x2a: {  	p0 =	seq.s32 s5, $0x0;
	s5 =	sld [smem:$0x3FAD]  }
0x2b: {  	s6 =	sld [smem:$0x3FAE]  }
0x2c: {  	s7 =	sld [smem:$0x3FAF]  }
0x2d: {  	s3 =	simm.s32 $0x108;
	s8 =	sld [smem:$0x3FB0]  }
0x2e: {  	s3 =	simm.s32 @!p0 $0x1082;
	s9 =	sld [smem:$0x3FB1]  }
0x2f: {  	lr =	sadd.s32 s0, s3;
	s0 =	sld [smem:$0x3FA8]  }
0x30: {  	s3 =	sld [smem:$0x3FAB]  }
0x31: {  	[smem:$0x3FB4] =	sst s10  }
0x32: {  	s10 =	sld [smem:$0x3FB2];
	_ =	sdelay $0x3  }
0x33: {  	p0 =	seq.s32 s10, $0x1;
	s10 =	sld [smem:$0x3FB4];
	_ =	sdelay $0x3  }
0x34: {  	[smem:$0x3FB4] =	sst s10  }
0x35: {  	s10 =	sld [smem:$0x3FB3];
	_ =	sdelay $0x3  }
0x36: {  	p1 =	seq.s32 s10, $0x1;
	s10 =	sld [smem:$0x3FB4];
	_ =	sdelay $0x3  }
0x37: {  	[smem:$0x3FB4] =	sst s10  }
0x38: {  	s10 =	sld [smem:$0x3FB5]  }
0x39: {  	_ = 	snop;
	(pc) =	sbr.ind lr, $3  }
0x3a: {  	_ = 	snop  }
0x3b: {  	_ = 	snop  }
0x3c: {  	p2 =	seq.s32 s10, $0x1;
	s10 =	sld [smem:$0x3FB4]  }
0x3d: {  	_ =	shalt  }
0x3e: {  	_ =	shalt  }
0x3f: {  	_ =	shalt  }
0x40: {  	_ =	shalt  }
0x41: {  	_ =	shalt  }
0x42: {  	_ =	shalt  }
0x43: {  	_ =	shalt  }
0x44: {  	_ =	shalt  }
0x45: {  	_ =	shalt  }
0x46: {  	_ =	shalt  }
0x47: {  	_ =	shalt  }
0x48: {  	_ =	shalt  }
0x49: {  	_ =	shalt  }
0x4a: {  	_ =	shalt  }
0x4b: {  	_ =	shalt  }
0x4c: {  	_ =	shalt  }
0x4d: {  	_ =	shalt  }
0x4e: {  	_ =	shalt  }
0x4f: {  	_ =	shalt  }
0x50: {  	_ =	shalt  }
0x51: {  	_ =	shalt  }
0x52: {  	_ =	shalt  }
0x53: {  	_ =	shalt  }
0x54: {  	_ =	shalt  }
0x55: {  	_ =	shalt  }
0x56: {  	_ =	shalt  }
0x57: {  	_ =	shalt  }
0x58: {  	_ =	shalt  }
0x59: {  	_ =	shalt  }
0x5a: {  	_ =	shalt  }
0x5b: {  	_ =	shalt  }
0x5c: {  	_ =	shalt  }
0x5d: {  	_ =	shalt  }
0x5e: {  	_ =	shalt  }
0x5f: {  	_ =	shalt  }
0x60: {  	_ =	shalt  }
0x61: {  	_ =	shalt  }
0x62: {  	_ =	shalt  }
0x63: {  	_ =	shalt  }
0x64: {  	_ =	shalt  }
0x65: {  	_ =	shalt  }
0x66: {  	_ =	shalt  }
0x67: {  	_ =	shalt  }
0x68: {  	_ =	shalt  }
0x69: {  	_ =	shalt  }
0x6a: {  	_ =	shalt  }
0x6b: {  	_ =	shalt  }
0x6c: {  	_ =	shalt  }
0x6d: {  	_ =	shalt  }
0x6e: {  	_ =	shalt  }
0x6f: {  	_ =	shalt  }
0x70: {  	_ =	shalt  }
0x71: {  	_ =	shalt  }
0x72: {  	_ =	shalt  }
0x73: {  	_ =	shalt  }
0x74: {  	_ =	shalt  }
0x75: {  	_ =	shalt  }
0x76: {  	_ =	shalt  }
0x77: {  	_ =	shalt  }
0x78: {  	_ =	shalt  }
0x79: {  	_ =	shalt  }
0x7a: {  	_ =	shalt  }
0x7b: {  	_ =	shalt  }
0x7c: {  	_ =	shalt  }
0x7d: {  	_ =	shalt  }
0x7e: {  	_ =	shalt  }
0x7f: {  	_ =	shalt  }
0x80: {  	_ =	shalt  }
0x81: {  	_ =	shalt  }
0x82: {  	_ =	shalt  }
0x83: {  	_ =	shalt  }
0x84: {  	_ =	shalt  }
0x85: {  	_ =	shalt  }
0x86: {  	_ =	shalt  }
0x87: {  	_ =	shalt  }
.Lfunc_end0:
.L_simem_size_0:
called_computation_lowered:
.L_overlay_start_0:
0x88: {  	s2 =	sld [smem:$0x3FD9]  }
0x89: {  	s3 =	sld [smem:$0x3FFE];
	_ =	sdelay $0x1  }
0x8a: {  	s1 =	srdreg.scid  }
0x8b: {  	s0 =	sand.u32 $0x1, s1  }
0x8c: {  	s17 =	sshll.u32 s0, $0xA;
	s2 =	sadd.s32 s3, s2  }
0x8d: {  	s2 =	sadd.s32 s2, s17  }
0x8e: {  	[smem:$0x3FC0] =	sst s2  }
0x8f: {  	_ = 	snop  }
0x90: {  	s2 =	sld [smem:$0x3FC8];
	(tm) =	ssettm $0x1  }
0x91: {  	s18 =	sld [smem:$0x3FFB];
	_ =	sdelay $0x3  }
0x92: {  	_ =	strace s18  }
0x93: {  	s3 =	sld [smem:$0x3FFC];
	_ =	sdelay $0x3  }
0x94: {  	_ =	strace s3  }
0x95: {  	s3 =	sld [smem:$0x3FFD];
	_ =	sdelay $0x3  }
0x96: {  	_ =	strace s3  }
0x97: {  	_ =	strace $0x8FFFFFFF  }
0x98: {  	s19 =	sld [smem:$0x3FDB];
	_ =	sdelay $0x1  }
0x99: {  	s4 =	simm.s32 $_scs_section_size  }
0x9a: {  	s5 =	simm.s32 $_size__tile_overlayer_lowered;
	s6 =	simm.s32 $_tile_overlayer_lowered  }
0x9b: {  	s22 =	simm.s32 $0x1BFF;
	s21 =	sshll.u32 s6, $0x1;
	s3 =	sadd.s32 s4, s19  }
0x9c: {  	s7 =	simm.s32 $0x0;
	s20 =	sshll.u32 s5, $0x1;
	s5 =	sadd.s32 s21, s3  }
0x9d: {  	[timem:s7], [sflag:s22] =	dma.local [hbm:s5], s20  }
0x9e: {  	_ =	swait.ge [sflag:s22], s20  }
0x9f: {  	s4 =	ssub.s32 $0x0, s20;
	[sflag:s22] =	ssyncset.done $0x0  }
0xa0: {  	[sflag:s22] =	ssyncadd.s32 s4;
	_ =	sdelay $0x1  }
0xa1: {  	s23 =	simm.s32 $0x1B8B  }
0xa2: {  	_ =	swait.ge [sflag:s23], $0x1  }
0xa3: {  	[sflag:s23] =	ssyncset.done $0x0  }
0xa4: {  	s25 =	simm.s32 $0x1B8E;
	s24 =	sld [smem:$0x3FFE];
	[sflag:s23] =	ssyncadd.s32 $0xFFFFFFFF  }
0xa5: {  	s26 =	simm.s32 $execute0_lowered;
	[smem:$0x3FD2] =	sst s25  }
0xa6: {  	s5 =	sshll.u32 s26, $0x1;
	_ =	strace $0x80000046;
	[dreg:$0x1] =	wrdreg $0xFFFFFFFF  }
0xa7: {  	s28 =	simm.s32 $_size_execute0_lowered;
	s3 =	sadd.s32 s3, s5;
	[dreg:$0x0] =	wrdreg $0x0  }
0xa8: {  	s5 =	sshll.u32 s28, $0x1;
	[dreg:$0x2] =	wrdreg s3  }
0xa9: {  	[dreg:$0x3] =	wrdreg s5  }
0xaa: {  	[dreg:$0x4] =	wrdreg $0xC0  }
0xab: {  	_ =	task [dreg:s7], $0x5FFFF  }
0xac: {  	[dreg:$0x1] =	wrdreg $0xFFFFFFFF  }
0xad: {  	[dreg:$0x0] =	wrdreg $0x60  }
0xae: {  	[dreg:$0x2] =	wrdreg s2  }
0xaf: {  	[dreg:$0x3] =	wrdreg s24  }
0xb0: {  	[dreg:$0x4] =	wrdreg $0x9  }
0xb1: {  	_ =	task.clear_ibuf [dreg:s7], $0x5FFFF;
	_ =	strace $0x90000046  }
0xb2: {  	s29 =	simm.s32 $0x9;
	_ =	strace $0x80000048  }
0xb3: {  	_ =	swait.ge [sflag:s29], $0x1  }
0xb4: {  	[sflag:s29] =	ssyncadd.s32 $0xFFFFFFFF  }
0xb5: {  	_ =	strace $0x90000048  }
0xb6: {  	_ =	sfence  }
0xb7: {  	s30 =	sld [smem:$0x0];
	_ =	sdelay $0x2  }
0xb8: {  	s31 =	sshll.u32 s1, $0xD;
	s1 =	sshrl.u32 s1, $0x2  }
0xb9: {  	s3 =	sand.u32 $0x4000, s31;
	s1 =	sadd.s32 s1, s30  }
0xba: {  	s0 =	sor.u32 s3, s0;
	s1 =	sshll.u32 s1, $0x11  }
0xbb: {  	s0 =	sor.u32 s1, s0  }
0xbc: {  	s0 =	sadd.s32 $0x8F2B, s0  }
0xbd: {  	[sflag:s0] =	ssyncadd.remote.s32 $0x1  }
0xbe: {  	_ =	sfence.sel $0xFFFF  }
0xbf: {  	[dreg:$0x0] =	wrdreg $0xFFFFFFFF;
	(pc) =	sbr.abs _section_cstart, $3  }
0xc0: {  	[dreg:$0x1] =	wrdreg $0xFFFFFFFF  }
0xc1: {  	_ =	task.clear_ibuf [dreg:s7], $0x2FFFF;
	_ =	strace $0x9FFFFFFF  }
0xc2: {  	(tm) =	ssettm $0x7FFFFFFF  }
0xc3: {  	_ =	shalt  }
tec
execute0_lowered:
.L_overlay_start_1:
0x0: {  	(tag) =	ssettag $0x1  }
0x1: {  	s0 =	rddreg [dreg:$0x0]  }
0x2: {  	s1 =	rddreg [dreg:$0x1]  }
0x3: {  	s2 =	srdreg.scid;
	s3 =	stileid.u32;
	s4 =	simm.s32 $0x0  }
0x4: {  	s9 =	simm.s32 $0x8000;
	s2 =	sand.u32 $0x1, s2;
	s3 =	sshll.u32 s3, $0x1  }
0x5: {  	[smem:$0x7FF] =	sst s4;
	s6 =	sadd.s32 $0x1400, s1;
	s30 =	sadd.s32 $0x1E9A00, s1  }
0x6: {  	s3 =	sor.u32 s2, s3;
	_ =	strace $0x80000047;
	[smem:$0x7F8] =	sst s6  }
0x7: {  	s2 =	ssub.s32 $0x2, s2;
	s6 =	simm.s32 $0x3E;
	[smem:$0x7FC] =	sst s30  }
0x8: {  	s26 =	sshll.u32 s3, $0xA;
	s5 =	sshrl.u32 s2, $0x1;
	p0 =	seq.s32 s3, $0x0  }
.Ltmp0:
0x9: {  	s28 =	sshll.u32 s3, $0x9;
	s6 =	simm.s32 @!p0 $0x3D;
	(pc) =	sbr.rel .LBB2_1-.Ltmp0, $4  }
0xa: {  	s4 =	sadd.s32 s26, s1;
	s0 =	sadd.s32 s0, s28;
	[smem:$0x7F9] =	sst s6  }
0xb: {  	s2 =	ssub.s32 s2, s5;
	[smem:$0x7FA] =	sst s0;
	s29 =	sadd.s32 $0x1600, s4  }
0xc: {  	v0 =	vlaneseq.u32;
	s11 =	simm.s32 $0xA000;
	s31 =	smax.u32 s2, $0x1;
	[smem:$0x7FB] =	sst s29  }
0xd: {  	v0 =	vmul.u32 $0x10, v0;
	p0 =	sne.s32 s3, $0x1F;
	s2 =	simm.s32 $0x0;
	[smem:$0x7FD] =	sst s31  }
.LBB2_11:
0xe: {  	s0 =	simm.s32 $0x3  }
0xf: {  	_ =	swait.ge [sflag:s0], $0x2000  }
0x10: {  	[sflag:s0] =	ssyncset.done $0x0  }
0x11: {  	s1 =	simm.s32 $0x4;
	[sflag:s0] =	ssyncadd.s32 $0xFFFFE000  }
0x12: {  	_ =	swait.ge [sflag:s1], $0x2000  }
0x13: {  	[sflag:s1] =	ssyncset.done $0x0;
	s2 =	sld [smem:$0x7FC]  }
0x14: {  	s0 =	stileid.u32;
	[sflag:s1] =	ssyncadd.s32 $0xFFFFE000;
	s1 =	sld [smem:$0x7F8]  }
0x15: {  	s0 =	sshll.u32 @!p0 s0, $0x6  }
0x16: {  	s0 =	sor.u32 @!p0 $0x1C05, s0  }
0x17: {  	[hbm:s2], [sflag:s0] =	dma.local @!p0 [hbm:s1], $0x80  }
0x18: {  	s0 =	simm.s32 @!p0 $0x5  }
0x19: {  	_ =	swait.ge @!p0 [sflag:s0], $0x80  }
0x1a: {  	s30 =	sld [smem:$0x7F7]  }
0x1b: {  	s31 =	sld [smem:$0x7FD];
	_ =	sdelay $0x1  }
0x1c: {  	s2 =	sadd.s32 $0x1, s30  }
0x1d: {  	p1 =	sne.s32 s2, s31  }
.Ltmp1:
0x1e: {  	_ = 	snop;
	(pc) =	sbr.rel @!p1 .LBB2_12-.Ltmp1, $3  }
0x1f: {  	_ =	sdelay $0x1  }
0x20: {  	[sflag:s0] =	ssyncset.done @!p0 $0x0  }
0x21: {  	[sflag:s0] =	ssyncadd.s32 @!p0 $0xFFFFFF80  }
.LBB2_1:
.Ltmp2:
0x22: {  	(pc) =	sbr.rel .LBB2_2-.Ltmp2, $4  }
0x23: {  	s1 =	sld [smem:$0x7FA]  }
0x24: {  	[smem:$0x7F7] =	sst s2;
	s0 =	simm.s32 $0x0  }
0x25: {  	s31 =	simm.s32 $0x1000;
	s3 =	simm.s32 $0x7A1400;
	s4 =	simm.s32 $0x0  }
0x26: {  	[tilespmem:s0], [sflag:$0x1] =	stream.strided.gather [hbm4b:s1+s31], $0x4000, s3, s31, $0x38;
	[tilespmem:$0xC000] =	vst v63  }
.LBB2_10:
0x27: {  	s4 =	sadd.s32 $0x1, s4  }
0x28: {  	p1 =	sne.s32 s4, $0x1F  }
.Ltmp3:
0x29: {  	_ = 	snop;
	(pc) =	sbr.rel @!p1 .LBB2_11-.Ltmp3, $1  }
0x2a: {  	_ =	sdelay $0x3  }
.LBB2_2:
0x2b: {  	s0 =	sld [smem:$0x7F9];
	_ =	sdelay $0x1  }
0x2c: {  	s2 =	sshll.u32 s4, $0x1  }
0x2d: {  	p2 =	sge.u32 s2, s0  }
.Ltmp4:
0x2e: {  	_ = 	snop;
	(pc) =	sbr.rel @p2 .LBB2_6-.Ltmp4, $3  }
0x2f: {  	_ =	sdelay $0x1  }
0x30: {  	s1 =	sshllo.u32 s4, $0x1;
	[smem:$0x7F6] =	sst s4  }
0x31: {  	[smem:$0x7F5] =	sst s1;
	p1 =	sge.u32 s1, s0  }
0x32: {  	[smem:$0x7EA] =	sst s2;
	s1 =	simm.s32 $0x1  }
0x33: {  	_ =	swait.ge [sflag:s1], $0x4000  }
0x34: {  	[sflag:s1] =	ssyncset.done $0x0;
	s0 =	sld [smem:$0x7F5]  }
0x35: {  	[sflag:s1] =	ssyncadd.s32 $0xFFFFC000;
	s1 =	sld [smem:$0x7FA];
	_ =	sdelay $0x1  }
0x36: {  	s2 =	simm.s32 @!p1 $0x7A1400;
	s3 =	simm.s32 @!p1 $0x4000;
	s0 =	sshll.u32 @!p1 s0, $0xE  }
0x37: {  	p2 =	seq.s32 s4, $0x0;
	s0 =	sadd.s32 @!p1 s0, s1;
	s1 =	simm.s32 @!p1 $0x1000  }
0x38: {  	[tilespmem:s3], [sflag:$0x2] =	stream.strided.gather @!p1 [hbm4b:s0+s1], $0x4000, s2, s1, $0x38;
	[tilespmem:$0xC000] =	vst v63  }
0x39: {  	s3 =	simm.s32 @!p2 $0x3  }
0x3a: {  	s15 =	simm.s32 $0x10;
	s2 =	simm.s32 $0x0;
	_ =	swait.ge @!p2 [sflag:s3], $0x2000  }
0x3b: {  	s0 =	sand.u32 $0x70, s15;
	s1 =	sand.u32 $0xC00, s2;
	[sflag:s3] =	ssyncset.done @!p2 $0x0  }
0x3c: {  	s16 =	sor.u32 s0, s1;
	[sflag:s3] =	ssyncadd.s32 @!p2 $0xFFFFE000  }
0x3d: {  	v1 =	vld [tilespmem:s16+$0x0]  }
0x3e: {  	v2 =	vld [tilespmem:s16+$0x80];
	_ =	sdelay $0x1  }
0x3f: {  	s5 =	simm.s32 $0x100  }
0x40: {  	v3 =	vor.u32 s5, v0;
	_ =	sdelay $0x1  }
0x41: {  	v1 =	vadd.s32 $0x8000, v1;
	v2 =	vadd.s32 $0x8000, v2  }
0x42: {  	v1 =	vshrl.u32 v1, $0x10;
	v2 =	vand.u32 $0xFFFF0000, v2  }
0x43: {  	v1 =	vor.u32 v1, v2  }
0x44: {  	[tilespmem:v3+s9+$0x0] =	vst.idx.msk $0xffff, v1  }
0x45: {  	v1 =	vld [tilespmem:s16+$0x100]  }
0x46: {  	v2 =	vld [tilespmem:s16+$0x180];
	_ =	sdelay $0x1  }
0x47: {  	s17 =	simm.s32 $0x101  }
0x48: {  	v3 =	vor.u32 s17, v0;
	_ =	sdelay $0x1  }
0x49: {  	v1 =	vadd.s32 $0x8000, v1;
	v2 =	vadd.s32 $0x8000, v2  }
0x4a: {  	v1 =	vshrl.u32 v1, $0x10;
	v2 =	vand.u32 $0xFFFF0000, v2  }
0x4b: {  	v1 =	vor.u32 v1, v2  }
0x4c: {  	[tilespmem:v3+s9+$0x0] =	vst.idx.msk $0xffff, v1  }
0x4d: {  	s30 =	sand.u32 $0x60, s2;
	v1 =	vld [tilespmem:s16+$0x200]  }
0x4e: {  	s18 =	sor.u32 s30, s1;
	v2 =	vld [tilespmem:s16+$0x280]  }
0x4f: {  	v4 =	vld [tilespmem:s18+$0x80]  }
0x50: {  	s19 =	simm.s32 $0x102;
	v3 =	vld [tilespmem:s18+$0x0]  }
0x51: {  	s7 =	simm.s32 $0x0;
	v5 =	vor.u32 s19, v0  }
0x52: {  	s20 =	simm.s32 $0x0;
	s6 =	sand.u32 $0x7, s7  }
0x53: {  	v6 =	vor.u32 s20, v0;
	s21 =	sshll.u32 s6, $0x4;
	v1 =	vadd.s32 $0x8000, v1;
	v2 =	vadd.s32 $0x8000, v2  }
0x54: {  	s3 =	sadd.s32 $0x0, s21;
	v1 =	vshrl.u32 v1, $0x10;
	v2 =	vand.u32 $0xFFFF0000, v2  }
0x55: {  	s3 =	sadd.s32 $0x10, s3;
	v4 =	vadd.s32 $0x8000, v4;
	v3 =	vadd.s32 $0x8000, v3;
	v1 =	vor.u32 v1, v2  }
0x56: {  	s4 =	sor.u32 s15, s2;
	s3 =	sor.u32 $0x300, s3;
	v2 =	vshrl.u32 v3, $0x10;
	v3 =	vand.u32 $0xFFFF0000, v4;
	[tilespmem:v5+s9+$0x0] =	vst.idx.msk $0xffff, v1  }
0x57: {  	s22 =	sor.u32 $0x380, s4;
	v1 =	vor.u32 v2, v3;
	v2 =	vld [tilespmem:s3+$0x0]  }
0x58: {  	[tilespmem:v6+s9+$0x0] =	vst.idx.msk $0xffff, v1;
	v1 =	vld [tilespmem:s22+$0x0]  }
0x59: {  	v3 =	vld [tilespmem:s18+$0x100]  }
0x5a: {  	s23 =	simm.s32 $0x103;
	v4 =	vld [tilespmem:s18+$0x180]  }
0x5b: {  	v5 =	vor.u32 s23, v0  }
0x5c: {  	s24 =	simm.s32 $0x1  }
0x5d: {  	v6 =	vor.u32 s24, v0;
	v2 =	vadd.s32 $0x8000, v2;
	v1 =	vadd.s32 $0x8000, v1  }
0x5e: {  	v2 =	vshrl.u32 v2, $0x10;
	v1 =	vand.u32 $0xFFFF0000, v1  }
0x5f: {  	s25 =	sor.u32 $0x1000, s1;
	v3 =	vadd.s32 $0x8000, v3;
	v4 =	vadd.s32 $0x8000, v4;
	v1 =	vor.u32 v2, v1  }
0x60: {  	s26 =	sor.u32 $0x1080, s1;
	s10 =	sor.u32 s0, s25;
	v2 =	vshrl.u32 v3, $0x10;
	v3 =	vand.u32 $0xFFFF0000, v4;
	[tilespmem:v5+s9+$0x0] =	vst.idx.msk $0xffff, v1  }
0x61: {  	s11 =	sor.u32 s0, s26;
	v1 =	vor.u32 v2, v3;
	v2 =	vld [tilespmem:s10+$0x0]  }
0x62: {  	[tilespmem:v6+s9+$0x0] =	vst.idx.msk $0xffff, v1;
	v1 =	vld [tilespmem:s11+$0x0]  }
0x63: {  	v3 =	vld [tilespmem:s18+$0x200]  }
0x64: {  	s12 =	simm.s32 $0x104;
	v4 =	vld [tilespmem:s18+$0x280]  }
0x65: {  	v5 =	vor.u32 s12, v0  }
0x66: {  	s13 =	simm.s32 $0x2  }
0x67: {  	v6 =	vor.u32 s13, v0;
	v2 =	vadd.s32 $0x8000, v2;
	v1 =	vadd.s32 $0x8000, v1  }
0x68: {  	v2 =	vshrl.u32 v2, $0x10;
	v1 =	vand.u32 $0xFFFF0000, v1  }
0x69: {  	s14 =	sand.u32 $0x3, s7;
	s13 =	sor.u32 $0x1100, s1;
	v3 =	vadd.s32 $0x8000, v3;
	v4 =	vadd.s32 $0x8000, v4;
	v1 =	vor.u32 v2, v1  }
0x6a: {  	s8 =	sor.u32 $0x1180, s1;
	s3 =	sshll.u32 s14, $0x5;
	s15 =	sor.u32 s0, s13;
	v2 =	vshrl.u32 v3, $0x10;
	v3 =	vand.u32 $0xFFFF0000, v4;
	[tilespmem:v5+s9+$0x0] =	vst.idx.msk $0xffff, v1  }
0x6b: {  	s16 =	sor.u32 s0, s8;
	s3 =	sadd.s32 $0x0, s3;
	v1 =	vor.u32 v2, v3;
	v2 =	vld [tilespmem:s15+$0x0]  }
0x6c: {  	s2 =	sor.u32 s2, s2;
	s3 =	sor.u32 $0x300, s3;
	[tilespmem:v6+s9+$0x0] =	vst.idx.msk $0xffff, v1;
	v1 =	vld [tilespmem:s16+$0x0]  }
0x6d: {  	s2 =	sor.u32 $0x380, s2;
	v3 =	vld [tilespmem:s3+$0x0]  }
0x6e: {  	s17 =	simm.s32 $0x105;
	v4 =	vld [tilespmem:s2+$0x0]  }
0x6f: {  	s5 =	simm.s32 $0x30;
	v5 =	vor.u32 s17, v0;
	s2 =	simm.s32 $0x100  }
0x70: {  	s18 =	simm.s32 $0x3;
	s3 =	sand.u32 $0x70, s5;
	s23 =	sand.u32 $0xC00, s2  }
0x71: {  	v6 =	vor.u32 s18, v0;
	s9 =	sor.u32 s3, s23;
	v2 =	vadd.s32 $0x8000, v2;
	v1 =	vadd.s32 $0x8000, v1  }
0x72: {  	v7 =	vld [tilespmem:s9+$0x0];
	v2 =	vshrl.u32 v2, $0x10;
	v1 =	vand.u32 $0xFFFF0000, v1  }
0x73: {  	s22 =	simm.s32 $0x8000;
	s12 =	sor.u32 $0x1200, s1;
	v3 =	vadd.s32 $0x8000, v3;
	v4 =	vadd.s32 $0x8000, v4;
	v1 =	vor.u32 v2, v1;
	v2 =	vld [tilespmem:s9+$0x80]  }
0x74: {  	s7 =	sor.u32 $0x1280, s1;
	s10 =	sor.u32 s0, s12;
	v3 =	vshrl.u32 v3, $0x10;
	v4 =	vand.u32 $0xFFFF0000, v4;
	[tilespmem:v5+s22+$0x0] =	vst.idx.msk $0xffff, v1  }
0x75: {  	s19 =	sor.u32 s0, s7;
	s11 =	simm.s32 $0x300;
	v1 =	vor.u32 v3, v4;
	v3 =	vld [tilespmem:s10+$0x0]  }
0x76: {  	s4 =	sor.u32 s30, s25;
	v4 =	vor.u32 s11, v0;
	[tilespmem:v6+s22+$0x0] =	vst.idx.msk $0xffff, v1;
	v1 =	vld [tilespmem:s19+$0x0]  }
0x77: {  	s6 =	sor.u32 s30, s26;
	v5 =	vld [tilespmem:s4+$0x0];
	s4 =	simm.s32 $0x20  }
0x78: {  	s20 =	simm.s32 $0x106;
	v7 =	vadd.s32 $0x8000, v7;
	v6 =	vld [tilespmem:s6+$0x0];
	s21 =	sand.u32 $0x60, s4;
	v2 =	vadd.s32 $0x8000, v2  }
0x79: {  	v8 =	vor.u32 s20, v0;
	v7 =	vshrl.u32 v7, $0x10;
	s6 =	sor.u32 s21, s23;
	v2 =	vand.u32 $0xFFFF0000, v2  }
0x7a: {  	s24 =	simm.s32 $0x4;
	v9 =	vld [tilespmem:s6+$0x0];
	v2 =	vor.u32 v7, v2  }
0x7b: {  	v10 =	vld [tilespmem:s6+$0x80];
	v7 =	vor.u32 s24, v0;
	v3 =	vadd.s32 $0x8000, v3;
	v1 =	vadd.s32 $0x8000, v1;
	[tilespmem:v4+s22+$0x0] =	vst.idx.msk $0xffff, v2  }
0x7c: {  	v2 =	vshrl.u32 v3, $0x10;
	v1 =	vand.u32 $0xFFFF0000, v1;
	v3 =	vld [tilespmem:s9+$0x100]  }
0x7d: {  	s25 =	simm.s32 $0x200;
	s11 =	sor.u32 $0x1300, s1;
	v4 =	vadd.s32 $0x8000, v5;
	v5 =	vadd.s32 $0x8000, v6;
	v1 =	vor.u32 v2, v1;
	v2 =	vld [tilespmem:s9+$0x180]  }
0x7e: {  	s10 =	sor.u32 $0x1380, s1;
	s14 =	sor.u32 s0, s11;
	v6 =	vor.u32 s25, v0;
	v4 =	vshrl.u32 v4, $0x10;
	v5 =	vand.u32 $0xFFFF0000, v5;
	[tilespmem:v8+s22+$0x0] =	vst.idx.msk $0xffff, v1  }
0x7f: {  	s15 =	simm.s32 $0x301;
	s26 =	sor.u32 s0, s10;
	v1 =	vor.u32 v4, v5;
	v4 =	vld [tilespmem:s14+$0x0]  }
0x80: {  	s13 =	sor.u32 s30, s13;
	v8 =	vor.u32 s15, v0;
	v5 =	vadd.s32 $0x8000, v9;
	[tilespmem:v7+s22+$0x0] =	vst.idx.msk $0xffff, v1;
	v1 =	vld [tilespmem:s26+$0x0];
	v7 =	vadd.s32 $0x8000, v10  }
0x81: {  	s8 =	sor.u32 s30, s8;
	v5 =	vshrl.u32 v5, $0x10;
	v9 =	vld [tilespmem:s13+$0x0];
	v7 =	vand.u32 $0xFFFF0000, v7  }
0x82: {  	s16 =	simm.s32 $0x107;
	v10 =	vld [tilespmem:s8+$0x0];
	v5 =	vor.u32 v5, v7;
	v3 =	vadd.s32 $0x8000, v3;
	v2 =	vadd.s32 $0x8000, v2  }
0x83: {  	v7 =	vor.u32 s16, v0;
	[tilespmem:v6+s22+$0x0] =	vst.idx.msk $0xffff, v5;
	v3 =	vshrl.u32 v3, $0x10;
	v2 =	vand.u32 $0xFFFF0000, v2  }
0x84: {  	s17 =	simm.s32 $0x5;
	v5 =	vld [tilespmem:s6+$0x100];
	v2 =	vor.u32 v3, v2  }
0x85: {  	v3 =	vor.u32 s17, v0;
	v4 =	vadd.s32 $0x8000, v4;
	v6 =	vld [tilespmem:s6+$0x180];
	v1 =	vadd.s32 $0x8000, v1;
	[tilespmem:v8+s22+$0x0] =	vst.idx.msk $0xffff, v2  }
0x86: {  	v2 =	vshrl.u32 v4, $0x10;
	v1 =	vand.u32 $0xFFFF0000, v1;
	v4 =	vld [tilespmem:s9+$0x200]  }
0x87: {  	s18 =	simm.s32 $0x201;
	s8 =	sor.u32 $0x2000, s1;
	v8 =	vadd.s32 $0x8000, v9;
	v9 =	vadd.s32 $0x8000, v10;
	v1 =	vor.u32 v2, v1;
	v2 =	vld [tilespmem:s9+$0x280]  }
0x88: {  	s19 =	sor.u32 s0, s8;
	v10 =	vor.u32 s18, v0;
	v8 =	vshrl.u32 v8, $0x10;
	v9 =	vand.u32 $0xFFFF0000, v9;
	s9 =	sor.u32 $0x2080, s1;
	[tilespmem:v7+s22+$0x0] =	vst.idx.msk $0xffff, v1  }
0x89: {  	s24 =	simm.s32 $0x302;
	v1 =	vor.u32 v8, v9;
	s20 =	sor.u32 s0, s9;
	v7 =	vld [tilespmem:s19+$0x0]  }
0x8a: {  	s12 =	sor.u32 s30, s12;
	s25 =	simm.s32 $0x2;
	[tilespmem:v3+s22+$0x0] =	vst.idx.msk $0xffff, v1;
	v1 =	vld [tilespmem:s20+$0x0];
	v3 =	vadd.s32 $0x8000, v5;
	v5 =	vadd.s32 $0x8000, v6;
	v6 =	vor.u32 s24, v0  }
0x8b: {  	s7 =	sor.u32 s30, s7;
	s26 =	sand.u32 $0x7, s25;
	v8 =	vld [tilespmem:s12+$0x0];
	v3 =	vshrl.u32 v3, $0x10;
	v5 =	vand.u32 $0xFFFF0000, v5  }
0x8c: {  	s13 =	simm.s32 $0x108;
	v9 =	vld [tilespmem:s7+$0x0];
	s12 =	sshll.u32 s26, $0x4;
	v3 =	vor.u32 v3, v5;
	v4 =	vadd.s32 $0x8000, v4;
	v2 =	vadd.s32 $0x8000, v2  }
0x8d: {  	v5 =	vor.u32 s13, v0;
	s14 =	sadd.s32 $0x100, s12;
	[tilespmem:v10+s22+$0x0] =	vst.idx.msk $0xffff, v3;
	v3 =	vshrl.u32 v4, $0x10;
	v2 =	vand.u32 $0xFFFF0000, v2  }
0x8e: {  	s15 =	simm.s32 $0x6;
	s7 =	sadd.s32 $0x10, s14;
	v4 =	vld [tilespmem:s6+$0x200];
	v2 =	vor.u32 v3, v2  }
0x8f: {  	s5 =	sor.u32 s5, s2;
	v10 =	vld [tilespmem:s6+$0x280];
	s16 =	sor.u32 $0x300, s7;
	v3 =	vor.u32 s15, v0;
	v7 =	vadd.s32 $0x8000, v7;
	v1 =	vadd.s32 $0x8000, v1;
	[tilespmem:v6+s22+$0x0] =	vst.idx.msk $0xffff, v2  }
0x90: {  	s5 =	sor.u32 $0x380, s5;
	v2 =	vshrl.u32 v7, $0x10;
	v1 =	vand.u32 $0xFFFF0000, v1;
	v6 =	vld [tilespmem:s16+$0x0]  }
0x91: {  	s17 =	simm.s32 $0x202;
	s7 =	sor.u32 $0x2100, s1;
	v7 =	vadd.s32 $0x8000, v8;
	v8 =	vadd.s32 $0x8000, v9;
	v1 =	vor.u32 v2, v1;
	v2 =	vld [tilespmem:s5+$0x0]  }
0x92: {  	s6 =	sor.u32 $0x2180, s1;
	s18 =	sor.u32 s0, s7;
	v9 =	vor.u32 s17, v0;
	v7 =	vshrl.u32 v7, $0x10;
	v8 =	vand.u32 $0xFFFF0000, v8;
	[tilespmem:v5+s22+$0x0] =	vst.idx.msk $0xffff, v1  }
0x93: {  	s20 =	simm.s32 $0x1;
	s24 =	simm.s32 $0x303;
	s19 =	sor.u32 s0, s6;
	v1 =	vor.u32 v7, v8;
	v5 =	vld [tilespmem:s18+$0x0]  }
0x94: {  	s11 =	sor.u32 s30, s11;
	s25 =	sand.u32 $0x3, s20;
	v7 =	vor.u32 s24, v0;
	[tilespmem:v3+s22+$0x0] =	vst.idx.msk $0xffff, v1;
	v1 =	vld [tilespmem:s19+$0x0];
	v3 =	vadd.s32 $0x8000, v4;
	v4 =	vadd.s32 $0x8000, v10  }
0x95: {  	s10 =	sor.u32 s30, s10;
	s5 =	sshll.u32 s25, $0x5;
	v8 =	vld [tilespmem:s11+$0x0];
	v3 =	vshrl.u32 v3, $0x10;
	v4 =	vand.u32 $0xFFFF0000, v4  }
0x96: {  	s2 =	sor.u32 s4, s2;
	s5 =	sadd.s32 $0x100, s5;
	v10 =	vld [tilespmem:s10+$0x0];
	v3 =	vor.u32 v3, v4;
	v4 =	vadd.s32 $0x8000, v6;
	v2 =	vadd.s32 $0x8000, v2  }
0x97: {  	s2 =	sor.u32 $0x380, s2;
	s12 =	simm.s32 $0x109;
	s5 =	sor.u32 $0x300, s5;
	[tilespmem:v9+s22+$0x0] =	vst.idx.msk $0xffff, v3;
	v3 =	vshrl.u32 v4, $0x10;
	v2 =	vand.u32 $0xFFFF0000, v2  }
0x98: {  	s26 =	simm.s32 $0x7;
	s13 =	simm.s32 $0x203;
	s14 =	sor.u32 $0x1000, s23;
	v4 =	vor.u32 s12, v0;
	v6 =	vld [tilespmem:s5+$0x0];
	v2 =	vor.u32 v3, v2  }
0x99: {  	s15 =	sor.u32 $0x1080, s23;
	s16 =	sor.u32 s3, s14;
	v9 =	vor.u32 s13, v0;
	v3 =	vor.u32 s26, v0;
	v11 =	vld [tilespmem:s2+$0x0];
	[tilespmem:v7+s22+$0x0] =	vst.idx.msk $0xffff, v2  }
0x9a: {  	s17 =	sor.u32 s3, s15;
	v2 =	vadd.s32 $0x8000, v5;
	v1 =	vadd.s32 $0x8000, v1;
	v5 =	vadd.s32 $0x8000, v8;
	v7 =	vld [tilespmem:s16+$0x0]  }
0x9b: {  	v2 =	vshrl.u32 v2, $0x10;
	v1 =	vand.u32 $0xFFFF0000, v1;
	v8 =	vadd.s32 $0x8000, v10;
	v10 =	vld [tilespmem:s17+$0x0]  }
0x9c: {  	s5 =	sor.u32 $0x2200, s1;
	v1 =	vor.u32 v2, v1;
	v2 =	vshrl.u32 v5, $0x10;
	v5 =	vand.u32 $0xFFFF0000, v8  }
0x9d: {  	s4 =	sor.u32 $0x2280, s1;
	s19 =	simm.s32 $0x304;
	s18 =	sor.u32 s0, s5;
	[tilespmem:v4+s22+$0x0] =	vst.idx.msk $0xffff, v1;
	v1 =	vor.u32 v2, v5  }
0x9e: {  	s20 =	sor.u32 s0, s4;
	v2 =	vld [tilespmem:s18+$0x0];
	v4 =	vadd.s32 $0x8000, v6;
	v5 =	vadd.s32 $0x8000, v11;
	v6 =	vor.u32 s19, v0  }
0x9f: {  	s8 =	sor.u32 s30, s8;
	[tilespmem:v3+s22+$0x0] =	vst.idx.msk $0xffff, v1;
	v1 =	vld [tilespmem:s20+$0x0];
	v3 =	vshrl.u32 v4, $0x10;
	v4 =	vand.u32 $0xFFFF0000, v5  }
0xa0: {  	s9 =	sor.u32 s30, s9;
	v5 =	vld [tilespmem:s8+$0x0];
	v3 =	vor.u32 v3, v4;
	v4 =	vadd.s32 $0x8000, v7;
	v7 =	vadd.s32 $0x8000, v10  }
0xa1: {  	s24 =	sor.u32 s21, s14;
	v8 =	vld [tilespmem:s9+$0x0];
	[tilespmem:v9+s22+$0x0] =	vst.idx.msk $0xffff, v3;
	v3 =	vshrl.u32 v4, $0x10;
	v4 =	vand.u32 $0xFFFF0000, v7  }
0xa2: {  	s25 =	simm.s32 $0x10A;
	s2 =	sor.u32 s21, s15;
	s26 =	sor.u32 $0x1100, s23;
	v7 =	vld [tilespmem:s24+$0x0];
	v3 =	vor.u32 v3, v4  }
0xa3: {  	s14 =	simm.s32 $0x204;
	s12 =	sor.u32 $0x1180, s23;
	s13 =	sor.u32 s3, s26;
	v4 =	vor.u32 s25, v0;
	v9 =	vld [tilespmem:s2+$0x0];
	[tilespmem:v6+s22+$0x0] =	vst.idx.msk $0xffff, v3  }
0xa4: {  	s11 =	simm.s32 $0x8;
	s15 =	sor.u32 s3, s12;
	v10 =	vor.u32 s14, v0;
	v6 =	vld [tilespmem:s13+$0x0]  }
0xa5: {  	v3 =	vor.u32 s11, v0;
	v2 =	vadd.s32 $0x8000, v2;
	v1 =	vadd.s32 $0x8000, v1;
	v11 =	vld [tilespmem:s15+$0x0]  }
0xa6: {  	v5 =	vadd.s32 $0x8000, v5;
	v2 =	vshrl.u32 v2, $0x10;
	v1 =	vand.u32 $0xFFFF0000, v1  }
0xa7: {  	s16 =	simm.s32 $0x305;
	s9 =	sor.u32 $0x2300, s1;
	v8 =	vadd.s32 $0x8000, v8;
	v1 =	vor.u32 v2, v1;
	v2 =	vshrl.u32 v5, $0x10  }
0xa8: {  	s17 =	sor.u32 s0, s9;
	s2 =	sor.u32 $0x2380, s1;
	v5 =	vand.u32 $0xFFFF0000, v8;
	[tilespmem:v4+s22+$0x0] =	vst.idx.msk $0xffff, v1;
	v1 =	vadd.s32 $0x8000, v7;
	v4 =	vor.u32 s16, v0  }
0xa9: {  	s7 =	sor.u32 s30, s7;
	s10 =	simm.s32 $0x50;
	s20 =	sor.u32 s0, s2;
	v2 =	vor.u32 v2, v5;
	v5 =	vadd.s32 $0x8000, v9;
	v7 =	vld [tilespmem:s17+$0x0];
	v1 =	vshrl.u32 v1, $0x10  }
0xaa: {  	s6 =	sor.u32 s30, s6;
	s28 =	sand.u32 $0x70, s10;
	s26 =	sor.u32 s21, s26;
	[tilespmem:v3+s22+$0x0] =	vst.idx.msk $0xffff, v2;
	v8 =	vld [tilespmem:s20+$0x0];
	v2 =	vand.u32 $0xFFFF0000, v5;
	v3 =	vadd.s32 $0x8000, v6;
	v5 =	vadd.s32 $0x8000, v11  }
0xab: {  	s18 =	simm.s32 $0x9;
	s19 =	simm.s32 $0xA;
	s8 =	simm.s32 $0x200;
	v9 =	vld [tilespmem:s7+$0x0];
	v1 =	vor.u32 v1, v2;
	v2 =	vshrl.u32 v3, $0x10;
	v3 =	vand.u32 $0xFFFF0000, v5  }
0xac: {  	s14 =	sor.u32 $0x1200, s23;
	s25 =	simm.s32 $0x10B;
	s16 =	simm.s32 $0xC;
	v11 =	vld [tilespmem:s6+$0x0];
	[tilespmem:v10+s22+$0x0] =	vst.idx.msk $0xffff, v1;
	v1 =	vor.u32 v2, v3  }
0xad: {  	s11 =	sor.u32 $0x1280, s23;
	s7 =	sor.u32 s3, s14;
	v10 =	vor.u32 s25, v0;
	v13 =	vld [tilespmem:s26+$0x0];
	v2 =	vor.u32 s16, v0;
	s16 =	simm.s32 $0xE;
	[tilespmem:v4+s22+$0x0] =	vst.idx.msk $0xffff, v1  }
0xae: {  	v12 =	vor.u32 s18, v0;
	s29 =	sand.u32 $0xC00, s8;
	s15 =	sor.u32 s3, s11;
	s17 =	simm.s32 $0xD;
	v6 =	vor.u32 s19, v0;
	v14 =	vor.u32 s16, v0;
	v4 =	vld [tilespmem:s7+$0x0]  }
0xaf: {  	s18 =	sor.u32 s28, s29;
	s19 =	simm.s32 $0x205;
	v5 =	vor.u32 s17, v0;
	v1 =	vadd.s32 $0x8000, v7;
	v7 =	vadd.s32 $0x8000, v8;
	v8 =	vld [tilespmem:s15+$0x0];
	[tilespmem:$0x1FF60] =	vst v14  }
0xb0: {  	s24 =	simm.s32 $0xB;
	s6 =	sor.u32 $0x3000, s1;
	v16 =	vor.u32 s19, v0;
	s16 =	simm.s32 $0x500;
	v14 =	vshrl.u32 v1, $0x10;
	v7 =	vand.u32 $0xFFFF0000, v7;
	v15 =	vld [tilespmem:s18+$0x0]  }
0xb1: {  	s17 =	simm.s32 $0xF;
	s25 =	simm.s32 $0x306;
	v3 =	vor.u32 s24, v0;
	s24 =	sor.u32 s21, s12;
	v20 =	vor.u32 s16, v0;
	v7 =	vor.u32 v14, v7;
	v14 =	vld [tilespmem:s18+$0x80]  }
0xb2: {  	s26 =	sor.u32 s0, s6;
	s12 =	simm.s32 $0x40;
	s7 =	sor.u32 $0x3080, s1;
	v9 =	vadd.s32 $0x8000, v9;
	v11 =	vadd.s32 $0x8000, v11;
	v17 =	vld [tilespmem:s24+$0x0];
	[tilespmem:v10+s22+$0x0] =	vst.idx.msk $0xffff, v7;
	v7 =	vor.u32 s25, v0  }
0xb3: {  	s20 =	simm.s32 $0x206;
	v1 =	vor.u32 s17, v0;
	s15 =	sor.u32 s0, s7;
	v9 =	vshrl.u32 v9, $0x10;
	v11 =	vand.u32 $0xFFFF0000, v11;
	v18 =	vld [tilespmem:s26+$0x0];
	s26 =	sand.u32 $0x60, s12  }
0xb4: {  	v10 =	vor.u32 s20, v0;
	v19 =	vld [tilespmem:s15+$0x0];
	s19 =	sor.u32 s26, s29;
	v4 =	vadd.s32 $0x8000, v4;
	v8 =	vadd.s32 $0x8000, v8  }
0xb5: {  	s5 =	sor.u32 s30, s5;
	v9 =	vor.u32 v9, v11;
	v4 =	vshrl.u32 v4, $0x10;
	v8 =	vand.u32 $0xFFFF0000, v8;
	v11 =	vld [tilespmem:s19+$0x0]  }
0xb6: {  	s13 =	sor.u32 $0x1380, s23;
	s20 =	simm.s32 $0x10C;
	[tilespmem:v12+s22+$0x0] =	vst.idx.msk $0xffff, v9;
	s15 =	sor.u32 $0x1300, s23;
	v9 =	vadd.s32 $0x8000, v15;
	v4 =	vor.u32 v4, v8;
	v8 =	vld [tilespmem:s19+$0x80];
	v12 =	vadd.s32 $0x8000, v14  }
0xb7: {  	s17 =	simm.s32 $0x207;
	s24 =	simm.s32 $0x208;
	s25 =	sor.u32 s3, s15;
	v15 =	vor.u32 s20, v0;
	v14 =	vld [tilespmem:s5+$0x0];
	[tilespmem:v7+s22+$0x0] =	vst.idx.msk $0xffff, v4;
	v7 =	vshrl.u32 v9, $0x10;
	v12 =	vand.u32 $0xFFFF0000, v12  }
0xb8: {  	s20 =	sor.u32 s3, s13;
	v9 =	vor.u32 s17, v0;
	v4 =	vor.u32 s24, v0;
	s17 =	simm.s32 $0x400;
	v21 =	vld [tilespmem:s25+$0x0];
	v7 =	vor.u32 v7, v12  }
0xb9: {  	s4 =	sor.u32 s30, s4;
	v12 =	vadd.s32 $0x8000, v18;
	v18 =	vadd.s32 $0x8000, v19;
	v19 =	vor.u32 s17, v0;
	v22 =	vld [tilespmem:s20+$0x0]  }
0xba: {  	[tilespmem:v20+s22+$0x0] =	vst.idx.msk $0xffff, v7;
	v7 =	vadd.s32 $0x8000, v13;
	v12 =	vshrl.u32 v12, $0x10;
	v13 =	vand.u32 $0xFFFF0000, v18;
	v20 =	vld [tilespmem:s4+$0x0]  }
0xbb: {  	s5 =	sor.u32 $0x3100, s1;
	s24 =	simm.s32 $0x307;
	v18 =	vld [tilespmem:s18+$0x100];
	v12 =	vor.u32 v12, v13;
	v11 =	vadd.s32 $0x8000, v11;
	v7 =	vshrl.u32 v7, $0x10  }
0xbc: {  	s25 =	sor.u32 s0, s5;
	s4 =	sor.u32 $0x3180, s1;
	v13 =	vld [tilespmem:s18+$0x180];
	v8 =	vadd.s32 $0x8000, v8;
	[tilespmem:v15+s22+$0x0] =	vst.idx.msk $0xffff, v12;
	v12 =	vor.u32 s24, v0;
	v11 =	vshrl.u32 v11, $0x10  }
0xbd: {  	s17 =	sor.u32 s0, s4;
	v15 =	vadd.s32 $0x8000, v17;
	v14 =	vadd.s32 $0x8000, v14;
	v8 =	vand.u32 $0xFFFF0000, v8;
	v17 =	vld [tilespmem:s25+$0x0]  }
0xbe: {  	s20 =	simm.s32 $0x501;
	v8 =	vor.u32 v11, v8;
	v11 =	vld [tilespmem:s17+$0x0];
	v21 =	vadd.s32 $0x8000, v21;
	v22 =	vadd.s32 $0x8000, v22  }
0xbf: {  	s24 =	simm.s32 $0x401;
	[tilespmem:v19+s22+$0x0] =	vst.idx.msk $0xffff, v8;
	v8 =	vor.u32 s20, v0;
	v19 =	vshrl.u32 v21, $0x10;
	v21 =	vand.u32 $0xFFFF0000, v22  }
0xc0: {  	s16 =	sor.u32 $0x2000, s23;
	v15 =	vand.u32 $0xFFFF0000, v15;
	v23 =	vor.u32 s24, v0;
	v22 =	vld [tilespmem:s19+$0x100];
	v19 =	vor.u32 v19, v21  }
0xc1: {  	s24 =	sor.u32 s3, s16;
	s17 =	sor.u32 $0x2080, s23;
	v7 =	vor.u32 v7, v15;
	s20 =	simm.s32 $0x10D;
	v21 =	vld [tilespmem:s19+$0x180];
	v18 =	vadd.s32 $0x8000, v18;
	v13 =	vadd.s32 $0x8000, v13;
	[tilespmem:v12+s22+$0x0] =	vst.idx.msk $0xffff, v19  }
0xc2: {  	s25 =	sor.u32 s3, s17;
	v12 =	vshrl.u32 v18, $0x10;
	v13 =	vand.u32 $0xFFFF0000, v13;
	v18 =	vor.u32 s20, v0;
	v19 =	vld [tilespmem:s24+$0x0]  }
0xc3: {  	s14 =	sor.u32 s21, s14;
	[tilespmem:v16+s22+$0x0] =	vst.idx.msk $0xffff, v7;
	v12 =	vor.u32 v12, v13;
	v13 =	vld [tilespmem:s25+$0x0];
	v15 =	vadd.s32 $0x8000, v17;
	v11 =	vadd.s32 $0x8000, v11  }
0xc4: {  	v14 =	vshrl.u32 v14, $0x10;
	s24 =	simm.s32 $0x308;
	v17 =	vld [tilespmem:s14+$0x0];
	[tilespmem:v8+s22+$0x0] =	vst.idx.msk $0xffff, v12;
	v12 =	vshrl.u32 v15, $0x10;
	v11 =	vand.u32 $0xFFFF0000, v11  }
0xc5: {  	v8 =	vadd.s32 $0x8000, v20;
	v20 =	vor.u32 s24, v0;
	v15 =	vld [tilespmem:s18+$0x200];
	v7 =	vor.u32 v12, v11  }
0xc6: {  	s25 =	sor.u32 s21, s11;
	v11 =	vadd.s32 $0x8000, v22;
	v16 =	vld [tilespmem:s18+$0x280];
	v12 =	vadd.s32 $0x8000, v21;
	v8 =	vand.u32 $0xFFFF0000, v8  }
0xc7: {  	s11 =	sor.u32 $0x3200, s1;
	v21 =	vld [tilespmem:s25+$0x0];
	v11 =	vshrl.u32 v11, $0x10;
	v12 =	vand.u32 $0xFFFF0000, v12;
	v8 =	vor.u32 v14, v8  }
0xc8: {  	s20 =	sor.u32 s0, s11;
	s24 =	simm.s32 $0x502;
	s25 =	simm.s32 $0x4;
	[tilespmem:v18+s22+$0x0] =	vst.idx.msk $0xffff, v7;
	v7 =	vor.u32 v11, v12;
	v11 =	vadd.s32 $0x8000, v19;
	v13 =	vadd.s32 $0x8000, v13  }
0xc9: {  	v12 =	vld [tilespmem:s20+$0x0];
	s20 =	sand.u32 $0x7, s25;
	[tilespmem:v23+s22+$0x0] =	vst.idx.msk $0xffff, v7;
	v7 =	vor.u32 s24, v0;
	s24 =	simm.s32 $0x209;
	v11 =	vshrl.u32 v11, $0x10;
	v13 =	vand.u32 $0xFFFF0000, v13  }
0xca: {  	[tilespmem:v6+s22+$0x0] =	vst.idx.msk $0xffff, v8;
	s14 =	sshll.u32 s20, $0x4;
	v18 =	vld [tilespmem:s19+$0x280];
	v6 =	vor.u32 v11, v13;
	v8 =	vor.u32 s24, v0  }
0xcb: {  	s9 =	sor.u32 s30, s9;
	v14 =	vld [tilespmem:s19+$0x200];
	s25 =	sadd.s32 $0x200, s14;
	s14 =	sor.u32 $0x2100, s23;
	v11 =	vadd.s32 $0x8000, v15;
	v13 =	vadd.s32 $0x8000, v16;
	v16 =	vadd.s32 $0x8000, v17  }
0xcc: {  	v15 =	vld [tilespmem:s9+$0x0];
	s9 =	sor.u32 $0x2180, s23;
	[tilespmem:v20+s22+$0x0] =	vst.idx.msk $0xffff, v6;
	s24 =	sadd.s32 $0x10, s25;
	s25 =	sor.u32 s3, s14;
	v17 =	vadd.s32 $0x8000, v21;
	v6 =	vshrl.u32 v11, $0x10;
	v11 =	vand.u32 $0xFFFF0000, v13  }
0xcd: {  	v13 =	vld [tilespmem:s25+$0x0];
	s18 =	sor.u32 $0x300, s24;
	s24 =	simm.s32 $0x402;
	s25 =	sor.u32 s3, s9;
	v16 =	vshrl.u32 v16, $0x10;
	v17 =	vand.u32 $0xFFFF0000, v17;
	v6 =	vor.u32 v6, v11  }
0xce: {  	s10 =	sor.u32 s10, s8;
	s20 =	simm.s32 $0x20A;
	v19 =	vor.u32 s24, v0;
	v20 =	vld [tilespmem:s25+$0x0];
	s25 =	simm.s32 $0x20C;
	v16 =	vor.u32 v16, v17;
	[tilespmem:v7+s22+$0x0] =	vst.idx.msk $0xffff, v6  }
0xcf: {  	s10 =	sor.u32 $0x380, s10;
	s15 =	sor.u32 s21, s15;
	v11 =	vor.u32 s20, v0;
	v6 =	vor.u32 s25, v0;
	[tilespmem:v10+s22+$0x0] =	vst.idx.msk $0xffff, v16;
	v21 =	vld [tilespmem:s18+$0x0];
	s18 =	simm.s32 $0x20D;
	v16 =	vadd.s32 $0x8000, v18  }
0xd0: {  	s24 =	simm.s32 $0x20B;
	s20 =	simm.s32 $0x2;
	s25 =	simm.s32 $0x20E;
	v10 =	vadd.s32 $0x8000, v14;
	v14 =	vld [tilespmem:s10+$0x0];
	v22 =	vand.u32 $0xFFFF0000, v16;
	v16 =	vor.u32 s18, v0  }
0xd1: {  	v7 =	vor.u32 s24, v0;
	s24 =	simm.s32 $0x309;
	s19 =	sand.u32 $0x3, s20;
	v17 =	vld [tilespmem:s15+$0x0];
	[tilespmem:$0x1FEF0] =	vst v16;
	v16 =	vor.u32 s25, v0  }
0xd2: {  	s13 =	sor.u32 s21, s13;
	v18 =	vor.u32 s24, v0;
	s20 =	sshll.u32 s19, $0x5;
	v10 =	vshrl.u32 v10, $0x10;
	[tilespmem:$0x1FFF0] =	vst v16  }
0xd3: {  	s2 =	sor.u32 s30, s2;
	s24 =	simm.s32 $0x503;
	s10 =	sadd.s32 $0x200, s20;
	v10 =	vor.u32 v10, v22;
	v23 =	vld [tilespmem:s13+$0x0]  }
0xd4: {  	s8 =	sor.u32 s12, s8;
	v13 =	vadd.s32 $0x8000, v13;
	s15 =	sor.u32 $0x300, s10;
	v20 =	vadd.s32 $0x8000, v20;
	v22 =	vld [tilespmem:s2+$0x0];
	[tilespmem:v19+s22+$0x0] =	vst.idx.msk $0xffff, v10;
	v10 =	vor.u32 s24, v0  }
0xd5: {  	s8 =	sor.u32 $0x380, s8;
	s20 =	sor.u32 $0x3280, s1;
	v15 =	vadd.s32 $0x8000, v15;
	v13 =	vshrl.u32 v13, $0x10;
	v20 =	vand.u32 $0xFFFF0000, v20;
	v24 =	vld [tilespmem:s15+$0x0]  }
0xd6: {  	s25 =	simm.s32 $0x403;
	s18 =	sor.u32 s0, s20;
	s13 =	sor.u32 $0x2200, s23;
	v13 =	vor.u32 v13, v20;
	v20 =	vld [tilespmem:s8+$0x0];
	v21 =	vadd.s32 $0x8000, v21;
	v14 =	vadd.s32 $0x8000, v14  }
0xd7: {  	v19 =	vor.u32 s25, v0;
	v25 =	vld [tilespmem:s18+$0x0];
	s15 =	sor.u32 $0x2280, s23;
	s19 =	sor.u32 s3, s13;
	[tilespmem:v18+s22+$0x0] =	vst.idx.msk $0xffff, v13;
	v13 =	vshrl.u32 v21, $0x10;
	v14 =	vand.u32 $0xFFFF0000, v14  }
0xd8: {  	v17 =	vadd.s32 $0x8000, v17;
	s8 =	sor.u32 $0x1000, s29;
	s24 =	sor.u32 s3, s15;
	v21 =	vld [tilespmem:s19+$0x0];
	v13 =	vor.u32 v13, v14;
	v18 =	vadd.s32 $0x8000, v23  }
0xd9: {  	s2 =	sor.u32 $0x1080, s29;
	v17 =	vshrl.u32 v17, $0x10;
	s25 =	sor.u32 s28, s8;
	v14 =	vadd.s32 $0x8000, v22;
	v22 =	vld [tilespmem:s24+$0x0];
	[tilespmem:v10+s22+$0x0] =	vst.idx.msk $0xffff, v13;
	v18 =	vand.u32 $0xFFFF0000, v18  }
0xda: {  	s12 =	sor.u32 s28, s2;
	v10 =	vshrl.u32 v15, $0x10;
	v13 =	vand.u32 $0xFFFF0000, v14;
	v15 =	vld [tilespmem:s25+$0x0];
	v14 =	vor.u32 v17, v18  }
0xdb: {  	s18 =	simm.s32 $0x30A;
	[tilespmem:v9+s22+$0x0] =	vst.idx.msk $0xffff, v14;
	v9 =	vor.u32 v10, v13;
	v10 =	vadd.s32 $0x8000, v24;
	v13 =	vadd.s32 $0x8000, v20;
	v14 =	vld [tilespmem:s12+$0x0]  }
0xdc: {  	s16 =	sor.u32 s21, s16;
	v18 =	vor.u32 s18, v0;
	v10 =	vshrl.u32 v10, $0x10;
	v13 =	vand.u32 $0xFFFF0000, v13  }
0xdd: {  	s17 =	sor.u32 s21, s17;
	s25 =	simm.s32 $0x504;
	v17 =	vld [tilespmem:s16+$0x0];
	[tilespmem:v3+s22+$0x0] =	vst.idx.msk $0xffff, v9;
	v9 =	vor.u32 v10, v13  }
0xde: {  	s6 =	sor.u32 s30, s6;
	v3 =	vld [tilespmem:s17+$0x0];
	v10 =	vadd.s32 $0x8000, v21;
	v13 =	vadd.s32 $0x8000, v22;
	v22 =	vor.u32 s25, v0  }
0xdf: {  	s7 =	sor.u32 s30, s7;
	v21 =	vld [tilespmem:s6+$0x0];
	[tilespmem:v19+s22+$0x0] =	vst.idx.msk $0xffff, v9;
	v9 =	vshrl.u32 v10, $0x10;
	v10 =	vand.u32 $0xFFFF0000, v13  }
0xe0: {  	s24 =	simm.s32 $0x10E;
	s12 =	sor.u32 s26, s8;
	v13 =	vld [tilespmem:s7+$0x0];
	v9 =	vor.u32 v9, v10;
	v10 =	vadd.s32 $0x8000, v15;
	v14 =	vadd.s32 $0x8000, v14  }
0xe1: {  	s2 =	sor.u32 s26, s2;
	v23 =	vor.u32 s24, v0;
	s7 =	sor.u32 $0x2300, s23;
	v19 =	vld [tilespmem:s12+$0x0];
	[tilespmem:v18+s22+$0x0] =	vst.idx.msk $0xffff, v9;
	v9 =	vshrl.u32 v10, $0x10;
	v10 =	vand.u32 $0xFFFF0000, v14  }
0xe2: {  	v12 =	vadd.s32 $0x8000, v12;
	s19 =	simm.s32 $0x404;
	s8 =	sor.u32 $0x2380, s23;
	v15 =	vadd.s32 $0x8000, v25;
	v24 =	vld [tilespmem:s2+$0x0];
	s16 =	sor.u32 s3, s7;
	v9 =	vor.u32 v9, v10  }
0xe3: {  	v12 =	vshrl.u32 v12, $0x10;
	v20 =	vor.u32 s19, v0;
	s19 =	sor.u32 $0x3300, s1;
	s17 =	sor.u32 s3, s8;
	s6 =	sor.u32 $0x1100, s29;
	v14 =	vand.u32 $0xFFFF0000, v15;
	v15 =	vld [tilespmem:s16+$0x0];
	[tilespmem:v22+s22+$0x0] =	vst.idx.msk $0xffff, v9  }
0xe4: {  	s25 =	sor.u32 $0x3380, s1;
	s18 =	sor.u32 s28, s6;
	v10 =	vor.u32 v12, v14;
	v14 =	vld [tilespmem:s17+$0x0];
	[smem:$0x7ED] =	sst s19  }
0xe5: {  	v12 =	vadd.s32 $0x8000, v17;
	v17 =	vld [tilespmem:s18+$0x0];
	[smem:$0x7EE] =	sst s25  }
0xe6: {  	s12 =	sor.u32 s0, s19;
	[tilespmem:v23+s22+$0x0] =	vst.idx.msk $0xffff, v10  }
0xe7: {  	v10 =	vadd.s32 $0x8000, v13;
	v13 =	vld [tilespmem:s12+$0x0];
	_ =	sdelay $0x2  }
0xe8: {  	s2 =	sor.u32 $0x1180, s29;
	v3 =	vadd.s32 $0x8000, v3  }
0xe9: {  	s24 =	sor.u32 s28, s2;
	v3 =	vand.u32 $0xFFFF0000, v3;
	v9 =	vshrl.u32 v12, $0x10;
	v12 =	vadd.s32 $0x8000, v21  }
0xea: {  	s0 =	sor.u32 s0, s25;
	v3 =	vor.u32 v9, v3;
	v9 =	vshrl.u32 v12, $0x10;
	v12 =	vld [tilespmem:s24+$0x0];
	[tilespmem:$0x1FF00] =	vst v13  }
0xeb: {  	v16 =	vld [tilespmem:s0+$0x0];
	_ =	sdelay $0x2  }
0xec: {  	s18 =	simm.s32 $0x505;
	v10 =	vand.u32 $0xFFFF0000, v10  }
0xed: {  	s19 =	simm.s32 $0x405;
	v9 =	vor.u32 v9, v10;
	v10 =	vadd.s32 $0x8000, v15;
	v15 =	vor.u32 s18, v0;
	s18 =	simm.s32 $0x407  }
0xee: {  	s16 =	simm.s32 $0x30B;
	v18 =	vadd.s32 $0x8000, v24;
	v26 =	vor.u32 s19, v0;
	v25 =	vor.u32 s18, v0;
	s18 =	simm.s32 $0x40C;
	[tilespmem:$0x1FF10] =	vst v16  }
0xef: {  	s5 =	sor.u32 s30, s5;
	s17 =	sor.u32 s21, s14;
	v27 =	vor.u32 s18, v0;
	v13 =	vadd.s32 $0x8000, v19;
	[tilespmem:v4+s22+$0x0] =	vst.idx.msk $0xffff, v3;
	v4 =	vor.u32 s16, v0  }
0xf0: {  	s9 =	sor.u32 s21, s9;
	s10 =	simm.s32 $0x406;
	s1 =	simm.s32 $0x10F;
	v3 =	vshrl.u32 v13, $0x10;
	v13 =	vand.u32 $0xFFFF0000, v18;
	[tilespmem:v2+s22+$0x0] =	vst.idx.msk $0xffff, v9;
	v2 =	vshrl.u32 v10, $0x10;
	v21 =	vld [tilespmem:s17+$0x0]  }
0xf1: {  	s6 =	sor.u32 s26, s6;
	s2 =	sor.u32 s26, s2;
	s24 =	simm.s32 $0x40A;
	v9 =	vadd.s32 $0x8000, v17;
	v22 =	vld [tilespmem:s9+$0x0];
	v3 =	vor.u32 v3, v13;
	v13 =	vadd.s32 $0x8000, v14  }
0xf2: {  	s14 =	simm.s32 $0x300;
	s19 =	sor.u32 $0x1200, s29;
	s12 =	simm.s32 $0x20F;
	v10 =	vadd.s32 $0x8000, v12;
	v17 =	vor.u32 s24, v0;
	v24 =	vld [tilespmem:s5+$0x0];
	[tilespmem:v20+s22+$0x0] =	vst.idx.msk $0xffff, v3;
	v3 =	vand.u32 $0xFFFF0000, v13  }
0xf3: {  	s18 =	simm.s32 $0x30C;
	s24 =	simm.s32 $0x40D;
	s5 =	sor.u32 $0x3000, s23;
	v9 =	vshrl.u32 v9, $0x10;
	v10 =	vand.u32 $0xFFFF0000, v10;
	v23 =	vld [tilespmem:s6+$0x0];
	v3 =	vor.u32 v2, v3  }
0xf4: {  	v31 =	vor.u32 s10, v0;
	s17 =	simm.s32 $0x409;
	s9 =	simm.s32 $0x70;
	s25 =	sor.u32 s3, s5;
	v32 =	vld [tilespmem:s2+$0x0];
	[tilespmem:v4+s22+$0x0] =	vst.idx.msk $0xffff, v3;
	v3 =	vor.u32 v9, v10  }
0xf5: {  	s10 =	sand.u32 $0x70, s9;
	v2 =	vor.u32 s12, v0;
	s12 =	sor.u32 s28, s19;
	s2 =	sand.u32 $0xC00, s14;
	v13 =	vld [tilespmem:s25+$0x0];
	[tilespmem:v15+s22+$0x0] =	vst.idx.msk $0xffff, v3;
	v3 =	vor.u32 s1, v0  }
0xf6: {  	v34 =	vor.u32 s18, v0;
	s18 =	simm.s32 $0x600;
	v10 =	vor.u32 s17, v0;
	s17 =	sor.u32 s10, s2;
	v14 =	vld [tilespmem:s12+$0x0];
	[tilespmem:$0x1FF90] =	vst v3;
	v3 =	vor.u32 s24, v0  }
0xf7: {  	v36 =	vor.u32 s18, v0;
	s16 =	simm.s32 $0x408;
	v15 =	vld [tilespmem:s17+$0x0];
	[tilespmem:$0x1FFA0] =	vst v3  }
0xf8: {  	v12 =	vor.u32 s16, v0;
	s25 =	simm.s32 $0x40E;
	s24 =	sor.u32 $0x1280, s29;
	v3 =	vadd.s32 $0x8000, v21;
	v21 =	vadd.s32 $0x8000, v22;
	v22 =	vld [tilespmem:s17+$0x80]  }
0xf9: {  	s16 =	simm.s32 $0x40B;
	s12 =	sor.u32 $0x3080, s23;
	v4 =	vor.u32 s25, v0;
	s25 =	sor.u32 s28, s24;
	v29 =	vshrl.u32 v3, $0x10;
	v21 =	vand.u32 $0xFFFF0000, v21  }
0xfa: {  	v20 =	vor.u32 s16, v0;
	s16 =	simm.s32 $0x40F;
	s6 =	sor.u32 s3, s12;
	v23 =	vadd.s32 $0x8000, v23;
	v21 =	vor.u32 v29, v21;
	v29 =	vld [tilespmem:s25+$0x0];
	s25 =	simm.s32 $0x700  }
0xfb: {  	s18 =	sor.u32 s30, s4;
	v32 =	vadd.s32 $0x8000, v32;
	v33 =	vld [tilespmem:s6+$0x0];
	v3 =	vor.u32 s16, v0;
	s16 =	simm.s32 $0x506;
	[tilespmem:v8+s22+$0x0] =	vst.idx.msk $0xffff, v21;
	v8 =	vor.u32 s25, v0  }
0xfc: {  	s1 =	sor.u32 s21, s13;
	v30 =	vld [tilespmem:s18+$0x0];
	v23 =	vshrl.u32 v23, $0x10;
	v32 =	vand.u32 $0xFFFF0000, v32;
	v35 =	vor.u32 s16, v0;
	s16 =	simm.s32 $0x60  }
0xfd: {  	s13 =	sor.u32 s21, s15;
	s15 =	simm.s32 $0x602;
	v37 =	vadd.s32 $0x8000, v13;
	s4 =	sand.u32 $0x60, s16;
	v21 =	vld [tilespmem:s1+$0x0];
	v15 =	vadd.s32 $0x8000, v15;
	v22 =	vadd.s32 $0x8000, v22  }
0xfe: {  	v13 =	vor.u32 s15, v0;
	v39 =	vld [tilespmem:s13+$0x0];
	s0 =	sor.u32 s4, s2;
	v15 =	vshrl.u32 v15, $0x10;
	v22 =	vand.u32 $0xFFFF0000, v22  }
0xff: {  	s6 =	simm.s32 $0x601;
	v38 =	vadd.s32 $0x8000, v14;
	v42 =	vld [tilespmem:s0+$0x0];
	v41 =	vadd.s32 $0x8000, v29;
	v15 =	vor.u32 v15, v22  }
0x100: {  	s18 =	simm.s32 $0x604;
	v14 =	vor.u32 s6, v0;
	v49 =	vld [tilespmem:s0+$0x80];
	v22 =	vshrl.u32 v38, $0x10;
	v48 =	vand.u32 $0xFFFF0000, v41;
	[tilespmem:v8+s22+$0x0] =	vst.idx.msk $0xffff, v15  }
0x101: {  	s25 =	simm.s32 $0x30D;
	s13 =	simm.s32 $0x603;
	s6 =	sor.u32 $0x1300, s29;
	v37 =	vshrl.u32 v37, $0x10;
	v33 =	vadd.s32 $0x8000, v33;
	v22 =	vor.u32 v22, v48;
	v50 =	vld [tilespmem:s17+$0x100]  }
0x102: {  	s15 =	simm.s32 $0x507;
	v29 =	vor.u32 s13, v0;
	v33 =	vand.u32 $0xFFFF0000, v33;
	s13 =	sor.u32 s28, s6;
	v15 =	vor.u32 s18, v0;
	s18 =	sor.u32 $0x1380, s29;
	[tilespmem:v35+s22+$0x0] =	vst.idx.msk $0xffff, v22;
	v22 =	vld [tilespmem:s17+$0x180]  }
0x103: {  	v40 =	vor.u32 s25, v0;
	v43 =	vor.u32 s15, v0;
	s25 =	simm.s32 $0x605;
	s1 =	sor.u32 $0x3180, s23;
	v33 =	vor.u32 v37, v33;
	s15 =	sor.u32 s28, s18;
	v35 =	vld [tilespmem:s13+$0x0]  }
0x104: {  	v32 =	vor.u32 v23, v32;
	v8 =	vor.u32 s25, v0;
	s25 =	simm.s32 $0x701;
	[tilespmem:v34+s22+$0x0] =	vst.idx.msk $0xffff, v33;
	s13 =	sor.u32 $0x3100, s23;
	v51 =	vld [tilespmem:s15+$0x0];
	s15 =	sor.u32 s3, s1  }
0x105: {  	v44 =	vor.u32 s25, v0;
	v52 =	vadd.s32 $0x8000, v42;
	v41 =	vadd.s32 $0x8000, v49;
	s25 =	sor.u32 s3, s13;
	v53 =	vld [tilespmem:s15+$0x0]  }
0x106: {  	s19 =	sor.u32 s26, s19;
	[tilespmem:v26+s22+$0x0] =	vst.idx.msk $0xffff, v32;
	v26 =	vshrl.u32 v52, $0x10;
	v54 =	vand.u32 $0xFFFF0000, v41;
	v33 =	vld [tilespmem:s25+$0x0]  }
0x107: {  	s24 =	sor.u32 s26, s24;
	v34 =	vld [tilespmem:s19+$0x0];
	v26 =	vor.u32 v26, v54;
	v55 =	vadd.s32 $0x8000, v50;
	v22 =	vadd.s32 $0x8000, v22  }
0x108: {  	v41 =	vld [tilespmem:s24+$0x0];
	[tilespmem:v36+s22+$0x0] =	vst.idx.msk $0xffff, v26;
	v26 =	vshrl.u32 v55, $0x10;
	v22 =	vand.u32 $0xFFFF0000, v22  }
0x109: {  	s25 =	simm.s32 $0x606;
	v36 =	vld [tilespmem:s0+$0x100];
	v56 =	vadd.s32 $0x8000, v35;
	v57 =	vadd.s32 $0x8000, v51;
	v22 =	vor.u32 v26, v22  }
0x10a: {  	v23 =	vor.u32 s25, v0;
	v60 =	vld [tilespmem:s0+$0x180];
	v26 =	vshrl.u32 v56, $0x10;
	v59 =	vand.u32 $0xFFFF0000, v57;
	[tilespmem:v44+s22+$0x0] =	vst.idx.msk $0xffff, v22  }
0x10b: {  	s15 =	sor.u32 $0x2000, s29;
	s25 =	simm.s32 $0x30E;
	v61 =	vadd.s32 $0x8000, v53;
	v33 =	vadd.s32 $0x8000, v33;
	v26 =	vor.u32 v26, v59;
	v62 =	vld [tilespmem:s17+$0x200]  }
0x10c: {  	s24 =	simm.s32 $0x607;
	v45 =	vor.u32 s25, v0;
	s25 =	sor.u32 s28, s15;
	v38 =	vand.u32 $0xFFFF0000, v61;
	v63 =	vld [tilespmem:s17+$0x280];
	v33 =	vshrl.u32 v33, $0x10;
	[tilespmem:v43+s22+$0x0] =	vst.idx.msk $0xffff, v26;
	s17 =	sor.u32 $0x2080, s29  }
0x10d: {  	v22 =	vor.u32 s24, v0;
	v26 =	vld [tilespmem:s25+$0x0];
	v33 =	vor.u32 v33, v38;
	s24 =	sor.u32 s28, s17  }
0x10e: {  	s31 =	sor.u32 $0x3200, s23;
	v21 =	vadd.s32 $0x8000, v21;
	v39 =	vadd.s32 $0x8000, v39;
	s25 =	simm.s32 $0x702;
	v43 =	vld [tilespmem:s24+$0x0];
	[tilespmem:v40+s22+$0x0] =	vst.idx.msk $0xffff, v33;
	s24 =	sor.u32 $0x3280, s23  }
0x10f: {  	v21 =	vshrl.u32 v21, $0x10;
	v49 =	vand.u32 $0xFFFF0000, v39;
	v48 =	vor.u32 s25, v0;
	s25 =	sor.u32 s3, s31;
	[smem:$0x7EB] =	sst s24  }
0x110: {  	s19 =	simm.s32 $0x508;
	v51 =	vor.u32 v21, v49;
	v36 =	vadd.s32 $0x8000, v36;
	v35 =	vadd.s32 $0x8000, v60;
	s24 =	sor.u32 s3, s24;
	v50 =	vld [tilespmem:s25+$0x0];
	s25 =	simm.s32 $0x6  }
0x111: {  	s7 =	sor.u32 s21, s7;
	v58 =	vor.u32 s19, v0;
	v52 =	vand.u32 $0xFFFF0000, v35;
	v40 =	vld [tilespmem:s24+$0x0];
	[tilespmem:v11+s22+$0x0] =	vst.idx.msk $0xffff, v51;
	v11 =	vshrl.u32 v36, $0x10;
	s25 =	sand.u32 $0x7, s25  }
0x112: {  	s8 =	sor.u32 s21, s8;
	v34 =	vadd.s32 $0x8000, v34;
	v41 =	vadd.s32 $0x8000, v41;
	v35 =	vld [tilespmem:s7+$0x0];
	v11 =	vor.u32 v11, v52;
	s24 =	sshll.u32 s25, $0x4;
	s25 =	simm.s32 $0x609  }
0x113: {  	v32 =	vadd.s32 $0x8000, v62;
	v53 =	vadd.s32 $0x8000, v63;
	v42 =	vld [tilespmem:s8+$0x0];
	[tilespmem:v14+s22+$0x0] =	vst.idx.msk $0xffff, v11;
	v38 =	vor.u32 s25, v0;
	s25 =	simm.s32 $0x60A  }
0x114: {  	v11 =	vshrl.u32 v32, $0x10;
	v14 =	vand.u32 $0xFFFF0000, v53;
	s24 =	sadd.s32 $0x300, s24;
	v55 =	vld [tilespmem:s0+$0x200];
	v9 =	vor.u32 s25, v0  }
0x115: {  	s8 =	sor.u32 s9, s14;
	s9 =	simm.s32 $0x30F;
	v26 =	vadd.s32 $0x8000, v26;
	v54 =	vadd.s32 $0x8000, v43;
	v11 =	vor.u32 v11, v14;
	v14 =	vld [tilespmem:s0+$0x280];
	s7 =	sadd.s32 $0x10, s24;
	[tilespmem:$0x1FF30] =	vst v9  }
0x116: {  	v26 =	vshrl.u32 v26, $0x10;
	v32 =	vand.u32 $0xFFFF0000, v54;
	s7 =	sor.u32 $0x300, s7;
	v9 =	vor.u32 s9, v0;
	[tilespmem:v48+s22+$0x0] =	vst.idx.msk $0xffff, v11  }
0x117: {  	s19 =	simm.s32 $0x608;
	v34 =	vshrl.u32 v34, $0x10;
	v41 =	vand.u32 $0xFFFF0000, v41;
	s0 =	sor.u32 $0x2100, s29;
	v32 =	vor.u32 v26, v32;
	v11 =	vld [tilespmem:s7+$0x0];
	s7 =	sor.u32 $0x380, s8;
	[tilespmem:$0x1FFC0] =	vst v9  }
0x118: {  	v21 =	vor.u32 s19, v0;
	v34 =	vor.u32 v34, v41;
	s19 =	sor.u32 s28, s0;
	v56 =	vld [tilespmem:s7+$0x0];
	[tilespmem:v58+s22+$0x0] =	vst.idx.msk $0xffff, v32  }
0x119: {  	s6 =	sor.u32 s26, s6;
	s25 =	simm.s32 $0x703;
	s7 =	sor.u32 $0x2180, s29;
	[tilespmem:v31+s22+$0x0] =	vst.idx.msk $0xffff, v34;
	v32 =	vld [tilespmem:s19+$0x0]  }
0x11a: {  	s18 =	sor.u32 s26, s18;
	v57 =	vadd.s32 $0x8000, v50;
	v60 =	vor.u32 s25, v0;
	s25 =	sor.u32 $0x3300, s23;
	v58 =	vadd.s32 $0x8000, v40;
	s24 =	sor.u32 s28, s7;
	v31 =	vld [tilespmem:s6+$0x0]  }
0x11b: {  	s23 =	sor.u32 $0x3380, s23;
	v37 =	vshrl.u32 v57, $0x10;
	v39 =	vand.u32 $0xFFFF0000, v58;
	s19 =	simm.s32 $0x3;
	v59 =	vld [tilespmem:s24+$0x0];
	[smem:$0x7EF] =	sst s25  }
0x11c: {  	v61 =	vor.u32 v37, v39;
	s24 =	sand.u32 $0x3, s19;
	v62 =	vld [tilespmem:s18+$0x0];
	[smem:$0x7F0] =	sst s23  }
0x11d: {  	s6 =	sshll.u32 s24, $0x5;
	s24 =	sor.u32 s3, s25;
	[tilespmem:v45+s22+$0x0] =	vst.idx.msk $0xffff, v61  }
0x11e: {  	v9 =	vld [tilespmem:s24+$0x0];
	_ =	sdelay $0x4  }
0x11f: {  	s3 =	sor.u32 s3, s23;
	[tilespmem:$0x1FF20] =	vst v9  }
0x120: {  	v9 =	vld [tilespmem:s3+$0x0];
	_ =	sdelay $0x1  }
0x121: {  	v36 =	vadd.s32 $0x8000, v55;
	v14 =	vadd.s32 $0x8000, v14  }
0x122: {  	v48 =	vshrl.u32 v36, $0x10;
	v14 =	vand.u32 $0xFFFF0000, v14  }
0x123: {  	s19 =	simm.s32 $0x509;
	v14 =	vor.u32 v48, v14  }
0x124: {  	v63 =	vor.u32 s19, v0;
	s6 =	sadd.s32 $0x300, s6;
	v11 =	vadd.s32 $0x8000, v11;
	v49 =	vadd.s32 $0x8000, v56;
	[tilespmem:$0x1FF40] =	vst v9  }
0x125: {  	s25 =	sor.u32 s16, s14;
	s9 =	sor.u32 $0x300, s6;
	v11 =	vshrl.u32 v11, $0x10;
	[tilespmem:v13+s22+$0x0] =	vst.idx.msk $0xffff, v14;
	v13 =	vand.u32 $0xFFFF0000, v49  }
0x126: {  	s16 =	sor.u32 $0x380, s25;
	v32 =	vadd.s32 $0x8000, v32;
	v50 =	vadd.s32 $0x8000, v59;
	v14 =	vld [tilespmem:s9+$0x0];
	s9 =	sor.u32 $0x1000, s2;
	v11 =	vor.u32 v11, v13  }
0x127: {  	v32 =	vshrl.u32 v32, $0x10;
	v34 =	vand.u32 $0xFFFF0000, v50;
	s3 =	sor.u32 $0x1080, s2;
	v13 =	vld [tilespmem:s16+$0x0];
	[tilespmem:v60+s22+$0x0] =	vst.idx.msk $0xffff, v11;
	s19 =	sor.u32 s10, s9  }
0x128: {  	s6 =	sor.u32 $0x2200, s29;
	v31 =	vadd.s32 $0x8000, v31;
	v39 =	vadd.s32 $0x8000, v62;
	v32 =	vor.u32 v32, v34;
	s23 =	sor.u32 s10, s3;
	v11 =	vld [tilespmem:s19+$0x0]  }
0x129: {  	s8 =	sor.u32 $0x2280, s29;
	v55 =	vadd.s32 $0x8000, v35;
	s14 =	simm.s32 $0x50A;
	s24 =	sor.u32 s28, s6;
	v31 =	vshrl.u32 v31, $0x10;
	v39 =	vand.u32 $0xFFFF0000, v39;
	[tilespmem:v63+s22+$0x0] =	vst.idx.msk $0xffff, v32;
	v53 =	vld [tilespmem:s23+$0x0]  }
0x12a: {  	s18 =	simm.s32 $0x704;
	v51 =	vor.u32 s14, v0;
	s25 =	sor.u32 s28, s8;
	v56 =	vadd.s32 $0x8000, v42;
	v31 =	vor.u32 v31, v39;
	v54 =	vld [tilespmem:s24+$0x0]  }
0x12b: {  	s15 =	sor.u32 s26, s15;
	v52 =	vor.u32 s18, v0;
	v35 =	vand.u32 $0xFFFF0000, v56;
	v32 =	vshrl.u32 v55, $0x10;
	[tilespmem:v25+s22+$0x0] =	vst.idx.msk $0xffff, v31;
	v57 =	vld [tilespmem:s25+$0x0]  }
0x12c: {  	v25 =	vld [tilespmem:s15+$0x0];
	s16 =	sor.u32 s26, s17;
	v31 =	vor.u32 v32, v35;
	s17 =	simm.s32 $0x60B;
	v14 =	vadd.s32 $0x8000, v14;
	v13 =	vadd.s32 $0x8000, v13  }
0x12d: {  	s5 =	sor.u32 s21, s5;
	v58 =	vld [tilespmem:s16+$0x0];
	[tilespmem:v7+s22+$0x0] =	vst.idx.msk $0xffff, v31;
	v9 =	vor.u32 s17, v0;
	v7 =	vshrl.u32 v14, $0x10;
	v13 =	vand.u32 $0xFFFF0000, v13  }
0x12e: {  	s12 =	sor.u32 s21, s12;
	s19 =	simm.s32 $0x60C;
	v14 =	vld [tilespmem:s5+$0x0];
	[tilespmem:$0x1FF70] =	vst v9;
	v7 =	vor.u32 v7, v13;
	v11 =	vadd.s32 $0x8000, v11;
	v13 =	vadd.s32 $0x8000, v53  }
0x12f: {  	s18 =	sor.u32 s4, s9;
	v9 =	vor.u32 s19, v0;
	[tilespmem:v29+s22+$0x0] =	vst.idx.msk $0xffff, v7;
	v7 =	vld [tilespmem:s12+$0x0];
	v11 =	vshrl.u32 v11, $0x10;
	v13 =	vand.u32 $0xFFFF0000, v13  }
0x130: {  	s3 =	sor.u32 s4, s3;
	v59 =	vadd.s32 $0x8000, v57;
	s5 =	sor.u32 $0x1100, s2;
	v29 =	vadd.s32 $0x8000, v54;
	v60 =	vld [tilespmem:s18+$0x0];
	v11 =	vor.u32 v11, v13;
	[tilespmem:$0x1FFB0] =	vst v9  }
0x131: {  	s23 =	sor.u32 s10, s5;
	v13 =	vshrl.u32 v29, $0x10;
	v29 =	vand.u32 $0xFFFF0000, v59;
	v61 =	vld [tilespmem:s3+$0x0];
	s3 =	sor.u32 $0x1180, s2;
	[tilespmem:v52+s22+$0x0] =	vst.idx.msk $0xffff, v11  }
0x132: {  	s17 =	sor.u32 $0x2300, s29;
	v11 =	vadd.s32 $0x8000, v25;
	v25 =	vadd.s32 $0x8000, v58;
	v13 =	vor.u32 v13, v29;
	v29 =	vld [tilespmem:s23+$0x0];
	s24 =	sor.u32 s10, s3  }
0x133: {  	s25 =	sor.u32 s28, s17;
	s19 =	sor.u32 $0x2380, s29;
	v11 =	vshrl.u32 v11, $0x10;
	v25 =	vand.u32 $0xFFFF0000, v25;
	[tilespmem:v51+s22+$0x0] =	vst.idx.msk $0xffff, v13;
	v62 =	vld [tilespmem:s24+$0x0]  }
0x134: {  	v24 =	vadd.s32 $0x8000, v24;
	v30 =	vadd.s32 $0x8000, v30;
	s12 =	sor.u32 s28, s19;
	v13 =	vld [tilespmem:s25+$0x0];
	v11 =	vor.u32 v11, v25  }
0x135: {  	v24 =	vshrl.u32 v24, $0x10;
	v30 =	vand.u32 $0xFFFF0000, v30;
	s0 =	sor.u32 s26, s0;
	v14 =	vadd.s32 $0x8000, v14;
	v25 =	vld [tilespmem:s12+$0x0];
	[tilespmem:v12+s22+$0x0] =	vst.idx.msk $0xffff, v11  }
0x136: {  	v24 =	vor.u32 v24, v30;
	v11 =	vshrl.u32 v14, $0x10;
	v14 =	vld [tilespmem:s0+$0x0];
	[smem:$0x7EC] =	sst s30  }
0x137: {  	s15 =	sor.u32 s30, s11;
	[tilespmem:v5+s22+$0x0] =	vst.idx.msk $0xffff, v24  }
0x138: {  	v9 =	vld [tilespmem:s15+$0x0]  }
0x139: {  	s14 =	simm.s32 $0x705  }
0x13a: {  	v63 =	vor.u32 s14, v0  }
0x13b: {  	s7 =	sor.u32 s26, s7;
	v7 =	vadd.s32 $0x8000, v7;
	v12 =	vadd.s32 $0x8000, v60;
	v30 =	vadd.s32 $0x8000, v61  }
0x13c: {  	v7 =	vand.u32 $0xFFFF0000, v7;
	v33 =	vld [tilespmem:s7+$0x0];
	v5 =	vshrl.u32 v12, $0x10;
	v12 =	vand.u32 $0xFFFF0000, v30  }
0x13d: {  	s25 =	simm.s32 $0x50B;
	v7 =	vor.u32 v11, v7;
	v5 =	vor.u32 v5, v12;
	[tilespmem:$0x1FF50] =	vst v9  }
0x13e: {  	s1 =	sor.u32 s21, s1;
	s6 =	sor.u32 s26, s6;
	v11 =	vadd.s32 $0x8000, v62;
	v12 =	vor.u32 s25, v0;
	[tilespmem:v6+s22+$0x0] =	vst.idx.msk $0xffff, v7;
	v6 =	vadd.s32 $0x8000, v29  }
0x13f: {  	s16 =	sor.u32 s21, s13;
	s9 =	sor.u32 $0x1280, s2;
	s13 =	sor.u32 $0x3000, s29;
	v13 =	vadd.s32 $0x8000, v13;
	v11 =	vand.u32 $0xFFFF0000, v11;
	[tilespmem:v15+s22+$0x0] =	vst.idx.msk $0xffff, v5;
	v5 =	vshrl.u32 v6, $0x10  }
0x140: {  	s5 =	sor.u32 s4, s5;
	s18 =	simm.s32 $0x60D;
	s0 =	sor.u32 $0x1200, s2;
	v25 =	vadd.s32 $0x8000, v25;
	v13 =	vshrl.u32 v13, $0x10;
	v24 =	vld [tilespmem:s16+$0x0];
	v11 =	vor.u32 v5, v11  }
0x141: {  	s23 =	simm.s32 $0x60E;
	s3 =	sor.u32 s4, s3;
	s14 =	sor.u32 s10, s0;
	v25 =	vand.u32 $0xFFFF0000, v25;
	v14 =	vadd.s32 $0x8000, v14;
	v37 =	vadd.s32 $0x8000, v33;
	v47 =	vld [tilespmem:s5+$0x0];
	[tilespmem:v63+s22+$0x0] =	vst.idx.msk $0xffff, v11  }
0x142: {  	s24 =	simm.s32 $0x60F;
	s12 =	simm.s32 $0x802;
	v13 =	vor.u32 v13, v25;
	v14 =	vshrl.u32 v14, $0x10;
	v34 =	vand.u32 $0xFFFF0000, v37;
	s16 =	sor.u32 s10, s9;
	v15 =	vld [tilespmem:s14+$0x0]  }
0x143: {  	s7 =	simm.s32 $0x90;
	s15 =	simm.s32 $0x50C;
	v7 =	vor.u32 s18, v0;
	s18 =	simm.s32 $0x706;
	[tilespmem:v12+s22+$0x0] =	vst.idx.msk $0xffff, v13;
	v13 =	vor.u32 v14, v34;
	v29 =	vld [tilespmem:s16+$0x0]  }
0x144: {  	v6 =	vor.u32 s23, v0;
	s23 =	simm.s32 $0x800;
	v53 =	vld [tilespmem:s3+$0x0];
	[tilespmem:v10+s22+$0x0] =	vst.idx.msk $0xffff, v13;
	v5 =	vor.u32 s24, v0;
	s24 =	simm.s32 $0x801;
	s14 =	simm.s32 $0x400  }
0x145: {  	v49 =	vor.u32 s23, v0;
	s23 =	sand.u32 $0x70, s7;
	v57 =	vld [tilespmem:s6+$0x0];
	v11 =	vor.u32 s18, v0;
	v45 =	vor.u32 s24, v0;
	s18 =	sor.u32 s28, s13;
	s24 =	sand.u32 $0xC00, s14  }
0x146: {  	v30 =	vor.u32 s12, v0;
	s12 =	simm.s32 $0x901;
	s25 =	simm.s32 $0x900;
	v54 =	vld [tilespmem:s18+$0x0];
	s11 =	sor.u32 s23, s24  }
0x147: {  	v48 =	vor.u32 s15, v0;
	s15 =	simm.s32 $0x50D;
	v59 =	vor.u32 s12, v0;
	s12 =	simm.s32 $0x807;
	v36 =	vor.u32 s25, v0;
	s3 =	sor.u32 $0x3080, s29;
	v39 =	vld [tilespmem:s11+$0x0]  }
0x148: {  	v50 =	vor.u32 s15, v0;
	s25 =	simm.s32 $0x804;
	s16 =	simm.s32 $0x803;
	s18 =	sor.u32 s28, s3;
	v12 =	vld [tilespmem:s11+$0x80];
	v10 =	vadd.s32 $0x8000, v15;
	v13 =	vadd.s32 $0x8000, v29  }
0x149: {  	s15 =	sor.u32 s26, s8;
	v25 =	vor.u32 s16, v0;
	s16 =	simm.s32 $0x707;
	v56 =	vld [tilespmem:s18+$0x0];
	s18 =	simm.s32 $0x50E;
	v10 =	vshrl.u32 v10, $0x10;
	v14 =	vand.u32 $0xFFFF0000, v13  }
0x14a: {  	s8 =	sor.u32 $0x1300, s2;
	v60 =	vld [tilespmem:s15+$0x0];
	v55 =	vor.u32 s16, v0;
	s16 =	simm.s32 $0x806;
	v18 =	vor.u32 s18, v0;
	s18 =	sor.u32 $0x1380, s2;
	v10 =	vor.u32 v10, v14  }
0x14b: {  	v61 =	vor.u32 s25, v0;
	s25 =	simm.s32 $0x805;
	v42 =	vor.u32 s16, v0;
	s15 =	sor.u32 s10, s18;
	s16 =	simm.s32 $0x808;
	v29 =	vld [tilespmem:s1+$0x0];
	[tilespmem:v11+s22+$0x0] =	vst.idx.msk $0xffff, v10  }
0x14c: {  	v41 =	vor.u32 s12, v0;
	v44 =	vor.u32 s25, v0;
	s6 =	sor.u32 s10, s8;
	v9 =	vor.u32 s16, v0;
	v62 =	vld [tilespmem:s15+$0x0];
	s15 =	simm.s32 $0x809  }
0x14d: {  	s12 =	simm.s32 $0x50F;
	v10 =	vadd.s32 $0x8000, v39;
	v11 =	vadd.s32 $0x8000, v12;
	v58 =	vld [tilespmem:s6+$0x0];
	[tilespmem:$0x1FF80] =	vst v9;
	v9 =	vor.u32 s15, v0  }
0x14e: {  	s25 =	simm.s32 $0x708;
	v10 =	vshrl.u32 v10, $0x10;
	v11 =	vand.u32 $0xFFFF0000, v11;
	[tilespmem:$0x1FFE0] =	vst v9;
	v9 =	vor.u32 s12, v0  }
0x14f: {  	v51 =	vor.u32 s25, v0;
	s25 =	simm.s32 $0x902;
	v10 =	vor.u32 v10, v11;
	[tilespmem:$0x1FFD0] =	vst v9  }
0x150: {  	v52 =	vor.u32 s25, v0;
	s25 =	simm.s32 $0x80B;
	v47 =	vadd.s32 $0x8000, v47;
	s1 =	simm.s32 $0x80;
	[tilespmem:v36+s22+$0x0] =	vst.idx.msk $0xffff, v10  }
0x151: {  	v54 =	vadd.s32 $0x8000, v54;
	v56 =	vadd.s32 $0x8000, v56;
	v12 =	vor.u32 s25, v0;
	s25 =	sand.u32 $0x60, s1;
	s6 =	simm.s32 $0x709;
	v10 =	vld [tilespmem:s11+$0x100]  }
0x152: {  	v54 =	vshrl.u32 v54, $0x10;
	v56 =	vand.u32 $0xFFFF0000, v56;
	v46 =	vor.u32 s6, v0;
	s6 =	sor.u32 s25, s24;
	v63 =	vld [tilespmem:s11+$0x180]  }
0x153: {  	v53 =	vadd.s32 $0x8000, v53;
	v47 =	vshrl.u32 v47, $0x10;
	s16 =	simm.s32 $0x80A;
	v54 =	vor.u32 v54, v56;
	s12 =	simm.s32 $0x903;
	v56 =	vld [tilespmem:s6+$0x0]  }
0x154: {  	v40 =	vand.u32 $0xFFFF0000, v53;
	v15 =	vor.u32 s16, v0;
	s16 =	sor.u32 s30, s20;
	s15 =	simm.s32 $0x80C;
	v16 =	vor.u32 s12, v0;
	s12 =	sor.u32 $0x3180, s29;
	v53 =	vld [tilespmem:s6+$0x80]  }
0x155: {  	v11 =	vor.u32 s15, v0;
	v43 =	vld [tilespmem:s16+$0x0];
	s16 =	sor.u32 $0x3100, s29;
	[tilespmem:v48+s22+$0x0] =	vst.idx.msk $0xffff, v54;
	s15 =	sor.u32 s28, s12;
	v32 =	vadd.s32 $0x8000, v58;
	v33 =	vadd.s32 $0x8000, v62  }
0x156: {  	v47 =	vor.u32 v47, v40;
	s20 =	sor.u32 s28, s16;
	v9 =	vld [tilespmem:s15+$0x0];
	v35 =	vshrl.u32 v32, $0x10;
	v36 =	vand.u32 $0xFFFF0000, v33  }
0x157: {  	s0 =	sor.u32 s4, s0;
	s5 =	sor.u32 $0x2000, s2;
	[tilespmem:v8+s22+$0x0] =	vst.idx.msk $0xffff, v47;
	v34 =	vld [tilespmem:s20+$0x0];
	s20 =	simm.s32 $0x80D;
	v8 =	vor.u32 v35, v36;
	v37 =	vadd.s32 $0x8000, v10;
	v39 =	vadd.s32 $0x8000, v63  }
0x158: {  	[tilespmem:v55+s22+$0x0] =	vst.idx.msk $0xffff, v8;
	v63 =	vld [tilespmem:s0+$0x0];
	v10 =	vor.u32 s20, v0;
	s20 =	sor.u32 $0x2080, s2;
	s0 =	sor.u32 s10, s5;
	v47 =	vshrl.u32 v37, $0x10;
	v48 =	vand.u32 $0xFFFF0000, v39  }
0x159: {  	v56 =	vadd.s32 $0x8000, v56;
	v53 =	vadd.s32 $0x8000, v53;
	v40 =	vld [tilespmem:s0+$0x0];
	s0 =	sor.u32 s10, s20;
	v47 =	vor.u32 v47, v48  }
0x15a: {  	s15 =	simm.s32 $0x70A;
	v56 =	vshrl.u32 v56, $0x10;
	v53 =	vand.u32 $0xFFFF0000, v53;
	v55 =	vld [tilespmem:s0+$0x0];
	[tilespmem:v59+s22+$0x0] =	vst.idx.msk $0xffff, v47  }
0x15b: {  	v58 =	vor.u32 s15, v0;
	s15 =	simm.s32 $0x904;
	v33 =	vadd.s32 $0x8000, v57;
	v53 =	vor.u32 v56, v53;
	v59 =	vld [tilespmem:s11+$0x200]  }
0x15c: {  	v9 =	vadd.s32 $0x8000, v9;
	v32 =	vadd.s32 $0x8000, v34;
	v48 =	vor.u32 s15, v0;
	s15 =	simm.s32 $0x70B;
	[tilespmem:v49+s22+$0x0] =	vst.idx.msk $0xffff, v53;
	v13 =	vld [tilespmem:s11+$0x280]  }
0x15d: {  	s30 =	simm.s32 $0x80E;
	v9 =	vand.u32 $0xFFFF0000, v9;
	v34 =	vshrl.u32 v32, $0x10;
	v47 =	vor.u32 s15, v0;
	s15 =	sor.u32 s4, s9;
	v57 =	vld [tilespmem:s6+$0x100];
	s11 =	sor.u32 $0x3200, s29  }
0x15e: {  	v35 =	vadd.s32 $0x8000, v60;
	v8 =	vor.u32 s30, v0;
	v9 =	vor.u32 v34, v9;
	v62 =	vld [tilespmem:s15+$0x0];
	[smem:$0x7F1] =	sst s11  }
0x15f: {  	v49 =	vshrl.u32 v33, $0x10;
	s9 =	simm.s32 $0x8;
	s15 =	sor.u32 $0x3280, s29;
	[tilespmem:v50+s22+$0x0] =	vst.idx.msk $0xffff, v9;
	v9 =	vand.u32 $0xFFFF0000, v35;
	v36 =	vld [tilespmem:s6+$0x180];
	v37 =	vadd.s32 $0x8000, v40  }
0x160: {  	s0 =	sand.u32 $0x7, s9;
	s9 =	sor.u32 s28, s11;
	v39 =	vadd.s32 $0x8000, v55;
	[smem:$0x7F2] =	sst s15;
	v9 =	vor.u32 v49, v9;
	v40 =	vshrl.u32 v37, $0x10  }
0x161: {  	s0 =	sshll.u32 s0, $0x4;
	s15 =	sor.u32 s28, s15;
	v60 =	vld [tilespmem:s9+$0x0];
	v32 =	vand.u32 $0xFFFF0000, v39;
	[tilespmem:v17+s22+$0x0] =	vst.idx.msk $0xffff, v9;
	v17 =	vadd.s32 $0x8000, v59;
	v13 =	vadd.s32 $0x8000, v13  }
0x162: {  	s30 =	sor.u32 $0x2100, s2;
	s11 =	sadd.s32 $0x400, s0;
	s9 =	sor.u32 s26, s17;
	v33 =	vld [tilespmem:s15+$0x0];
	v9 =	vor.u32 v40, v32;
	v34 =	vshrl.u32 v17, $0x10;
	v13 =	vand.u32 $0xFFFF0000, v13  }
0x163: {  	s0 =	sor.u32 $0x2180, s2;
	s15 =	simm.s32 $0x80F;
	v14 =	vld [tilespmem:s9+$0x0];
	s9 =	sor.u32 s10, s30;
	[tilespmem:v51+s22+$0x0] =	vst.idx.msk $0xffff, v9;
	v13 =	vor.u32 v34, v13  }
0x164: {  	s17 =	simm.s32 $0x905;
	v9 =	vor.u32 s15, v0;
	s15 =	sor.u32 s10, s0;
	v51 =	vld [tilespmem:s9+$0x0];
	s9 =	sadd.s32 $0x10, s11;
	v50 =	vadd.s32 $0x8000, v36;
	[tilespmem:v52+s22+$0x0] =	vst.idx.msk $0xffff, v13;
	v13 =	vadd.s32 $0x8000, v57  }
0x165: {  	s7 =	sor.u32 s7, s14;
	v56 =	vor.u32 s17, v0;
	v35 =	vld [tilespmem:s15+$0x0];
	s9 =	sor.u32 $0x300, s9;
	v50 =	vand.u32 $0xFFFF0000, v50;
	v13 =	vshrl.u32 v13, $0x10  }
0x166: {  	s7 =	sor.u32 $0x380, s7;
	s17 =	simm.s32 $0x70C;
	v37 =	vadd.s32 $0x8000, v62;
	v36 =	vadd.s32 $0x8000, v63;
	v53 =	vld [tilespmem:s9+$0x0];
	v13 =	vor.u32 v13, v50  }
0x167: {  	s19 =	sor.u32 s26, s19;
	v17 =	vor.u32 s17, v0;
	s17 =	simm.s32 $0x906;
	v39 =	vand.u32 $0xFFFF0000, v37;
	v57 =	vld [tilespmem:s7+$0x0];
	[tilespmem:v45+s22+$0x0] =	vst.idx.msk $0xffff, v13;
	v13 =	vshrl.u32 v36, $0x10  }
0x168: {  	v62 =	vld [tilespmem:s19+$0x0];
	v54 =	vor.u32 s17, v0;
	s17 =	simm.s32 $0xA00;
	v40 =	vadd.s32 $0x8000, v60;
	v13 =	vor.u32 v13, v39  }
0x169: {  	s19 =	sor.u32 $0x2280, s2;
	s11 =	sor.u32 $0x3300, s29;
	v52 =	vor.u32 s17, v0;
	v59 =	vadd.s32 $0x8000, v33;
	v50 =	vshrl.u32 v40, $0x10;
	v32 =	vld [tilespmem:s6+$0x200];
	[tilespmem:v23+s22+$0x0] =	vst.idx.msk $0xffff, v13  }
0x16a: {  	s15 =	simm.s32 $0x4;
	s9 =	sor.u32 s4, s8;
	v33 =	vld [tilespmem:s6+$0x280];
	v34 =	vadd.s32 $0x8000, v35;
	v13 =	vand.u32 $0xFFFF0000, v59;
	v23 =	vadd.s32 $0x8000, v51;
	[smem:$0x7F3] =	sst s11  }
0x16b: {  	s17 =	sor.u32 s4, s18;
	s18 =	simm.s32 $0xB00;
	s8 =	sor.u32 s28, s11;
	v45 =	vand.u32 $0xFFFF0000, v34;
	v13 =	vor.u32 v50, v13;
	v23 =	vshrl.u32 v23, $0x10;
	v35 =	vld [tilespmem:s9+$0x0]  }
0x16c: {  	s7 =	sor.u32 $0x2200, s2;
	s6 =	sor.u32 $0x1000, s24;
	s11 =	simm.s32 $0xA01;
	v36 =	vld [tilespmem:s17+$0x0];
	[tilespmem:v18+s22+$0x0] =	vst.idx.msk $0xffff, v13;
	v13 =	vor.u32 v23, v45;
	v18 =	vadd.s32 $0x8000, v53;
	v23 =	vadd.s32 $0x8000, v57  }
0x16d: {  	s9 =	sand.u32 $0x3, s15;
	v57 =	vor.u32 s18, v0;
	s15 =	simm.s32 $0xA02;
	v50 =	vld [tilespmem:s8+$0x0];
	[tilespmem:v46+s22+$0x0] =	vst.idx.msk $0xffff, v13;
	v13 =	vshrl.u32 v18, $0x10;
	v23 =	vand.u32 $0xFFFF0000, v23;
	s8 =	sor.u32 s10, s7  }
0x16e: {  	v51 =	vor.u32 s11, v0;
	s17 =	sor.u32 s10, s19;
	s18 =	simm.s32 $0x70D;
	v40 =	vor.u32 s15, v0;
	s15 =	sor.u32 s23, s6;
	v37 =	vld [tilespmem:s8+$0x0];
	v13 =	vor.u32 v13, v23  }
0x16f: {  	v59 =	vor.u32 s18, v0;
	s18 =	sor.u32 $0x3380, s29;
	v23 =	vld [tilespmem:s17+$0x0];
	s8 =	sor.u32 $0x1080, s24;
	s17 =	simm.s32 $0xA03;
	[tilespmem:v16+s22+$0x0] =	vst.idx.msk $0xffff, v13;
	v13 =	vadd.s32 $0x8000, v32;
	v16 =	vadd.s32 $0x8000, v33  }
0x170: {  	s9 =	sshll.u32 s9, $0x5;
	v46 =	vor.u32 s17, v0;
	s17 =	sor.u32 s23, s8;
	v32 =	vld [tilespmem:s15+$0x0];
	[smem:$0x7F4] =	sst s18;
	v13 =	vshrl.u32 v13, $0x10;
	v16 =	vand.u32 $0xFFFF0000, v16  }
0x171: {  	s9 =	sadd.s32 $0x400, s9;
	v33 =	vld [tilespmem:s17+$0x0];
	v13 =	vor.u32 v13, v16;
	v16 =	vadd.s32 $0x8000, v35;
	v49 =	vadd.s32 $0x8000, v36  }
0x172: {  	s1 =	sor.u32 s1, s14;
	s9 =	sor.u32 $0x300, s9;
	[tilespmem:v30+s22+$0x0] =	vst.idx.msk $0xffff, v13;
	v13 =	vadd.s32 $0x8000, v14;
	v14 =	vshrl.u32 v16, $0x10;
	v16 =	vand.u32 $0xFFFF0000, v49  }
0x173: {  	s1 =	sor.u32 $0x380, s1;
	v34 =	vld [tilespmem:s9+$0x0];
	v14 =	vor.u32 v14, v16;
	v16 =	vadd.s32 $0x8000, v62;
	v13 =	vshrl.u32 v13, $0x10  }
0x174: {  	v35 =	vld [tilespmem:s1+$0x0];
	s9 =	sor.u32 s4, s5;
	[tilespmem:v22+s22+$0x0] =	vst.idx.msk $0xffff, v14;
	v14 =	vand.u32 $0xFFFF0000, v16;
	v16 =	vadd.s32 $0x8000, v37;
	v22 =	vadd.s32 $0x8000, v23  }
0x175: {  	s11 =	sor.u32 s26, s13;
	s13 =	sor.u32 s4, s20;
	v23 =	vld [tilespmem:s9+$0x0];
	v13 =	vor.u32 v13, v14;
	v14 =	vshrl.u32 v16, $0x10;
	v16 =	vand.u32 $0xFFFF0000, v22  }
0x176: {  	v63 =	vld [tilespmem:s13+$0x0];
	[tilespmem:v20+s22+$0x0] =	vst.idx.msk $0xffff, v13;
	v13 =	vor.u32 v14, v16;
	v16 =	vadd.s32 $0x8000, v32;
	v20 =	vadd.s32 $0x8000, v33  }
0x177: {  	s20 =	sor.u32 $0x2300, s2;
	s18 =	sor.u32 s28, s18;
	[tilespmem:v58+s22+$0x0] =	vst.idx.msk $0xffff, v13;
	v13 =	vshrl.u32 v16, $0x10;
	v16 =	vand.u32 $0xFFFF0000, v20  }
0x178: {  	s15 =	sor.u32 s10, s20;
	v53 =	vld [tilespmem:s18+$0x0];
	s9 =	sor.u32 $0x2380, s2;
	v13 =	vor.u32 v13, v16  }
0x179: {  	s18 =	simm.s32 $0xA05;
	s1 =	sor.u32 $0x1100, s24;
	s13 =	sor.u32 s10, s9;
	v20 =	vld [tilespmem:s15+$0x0];
	[tilespmem:v48+s22+$0x0] =	vst.idx.msk $0xffff, v13;
	v13 =	vadd.s32 $0x8000, v34;
	v34 =	vadd.s32 $0x8000, v35  }
0x17a: {  	v30 =	vor.u32 s18, v0;
	s5 =	sor.u32 $0x1180, s24;
	v16 =	vld [tilespmem:s13+$0x0];
	s15 =	sor.u32 s23, s1;
	v13 =	vshrl.u32 v13, $0x10;
	v48 =	vand.u32 $0xFFFF0000, v34  }
0x17b: {  	s18 =	sor.u32 s23, s5;
	v35 =	vld [tilespmem:s15+$0x0];
	v23 =	vadd.s32 $0x8000, v23;
	v39 =	vadd.s32 $0x8000, v63;
	v13 =	vor.u32 v13, v48  }
0x17c: {  	v36 =	vld [tilespmem:s18+$0x0];
	v23 =	vshrl.u32 v23, $0x10;
	[tilespmem:v25+s22+$0x0] =	vst.idx.msk $0xffff, v13;
	v13 =	vadd.s32 $0x8000, v24;
	v24 =	vand.u32 $0xFFFF0000, v39  }
0x17d: {  	s3 =	sor.u32 s26, s3;
	v33 =	vld [tilespmem:s11+$0x0];
	v23 =	vor.u32 v23, v24  }
0x17e: {  	v32 =	vld [tilespmem:s3+$0x0];
	v13 =	vshrl.u32 v13, $0x10;
	v24 =	vadd.s32 $0x8000, v29;
	[tilespmem:v21+s22+$0x0] =	vst.idx.msk $0xffff, v23  }
0x17f: {  	s6 =	sor.u32 s25, s6;
	v20 =	vadd.s32 $0x8000, v20;
	v16 =	vadd.s32 $0x8000, v16;
	v21 =	vand.u32 $0xFFFF0000, v24;
	v14 =	vld [tilespmem:$0x1FEF0]  }
0x180: {  	s11 =	sor.u32 s25, s8;
	v25 =	vld [tilespmem:s6+$0x0];
	v20 =	vshrl.u32 v20, $0x10;
	v16 =	vand.u32 $0xFFFF0000, v16;
	v13 =	vor.u32 v13, v21  }
0x181: {  	s13 =	sor.u32 s4, s30;
	v29 =	vld [tilespmem:s11+$0x0];
	v16 =	vor.u32 v20, v16;
	v20 =	vadd.s32 $0x8000, v35;
	v21 =	vadd.s32 $0x8000, v36  }
0x182: {  	s0 =	sor.u32 s4, s0;
	s11 =	sor.u32 $0x3000, s2;
	v63 =	vld [tilespmem:s13+$0x0];
	[tilespmem:v47+s22+$0x0] =	vst.idx.msk $0xffff, v16;
	v16 =	vshrl.u32 v20, $0x10;
	v20 =	vand.u32 $0xFFFF0000, v21  }
0x183: {  	s8 =	sor.u32 $0x1200, s24;
	v28 =	vld [tilespmem:s0+$0x0];
	s0 =	sor.u32 s26, s16;
	s16 =	sor.u32 s10, s11;
	v16 =	vor.u32 v16, v20  }
0x184: {  	s6 =	sor.u32 s23, s8;
	v21 =	vld [tilespmem:s16+$0x0];
	s16 =	sor.u32 $0x1280, s24;
	[tilespmem:v56+s22+$0x0] =	vst.idx.msk $0xffff, v16  }
0x185: {  	s14 =	simm.s32 $0x907;
	s17 =	simm.s32 $0xA04;
	s13 =	sor.u32 s23, s16;
	v16 =	vld [tilespmem:s6+$0x0]  }
0x186: {  	v45 =	vor.u32 s17, v0;
	s17 =	simm.s32 $0xA06;
	v37 =	vor.u32 s14, v0;
	s14 =	simm.s32 $0xB01;
	v34 =	vld [tilespmem:s13+$0x0]  }
0x187: {  	v60 =	vor.u32 s14, v0;
	v22 =	vor.u32 s17, v0;
	s14 =	sor.u32 s21, s31;
	s15 =	simm.s32 $0x70E;
	[tilespmem:v14+s22+$0x0] =	vst.idx.msk $0xffff, v13  }
0x188: {  	v23 =	vadd.s32 $0x8000, v33;
	v24 =	vadd.s32 $0x8000, v32;
	v36 =	vor.u32 s15, v0;
	v58 =	vld [tilespmem:s14+$0x0];
	s14 =	sor.u32 $0x3080, s2  }
0x189: {  	v23 =	vshrl.u32 v23, $0x10;
	v24 =	vand.u32 $0xFFFF0000, v24;
	v33 =	vadd.s32 $0x8000, v25;
	s17 =	sor.u32 s10, s14  }
0x18a: {  	v23 =	vor.u32 v23, v24;
	v29 =	vadd.s32 $0x8000, v29;
	v47 =	vshrl.u32 v33, $0x10;
	v20 =	vld [tilespmem:s17+$0x0]  }
0x18b: {  	[tilespmem:v27+s22+$0x0] =	vst.idx.msk $0xffff, v23;
	v29 =	vand.u32 $0xFFFF0000, v29;
	v16 =	vadd.s32 $0x8000, v16;
	v27 =	vadd.s32 $0x8000, v34  }
0x18c: {  	s15 =	simm.s32 $0xA07;
	v35 =	vor.u32 v47, v29;
	v16 =	vshrl.u32 v16, $0x10;
	v27 =	vand.u32 $0xFFFF0000, v27  }
0x18d: {  	s3 =	simm.s32 $0xB0;
	v25 =	vor.u32 s15, v0;
	s15 =	simm.s32 $0x500;
	v28 =	vadd.s32 $0x8000, v28;
	[tilespmem:v61+s22+$0x0] =	vst.idx.msk $0xffff, v35;
	v27 =	vor.u32 v16, v27  }
0x18e: {  	s1 =	sor.u32 s25, s1;
	s28 =	sand.u32 $0x70, s3;
	s29 =	sand.u32 $0xC00, s15;
	v28 =	vand.u32 $0xFFFF0000, v28;
	[tilespmem:v54+s22+$0x0] =	vst.idx.msk $0xffff, v27;
	v27 =	vadd.s32 $0x8000, v63  }
0x18f: {  	v55 =	vld [tilespmem:s1+$0x0];
	v21 =	vadd.s32 $0x8000, v21;
	s1 =	sor.u32 s28, s29;
	v27 =	vshrl.u32 v27, $0x10;
	v20 =	vadd.s32 $0x8000, v20  }
0x190: {  	s18 =	simm.s32 $0x908;
	v21 =	vshrl.u32 v21, $0x10;
	v26 =	vld [tilespmem:s1+$0x0];
	v27 =	vor.u32 v27, v28;
	v20 =	vand.u32 $0xFFFF0000, v20  }
0x191: {  	v48 =	vor.u32 s18, v0;
	s18 =	simm.s32 $0xB02;
	v18 =	vld [tilespmem:s1+$0x80];
	[tilespmem:v38+s22+$0x0] =	vst.idx.msk $0xffff, v27;
	v20 =	vor.u32 v21, v20  }
0x192: {  	s30 =	simm.s32 $0xA0;
	v39 =	vor.u32 s18, v0;
	s18 =	simm.s32 $0xA0A;
	[tilespmem:v17+s22+$0x0] =	vst.idx.msk $0xffff, v20  }
0x193: {  	s6 =	simm.s32 $0x70F;
	s13 =	sor.u32 $0x3100, s2;
	s17 =	simm.s32 $0xA08;
	v14 =	vld [tilespmem:$0x1FF00]  }
0x194: {  	v62 =	vld [tilespmem:s0+$0x0];
	v29 =	vor.u32 s18, v0;
	v47 =	vor.u32 s6, v0;
	s18 =	simm.s32 $0xB03;
	s6 =	sor.u32 s25, s5;
	v24 =	vor.u32 s17, v0;
	s17 =	simm.s32 $0xA09  }
0x195: {  	s5 =	sor.u32 s10, s13;
	v56 =	vor.u32 s18, v0;
	s18 =	sor.u32 $0x3180, s2;
	v35 =	vld [tilespmem:s6+$0x0];
	v23 =	vor.u32 s17, v0;
	s17 =	simm.s32 $0x909;
	v26 =	vadd.s32 $0x8000, v26  }
0x196: {  	s0 =	sor.u32 s10, s18;
	s6 =	simm.s32 $0xA0C;
	v18 =	vadd.s32 $0x8000, v18;
	v61 =	vor.u32 s17, v0;
	s17 =	simm.s32 $0xA0B;
	v26 =	vshrl.u32 v26, $0x10;
	v19 =	vld [tilespmem:s5+$0x0]  }
0x197: {  	s30 =	sand.u32 $0x60, s30;
	v18 =	vand.u32 $0xFFFF0000, v18;
	v21 =	vor.u32 s17, v0;
	s17 =	simm.s32 $0xA0D;
	v20 =	vor.u32 s6, v0;
	s6 =	sor.u32 $0x1300, s24;
	v13 =	vld [tilespmem:s0+$0x0]  }
0x198: {  	v28 =	vor.u32 v26, v18;
	v17 =	vor.u32 s17, v0;
	s17 =	simm.s32 $0x90A;
	s5 =	simm.s32 $0xA0E;
	s0 =	sor.u32 s23, s6;
	v26 =	vadd.s32 $0x8000, v14;
	v14 =	vld [tilespmem:$0x1FF10]  }
0x199: {  	v49 =	vor.u32 s17, v0;
	s17 =	sor.u32 $0x1380, s24;
	v16 =	vor.u32 s5, v0;
	s5 =	simm.s32 $0xB04;
	v63 =	vld [tilespmem:s0+$0x0];
	s0 =	sor.u32 s30, s29  }
0x19a: {  	v54 =	vor.u32 s5, v0;
	s5 =	sor.u32 s23, s17;
	v31 =	vld [tilespmem:s0+$0x0]  }
0x19b: {  	v32 =	vld [tilespmem:s5+$0x0]  }
0x19c: {  	v38 =	vld [tilespmem:s0+$0x80];
	v19 =	vadd.s32 $0x8000, v19  }
0x19d: {  	s7 =	sor.u32 s4, s7;
	v13 =	vadd.s32 $0x8000, v13;
	v26 =	vshrl.u32 v26, $0x10;
	v27 =	vadd.s32 $0x8000, v14  }
0x19e: {  	v34 =	vld [tilespmem:s7+$0x0];
	s7 =	sor.u32 s4, s19;
	s19 =	simm.s32 $0x90B;
	v13 =	vand.u32 $0xFFFF0000, v13;
	v14 =	vshrl.u32 v19, $0x10;
	v18 =	vand.u32 $0xFFFF0000, v27  }
0x19f: {  	s12 =	sor.u32 s26, s12;
	v33 =	vld [tilespmem:s7+$0x0];
	v27 =	vor.u32 s19, v0;
	v13 =	vor.u32 v14, v13;
	v14 =	vadd.s32 $0x8000, v31  }
0x1a0: {  	[tilespmem:v57+s22+$0x0] =	vst.idx.msk $0xffff, v28;
	v19 =	vld [tilespmem:s12+$0x0];
	s12 =	sor.u32 $0x3200, s2;
	v57 =	vor.u32 v26, v18;
	v18 =	vadd.s32 $0x8000, v63;
	v26 =	vadd.s32 $0x8000, v32  }
0x1a1: {  	v28 =	vld [tilespmem:s1+$0x100];
	s19 =	sor.u32 $0x3280, s2;
	s7 =	sor.u32 s10, s12;
	[tilespmem:v59+s22+$0x0] =	vst.idx.msk $0xffff, v13;
	v13 =	vadd.s32 $0x8000, v38;
	v18 =	vshrl.u32 v18, $0x10;
	v26 =	vand.u32 $0xFFFF0000, v26  }
0x1a2: {  	v14 =	vshrl.u32 v14, $0x10;
	s5 =	sor.u32 s10, s19;
	v63 =	vld [tilespmem:s7+$0x0];
	v13 =	vand.u32 $0xFFFF0000, v13;
	s7 =	sor.u32 $0x2000, s24;
	v18 =	vor.u32 v18, v26  }
0x1a3: {  	v26 =	vld [tilespmem:s5+$0x0];
	v13 =	vor.u32 v14, v13;
	v14 =	vadd.s32 $0x8000, v55;
	s5 =	sor.u32 s23, s7;
	[tilespmem:v37+s22+$0x0] =	vst.idx.msk $0xffff, v18;
	v18 =	vadd.s32 $0x8000, v35  }
0x1a4: {  	[tilespmem:v52+s22+$0x0] =	vst.idx.msk $0xffff, v13;
	v13 =	vshrl.u32 v14, $0x10;
	v35 =	vld [tilespmem:s5+$0x0];
	v14 =	vand.u32 $0xFFFF0000, v18;
	s5 =	sor.u32 $0x2080, s24  }
0x1a5: {  	v31 =	vld [tilespmem:s1+$0x180];
	v13 =	vor.u32 v13, v14;
	s31 =	sor.u32 s23, s5  }
0x1a6: {  	v37 =	vld [tilespmem:s31+$0x0];
	s31 =	sld [smem:$0x7EB];
	[tilespmem:v44+s22+$0x0] =	vst.idx.msk $0xffff, v13  }
0x1a7: {  	v44 =	vld [tilespmem:$0x1FF30];
	_ =	sdelay $0x2  }
0x1a8: {  	v28 =	vadd.s32 $0x8000, v28  }
0x1a9: {  	v28 =	vshrl.u32 v28, $0x10;
	v31 =	vadd.s32 $0x8000, v31  }
0x1aa: {  	v18 =	vadd.s32 $0x8000, v34;
	v14 =	vadd.s32 $0x8000, v33;
	v31 =	vand.u32 $0xFFFF0000, v31  }
0x1ab: {  	v18 =	vshrl.u32 v18, $0x10;
	v14 =	vand.u32 $0xFFFF0000, v14;
	v13 =	vor.u32 v28, v31  }
0x1ac: {  	v55 =	vld [tilespmem:s0+$0x180];
	v28 =	vadd.s32 $0x8000, v63;
	v18 =	vor.u32 v18, v14;
	v26 =	vadd.s32 $0x8000, v26  }
0x1ad: {  	v59 =	vld [tilespmem:$0x1FF20];
	v28 =	vshrl.u32 v28, $0x10;
	v26 =	vand.u32 $0xFFFF0000, v26;
	[tilespmem:v44+s22+$0x0] =	vst.idx.msk $0xffff, v18  }
0x1ae: {  	v18 =	vor.u32 v28, v26;
	v26 =	vld [tilespmem:$0x1FF40]  }
0x1af: {  	v52 =	vld [tilespmem:s0+$0x100];
	_ =	sdelay $0x2  }
0x1b0: {  	s8 =	sor.u32 s25, s8  }
0x1b1: {  	v31 =	vld [tilespmem:s8+$0x0];
	v63 =	vadd.s32 $0x8000, v55;
	[tilespmem:v60+s22+$0x0] =	vst.idx.msk $0xffff, v13;
	v26 =	vadd.s32 $0x8000, v26  }
0x1b2: {  	v32 =	vadd.s32 $0x8000, v59;
	v59 =	vld [tilespmem:s1+$0x200];
	v13 =	vand.u32 $0xFFFF0000, v26;
	v26 =	vadd.s32 $0x8000, v52  }
0x1b3: {  	s16 =	sor.u32 s25, s16;
	v28 =	vshrl.u32 v32, $0x10;
	[tilespmem:v36+s22+$0x0] =	vst.idx.msk $0xffff, v18;
	v18 =	vand.u32 $0xFFFF0000, v63;
	v60 =	vld [tilespmem:s1+$0x280];
	v26 =	vshrl.u32 v26, $0x10  }
0x1b4: {  	v38 =	vld [tilespmem:s16+$0x0];
	v33 =	vor.u32 v28, v13;
	v13 =	vor.u32 v26, v18  }
0x1b5: {  	[tilespmem:v51+s22+$0x0] =	vst.idx.msk $0xffff, v13  }
0x1b6: {  	s31 =	sor.u32 s21, s31;
	v13 =	vld [tilespmem:$0x1FF50]  }
0x1b7: {  	s20 =	sor.u32 s4, s20;
	v14 =	vld [tilespmem:s31+$0x0];
	v55 =	vadd.s32 $0x8000, v37;
	v52 =	vadd.s32 $0x8000, v35  }
0x1b8: {  	s8 =	sor.u32 s4, s9;
	v32 =	vld [tilespmem:s20+$0x0];
	s20 =	sor.u32 $0x3300, s2;
	v35 =	vand.u32 $0xFFFF0000, v55;
	v37 =	vadd.s32 $0x8000, v59;
	v55 =	vadd.s32 $0x8000, v60  }
0x1b9: {  	s9 =	sor.u32 s10, s20;
	v34 =	vshrl.u32 v52, $0x10;
	v52 =	vld [tilespmem:s8+$0x0];
	v28 =	vadd.s32 $0x8000, v31;
	v31 =	vadd.s32 $0x8000, v38  }
0x1ba: {  	v37 =	vshrl.u32 v37, $0x10;
	v38 =	vand.u32 $0xFFFF0000, v55;
	v18 =	vor.u32 v34, v35;
	v26 =	vld [tilespmem:s9+$0x0]  }
0x1bb: {  	s9 =	simm.s32 $0xA;
	v37 =	vor.u32 v37, v38;
	v51 =	vld [tilespmem:s0+$0x280];
	[tilespmem:v48+s22+$0x0] =	vst.idx.msk $0xffff, v18;
	v13 =	vadd.s32 $0x8000, v13  }
0x1bc: {  	v63 =	vshrl.u32 v13, $0x10;
	v13 =	vshrl.u32 v28, $0x10;
	v28 =	vand.u32 $0xFFFF0000, v31;
	v31 =	vld [tilespmem:s0+$0x200];
	[dreg:$0x9] =	wrdreg s9  }
0x1bd: {  	v13 =	vor.u32 v13, v28;
	[tilespmem:v39+s22+$0x0] =	vst.idx.msk $0xffff, v37  }
0x1be: {  	[tilespmem:v42+s22+$0x0] =	vst.idx.msk $0xffff, v13  }
0x1bf: {  	s16 =	simm.s32 $0xA;
	s8 =	sor.u32 $0x2100, s24;
	v37 =	vld [tilespmem:$0x1FF60]  }
0x1c0: {  	s1 =	sand.u32 $0x7, s16;
	s16 =	sor.u32 s23, s8;
	s0 =	sor.u32 $0x2180, s24  }
0x1c1: {  	s1 =	sshll.u32 s1, $0x4;
	v28 =	vld [tilespmem:s16+$0x0];
	s16 =	sor.u32 s23, s0  }
0x1c2: {  	v53 =	vadd.s32 $0x8000, v53;
	s6 =	sor.u32 s25, s6;
	s1 =	sadd.s32 $0x500, s1;
	v59 =	vld [tilespmem:s16+$0x0]  }
0x1c3: {  	v36 =	vand.u32 $0xFFFF0000, v53;
	s1 =	sadd.s32 $0x10, s1;
	v18 =	vadd.s32 $0x8000, v50;
	s16 =	sor.u32 s25, s17;
	v42 =	vld [tilespmem:s6+$0x0]  }
0x1c4: {  	s3 =	sor.u32 s3, s15;
	s1 =	sor.u32 $0x300, s1;
	v18 =	vshrl.u32 v18, $0x10;
	v35 =	vadd.s32 $0x8000, v51;
	v13 =	vadd.s32 $0x8000, v43;
	v38 =	vld [tilespmem:s16+$0x0];
	s6 =	simm.s32 $0x5  }
0x1c5: {  	v55 =	vand.u32 $0xFFFF0000, v35;
	v39 =	vld [tilespmem:s1+$0x0];
	s1 =	sor.u32 $0x3380, s2;
	s2 =	sor.u32 $0x380, s3;
	v43 =	vand.u32 $0xFFFF0000, v13;
	[dreg:$0xb] =	wrdreg s6;
	v31 =	vadd.s32 $0x8000, v31  }
0x1c6: {  	v13 =	vor.u32 v18, v36;
	v18 =	vor.u32 v63, v43;
	v53 =	vld [tilespmem:s2+$0x0];
	v31 =	vshrl.u32 v31, $0x10  }
0x1c7: {  	v28 =	vadd.s32 $0x8000, v28;
	[tilespmem:v37+s22+$0x0] =	vst.idx.msk $0xffff, v18;
	v18 =	vor.u32 v31, v55;
	v31 =	vadd.s32 $0x8000, v59  }
0x1c8: {  	s10 =	sor.u32 s10, s1;
	v28 =	vshrl.u32 v28, $0x10;
	v31 =	vand.u32 $0xFFFF0000, v31  }
0x1c9: {  	s9 =	simm.s32 $0x5;
	v35 =	vld [tilespmem:s10+$0x0];
	v38 =	vadd.s32 $0x8000, v38;
	v59 =	vadd.s32 $0x8000, v42;
	s10 =	sld [smem:$0x7EC];
	v28 =	vor.u32 v28, v31  }
0x1ca: {  	s9 =	sand.u32 $0x3, s9;
	v63 =	vadd.s32 $0x8000, v62;
	v38 =	vand.u32 $0xFFFF0000, v38;
	s3 =	sld [smem:$0x7ED];
	[tilespmem:v61+s22+$0x0] =	vst.idx.msk $0xffff, v28;
	v28 =	vshrl.u32 v59, $0x10  }
0x1cb: {  	s6 =	sshll.u32 s9, $0x5;
	v39 =	vadd.s32 $0x8000, v39;
	[tilespmem:v40+s22+$0x0] =	vst.idx.msk $0xffff, v18;
	v61 =	vadd.s32 $0x8000, v53;
	v28 =	vor.u32 v28, v38  }
0x1cc: {  	s6 =	sadd.s32 $0x500, s6;
	v18 =	vshrl.u32 v63, $0x10;
	v63 =	vand.u32 $0xFFFF0000, v61;
	[tilespmem:v41+s22+$0x0] =	vst.idx.msk $0xffff, v28;
	v28 =	vshrl.u32 v39, $0x10  }
0x1cd: {  	s6 =	sor.u32 $0x300, s6;
	v28 =	vor.u32 v28, v63  }
0x1ce: {  	v60 =	vadd.s32 $0x8000, v58;
	s9 =	simm.s32 $0xA0;
	v58 =	vld [tilespmem:s6+$0x0];
	[tilespmem:v56+s22+$0x0] =	vst.idx.msk $0xffff, v28  }
0x1cf: {  	s2 =	sor.u32 s10, s3;
	s3 =	sor.u32 s9, s15;
	v56 =	vld [tilespmem:$0x1FF70]  }
0x1d0: {  	v37 =	vld [tilespmem:s2+$0x0];
	s15 =	sor.u32 $0x380, s3  }
0x1d1: {  	s2 =	sor.u32 $0x2200, s24;
	v31 =	vld [tilespmem:s15+$0x0]  }
0x1d2: {  	s6 =	sor.u32 $0x2280, s24;
	s3 =	sor.u32 s23, s2  }
0x1d3: {  	v19 =	vadd.s32 $0x8000, v19;
	v36 =	vshrl.u32 v60, $0x10;
	s15 =	sor.u32 s23, s6;
	v60 =	vld [tilespmem:s3+$0x0]  }
0x1d4: {  	v19 =	vand.u32 $0xFFFF0000, v19;
	v32 =	vadd.s32 $0x8000, v32;
	v48 =	vadd.s32 $0x8000, v52;
	v62 =	vld [tilespmem:s15+$0x0]  }
0x1d5: {  	v26 =	vadd.s32 $0x8000, v26;
	v51 =	vand.u32 $0xFFFF0000, v48;
	v28 =	vshrl.u32 v32, $0x10  }
0x1d6: {  	v53 =	vadd.s32 $0x8000, v58;
	v28 =	vor.u32 v28, v51;
	v31 =	vadd.s32 $0x8000, v31  }
0x1d7: {  	v32 =	vshrl.u32 v53, $0x10;
	v31 =	vand.u32 $0xFFFF0000, v31;
	[tilespmem:v56+s22+$0x0] =	vst.idx.msk $0xffff, v28;
	v28 =	vadd.s32 $0x8000, v35  }
0x1d8: {  	v26 =	vshrl.u32 v26, $0x10;
	v31 =	vor.u32 v32, v31;
	v28 =	vand.u32 $0xFFFF0000, v28  }
0x1d9: {  	s7 =	sor.u32 s25, s7;
	[tilespmem:v46+s22+$0x0] =	vst.idx.msk $0xffff, v31;
	v31 =	vadd.s32 $0x8000, v62;
	v26 =	vor.u32 v26, v28;
	v28 =	vadd.s32 $0x8000, v60  }
0x1da: {  	s5 =	sor.u32 s25, s5;
	v18 =	vor.u32 v18, v19;
	v41 =	vld [tilespmem:s7+$0x0];
	s7 =	sor.u32 $0x1000, s29;
	v19 =	vshrl.u32 v28, $0x10;
	v28 =	vand.u32 $0xFFFF0000, v31  }
0x1db: {  	v50 =	vld [tilespmem:s5+$0x0];
	s3 =	sor.u32 s28, s7;
	v19 =	vor.u32 v19, v28  }
0x1dc: {  	v52 =	vld [tilespmem:s3+$0x0];
	s3 =	sor.u32 s4, s11;
	s11 =	sor.u32 s4, s14;
	s14 =	sld [smem:$0x7EE];
	[tilespmem:v49+s22+$0x0] =	vst.idx.msk $0xffff, v19  }
0x1dd: {  	s5 =	sor.u32 $0x1080, s29;
	v48 =	vld [tilespmem:$0x1FF80]  }
0x1de: {  	s15 =	sor.u32 s28, s5  }
0x1df: {  	v55 =	vld [tilespmem:s15+$0x0]  }
0x1e0: {  	v59 =	vld [tilespmem:s11+$0x0];
	s11 =	sld [smem:$0x7F0]  }
0x1e1: {  	s7 =	sor.u32 s30, s7;
	v58 =	vld [tilespmem:s3+$0x0]  }
0x1e2: {  	s5 =	sor.u32 s30, s5;
	v61 =	vadd.s32 $0x8000, v41;
	v39 =	vadd.s32 $0x8000, v50;
	v60 =	vld [tilespmem:s7+$0x0]  }
0x1e3: {  	v39 =	vand.u32 $0xFFFF0000, v39;
	v31 =	vld [tilespmem:s5+$0x0];
	s7 =	sor.u32 s10, s14;
	v19 =	vshrl.u32 v61, $0x10;
	s10 =	sor.u32 s21, s11  }
0x1e4: {  	v28 =	vld [tilespmem:s7+$0x0];
	v19 =	vor.u32 v19, v39;
	[dreg:$0x5] =	wrdreg s10  }
0x1e5: {  	s3 =	sld [smem:$0x7EF];
	[tilespmem:v48+s22+$0x0] =	vst.idx.msk $0xffff, v19  }
0x1e6: {  	v42 =	vld [tilespmem:$0x1FF90];
	_ =	sdelay $0x2  }
0x1e7: {  	s31 =	sor.u32 s21, s3;
	s21 =	sld [smem:$0x7F2]  }
0x1e8: {  	s9 =	sor.u32 $0x2300, s24  }
0x1e9: {  	s15 =	sor.u32 s23, s9;
	s5 =	sor.u32 $0x2380, s24  }
0x1ea: {  	s14 =	sor.u32 s23, s5;
	v62 =	vld [tilespmem:s15+$0x0];
	s3 =	sor.u32 s26, s21  }
0x1eb: {  	v46 =	vld [tilespmem:s14+$0x0];
	[dreg:$0xf] =	wrdreg s3  }
0x1ec: {  	s8 =	sor.u32 s25, s8;
	s15 =	sld [smem:$0x7F1];
	[tilespmem:v42+s22+$0x0] =	vst.idx.msk $0xffff, v57  }
0x1ed: {  	v49 =	vld [tilespmem:s8+$0x0];
	s8 =	sld [smem:$0x7F3];
	_ =	sdelay $0x1  }
0x1ee: {  	v63 =	vadd.s32 $0x8000, v52;
	v34 =	vadd.s32 $0x8000, v55  }
0x1ef: {  	v34 =	vand.u32 $0xFFFF0000, v34;
	v19 =	vshrl.u32 v63, $0x10;
	s3 =	sor.u32 s26, s8  }
0x1f0: {  	v19 =	vor.u32 v19, v34;
	[dreg:$0x8] =	wrdreg s3  }
0x1f1: {  	s10 =	sld [smem:$0x7F4];
	[tilespmem:v54+s22+$0x0] =	vst.idx.msk $0xffff, v19  }
0x1f2: {  	v42 =	vld [tilespmem:$0x1FFA0];
	_ =	sdelay $0x7  }
0x1f3: {  	[tilespmem:v42+s22+$0x0] =	vst.idx.msk $0xffff, v18  }
0x1f4: {  	v56 =	vld [tilespmem:$0x1FFB0];
	_ =	sdelay $0x1  }
0x1f5: {  	s19 =	sor.u32 s4, s19;
	v14 =	vadd.s32 $0x8000, v14;
	s0 =	sor.u32 s25, s0;
	v35 =	vadd.s32 $0x8000, v58  }
0x1f6: {  	v14 =	vand.u32 $0xFFFF0000, v14;
	s17 =	smov.u32 s25;
	s2 =	sor.u32 s25, s2;
	v50 =	vshrl.u32 v35, $0x10;
	s8 =	sor.u32 $0x1100, s29  }
0x1f7: {  	s6 =	sor.u32 s25, s6;
	v52 =	vadd.s32 $0x8000, v60;
	v31 =	vadd.s32 $0x8000, v31;
	s11 =	sor.u32 s28, s8;
	v51 =	vld [tilespmem:s0+$0x0];
	v19 =	vadd.s32 $0x8000, v59;
	s0 =	sor.u32 $0x1180, s29  }
0x1f8: {  	v31 =	vand.u32 $0xFFFF0000, v31;
	s7 =	sor.u32 s26, s15;
	s15 =	sor.u32 s4, s18;
	v53 =	vld [tilespmem:s11+$0x0];
	s18 =	sor.u32 s28, s0;
	v18 =	vand.u32 $0xFFFF0000, v19;
	v19 =	vshrl.u32 v52, $0x10  }
0x1f9: {  	v36 =	vor.u32 v36, v14;
	s25 =	sor.u32 s25, s9;
	s9 =	simm.s32 $0x8000;
	v54 =	vld [tilespmem:s18+$0x0];
	v14 =	vor.u32 v50, v18;
	[dreg:$0x7] =	wrdreg s19;
	v18 =	vor.u32 v19, v31  }
0x1fa: {  	[tilespmem:v45+s9+$0x0] =	vst.idx.msk $0xffff, v18  }
0x1fb: {  	[tilespmem:v56+s22+$0x0] =	vst.idx.msk $0xffff, v14  }
0x1fc: {  	v39 =	vld [tilespmem:$0x1FFC0];
	_ =	sdelay $0x6  }
0x1fd: {  	v19 =	vadd.s32 $0x8000, v62;
	v31 =	vadd.s32 $0x8000, v46  }
0x1fe: {  	s14 =	sor.u32 s4, s13;
	v55 =	vld [tilespmem:s7+$0x0];
	v19 =	vshrl.u32 v19, $0x10;
	v31 =	vand.u32 $0xFFFF0000, v31;
	s7 =	sor.u32 s17, s5;
	[tilespmem:v39+s9+$0x0] =	vst.idx.msk $0xffff, v33  }
0x1ff: {  	v19 =	vor.u32 v19, v31;
	v18 =	vld [tilespmem:s14+$0x0];
	[dreg:$0x12] =	wrdreg s7  }
0x200: {  	[tilespmem:v27+s9+$0x0] =	vst.idx.msk $0xffff, v19  }
0x201: {  	v19 =	vld [tilespmem:$0x1FFD0];
	_ =	sdelay $0x7  }
0x202: {  	[tilespmem:v19+s9+$0x0] =	vst.idx.msk $0xffff, v13  }
0x203: {  	v19 =	vadd.s32 $0x8000, v28;
	v28 =	vld [tilespmem:$0x1FFE0]  }
0x204: {  	s21 =	sor.u32 s26, s10;
	s26 =	simm.s32 $0xB05  }
0x205: {  	v58 =	vor.u32 s26, v0;
	_ =	sdelay $0x1  }
0x206: {  	v35 =	vadd.s32 $0x8000, v51;
	v38 =	vadd.s32 $0x8000, v53;
	v13 =	vadd.s32 $0x8000, v54  }
0x207: {  	v61 =	vshrl.u32 v38, $0x10;
	v14 =	vadd.s32 $0x8000, v49;
	v13 =	vand.u32 $0xFFFF0000, v13  }
0x208: {  	v35 =	vand.u32 $0xFFFF0000, v35;
	v14 =	vshrl.u32 v14, $0x10;
	[tilespmem:v47+s9+$0x0] =	vst.idx.msk $0xffff, v26;
	v62 =	vor.u32 v61, v13  }
0x209: {  	v60 =	vor.u32 v14, v35;
	[tilespmem:v58+s9+$0x0] =	vst.idx.msk $0xffff, v62  }
0x20a: {  	v26 =	vadd.s32 $0x8000, v55;
	[tilespmem:v28+s9+$0x0] =	vst.idx.msk $0xffff, v60  }
0x20b: {  	s16 =	simm.s32 $0xB0;
	v13 =	vshrl.u32 v26, $0x10;
	v26 =	vld [tilespmem:$0x1FFF0]  }
0x20c: {  	s13 =	sor.u32 s4, s12;
	s12 =	sor.u32 s4, s20;
	s22 =	sor.u32 s30, s8  }
0x20d: {  	s20 =	sor.u32 $0x1200, s29;
	s0 =	sor.u32 s30, s0;
	s8 =	sor.u32 $0x3000, s24;
	v57 =	vld [tilespmem:s22+$0x0]  }
0x20e: {  	s10 =	sor.u32 $0x3080, s24;
	s26 =	simm.s32 $0x90F;
	s11 =	sor.u32 s23, s8;
	v59 =	vld [tilespmem:s0+$0x0]  }
0x20f: {  	s18 =	sor.u32 s4, s1;
	s1 =	sor.u32 s30, s20;
	s19 =	sor.u32 s23, s10;
	v31 =	vld [tilespmem:s11+$0x0]  }
0x210: {  	s4 =	simm.s32 $0xA;
	s14 =	simm.s32 $0x90C;
	s22 =	sor.u32 s28, s20;
	v14 =	vld [tilespmem:s19+$0x0]  }
0x211: {  	s5 =	simm.s32 $0xB0F;
	s8 =	sor.u32 s17, s8;
	v18 =	vadd.s32 $0x8000, v18;
	v27 =	vor.u32 s14, v0;
	s14 =	simm.s32 $0xA0F;
	v33 =	vld [tilespmem:s22+$0x0]  }
0x212: {  	v37 =	vadd.s32 $0x8000, v37;
	v18 =	vshrl.u32 v18, $0x10;
	s0 =	sor.u32 $0x1280, s29;
	s20 =	simm.s32 $0x610;
	s11 =	sor.u32 s17, s10;
	v63 =	vadd.s32 $0x8000, v57;
	v28 =	vld [tilespmem:s2+$0x0]  }
0x213: {  	s19 =	simm.s32 $0x500;
	s10 =	simm.s32 $0xB0F;
	v35 =	vadd.s32 $0x8000, v59;
	v34 =	vshrl.u32 v63, $0x10;
	v32 =	vld [tilespmem:s6+$0x0];
	s2 =	sor.u32 s28, s0;
	[tilespmem:v26+s9+$0x0] =	vst.idx.msk $0xffff, v36;
	v26 =	vshrl.u32 v37, $0x10  }
.LBB2_4:
0x214: {  	[smem:$0x7DE] =	sst s25  }
0x215: {  	[smem:$0x7E2] =	sst s18  }
0x216: {  	[smem:$0x7E0] =	sst s12  }
0x217: {  	[smem:$0x7E1] =	sst s21  }
0x218: {  	[dreg:$0x1f] =	wrdreg s31  }
0x219: {  	[dreg:$0x1a] =	wrdreg s8  }
0x21a: {  	[dreg:$0x19] =	wrdreg s11  }
0x21b: {  	[dreg:$0x13] =	wrdreg s13;
	s7 =	sadd.s32 $0xFFFFFFF0, s20;
	v35 =	vand.u32 $0xFFFF0000, v35;
	s13 =	sor.u32 s30, s0  }
0x21c: {  	v37 =	vld [tilespmem:s2+$0x0];
	s25 =	sadd.s32 $0x20, s16;
	v19 =	vand.u32 $0xFFFF0000, v19;
	s21 =	sadd.s32 $0xFFFFFFF7, s5;
	s22 =	rddreg [dreg:$0xf];
	v34 =	vor.u32 v34, v35  }
0x21d: {  	s3 =	sor.u32 $0x3100, s24;
	s31 =	sand.u32 $0x70, s25;
	v36 =	vor.u32 s14, v0;
	s14 =	sand.u32 $0xC00, s7;
	v55 =	vld [tilespmem:s15+$0x0];
	[tilespmem:v30+s9+$0x0] =	vst.idx.msk $0xffff, v34;
	v31 =	vadd.s32 $0x8000, v31;
	v14 =	vadd.s32 $0x8000, v14  }
0x21e: {  	s5 =	sadd.s32 $0x200, s5;
	s6 =	sadd.s32 $0xFFFFFFF0, s25;
	v38 =	vor.u32 s21, v0;
	s11 =	sor.u32 s31, s14;
	v30 =	vshrl.u32 v31, $0x10;
	v31 =	vand.u32 $0xFFFF0000, v14;
	v14 =	vld [tilespmem:s22+$0x0]  }
0x21f: {  	s0 =	smov.u32 s23;
	s12 =	sor.u32 s23, s3;
	s18 =	sand.u32 $0x60, s6;
	v28 =	vadd.s32 $0x8000, v28;
	v56 =	vld [tilespmem:s11+$0x0];
	v32 =	vadd.s32 $0x8000, v32;
	v30 =	vor.u32 v30, v31  }
0x220: {  	v19 =	vor.u32 v26, v19;
	s16 =	sor.u32 s17, s3;
	s15 =	sor.u32 $0x3180, s24;
	[smem:$0x7DF] =	sst s18;
	v39 =	vld [tilespmem:s11+$0x80];
	v28 =	vshrl.u32 v28, $0x10;
	v31 =	vand.u32 $0xFFFF0000, v32;
	[tilespmem:v27+s9+$0x0] =	vst.idx.msk $0xffff, v30  }
0x221: {  	s2 =	sor.u32 s18, s14;
	s18 =	sor.u32 s23, s15;
	s23 =	simm.s32 $0x8000;
	[tilespmem:v1+s9+$0x0] =	vst.idx.msk $0xffff, v19;
	v28 =	vor.u32 v28, v31;
	v30 =	vld [tilespmem:s12+$0x0]  }
0x222: {  	s21 =	sadd.s32 $0xFFFFFEF1, s5;
	s3 =	smov.u32 s10;
	s10 =	sor.u32 $0x1300, s29;
	v26 =	vadd.s32 $0x8000, v33;
	v27 =	vadd.s32 $0x8000, v37;
	[tilespmem:v15+s23+$0x0] =	vst.idx.msk $0xffff, v28;
	v57 =	vld [tilespmem:s18+$0x0]  }
0x223: {  	s6 =	sor.u32 s6, s7;
	[dreg:$0x14] =	wrdreg s16;
	v19 =	vshrl.u32 v26, $0x10;
	s12 =	sadd.s32 $0xFFFFFFF1, s5;
	v26 =	vand.u32 $0xFFFF0000, v27;
	v58 =	vld [tilespmem:s2+$0x0]  }
0x224: {  	v59 =	vor.u32 s21, v0;
	s16 =	sadd.s32 $0xFFFFFEF3, s5;
	s21 =	sadd.s32 $0xFFFFFFFE, s26;
	s6 =	sor.u32 $0x380, s6;
	v60 =	vor.u32 s12, v0;
	v19 =	vor.u32 v19, v26;
	v61 =	vld [tilespmem:s2+$0x80]  }
0x225: {  	v63 =	vor.u32 s21, v0;
	[smem:$0x7E3] =	sst s6;
	s6 =	sor.u32 $0x1380, s29;
	s18 =	sor.u32 s28, s10;
	v45 =	vld [tilespmem:s13+$0x0];
	[tilespmem:v38+s23+$0x0] =	vst.idx.msk $0xffff, v19  }
0x226: {  	s22 =	sadd.s32 $0xFFFFFEF2, s5;
	v31 =	vor.u32 s16, v0;
	v15 =	vmovc v29;
	s13 =	sadd.s32 $0xFFFFFEFD, s5;
	v19 =	vadd.s32 $0x8000, v56;
	v29 =	vadd.s32 $0x8000, v39;
	v62 =	vld [tilespmem:s18+$0x0];
	s18 =	sor.u32 s28, s6  }
0x227: {  	s8 =	sadd.s32 $0xFFFFFEF4, s5;
	v28 =	vor.u32 s22, v0;
	[smem:$0x7E5] =	sst s13;
	s13 =	sor.u32 s17, s15;
	v19 =	vshrl.u32 v19, $0x10;
	v29 =	vand.u32 $0xFFFF0000, v29;
	v44 =	vld [tilespmem:s18+$0x0]  }
0x228: {  	s21 =	sadd.s32 $0xFFFFFEF7, s5;
	[smem:$0x7E4] =	sst s13;
	v19 =	vor.u32 v19, v29;
	v29 =	vld [tilespmem:s1+$0x0];
	s1 =	sadd.s32 $0xFFFFFEFC, s5;
	v30 =	vadd.s32 $0x8000, v30;
	v32 =	vadd.s32 $0x8000, v57  }
0x229: {  	s15 =	sadd.s32 $0xFFFFFEFE, s5;
	[smem:$0x7E6] =	sst s1;
	s1 =	sadd.s32 $0xFFFFFFF8, s3;
	v33 =	vadd.s32 $0x8000, v58;
	[tilespmem:v60+s23+$0x0] =	vst.idx.msk $0xffff, v19;
	v19 =	vshrl.u32 v30, $0x10;
	v30 =	vand.u32 $0xFFFF0000, v32  }
0x22a: {  	s22 =	sadd.s32 $0xFFFFFEF5, s5;
	[smem:$0x7E7] =	sst s15;
	v46 =	vadd.s32 $0x8000, v61;
	v48 =	vor.u32 s1, v0;
	s1 =	sor.u32 $0x3200, s24;
	v30 =	vor.u32 v19, v30  }
0x22b: {  	s13 =	sor.u32 $0x3280, s24;
	v47 =	vld [tilespmem:s11+$0x100];
	v33 =	vshrl.u32 v33, $0x10;
	v32 =	vand.u32 $0xFFFF0000, v46;
	v19 =	vor.u32 s22, v0;
	s15 =	sor.u32 s0, s1;
	s1 =	sor.u32 s17, s1  }
0x22c: {  	s16 =	sadd.s32 $0xFFFFFEF6, s5;
	v41 =	vld [tilespmem:s11+$0x180];
	s22 =	sor.u32 s17, s13;
	[tilespmem:v63+s23+$0x0] =	vst.idx.msk $0xffff, v30;
	v30 =	vor.u32 v33, v32;
	v49 =	vadd.s32 $0x8000, v62;
	[dreg:$0x1b] =	wrdreg s1;
	v50 =	vadd.s32 $0x8000, v44  }
0x22d: {  	s1 =	sor.u32 s0, s13;
	s13 =	sor.u32 $0x2000, s29;
	v51 =	vld [tilespmem:s15+$0x0];
	[tilespmem:v59+s23+$0x0] =	vst.idx.msk $0xffff, v30;
	v30 =	vor.u32 s16, v0;
	s16 =	sadd.s32 $0xFFFFFEFF, s5;
	v32 =	vshrl.u32 v49, $0x10;
	v33 =	vand.u32 $0xFFFF0000, v50  }
0x22e: {  	s15 =	sadd.s32 $0xFFFFFFF2, s5;
	v52 =	vld [tilespmem:s1+$0x0];
	[smem:$0x7E8] =	sst s16;
	s16 =	sadd.s32 $0xFFFFFF00, s5;
	v32 =	vor.u32 v32, v33  }
0x22f: {  	v42 =	vor.u32 s21, v0;
	s21 =	sadd.s32 $0xFFFFFFFF, s26;
	v40 =	vadd.s32 $0x8000, v55;
	v53 =	vld [tilespmem:s2+$0x100];
	v54 =	vor.u32 s15, v0;
	[smem:$0x7E9] =	sst s16;
	s16 =	sor.u32 s28, s13;
	[tilespmem:v48+s23+$0x0] =	vst.idx.msk $0xffff, v32  }
0x230: {  	v1 =	vmov v2;
	s9 =	sadd.s32 $0xFFFFFEFA, s5;
	v27 =	vand.u32 $0xFFFF0000, v40;
	v26 =	vor.u32 s8, v0;
	s12 =	sor.u32 s30, s10;
	v40 =	vld [tilespmem:s16+$0x0];
	s16 =	rddreg [dreg:$0x7]  }
0x231: {  	v2 =	vmovc v3;
	v3 =	vmovc v5;
	v58 =	vor.u32 s21, v0;
	v55 =	vld [tilespmem:s2+$0x180];
	s15 =	sor.u32 $0x2080, s29;
	v56 =	vadd.s32 $0x8000, v47;
	v57 =	vadd.s32 $0x8000, v41;
	s21 =	smov.u32 s16;
	s16 =	sld [smem:$0x7DE]  }
0x232: {  	v5 =	vmovc v9;
	v9 =	vmovc v36;
	v37 =	vadd.s32 $0x8000, v45;
	s1 =	sor.u32 s30, s15;
	s15 =	sor.u32 s28, s15;
	v32 =	vshrl.u32 v56, $0x10;
	v36 =	vand.u32 $0xFFFF0000, v57;
	[dreg:$0xf] =	wrdreg s21  }
0x233: {  	s8 =	sadd.s32 $0xFFFFFEF8, s5;
	v37 =	vand.u32 $0xFFFF0000, v37;
	v29 =	vadd.s32 $0x8000, v29;
	v43 =	vld [tilespmem:s15+$0x0];
	v32 =	vor.u32 v32, v36;
	s21 =	smov.u32 s22;
	s22 =	rddreg [dreg:$0x12]  }
0x234: {  	s10 =	sadd.s32 $0xFFFFFEF9, s5;
	s6 =	sor.u32 s30, s6;
	s18 =	sadd.s32 $0xFFFFFEFB, s5;
	v29 =	vshrl.u32 v29, $0x10;
	v34 =	vadd.s32 $0x8000, v51;
	v35 =	vadd.s32 $0x8000, v52;
	[tilespmem:v54+s23+$0x0] =	vst.idx.msk $0xffff, v32;
	v60 =	vld [tilespmem:s22+$0x0]  }
0x235: {  	s13 =	sor.u32 s30, s13;
	v29 =	vor.u32 v29, v37;
	v61 =	vshrl.u32 v34, $0x10;
	v62 =	vand.u32 $0xFFFF0000, v35;
	[dreg:$0x7] =	wrdreg s21;
	v63 =	vld [tilespmem:s11+$0x200];
	s22 =	sor.u32 $0x3380, s24  }
0x236: {  	v38 =	vadd.s32 $0x8000, v53;
	v33 =	vadd.s32 $0x8000, v55;
	s21 =	sadd.s32 $0xFFFFFFF9, s3;
	v32 =	vor.u32 v61, v62;
	v59 =	vld [tilespmem:s16+$0x0];
	s16 =	sor.u32 $0x3300, s24;
	s15 =	sor.u32 s17, s22  }
0x237: {  	v46 =	vshrl.u32 v38, $0x10;
	v33 =	vand.u32 $0xFFFF0000, v33;
	v47 =	vld [tilespmem:s11+$0x280];
	v44 =	vor.u32 s21, v0;
	[tilespmem:v58+s23+$0x0] =	vst.idx.msk $0xffff, v32;
	s11 =	sor.u32 s0, s22;
	s21 =	sor.u32 s17, s16;
	s24 =	sor.u32 s0, s16  }
0x238: {  	v48 =	vor.u32 v46, v33;
	[tilespmem:v22+s23+$0x0] =	vst.idx.msk $0xffff, v29;
	s0 =	sadd.s32 $0xFFFFFFF3, s5;
	v51 =	vld [tilespmem:s11+$0x0];
	s17 =	smov.u32 s28;
	s16 =	rddreg [dreg:$0x9]  }
0x239: {  	v29 =	vadd.s32 $0x8000, v40;
	v49 =	vadd.s32 $0x8000, v43;
	[tilespmem:v28+s23+$0x0] =	vst.idx.msk $0xffff, v48;
	v50 =	vld [tilespmem:s24+$0x0];
	s24 =	smov.u32 s29;
	s29 =	smov.u32 s14;
	v53 =	vor.u32 s0, v0;
	s0 =	sadd.s32 $0x2, s16  }
0x23a: {  	v28 =	vshrl.u32 v29, $0x10;
	v29 =	vand.u32 $0xFFFF0000, v49;
	v57 =	vld [tilespmem:s12+$0x0];
	s12 =	sor.u32 s25, s7;
	s11 =	sor.u32 $0x2100, s24;
	[dreg:$0x9] =	wrdreg s0  }
0x23b: {  	v52 =	vld [tilespmem:s2+$0x200];
	v54 =	vor.u32 v28, v29;
	s22 =	sand.u32 $0x7, s0;
	v28 =	vor.u32 s9, v0;
	s0 =	sor.u32 $0x2180, s24;
	s9 =	sld [smem:$0x7DF]  }
0x23c: {  	v55 =	vld [tilespmem:s2+$0x280];
	s2 =	sor.u32 $0x380, s12;
	s12 =	sld [smem:$0x7E0];
	s14 =	sor.u32 s17, s11  }
0x23d: {  	v37 =	vor.u32 s8, v0;
	v56 =	vor.u32 s26, v0;
	v32 =	vor.u32 s10, v0;
	s10 =	sshll.u32 s22, $0x4;
	s11 =	sor.u32 s30, s11;
	s16 =	sor.u32 s17, s0;
	[tilespmem:v44+s23+$0x0] =	vst.idx.msk $0xffff, v54  }
0x23e: {  	v22 =	vmovc v42;
	v29 =	vor.u32 s18, v0;
	v35 =	vadd.s32 $0x8000, v63;
	v38 =	vadd.s32 $0x8000, v47;
	s22 =	smov.u32 s30;
	s18 =	sadd.s32 s7, s10;
	v42 =	vld [tilespmem:s14+$0x0];
	s14 =	sor.u32 s30, s0  }
0x23f: {  	v58 =	vld [tilespmem:s6+$0x0];
	v39 =	vadd.s32 $0x8000, v60;
	v35 =	vshrl.u32 v35, $0x10;
	v38 =	vand.u32 $0xFFFF0000, v38;
	s26 =	sadd.s32 $0x10, s18;
	s0 =	rddreg [dreg:$0xb];
	s30 =	smov.u32 s9  }
0x240: {  	v36 =	vadd.s32 $0x8000, v59;
	v35 =	vor.u32 v35, v38;
	v33 =	vadd.s32 $0x8000, v51;
	s18 =	sadd.s32 $0xFFFFFFFA, s3;
	s9 =	rddreg [dreg:$0x8];
	s8 =	sadd.s32 $0x1, s0  }
0x241: {  	s19 =	sadd.s32 $0x100, s19;
	v45 =	vld [tilespmem:s16+$0x0];
	v34 =	vadd.s32 $0x8000, v50;
	v40 =	vadd.s32 $0x8000, v52;
	v46 =	vor.u32 s18, v0;
	s18 =	smov.u32 s12;
	[dreg:$0xb] =	wrdreg s8  }
0x242: {  	s28 =	smov.u32 s31;
	[tilespmem:v53+s23+$0x0] =	vst.idx.msk $0xffff, v35;
	s10 =	sor.u32 $0x300, s26;
	v33 =	vand.u32 $0xFFFF0000, v33;
	v59 =	vadd.s32 $0x8000, v55;
	v34 =	vshrl.u32 v34, $0x10;
	[dreg:$0x8] =	wrdreg s18  }
0x243: {  	s16 =	smov.u32 s25;
	s25 =	sand.u32 $0x3, s8;
	v60 =	vld [tilespmem:s10+$0x0];
	v61 =	vshrl.u32 v40, $0x10;
	v62 =	vand.u32 $0xFFFF0000, v59;
	s18 =	sld [smem:$0x7E3];
	v33 =	vor.u32 v34, v33  }
0x244: {  	v35 =	vadd.s32 $0x8000, v58;
	v63 =	vld [tilespmem:s2+$0x0];
	s8 =	rddreg [dreg:$0x1f];
	s6 =	sshll.u32 s25, $0x5;
	v34 =	vor.u32 v61, v62;
	s25 =	sadd.s32 $0xFFFFFFF4, s5;
	[tilespmem:v56+s23+$0x0] =	vst.idx.msk $0xffff, v33  }
0x245: {  	s31 =	smov.u32 s9;
	v50 =	vadd.s32 $0x8000, v57;
	s9 =	sld [smem:$0x7E2];
	v35 =	vand.u32 $0xFFFF0000, v35;
	s7 =	sadd.s32 s6, s19;
	v33 =	vld [tilespmem:s8+$0x0];
	[tilespmem:v31+s23+$0x0] =	vst.idx.msk $0xffff, v34;
	v54 =	vor.u32 s25, v0  }
0x246: {  	s26 =	smov.u32 s3;
	s3 =	rddreg [dreg:$0x5];
	v34 =	vshrl.u32 v50, $0x10;
	v48 =	vadd.s32 $0x8000, v42;
	v49 =	vadd.s32 $0x8000, v45;
	s0 =	sor.u32 $0x300, s7;
	v55 =	vld [tilespmem:s18+$0x0]  }
0x247: {  	s12 =	smov.u32 s21;
	s6 =	sor.u32 $0x2200, s24;
	s7 =	sld [smem:$0x7E1];
	v34 =	vor.u32 v34, v35;
	v51 =	vshrl.u32 v48, $0x10;
	v52 =	vand.u32 $0xFFFF0000, v49;
	v53 =	vld [tilespmem:s0+$0x0]  }
0x248: {  	v36 =	vshrl.u32 v36, $0x10;
	s21 =	smov.u32 s9;
	s25 =	sor.u32 $0x2280, s24;
	s9 =	sld [smem:$0x7E6];
	v31 =	vld [tilespmem:s3+$0x0];
	[tilespmem:v25+s23+$0x0] =	vst.idx.msk $0xffff, v34;
	v38 =	vor.u32 v51, v52  }
0x249: {  	v56 =	vand.u32 $0xFFFF0000, v39;
	s3 =	sor.u32 s17, s6;
	s2 =	sor.u32 s22, s25;
	s0 =	sor.u32 s22, s6;
	v57 =	vadd.s32 $0x8000, v60;
	v41 =	vadd.s32 $0x8000, v63;
	v61 =	vld [tilespmem:s13+$0x0];
	[tilespmem:v46+s23+$0x0] =	vst.idx.msk $0xffff, v38  }
0x24a: {  	v36 =	vor.u32 v36, v56;
	s6 =	sor.u32 s17, s25;
	s13 =	sld [smem:$0x7E7];
	s8 =	smov.u32 s7;
	v39 =	vshrl.u32 v57, $0x10;
	v41 =	vand.u32 $0xFFFF0000, v41;
	v58 =	vld [tilespmem:s3+$0x0]  }
0x24b: {  	v18 =	vor.u32 v18, v27;
	[tilespmem:v12+s23+$0x0] =	vst.idx.msk $0xffff, v36;
	s7 =	sor.u32 $0x1080, s29;
	[dreg:$0x5] =	wrdreg s8;
	v59 =	vld [tilespmem:s6+$0x0];
	s6 =	sor.u32 $0x1000, s29;
	v60 =	vor.u32 v39, v41  }
0x24c: {  	v12 =	vmovc v21;
	v21 =	vor.u32 s9, v0;
	v45 =	vld [tilespmem:s1+$0x0];
	s8 =	sld [smem:$0x7E5];
	s3 =	sadd.s32 $0xFFFFFFFB, s26;
	[tilespmem:v54+s23+$0x0] =	vst.idx.msk $0xffff, v60;
	s25 =	sor.u32 s28, s6;
	v46 =	vadd.s32 $0x8000, v55;
	v62 =	vadd.s32 $0x8000, v53  }
0x24d: {  	[tilespmem:v7+s23+$0x0] =	vst.idx.msk $0xffff, v18;
	s9 =	sor.u32 s30, s7;
	s7 =	sor.u32 s28, s7;
	v63 =	vor.u32 s13, v0;
	s13 =	rddreg [dreg:$0x1a];
	v47 =	vld [tilespmem:s25+$0x0];
	v18 =	vand.u32 $0xFFFF0000, v46;
	v27 =	vshrl.u32 v62, $0x10  }
0x24e: {  	v14 =	vadd.s32 $0x8000, v14;
	v48 =	vor.u32 s3, v0;
	v50 =	vld [tilespmem:s7+$0x0];
	s7 =	rddreg [dreg:$0x19];
	v18 =	vor.u32 v27, v18  }
0x24f: {  	v14 =	vand.u32 $0xFFFF0000, v14;
	v25 =	vmov v37;
	v51 =	vld [tilespmem:s13+$0x0];
	s25 =	sadd.s32 $0xFFFFFFF5, s5;
	v37 =	vor.u32 s8, v0;
	s8 =	sld [smem:$0x7E8];
	[tilespmem:v26+s23+$0x0] =	vst.idx.msk $0xffff, v18  }
0x250: {  	s6 =	sor.u32 s30, s6;
	v54 =	vor.u32 s25, v0;
	v27 =	vadd.s32 $0x8000, v58;
	v34 =	vadd.s32 $0x8000, v59;
	v52 =	vld [tilespmem:s7+$0x0]  }
0x251: {  	v38 =	vadd.s32 $0x8000, v45;
	v26 =	vshrl.u32 v27, $0x10;
	v27 =	vand.u32 $0xFFFF0000, v34;
	v53 =	vld [tilespmem:s6+$0x0]  }
0x252: {  	v18 =	vadd.s32 $0x8000, v61;
	v49 =	vor.u32 s8, v0;
	s8 =	sor.u32 $0x2300, s24;
	v26 =	vor.u32 v26, v27;
	v27 =	vld [tilespmem:s9+$0x0]  }
0x253: {  	v13 =	vor.u32 v13, v14;
	s13 =	sor.u32 $0x2380, s24;
	v38 =	vand.u32 $0xFFFF0000, v38;
	v18 =	vshrl.u32 v18, $0x10;
	s1 =	sor.u32 s17, s8;
	[tilespmem:v48+s23+$0x0] =	vst.idx.msk $0xffff, v26  }
0x254: {  	s25 =	sor.u32 s22, s8;
	v55 =	vadd.s32 $0x8000, v50;
	v18 =	vor.u32 v18, v38;
	s8 =	sor.u32 s17, s13;
	v26 =	vadd.s32 $0x8000, v47;
	v56 =	vld [tilespmem:s1+$0x0]  }
0x255: {  	v35 =	vadd.s32 $0x8000, v51;
	v40 =	vand.u32 $0xFFFF0000, v55;
	[tilespmem:v24+s23+$0x0] =	vst.idx.msk $0xffff, v18;
	v26 =	vshrl.u32 v26, $0x10;
	v18 =	vld [tilespmem:s8+$0x0]  }
0x256: {  	s9 =	sor.u32 $0x1100, s29;
	v35 =	vshrl.u32 v35, $0x10;
	v57 =	vld [tilespmem:s11+$0x0];
	v26 =	vor.u32 v26, v40;
	v34 =	vadd.s32 $0x8000, v52  }
0x257: {  	s7 =	sor.u32 s22, s13;
	s13 =	sor.u32 s28, s9;
	s11 =	sor.u32 $0x1180, s29;
	v39 =	vadd.s32 $0x8000, v53;
	[tilespmem:v54+s23+$0x0] =	vst.idx.msk $0xffff, v26;
	v26 =	vld [tilespmem:s14+$0x0];
	v34 =	vand.u32 $0xFFFF0000, v34;
	v27 =	vadd.s32 $0x8000, v27  }
0x258: {  	s3 =	sadd.s32 $0xFFFFFFFC, s26;
	s6 =	sor.u32 s28, s11;
	[tilespmem:v4+s23+$0x0] =	vst.idx.msk $0xffff, v13;
	v14 =	vshrl.u32 v39, $0x10;
	v58 =	vld [tilespmem:s13+$0x0];
	v13 =	vand.u32 $0xFFFF0000, v27;
	v34 =	vor.u32 v35, v34  }
0x259: {  	v59 =	vor.u32 s3, v0;
	v27 =	vld [tilespmem:s6+$0x0];
	s6 =	rddreg [dreg:$0x13];
	v13 =	vor.u32 v14, v13;
	[tilespmem:v11+s23+$0x0] =	vst.idx.msk $0xffff, v34  }
0x25a: {  	s1 =	sor.u32 s30, s9;
	s9 =	sor.u32 s30, s11;
	s11 =	rddreg [dreg:$0x14];
	v34 =	vld [tilespmem:s6+$0x0];
	[tilespmem:v19+s23+$0x0] =	vst.idx.msk $0xffff, v13  }
0x25b: {  	s4 =	sadd.s32 $0x2, s4;
	v33 =	vadd.s32 $0x8000, v33;
	[dreg:$0x12] =	wrdreg s7;
	s8 =	sadd.s32 $0xFFFFFFF6, s5;
	v14 =	vadd.s32 $0x8000, v56;
	v18 =	vadd.s32 $0x8000, v18;
	v60 =	vld [tilespmem:s11+$0x0]  }
0x25c: {  	s20 =	sadd.s32 $0x100, s20;
	p2 =	slt.u32 s4, $0x1E;
	v7 =	vmovc v10;
	s7 =	rddreg [dreg:$0x1b];
	v62 =	vor.u32 s8, v0;
	v14 =	vshrl.u32 v14, $0x10;
	v18 =	vand.u32 $0xFFFF0000, v18;
	v61 =	vld [tilespmem:s1+$0x0]  }
0x25d: {  	v10 =	vmovc v17;
	v17 =	vmovc v63;
	s23 =	smov.u32 s17;
	v13 =	vadd.s32 $0x8000, v57;
	s6 =	sor.u32 $0x3000, s24;
	v19 =	vadd.s32 $0x8000, v26;
	v14 =	vor.u32 v14, v18;
	v63 =	vld [tilespmem:s9+$0x0];
	s9 =	simm.s32 $0x8000  }
0x25e: {  	s13 =	smov.u32 s7;
	s7 =	sor.u32 $0x3080, s24;
	v13 =	vshrl.u32 v13, $0x10;
	s1 =	sor.u32 s23, s6;
	v18 =	vand.u32 $0xFFFF0000, v19;
	[tilespmem:v59+s9+$0x0] =	vst.idx.msk $0xffff, v14;
	v19 =	vadd.s32 $0x8000, v31  }
.Ltmp5:
0x25f: {  	s10 =	smov.u32 s5;
	s3 =	sor.u32 s23, s7;
	v14 =	vadd.s32 $0x8000, v58;
	v26 =	vadd.s32 $0x8000, v27;
	v13 =	vor.u32 v13, v18;
	v31 =	vld [tilespmem:s1+$0x0];
	(pc) =	sbr.rel @p2 .LBB2_4-.Ltmp5, $4  }
0x260: {  	s18 =	smov.u32 s15;
	s15 =	sld [smem:$0x7E4];
	v24 =	vmovc v32;
	v4 =	vmovc v6;
	s17 =	smov.u32 s22;
	v18 =	vshrl.u32 v14, $0x10;
	v14 =	vld [tilespmem:s3+$0x0];
	v26 =	vand.u32 $0xFFFF0000, v26;
	[tilespmem:v23+s9+$0x0] =	vst.idx.msk $0xffff, v13;
	v13 =	vadd.s32 $0x8000, v34  }
0x261: {  	v6 =	vmovc v8;
	s8 =	sor.u32 s22, s6;
	s11 =	sor.u32 s22, s7;
	s6 =	sor.u32 $0x1200, s29;
	v23 =	vmovc v28;
	v18 =	vor.u32 v18, v26;
	v28 =	vld [tilespmem:s0+$0x0];
	v26 =	vadd.s32 $0x8000, v60;
	v13 =	vshrl.u32 v13, $0x10  }
0x262: {  	v8 =	vmovc v16;
	v16 =	vmovc v49;
	s22 =	sadd.s32 $0xFFFFFFFD, s26;
	s7 =	sor.u32 s28, s6;
	s0 =	sor.u32 $0x1280, s29;
	v32 =	vld [tilespmem:s2+$0x0];
	v27 =	vadd.s32 $0x8000, v61;
	[tilespmem:v62+s9+$0x0] =	vst.idx.msk $0xffff, v18;
	v35 =	vadd.s32 $0x8000, v63;
	v18 =	vshrl.u32 v26, $0x10  }
0x263: {  	s14 =	sld [smem:$0x7E9];
	v11 =	vmovc v20;
	v20 =	vmovc v37;
	s1 =	sor.u32 s30, s6;
	s2 =	sor.u32 s28, s0;
	v26 =	vshrl.u32 v33, $0x10;
	v34 =	vshrl.u32 v27, $0x10;
	v33 =	vld [tilespmem:s7+$0x0];
	v27 =	vor.u32 s22, v0  }
0x264: {  	v36 =	vld [tilespmem:s2+$0x0];
	_ =	sdelay $0x1  }
0x265: {  	s4 =	sadd.s32 $0xFFFFFFF7, s5  }
0x266: {  	v35 =	vand.u32 $0xFFFF0000, v35;
	v37 =	vor.u32 s4, v0  }
0x267: {  	v34 =	vor.u32 v34, v35  }
0x268: {  	[tilespmem:v30+s9+$0x0] =	vst.idx.msk $0xffff, v34;
	v33 =	vadd.s32 $0x8000, v33;
	v58 =	vadd.s32 $0x8000, v36  }
0x269: {  	s0 =	sor.u32 s30, s0;
	v61 =	vld [tilespmem:s1+$0x0];
	v59 =	vshrl.u32 v33, $0x10;
	v60 =	vand.u32 $0xFFFF0000, v58  }
0x26a: {  	s5 =	sor.u32 $0x1300, s29;
	v62 =	vld [tilespmem:s0+$0x0];
	v30 =	vor.u32 v59, v60  }
0x26b: {  	s6 =	sor.u32 $0x1380, s29;
	s7 =	sor.u32 s28, s5;
	[tilespmem:v37+s9+$0x0] =	vst.idx.msk $0xffff, v30  }
0x26c: {  	s16 =	sor.u32 s28, s6;
	v63 =	vld [tilespmem:s7+$0x0]  }
0x26d: {  	v40 =	vld [tilespmem:s16+$0x0];
	_ =	sdelay $0x1  }
0x26e: {  	s19 =	sadd.s32 $0xFFFFFFF8, s10;
	v33 =	vadd.s32 $0x8000, v61;
	v30 =	vadd.s32 $0x8000, v62  }
0x26f: {  	v41 =	vor.u32 s19, v0;
	v33 =	vshrl.u32 v33, $0x10;
	v30 =	vand.u32 $0xFFFF0000, v30  }
0x270: {  	v30 =	vor.u32 v33, v30  }
0x271: {  	s20 =	sor.u32 s30, s5;
	[tilespmem:v22+s9+$0x0] =	vst.idx.msk $0xffff, v30;
	v34 =	vadd.s32 $0x8000, v63;
	v35 =	vadd.s32 $0x8000, v40  }
0x272: {  	s1 =	sor.u32 s30, s6;
	v30 =	vld [tilespmem:s20+$0x0];
	v42 =	vshrl.u32 v34, $0x10;
	v43 =	vand.u32 $0xFFFF0000, v35  }
0x273: {  	s22 =	sor.u32 $0x2000, s29;
	v45 =	vld [tilespmem:s1+$0x0];
	v44 =	vor.u32 v42, v43  }
0x274: {  	s3 =	sor.u32 $0x2080, s29;
	s4 =	sor.u32 s28, s22;
	[tilespmem:v41+s9+$0x0] =	vst.idx.msk $0xffff, v44  }
0x275: {  	s5 =	sor.u32 s28, s3;
	v46 =	vld [tilespmem:s4+$0x0]  }
0x276: {  	v47 =	vld [tilespmem:s5+$0x0];
	_ =	sdelay $0x1  }
0x277: {  	s6 =	sadd.s32 $0xFFFFFFF9, s10;
	v30 =	vadd.s32 $0x8000, v30;
	v22 =	vadd.s32 $0x8000, v45  }
0x278: {  	v48 =	vor.u32 s6, v0;
	v30 =	vshrl.u32 v30, $0x10;
	v22 =	vand.u32 $0xFFFF0000, v22  }
0x279: {  	v22 =	vor.u32 v30, v22  }
0x27a: {  	s7 =	sor.u32 s30, s22;
	[tilespmem:v25+s9+$0x0] =	vst.idx.msk $0xffff, v22;
	v33 =	vadd.s32 $0x8000, v46;
	v34 =	vadd.s32 $0x8000, v47  }
0x27b: {  	s0 =	sor.u32 s30, s3;
	v25 =	vld [tilespmem:s7+$0x0];
	v49 =	vshrl.u32 v33, $0x10;
	v50 =	vand.u32 $0xFFFF0000, v34  }
0x27c: {  	s16 =	sor.u32 $0x2100, s29;
	v52 =	vld [tilespmem:s0+$0x0];
	v51 =	vor.u32 v49, v50  }
0x27d: {  	s19 =	sor.u32 $0x2180, s29;
	s20 =	sor.u32 s28, s16;
	[tilespmem:v48+s9+$0x0] =	vst.idx.msk $0xffff, v51  }
0x27e: {  	s22 =	sor.u32 s28, s19;
	v53 =	vld [tilespmem:s20+$0x0]  }
0x27f: {  	v54 =	vld [tilespmem:s22+$0x0];
	_ =	sdelay $0x1  }
0x280: {  	s3 =	sadd.s32 $0xFFFFFFFA, s10;
	v25 =	vadd.s32 $0x8000, v25;
	v22 =	vadd.s32 $0x8000, v52  }
0x281: {  	v55 =	vor.u32 s3, v0;
	v25 =	vshrl.u32 v25, $0x10;
	v22 =	vand.u32 $0xFFFF0000, v22  }
0x282: {  	v22 =	vor.u32 v25, v22  }
0x283: {  	s4 =	sor.u32 s30, s16;
	[tilespmem:v24+s9+$0x0] =	vst.idx.msk $0xffff, v22;
	v30 =	vadd.s32 $0x8000, v53;
	v33 =	vadd.s32 $0x8000, v54  }
0x284: {  	s1 =	sor.u32 s30, s19;
	v24 =	vld [tilespmem:s4+$0x0];
	v56 =	vshrl.u32 v30, $0x10;
	v57 =	vand.u32 $0xFFFF0000, v33  }
0x285: {  	s5 =	sor.u32 $0x2200, s29;
	v59 =	vld [tilespmem:s1+$0x0];
	v58 =	vor.u32 v56, v57  }
0x286: {  	s6 =	sor.u32 $0x2280, s29;
	s7 =	sor.u32 s28, s5;
	[tilespmem:v55+s9+$0x0] =	vst.idx.msk $0xffff, v58  }
0x287: {  	s16 =	sor.u32 s28, s6;
	v60 =	vld [tilespmem:s7+$0x0]  }
0x288: {  	v61 =	vld [tilespmem:s16+$0x0];
	_ =	sdelay $0x1  }
0x289: {  	s19 =	sadd.s32 $0xFFFFFFFB, s10;
	v24 =	vadd.s32 $0x8000, v24;
	v22 =	vadd.s32 $0x8000, v59  }
0x28a: {  	v62 =	vor.u32 s19, v0;
	v24 =	vshrl.u32 v24, $0x10;
	v22 =	vand.u32 $0xFFFF0000, v22  }
0x28b: {  	v22 =	vor.u32 v24, v22  }
0x28c: {  	s20 =	sor.u32 s30, s5;
	[tilespmem:v23+s9+$0x0] =	vst.idx.msk $0xffff, v22;
	v25 =	vadd.s32 $0x8000, v60;
	v30 =	vadd.s32 $0x8000, v61  }
0x28d: {  	s0 =	sor.u32 s30, s6;
	v23 =	vld [tilespmem:s20+$0x0];
	v63 =	vshrl.u32 v25, $0x10;
	v34 =	vand.u32 $0xFFFF0000, v30  }
0x28e: {  	s2 =	sor.u32 $0x2300, s29;
	v36 =	vld [tilespmem:s0+$0x0];
	v35 =	vor.u32 v63, v34  }
0x28f: {  	v14 =	vadd.s32 $0x8000, v14;
	v37 =	vadd.s32 $0x8000, v31;
	s22 =	sor.u32 $0x2380, s29;
	s4 =	sor.u32 s28, s2;
	[tilespmem:v62+s9+$0x0] =	vst.idx.msk $0xffff, v35  }
0x290: {  	v14 =	vand.u32 $0xFFFF0000, v14;
	s5 =	sor.u32 s28, s22;
	v24 =	vshrl.u32 v37, $0x10;
	v38 =	vld [tilespmem:s4+$0x0]  }
0x291: {  	v28 =	vadd.s32 $0x8000, v28;
	s3 =	sor.u32 $0x3100, s24;
	v40 =	vadd.s32 $0x8000, v32;
	v14 =	vor.u32 v24, v14;
	v39 =	vld [tilespmem:s5+$0x0]  }
0x292: {  	v28 =	vshrl.u32 v28, $0x10;
	v31 =	vand.u32 $0xFFFF0000, v40;
	s7 =	sor.u32 s23, s3;
	[tilespmem:v27+s9+$0x0] =	vst.idx.msk $0xffff, v14;
	s4 =	sor.u32 $0x3180, s24  }
0x293: {  	v42 =	vor.u32 v28, v31;
	s6 =	sadd.s32 $0xFFFFFFFC, s10;
	v14 =	vld [tilespmem:s7+$0x0];
	v23 =	vadd.s32 $0x8000, v23;
	v22 =	vadd.s32 $0x8000, v36;
	s16 =	sor.u32 s23, s4  }
0x294: {  	[tilespmem:v15+s9+$0x0] =	vst.idx.msk $0xffff, v42;
	v41 =	vor.u32 s6, v0;
	v44 =	vshrl.u32 v23, $0x10;
	v22 =	vand.u32 $0xFFFF0000, v22;
	v43 =	vld [tilespmem:s16+$0x0]  }
0x295: {  	v45 =	vld [tilespmem:s25+$0x0];
	s19 =	rddreg [dreg:$0x12];
	v15 =	vor.u32 v44, v22  }
0x296: {  	s2 =	sor.u32 s30, s2;
	s20 =	sadd.s32 $0xFFFFFFFE, s26;
	v47 =	vld [tilespmem:s19+$0x0];
	[tilespmem:v29+s9+$0x0] =	vst.idx.msk $0xffff, v15;
	v25 =	vadd.s32 $0x8000, v38;
	v46 =	vadd.s32 $0x8000, v39  }
0x297: {  	s22 =	sor.u32 s30, s22;
	v48 =	vor.u32 s20, v0;
	v49 =	vld [tilespmem:s2+$0x0];
	v25 =	vshrl.u32 v25, $0x10;
	v27 =	vand.u32 $0xFFFF0000, v46  }
0x298: {  	s25 =	sor.u32 $0x3000, s29;
	v50 =	vld [tilespmem:s22+$0x0];
	v25 =	vor.u32 v25, v27  }
0x299: {  	s6 =	sor.u32 $0x3080, s29;
	v14 =	vadd.s32 $0x8000, v14;
	s2 =	sor.u32 s28, s25;
	v51 =	vadd.s32 $0x8000, v43;
	[tilespmem:v41+s9+$0x0] =	vst.idx.msk $0xffff, v25  }
0x29a: {  	s5 =	sor.u32 s28, s6;
	v14 =	vshrl.u32 v14, $0x10;
	v25 =	vand.u32 $0xFFFF0000, v51;
	v52 =	vld [tilespmem:s2+$0x0]  }
0x29b: {  	v23 =	vadd.s32 $0x8000, v45;
	v22 =	vadd.s32 $0x8000, v47;
	v53 =	vld [tilespmem:s5+$0x0];
	s2 =	sor.u32 $0x3200, s24;
	v14 =	vor.u32 v14, v25  }
0x29c: {  	v55 =	vshrl.u32 v23, $0x10;
	v56 =	vand.u32 $0xFFFF0000, v22;
	s5 =	sor.u32 $0x3280, s24;
	[tilespmem:v48+s9+$0x0] =	vst.idx.msk $0xffff, v14;
	s16 =	sor.u32 s23, s2  }
0x29d: {  	s7 =	sadd.s32 $0xFFFFFFFD, s10;
	v58 =	vadd.s32 $0x8000, v49;
	v59 =	vadd.s32 $0x8000, v50;
	v14 =	vor.u32 v55, v56;
	s19 =	sor.u32 s23, s5;
	v57 =	vld [tilespmem:s16+$0x0]  }
0x29e: {  	v54 =	vor.u32 s7, v0;
	v61 =	vshrl.u32 v58, $0x10;
	v62 =	vand.u32 $0xFFFF0000, v59;
	v60 =	vld [tilespmem:s19+$0x0];
	[tilespmem:v12+s9+$0x0] =	vst.idx.msk $0xffff, v14  }
0x29f: {  	v12 =	vor.u32 v61, v62;
	v63 =	vld [tilespmem:s8+$0x0]  }
0x2a0: {  	s1 =	sor.u32 s30, s25;
	v32 =	vld [tilespmem:s11+$0x0];
	[tilespmem:v21+s9+$0x0] =	vst.idx.msk $0xffff, v12;
	v30 =	vadd.s32 $0x8000, v52;
	v31 =	vadd.s32 $0x8000, v53  }
0x2a1: {  	s20 =	sadd.s32 $0xFFFFFFFF, s26;
	s22 =	sor.u32 s30, s6;
	v35 =	vld [tilespmem:s1+$0x0];
	v23 =	vshrl.u32 v30, $0x10;
	v27 =	vand.u32 $0xFFFF0000, v31  }
0x2a2: {  	v33 =	vor.u32 s20, v0;
	s25 =	sor.u32 $0x3100, s29;
	v36 =	vld [tilespmem:s22+$0x0];
	v34 =	vor.u32 v23, v27  }
0x2a3: {  	s7 =	sor.u32 $0x3180, s29;
	v29 =	vld [tilespmem:s31+$0x0];
	s1 =	sor.u32 s28, s25;
	v22 =	vadd.s32 $0x8000, v57;
	[tilespmem:v54+s9+$0x0] =	vst.idx.msk $0xffff, v34  }
0x2a4: {  	s8 =	sor.u32 s28, s7;
	v24 =	vadd.s32 $0x8000, v60;
	v22 =	vshrl.u32 v22, $0x10;
	v25 =	vld [tilespmem:s1+$0x0]  }
0x2a5: {  	v24 =	vand.u32 $0xFFFF0000, v24;
	v15 =	vadd.s32 $0x8000, v63;
	v14 =	vadd.s32 $0x8000, v32;
	v37 =	vld [tilespmem:s8+$0x0]  }
0x2a6: {  	s0 =	sor.u32 $0x3300, s24;
	v38 =	vld [tilespmem:s15+$0x0];
	v22 =	vor.u32 v22, v24;
	s15 =	rddreg [dreg:$0xf];
	v15 =	vshrl.u32 v15, $0x10;
	v14 =	vand.u32 $0xFFFF0000, v14  }
0x2a7: {  	s16 =	sor.u32 s23, s0;
	s11 =	sadd.s32 $0xFFFFFFFE, s10;
	v41 =	vadd.s32 $0x8000, v35;
	v21 =	vadd.s32 $0x8000, v36;
	v39 =	vld [tilespmem:s15+$0x0];
	[tilespmem:v33+s9+$0x0] =	vst.idx.msk $0xffff, v22;
	v14 =	vor.u32 v15, v14  }
0x2a8: {  	s3 =	sor.u32 s17, s3;
	v40 =	vor.u32 s11, v0;
	v43 =	vshrl.u32 v41, $0x10;
	v44 =	vand.u32 $0xFFFF0000, v21;
	v22 =	vld [tilespmem:s16+$0x0];
	[tilespmem:v11+s9+$0x0] =	vst.idx.msk $0xffff, v14  }
0x2a9: {  	s20 =	sor.u32 s17, s4;
	v11 =	vor.u32 v43, v44;
	v45 =	vld [tilespmem:s3+$0x0]  }
0x2aa: {  	s22 =	sor.u32 s30, s25;
	s1 =	sor.u32 $0x3380, s24;
	v48 =	vld [tilespmem:s20+$0x0];
	[tilespmem:v20+s9+$0x0] =	vst.idx.msk $0xffff, v11;
	v46 =	vadd.s32 $0x8000, v25;
	v47 =	vadd.s32 $0x8000, v37  }
0x2ab: {  	s19 =	sor.u32 s23, s1;
	s23 =	sor.u32 s30, s7;
	v20 =	vld [tilespmem:s22+$0x0];
	v21 =	vshrl.u32 v46, $0x10;
	v25 =	vand.u32 $0xFFFF0000, v47  }
0x2ac: {  	v51 =	vadd.s32 $0x8000, v38;
	s24 =	sor.u32 $0x3200, s29;
	v50 =	vld [tilespmem:s23+$0x0];
	v49 =	vor.u32 v21, v25  }
0x2ad: {  	v12 =	vand.u32 $0xFFFF0000, v51;
	s25 =	sor.u32 $0x3280, s29;
	s7 =	sor.u32 s28, s24;
	v42 =	vld [tilespmem:s19+$0x0];
	[tilespmem:v40+s9+$0x0] =	vst.idx.msk $0xffff, v49  }
0x2ae: {  	v19 =	vand.u32 $0xFFFF0000, v19;
	v12 =	vor.u32 v18, v12;
	s8 =	sor.u32 s28, s25;
	v52 =	vld [tilespmem:s7+$0x0]  }
0x2af: {  	v25 =	vor.u32 s14, v0;
	v15 =	vadd.s32 $0x8000, v45;
	v14 =	vadd.s32 $0x8000, v48;
	v53 =	vld [tilespmem:s8+$0x0];
	s14 =	rddreg [dreg:$0x5]  }
0x2b0: {  	v27 =	vor.u32 s26, v0;
	[tilespmem:v7+s9+$0x0] =	vst.idx.msk $0xffff, v12;
	v55 =	vshrl.u32 v15, $0x10;
	v56 =	vand.u32 $0xFFFF0000, v14;
	v18 =	vld [tilespmem:s14+$0x0]  }
0x2b1: {  	s11 =	sadd.s32 $0xFFFFFFFF, s10;
	v58 =	vadd.s32 $0x8000, v20;
	v11 =	vadd.s32 $0x8000, v50;
	v57 =	vld [tilespmem:s13+$0x0];
	v7 =	vor.u32 v55, v56;
	s15 =	rddreg [dreg:$0x7]  }
0x2b2: {  	s2 =	sor.u32 s17, s2;
	v54 =	vor.u32 s11, v0;
	v60 =	vshrl.u32 v58, $0x10;
	v61 =	vand.u32 $0xFFFF0000, v11;
	v59 =	vld [tilespmem:s15+$0x0];
	[tilespmem:v10+s9+$0x0] =	vst.idx.msk $0xffff, v7  }
0x2b3: {  	v33 =	vor.u32 v26, v19;
	s16 =	sor.u32 s17, s5;
	v34 =	vadd.s32 $0x8000, v39;
	v7 =	vor.u32 v60, v61;
	v62 =	vld [tilespmem:s2+$0x0]  }
0x2b4: {  	s19 =	sor.u32 s30, s24;
	v32 =	vld [tilespmem:s16+$0x0];
	[tilespmem:v17+s9+$0x0] =	vst.idx.msk $0xffff, v7;
	v17 =	vand.u32 $0xFFFF0000, v34;
	v63 =	vadd.s32 $0x8000, v52;
	v31 =	vadd.s32 $0x8000, v53  }
0x2b5: {  	s3 =	sor.u32 s30, s25;
	v35 =	vld [tilespmem:s19+$0x0];
	v13 =	vor.u32 v13, v17;
	v12 =	vshrl.u32 v63, $0x10;
	v21 =	vand.u32 $0xFFFF0000, v31  }
0x2b6: {  	s20 =	sor.u32 $0x3300, s29;
	v36 =	vadd.s32 $0x8000, v22;
	v37 =	vadd.s32 $0x8000, v42;
	v38 =	vld [tilespmem:s3+$0x0];
	[tilespmem:v4+s9+$0x0] =	vst.idx.msk $0xffff, v13;
	v12 =	vor.u32 v12, v21  }
0x2b7: {  	s22 =	sor.u32 $0x3380, s29;
	s23 =	sor.u32 s28, s20;
	v45 =	vand.u32 $0xFFFF0000, v37;
	v14 =	vadd.s32 $0x8000, v57;
	v44 =	vld [tilespmem:s21+$0x0];
	v15 =	vadd.s32 $0x8000, v59;
	[tilespmem:v54+s9+$0x0] =	vst.idx.msk $0xffff, v12  }
0x2b8: {  	s24 =	sor.u32 s28, s22;
	v18 =	vadd.s32 $0x8000, v18;
	v41 =	vshrl.u32 v14, $0x10;
	v42 =	vand.u32 $0xFFFF0000, v15;
	v39 =	vld [tilespmem:s23+$0x0]  }
0x2b9: {  	v11 =	vadd.s32 $0x8000, v62;
	v10 =	vadd.s32 $0x8000, v32;
	v40 =	vld [tilespmem:s24+$0x0];
	s25 =	rddreg [dreg:$0x8];
	v4 =	vor.u32 v41, v42  }
0x2ba: {  	v21 =	vshrl.u32 v36, $0x10;
	v46 =	vshrl.u32 v11, $0x10;
	v47 =	vand.u32 $0xFFFF0000, v10;
	v43 =	vld [tilespmem:s25+$0x0];
	[tilespmem:v6+s9+$0x0] =	vst.idx.msk $0xffff, v4  }
0x2bb: {  	v49 =	vadd.s32 $0x8000, v35;
	v50 =	vadd.s32 $0x8000, v38;
	v4 =	vor.u32 v46, v47;
	v48 =	vld [tilespmem:s12+$0x0]  }
0x2bc: {  	s0 =	sor.u32 s17, s0;
	v54 =	vadd.s32 $0x8000, v29;
	v52 =	vshrl.u32 v49, $0x10;
	v53 =	vand.u32 $0xFFFF0000, v50;
	v51 =	vld [tilespmem:s18+$0x0];
	[tilespmem:v8+s9+$0x0] =	vst.idx.msk $0xffff, v4  }
0x2bd: {  	s1 =	sor.u32 s17, s1;
	v18 =	vand.u32 $0xFFFF0000, v18;
	v11 =	vshrl.u32 v54, $0x10;
	v4 =	vor.u32 v52, v53;
	v8 =	vld [tilespmem:s0+$0x0]  }
0x2be: {  	s26 =	sor.u32 s30, s20;
	v20 =	vor.u32 s10, v0;
	v15 =	vor.u32 v21, v45;
	v11 =	vor.u32 v11, v18;
	v55 =	vld [tilespmem:s1+$0x0];
	[tilespmem:v16+s9+$0x0] =	vst.idx.msk $0xffff, v4  }
0x2bf: {  	s28 =	sor.u32 s30, s22;
	v13 =	vadd.s32 $0x8000, v44;
	v4 =	vld [tilespmem:s26+$0x0];
	v56 =	vadd.s32 $0x8000, v39;
	v57 =	vadd.s32 $0x8000, v40  }
0x2c0: {  	v59 =	vld [tilespmem:s28+$0x0];
	v58 =	vshrl.u32 v56, $0x10;
	v16 =	vand.u32 $0xFFFF0000, v57;
	v14 =	vadd.s32 $0x8000, v43  }
0x2c1: {  	[tilespmem:v1+s9+$0x0] =	vst.idx.msk $0xffff, v33;
	v13 =	vand.u32 $0xFFFF0000, v13;
	v1 =	vor.u32 v58, v16;
	v60 =	vshrl.u32 v14, $0x10  }
0x2c2: {  	[tilespmem:v27+s9+$0x0] =	vst.idx.msk $0xffff, v15;
	v10 =	vadd.s32 $0x8000, v48;
	v12 =	vadd.s32 $0x8000, v51;
	v7 =	vor.u32 v60, v13  }
0x2c3: {  	[tilespmem:v2+s9+$0x0] =	vst.idx.msk $0xffff, v11;
	v2 =	vshrl.u32 v10, $0x10;
	v61 =	vand.u32 $0xFFFF0000, v12;
	v8 =	vadd.s32 $0x8000, v8  }
0x2c4: {  	[tilespmem:v20+s9+$0x0] =	vst.idx.msk $0xffff, v1;
	v1 =	vor.u32 v2, v61;
	v2 =	vadd.s32 $0x8000, v55;
	v62 =	vshrl.u32 v8, $0x10  }
0x2c5: {  	[tilespmem:v3+s9+$0x0] =	vst.idx.msk $0xffff, v7;
	v3 =	vadd.s32 $0x8000, v4;
	v63 =	vadd.s32 $0x8000, v59;
	v2 =	vand.u32 $0xFFFF0000, v2  }
0x2c6: {  	[tilespmem:v5+s9+$0x0] =	vst.idx.msk $0xffff, v1;
	v1 =	vor.u32 v62, v2;
	v2 =	vshrl.u32 v3, $0x10;
	v3 =	vand.u32 $0xFFFF0000, v63  }
0x2c7: {  	[tilespmem:v9+s9+$0x0] =	vst.idx.msk $0xffff, v1;
	v1 =	vor.u32 v2, v3  }
0x2c8: {  	s4 =	sld [smem:$0x7F6];
	[tilespmem:v25+s9+$0x0] =	vst.idx.msk $0xffff, v1  }
0x2c9: {  	s30 =	sld [smem:$0x7FB];
	_ =	sdelay $0x1  }
0x2ca: {  	s31 =	simm.s32 $0x0;
	s29 =	sshll.u32 s4, $0x10  }
0x2cb: {  	s11 =	simm.s32 $0xA000;
	s2 =	sld [smem:$0x7EA];
	s0 =	sadd.s32 s29, s30  }
0x2cc: {  	[hbm4b:s0+s31] =	stream.linear.scatter [tilespmem:s9], [sflag:$0x3], $0x2000, $0x38;
	[tilespmem:$0xC000] =	vst v63  }
.LBB2_6:
.Ltmp6:
0x2cd: {  	(pc) =	sbr.rel @p1 .LBB2_10-.Ltmp6, $1  }
0x2ce: {  	_ =	sdelay $0x3  }
0x2cf: {  	s13 =	simm.s32 $0x2  }
0x2d0: {  	_ =	swait.ge [sflag:s13], $0x4000  }
0x2d1: {  	s1 =	sld [smem:$0x7F9];
	_ =	sdelay $0x1  }
0x2d2: {  	s0 =	sadd.s32 $0x2, s2  }
0x2d3: {  	p1 =	sge.u32 s0, s1;
	s1 =	sld [smem:$0x7FA]  }
0x2d4: {  	[sflag:s13] =	ssyncset.done $0x0  }
0x2d5: {  	[sflag:s13] =	ssyncadd.s32 $0xFFFFC000;
	s0 =	sshll.u32 @!p1 s0, $0xE;
	s2 =	simm.s32 @!p1 $0x7A1400  }
0x2d6: {  	s3 =	simm.s32 @!p1 $0x0;
	s0 =	sadd.s32 @!p1 s0, s1;
	s1 =	simm.s32 @!p1 $0x1000  }
0x2d7: {  	[tilespmem:s3], [sflag:$0x1] =	stream.strided.gather @!p1 [hbm4b:s0+s1], $0x4000, s2, s1, $0x38;
	[tilespmem:$0xC000] =	vst v63  }
0x2d8: {  	p1 =	seq.s32 s4, $0x0  }
0x2d9: {  	s2 =	simm.s32 $0x0;
	s3 =	simm.s32 @!p1 $0x4  }
0x2da: {  	s14 =	simm.s32 $0x10;
	s1 =	sand.u32 $0xC00, s2;
	_ =	swait.ge @!p1 [sflag:s3], $0x2000  }
0x2db: {  	s0 =	sand.u32 $0x70, s14;
	s5 =	sor.u32 $0x4000, s1;
	[sflag:s3] =	ssyncset.done @!p1 $0x0  }
0x2dc: {  	s15 =	sor.u32 s0, s5;
	[sflag:s3] =	ssyncadd.s32 @!p1 $0xFFFFE000  }
0x2dd: {  	v1 =	vld [tilespmem:s15+$0x0]  }
0x2de: {  	v2 =	vld [tilespmem:s15+$0x80];
	_ =	sdelay $0x1  }
0x2df: {  	s6 =	simm.s32 $0x100  }
0x2e0: {  	v3 =	vor.u32 s6, v0;
	_ =	sdelay $0x1  }
0x2e1: {  	v1 =	vadd.s32 $0x8000, v1;
	v2 =	vadd.s32 $0x8000, v2  }
0x2e2: {  	v1 =	vshrl.u32 v1, $0x10;
	v2 =	vand.u32 $0xFFFF0000, v2  }
0x2e3: {  	v1 =	vor.u32 v1, v2  }
0x2e4: {  	[tilespmem:v3+s11+$0x0] =	vst.idx.msk $0xffff, v1  }
0x2e5: {  	v1 =	vld [tilespmem:s15+$0x100]  }
0x2e6: {  	v2 =	vld [tilespmem:s15+$0x180];
	_ =	sdelay $0x1  }
0x2e7: {  	s17 =	simm.s32 $0x101  }
0x2e8: {  	v3 =	vor.u32 s17, v0;
	_ =	sdelay $0x1  }
0x2e9: {  	v1 =	vadd.s32 $0x8000, v1;
	v2 =	vadd.s32 $0x8000, v2  }
0x2ea: {  	v1 =	vshrl.u32 v1, $0x10;
	v2 =	vand.u32 $0xFFFF0000, v2  }
0x2eb: {  	v1 =	vor.u32 v1, v2  }
0x2ec: {  	[tilespmem:v3+s11+$0x0] =	vst.idx.msk $0xffff, v1  }
0x2ed: {  	s16 =	sand.u32 $0x60, s2;
	v1 =	vld [tilespmem:s15+$0x200]  }
0x2ee: {  	s5 =	sor.u32 s16, s5;
	v2 =	vld [tilespmem:s15+$0x280]  }
0x2ef: {  	v4 =	vld [tilespmem:s5+$0x80]  }
0x2f0: {  	s18 =	simm.s32 $0x102;
	v3 =	vld [tilespmem:s5+$0x0]  }
0x2f1: {  	s7 =	simm.s32 $0x0;
	v5 =	vor.u32 s18, v0  }
0x2f2: {  	s19 =	simm.s32 $0x0;
	s20 =	sand.u32 $0x7, s7  }
0x2f3: {  	v6 =	vor.u32 s19, v0;
	s21 =	sshll.u32 s20, $0x4;
	v1 =	vadd.s32 $0x8000, v1;
	v2 =	vadd.s32 $0x8000, v2  }
0x2f4: {  	s3 =	sadd.s32 $0x0, s21;
	v1 =	vshrl.u32 v1, $0x10;
	v2 =	vand.u32 $0xFFFF0000, v2  }
0x2f5: {  	s3 =	sadd.s32 $0x10, s3;
	v4 =	vadd.s32 $0x8000, v4;
	v3 =	vadd.s32 $0x8000, v3;
	v1 =	vor.u32 v1, v2  }
0x2f6: {  	s4 =	sor.u32 s14, s2;
	s3 =	sor.u32 $0x300, s3;
	v2 =	vshrl.u32 v3, $0x10;
	v3 =	vand.u32 $0xFFFF0000, v4;
	[tilespmem:v5+s11+$0x0] =	vst.idx.msk $0xffff, v1  }
0x2f7: {  	s22 =	sor.u32 $0x380, s4;
	v1 =	vor.u32 v2, v3;
	v2 =	vld [tilespmem:s3+$0x4000]  }
0x2f8: {  	[tilespmem:v6+s11+$0x0] =	vst.idx.msk $0xffff, v1;
	v1 =	vld [tilespmem:s22+$0x4000]  }
0x2f9: {  	v3 =	vld [tilespmem:s5+$0x100]  }
0x2fa: {  	s23 =	simm.s32 $0x103;
	v4 =	vld [tilespmem:s5+$0x180]  }
0x2fb: {  	v5 =	vor.u32 s23, v0  }
0x2fc: {  	s24 =	simm.s32 $0x1  }
0x2fd: {  	v6 =	vor.u32 s24, v0;
	v2 =	vadd.s32 $0x8000, v2;
	v1 =	vadd.s32 $0x8000, v1  }
0x2fe: {  	v2 =	vshrl.u32 v2, $0x10;
	v1 =	vand.u32 $0xFFFF0000, v1  }
0x2ff: {  	s25 =	sor.u32 $0x5000, s1;
	v3 =	vadd.s32 $0x8000, v3;
	v4 =	vadd.s32 $0x8000, v4;
	v1 =	vor.u32 v2, v1  }
0x300: {  	s26 =	sor.u32 $0x5080, s1;
	s30 =	sor.u32 s0, s25;
	v2 =	vshrl.u32 v3, $0x10;
	v3 =	vand.u32 $0xFFFF0000, v4;
	[tilespmem:v5+s11+$0x0] =	vst.idx.msk $0xffff, v1  }
0x301: {  	s8 =	sor.u32 s0, s26;
	v1 =	vor.u32 v2, v3;
	v2 =	vld [tilespmem:s30+$0x0]  }
0x302: {  	[tilespmem:v6+s11+$0x0] =	vst.idx.msk $0xffff, v1;
	v1 =	vld [tilespmem:s8+$0x0]  }
0x303: {  	v3 =	vld [tilespmem:s5+$0x200]  }
0x304: {  	s9 =	simm.s32 $0x104;
	v4 =	vld [tilespmem:s5+$0x280]  }
0x305: {  	v5 =	vor.u32 s9, v0  }
0x306: {  	s10 =	simm.s32 $0x2  }
0x307: {  	v6 =	vor.u32 s10, v0;
	v2 =	vadd.s32 $0x8000, v2;
	v1 =	vadd.s32 $0x8000, v1  }
0x308: {  	v2 =	vshrl.u32 v2, $0x10;
	v1 =	vand.u32 $0xFFFF0000, v1  }
0x309: {  	s12 =	sand.u32 $0x3, s7;
	s13 =	sor.u32 $0x5100, s1;
	v3 =	vadd.s32 $0x8000, v3;
	v4 =	vadd.s32 $0x8000, v4;
	v1 =	vor.u32 v2, v1  }
0x30a: {  	s14 =	sor.u32 s0, s13;
	s3 =	sshll.u32 s12, $0x5;
	s8 =	sor.u32 $0x5180, s1;
	v2 =	vshrl.u32 v3, $0x10;
	v3 =	vand.u32 $0xFFFF0000, v4;
	[tilespmem:v5+s11+$0x0] =	vst.idx.msk $0xffff, v1  }
0x30b: {  	s3 =	sadd.s32 $0x0, s3;
	s15 =	sor.u32 s0, s8;
	v1 =	vor.u32 v2, v3;
	v2 =	vld [tilespmem:s14+$0x0]  }
0x30c: {  	s2 =	sor.u32 s2, s2;
	s3 =	sor.u32 $0x300, s3;
	[tilespmem:v6+s11+$0x0] =	vst.idx.msk $0xffff, v1;
	v1 =	vld [tilespmem:s15+$0x0]  }
0x30d: {  	s2 =	sor.u32 $0x380, s2;
	v3 =	vld [tilespmem:s3+$0x4000]  }
0x30e: {  	v4 =	vld [tilespmem:s2+$0x4000]  }
0x30f: {  	s17 =	simm.s32 $0x105;
	s2 =	simm.s32 $0x100  }
0x310: {  	s18 =	simm.s32 $0x3;
	s5 =	simm.s32 $0x30;
	v5 =	vor.u32 s17, v0;
	s22 =	sand.u32 $0xC00, s2  }
0x311: {  	v6 =	vor.u32 s18, v0;
	s3 =	sand.u32 $0x70, s5;
	s10 =	sor.u32 $0x4000, s22;
	v2 =	vadd.s32 $0x8000, v2  }
0x312: {  	s9 =	sor.u32 s3, s10;
	v1 =	vadd.s32 $0x8000, v1;
	v2 =	vshrl.u32 v2, $0x10  }
0x313: {  	v7 =	vld [tilespmem:s9+$0x0];
	v1 =	vand.u32 $0xFFFF0000, v1;
	v3 =	vadd.s32 $0x8000, v3;
	v4 =	vadd.s32 $0x8000, v4  }
0x314: {  	s12 =	sor.u32 $0x5200, s1;
	v1 =	vor.u32 v2, v1;
	v2 =	vld [tilespmem:s9+$0x80];
	v3 =	vshrl.u32 v3, $0x10;
	v4 =	vand.u32 $0xFFFF0000, v4  }
0x315: {  	s20 =	simm.s32 $0xA000;
	s7 =	sor.u32 $0x5280, s1;
	s19 =	sor.u32 s0, s12;
	[tilespmem:v5+s11+$0x0] =	vst.idx.msk $0xffff, v1;
	v1 =	vor.u32 v3, v4  }
0x316: {  	s21 =	sor.u32 s0, s7;
	s14 =	simm.s32 $0x300;
	v3 =	vld [tilespmem:s19+$0x0];
	[tilespmem:v6+s20+$0x0] =	vst.idx.msk $0xffff, v1  }
0x317: {  	s4 =	sor.u32 s16, s25;
	v4 =	vor.u32 s14, v0;
	v1 =	vld [tilespmem:s21+$0x0]  }
0x318: {  	s6 =	sor.u32 s16, s26;
	v5 =	vld [tilespmem:s4+$0x0];
	s4 =	simm.s32 $0x20  }
0x319: {  	s23 =	simm.s32 $0x106;
	v6 =	vld [tilespmem:s6+$0x0];
	v7 =	vadd.s32 $0x8000, v7;
	s21 =	sand.u32 $0x60, s4;
	v2 =	vadd.s32 $0x8000, v2  }
0x31a: {  	v8 =	vor.u32 s23, v0;
	v7 =	vshrl.u32 v7, $0x10;
	s6 =	sor.u32 s21, s10;
	v2 =	vand.u32 $0xFFFF0000, v2  }
0x31b: {  	s24 =	simm.s32 $0x4;
	v9 =	vld [tilespmem:s6+$0x0];
	v2 =	vor.u32 v7, v2  }
0x31c: {  	v10 =	vld [tilespmem:s6+$0x80];
	v7 =	vor.u32 s24, v0;
	v3 =	vadd.s32 $0x8000, v3;
	v1 =	vadd.s32 $0x8000, v1;
	[tilespmem:v4+s20+$0x0] =	vst.idx.msk $0xffff, v2  }
0x31d: {  	v2 =	vshrl.u32 v3, $0x10;
	v1 =	vand.u32 $0xFFFF0000, v1;
	v3 =	vld [tilespmem:s9+$0x100]  }
0x31e: {  	s25 =	simm.s32 $0x200;
	s11 =	sor.u32 $0x5300, s1;
	v4 =	vadd.s32 $0x8000, v5;
	v5 =	vadd.s32 $0x8000, v6;
	v1 =	vor.u32 v2, v1;
	v2 =	vld [tilespmem:s9+$0x180]  }
0x31f: {  	s26 =	sor.u32 s0, s11;
	s10 =	sor.u32 $0x5380, s1;
	v6 =	vor.u32 s25, v0;
	v4 =	vshrl.u32 v4, $0x10;
	v5 =	vand.u32 $0xFFFF0000, v5;
	[tilespmem:v8+s20+$0x0] =	vst.idx.msk $0xffff, v1  }
0x320: {  	s15 =	simm.s32 $0x301;
	s30 =	sor.u32 s0, s10;
	v1 =	vor.u32 v4, v5;
	v4 =	vld [tilespmem:s26+$0x0]  }
0x321: {  	s13 =	sor.u32 s16, s13;
	v5 =	vadd.s32 $0x8000, v9;
	v8 =	vor.u32 s15, v0;
	[tilespmem:v7+s20+$0x0] =	vst.idx.msk $0xffff, v1;
	v1 =	vld [tilespmem:s30+$0x0];
	v7 =	vadd.s32 $0x8000, v10  }
0x322: {  	s8 =	sor.u32 s16, s8;
	v5 =	vshrl.u32 v5, $0x10;
	v9 =	vld [tilespmem:s13+$0x0];
	v7 =	vand.u32 $0xFFFF0000, v7  }
0x323: {  	s17 =	simm.s32 $0x107;
	v10 =	vld [tilespmem:s8+$0x0];
	v5 =	vor.u32 v5, v7;
	v3 =	vadd.s32 $0x8000, v3;
	v2 =	vadd.s32 $0x8000, v2  }
0x324: {  	v7 =	vor.u32 s17, v0;
	[tilespmem:v6+s20+$0x0] =	vst.idx.msk $0xffff, v5;
	v3 =	vshrl.u32 v3, $0x10;
	v2 =	vand.u32 $0xFFFF0000, v2  }
0x325: {  	s18 =	simm.s32 $0x5;
	v5 =	vld [tilespmem:s6+$0x100];
	v2 =	vor.u32 v3, v2  }
0x326: {  	v6 =	vld [tilespmem:s6+$0x180];
	v3 =	vor.u32 s18, v0;
	v4 =	vadd.s32 $0x8000, v4;
	v1 =	vadd.s32 $0x8000, v1;
	[tilespmem:v8+s20+$0x0] =	vst.idx.msk $0xffff, v2  }
0x327: {  	v2 =	vshrl.u32 v4, $0x10;
	v1 =	vand.u32 $0xFFFF0000, v1;
	v4 =	vld [tilespmem:s9+$0x200]  }
0x328: {  	s19 =	simm.s32 $0x201;
	s8 =	sor.u32 $0x6000, s1;
	v8 =	vadd.s32 $0x8000, v9;
	v9 =	vadd.s32 $0x8000, v10;
	v1 =	vor.u32 v2, v1;
	v2 =	vld [tilespmem:s9+$0x280]  }
0x329: {  	s23 =	sor.u32 s0, s8;
	v10 =	vor.u32 s19, v0;
	v8 =	vshrl.u32 v8, $0x10;
	v9 =	vand.u32 $0xFFFF0000, v9;
	s9 =	sor.u32 $0x6080, s1;
	[tilespmem:v7+s20+$0x0] =	vst.idx.msk $0xffff, v1  }
0x32a: {  	s25 =	simm.s32 $0x302;
	v1 =	vor.u32 v8, v9;
	s24 =	sor.u32 s0, s9;
	v7 =	vld [tilespmem:s23+$0x0]  }
0x32b: {  	s12 =	sor.u32 s16, s12;
	s26 =	simm.s32 $0x2;
	[tilespmem:v3+s20+$0x0] =	vst.idx.msk $0xffff, v1;
	v1 =	vld [tilespmem:s24+$0x0];
	v3 =	vadd.s32 $0x8000, v5;
	v5 =	vadd.s32 $0x8000, v6;
	v6 =	vor.u32 s25, v0  }
0x32c: {  	s7 =	sor.u32 s16, s7;
	s30 =	sand.u32 $0x7, s26;
	v8 =	vld [tilespmem:s12+$0x0];
	v3 =	vshrl.u32 v3, $0x10;
	v5 =	vand.u32 $0xFFFF0000, v5  }
0x32d: {  	s13 =	simm.s32 $0x108;
	v9 =	vld [tilespmem:s7+$0x0];
	s12 =	sshll.u32 s30, $0x4;
	v3 =	vor.u32 v3, v5;
	v4 =	vadd.s32 $0x8000, v4;
	v2 =	vadd.s32 $0x8000, v2  }
0x32e: {  	v5 =	vor.u32 s13, v0;
	s14 =	sadd.s32 $0x100, s12;
	[tilespmem:v10+s20+$0x0] =	vst.idx.msk $0xffff, v3;
	v3 =	vshrl.u32 v4, $0x10;
	v2 =	vand.u32 $0xFFFF0000, v2  }
0x32f: {  	s15 =	simm.s32 $0x6;
	s7 =	sadd.s32 $0x10, s14;
	v4 =	vld [tilespmem:s6+$0x200];
	v2 =	vor.u32 v3, v2  }
0x330: {  	s5 =	sor.u32 s5, s2;
	v3 =	vor.u32 s15, v0;
	v7 =	vadd.s32 $0x8000, v7;
	v10 =	vld [tilespmem:s6+$0x280];
	s17 =	sor.u32 $0x300, s7;
	v1 =	vadd.s32 $0x8000, v1;
	[tilespmem:v6+s20+$0x0] =	vst.idx.msk $0xffff, v2  }
0x331: {  	s5 =	sor.u32 $0x380, s5;
	v2 =	vshrl.u32 v7, $0x10;
	v1 =	vand.u32 $0xFFFF0000, v1;
	v6 =	vld [tilespmem:s17+$0x4000]  }
0x332: {  	s18 =	simm.s32 $0x202;
	s6 =	sor.u32 $0x6100, s1;
	v7 =	vadd.s32 $0x8000, v8;
	v8 =	vadd.s32 $0x8000, v9;
	v1 =	vor.u32 v2, v1;
	v2 =	vld [tilespmem:s5+$0x4000]  }
0x333: {  	s7 =	sor.u32 $0x6180, s1;
	s19 =	sor.u32 s0, s6;
	v9 =	vor.u32 s18, v0;
	v7 =	vshrl.u32 v7, $0x10;
	v8 =	vand.u32 $0xFFFF0000, v8;
	[tilespmem:v5+s20+$0x0] =	vst.idx.msk $0xffff, v1  }
0x334: {  	s24 =	simm.s32 $0x1;
	s25 =	simm.s32 $0x303;
	s23 =	sor.u32 s0, s7;
	v1 =	vor.u32 v7, v8;
	v5 =	vld [tilespmem:s19+$0x0]  }
0x335: {  	s11 =	sor.u32 s16, s11;
	s26 =	sand.u32 $0x3, s24;
	v7 =	vor.u32 s25, v0;
	[tilespmem:v3+s20+$0x0] =	vst.idx.msk $0xffff, v1;
	v1 =	vld [tilespmem:s23+$0x0];
	v3 =	vadd.s32 $0x8000, v4;
	v4 =	vadd.s32 $0x8000, v10  }
0x336: {  	s10 =	sor.u32 s16, s10;
	s5 =	sshll.u32 s26, $0x5;
	v8 =	vld [tilespmem:s11+$0x0];
	v3 =	vshrl.u32 v3, $0x10;
	v4 =	vand.u32 $0xFFFF0000, v4  }
0x337: {  	s2 =	sor.u32 s4, s2;
	s5 =	sadd.s32 $0x100, s5;
	v10 =	vld [tilespmem:s10+$0x0];
	v3 =	vor.u32 v3, v4;
	v4 =	vadd.s32 $0x8000, v6;
	v2 =	vadd.s32 $0x8000, v2  }
0x338: {  	s2 =	sor.u32 $0x380, s2;
	s5 =	sor.u32 $0x300, s5;
	s10 =	simm.s32 $0x109;
	[tilespmem:v9+s20+$0x0] =	vst.idx.msk $0xffff, v3;
	v3 =	vshrl.u32 v4, $0x10;
	v2 =	vand.u32 $0xFFFF0000, v2  }
0x339: {  	s30 =	simm.s32 $0x7;
	s12 =	simm.s32 $0x203;
	s13 =	sor.u32 $0x5000, s22;
	v4 =	vor.u32 s10, v0;
	v6 =	vld [tilespmem:s5+$0x4000];
	v2 =	vor.u32 v3, v2  }
0x33a: {  	s15 =	sor.u32 $0x5080, s22;
	s17 =	sor.u32 s3, s13;
	v9 =	vor.u32 s12, v0;
	v11 =	vld [tilespmem:s2+$0x4000];
	v3 =	vor.u32 s30, v0;
	[tilespmem:v7+s20+$0x0] =	vst.idx.msk $0xffff, v2  }
0x33b: {  	s18 =	sor.u32 s3, s15;
	v1 =	vadd.s32 $0x8000, v1;
	v2 =	vadd.s32 $0x8000, v5;
	v5 =	vadd.s32 $0x8000, v8;
	v7 =	vld [tilespmem:s17+$0x0]  }
0x33c: {  	v1 =	vand.u32 $0xFFFF0000, v1;
	v8 =	vadd.s32 $0x8000, v10;
	v2 =	vshrl.u32 v2, $0x10;
	v10 =	vld [tilespmem:s18+$0x0]  }
0x33d: {  	s5 =	sor.u32 $0x6200, s1;
	v1 =	vor.u32 v2, v1;
	v2 =	vshrl.u32 v5, $0x10;
	v5 =	vand.u32 $0xFFFF0000, v8  }
0x33e: {  	s4 =	sor.u32 $0x6280, s1;
	s23 =	simm.s32 $0x304;
	s19 =	sor.u32 s0, s5;
	[tilespmem:v4+s20+$0x0] =	vst.idx.msk $0xffff, v1;
	v1 =	vor.u32 v2, v5  }
0x33f: {  	s24 =	sor.u32 s0, s4;
	v4 =	vadd.s32 $0x8000, v6;
	v5 =	vadd.s32 $0x8000, v11;
	v6 =	vor.u32 s23, v0;
	v2 =	vld [tilespmem:s19+$0x0]  }
0x340: {  	s8 =	sor.u32 s16, s8;
	[tilespmem:v3+s20+$0x0] =	vst.idx.msk $0xffff, v1;
	v1 =	vld [tilespmem:s24+$0x0];
	v3 =	vshrl.u32 v4, $0x10;
	v4 =	vand.u32 $0xFFFF0000, v5  }
0x341: {  	s9 =	sor.u32 s16, s9;
	v5 =	vld [tilespmem:s8+$0x0];
	v3 =	vor.u32 v3, v4;
	v4 =	vadd.s32 $0x8000, v7;
	v7 =	vadd.s32 $0x8000, v10  }
0x342: {  	s26 =	simm.s32 $0x10A;
	s25 =	sor.u32 s21, s13;
	v8 =	vld [tilespmem:s9+$0x0];
	[tilespmem:v9+s20+$0x0] =	vst.idx.msk $0xffff, v3;
	v3 =	vshrl.u32 v4, $0x10;
	v4 =	vand.u32 $0xFFFF0000, v7  }
0x343: {  	s2 =	sor.u32 s21, s15;
	s8 =	sor.u32 $0x5100, s22;
	v7 =	vld [tilespmem:s25+$0x0];
	v3 =	vor.u32 v3, v4;
	v4 =	vor.u32 s26, v0  }
0x344: {  	s12 =	sor.u32 $0x5180, s22;
	s9 =	sor.u32 s3, s8;
	v9 =	vld [tilespmem:s2+$0x0];
	[tilespmem:v6+s20+$0x0] =	vst.idx.msk $0xffff, v3  }
0x345: {  	s13 =	sor.u32 s3, s12;
	s30 =	simm.s32 $0x8;
	v2 =	vadd.s32 $0x8000, v2;
	v1 =	vadd.s32 $0x8000, v1;
	v6 =	vld [tilespmem:s9+$0x0]  }
0x346: {  	v3 =	vor.u32 s30, v0;
	v11 =	vld [tilespmem:s13+$0x0];
	v2 =	vshrl.u32 v2, $0x10;
	v1 =	vand.u32 $0xFFFF0000, v1  }
0x347: {  	s14 =	smov.u32 s16;
	s11 =	simm.s32 $0x204;
	v5 =	vadd.s32 $0x8000, v5;
	s9 =	sor.u32 $0x6300, s1;
	v1 =	vor.u32 v2, v1  }
0x348: {  	s15 =	simm.s32 $0x305;
	v10 =	vor.u32 s11, v0;
	s2 =	sor.u32 $0x6380, s1;
	v8 =	vadd.s32 $0x8000, v8;
	v2 =	vshrl.u32 v5, $0x10;
	s19 =	sor.u32 s0, s9;
	[tilespmem:v4+s20+$0x0] =	vst.idx.msk $0xffff, v1  }
0x349: {  	s16 =	simm.s32 $0x9;
	s29 =	smov.u32 s14;
	s25 =	sor.u32 s0, s2;
	v5 =	vand.u32 $0xFFFF0000, v8;
	v1 =	vadd.s32 $0x8000, v7;
	v4 =	vor.u32 s15, v0;
	v7 =	vld [tilespmem:s19+$0x0]  }
0x34a: {  	s6 =	sor.u32 s14, s6;
	s7 =	sor.u32 s14, s7;
	s10 =	simm.s32 $0x50;
	v2 =	vor.u32 v2, v5;
	v5 =	vadd.s32 $0x8000, v9;
	v1 =	vshrl.u32 v1, $0x10;
	v8 =	vld [tilespmem:s25+$0x0]  }
0x34b: {  	s14 =	sor.u32 $0x5200, s22;
	s28 =	sand.u32 $0x70, s10;
	s17 =	simm.s32 $0xC;
	[tilespmem:v3+s20+$0x0] =	vst.idx.msk $0xffff, v2;
	v2 =	vand.u32 $0xFFFF0000, v5;
	v3 =	vadd.s32 $0x8000, v6;
	v5 =	vadd.s32 $0x8000, v11  }
0x34c: {  	s18 =	simm.s32 $0xD;
	s23 =	simm.s32 $0xA;
	s26 =	simm.s32 $0x10B;
	v9 =	vld [tilespmem:s6+$0x0];
	v1 =	vor.u32 v1, v2;
	v2 =	vshrl.u32 v3, $0x10;
	v3 =	vand.u32 $0xFFFF0000, v5  }
0x34d: {  	s11 =	sor.u32 $0x5280, s22;
	s30 =	sor.u32 s21, s8;
	s8 =	simm.s32 $0x200;
	v11 =	vld [tilespmem:s7+$0x0];
	[tilespmem:v10+s20+$0x0] =	vst.idx.msk $0xffff, v1;
	v10 =	vor.u32 s26, v0;
	v1 =	vor.u32 v2, v3  }
0x34e: {  	v12 =	vor.u32 s16, v0;
	s13 =	sor.u32 s3, s14;
	v6 =	vor.u32 s23, v0;
	s23 =	simm.s32 $0xE;
	s26 =	sand.u32 $0xC00, s8;
	v13 =	vld [tilespmem:s30+$0x0];
	[tilespmem:v4+s20+$0x0] =	vst.idx.msk $0xffff, v1  }
0x34f: {  	s24 =	simm.s32 $0xB;
	s19 =	sor.u32 s3, s11;
	v14 =	vor.u32 s23, v0;
	v4 =	vld [tilespmem:s13+$0x0];
	s13 =	sor.u32 $0x4000, s26;
	v1 =	vadd.s32 $0x8000, v7;
	v7 =	vadd.s32 $0x8000, v8  }
0x350: {  	s25 =	simm.s32 $0x205;
	s6 =	sor.u32 $0x7000, s1;
	v5 =	vor.u32 s18, v0;
	v8 =	vld [tilespmem:s19+$0x0];
	[tilespmem:$0x1FE50] =	vst v14;
	s18 =	sor.u32 s28, s13;
	v14 =	vshrl.u32 v1, $0x10;
	v7 =	vand.u32 $0xFFFF0000, v7  }
0x351: {  	v16 =	vor.u32 s25, v0;
	s7 =	sor.u32 $0x7080, s1;
	s23 =	sor.u32 s0, s6;
	v3 =	vor.u32 s24, v0;
	s24 =	simm.s32 $0xF;
	v15 =	vld [tilespmem:s18+$0x0];
	v7 =	vor.u32 v14, v7  }
0x352: {  	v2 =	vor.u32 s17, v0;
	s17 =	sor.u32 s21, s12;
	s12 =	simm.s32 $0x40;
	s19 =	simm.s32 $0x306;
	v1 =	vor.u32 s24, v0;
	v14 =	vld [tilespmem:s18+$0x80];
	[tilespmem:v10+s20+$0x0] =	vst.idx.msk $0xffff, v7  }
0x353: {  	s30 =	simm.s32 $0x206;
	s25 =	sand.u32 $0x60, s12;
	v9 =	vadd.s32 $0x8000, v9;
	v11 =	vadd.s32 $0x8000, v11;
	s24 =	sor.u32 s0, s7;
	v7 =	vor.u32 s19, v0;
	v18 =	vld [tilespmem:s23+$0x0]  }
0x354: {  	v9 =	vshrl.u32 v9, $0x10;
	v11 =	vand.u32 $0xFFFF0000, v11;
	v10 =	vor.u32 s30, v0;
	s19 =	sor.u32 s25, s13;
	v19 =	vld [tilespmem:s24+$0x0]  }
0x355: {  	s30 =	simm.s32 $0x500;
	v9 =	vor.u32 v9, v11;
	v11 =	vld [tilespmem:s19+$0x0];
	v4 =	vadd.s32 $0x8000, v4;
	v8 =	vadd.s32 $0x8000, v8  }
0x356: {  	v17 =	vld [tilespmem:s17+$0x0];
	v20 =	vor.u32 s30, v0;
	v4 =	vshrl.u32 v4, $0x10;
	v8 =	vand.u32 $0xFFFF0000, v8  }
0x357: {  	s5 =	sor.u32 s29, s5;
	s15 =	sor.u32 $0x5300, s22;
	[tilespmem:v12+s20+$0x0] =	vst.idx.msk $0xffff, v9;
	s23 =	simm.s32 $0x10C;
	v4 =	vor.u32 v4, v8;
	v8 =	vld [tilespmem:s19+$0x80];
	v9 =	vadd.s32 $0x8000, v15;
	v12 =	vadd.s32 $0x8000, v14  }
0x358: {  	s17 =	simm.s32 $0x207;
	s13 =	sor.u32 $0x5380, s22;
	s30 =	sor.u32 s3, s15;
	v14 =	vld [tilespmem:s5+$0x0];
	v15 =	vor.u32 s23, v0;
	[tilespmem:v7+s20+$0x0] =	vst.idx.msk $0xffff, v4;
	v7 =	vshrl.u32 v9, $0x10;
	v12 =	vand.u32 $0xFFFF0000, v12  }
0x359: {  	s23 =	sor.u32 s3, s13;
	v9 =	vor.u32 s17, v0;
	s17 =	simm.s32 $0x400;
	v21 =	vld [tilespmem:s30+$0x0];
	v7 =	vor.u32 v7, v12;
	v12 =	vadd.s32 $0x8000, v18  }
0x35a: {  	s4 =	sor.u32 s29, s4;
	v18 =	vadd.s32 $0x8000, v19;
	v19 =	vor.u32 s17, v0;
	v22 =	vld [tilespmem:s23+$0x0];
	v11 =	vadd.s32 $0x8000, v11  }
0x35b: {  	s24 =	simm.s32 $0x208;
	[tilespmem:v20+s20+$0x0] =	vst.idx.msk $0xffff, v7;
	v7 =	vadd.s32 $0x8000, v13;
	v12 =	vshrl.u32 v12, $0x10;
	v13 =	vand.u32 $0xFFFF0000, v18;
	v20 =	vld [tilespmem:s4+$0x0]  }
0x35c: {  	s5 =	sor.u32 $0x7100, s1;
	v4 =	vor.u32 s24, v0;
	s24 =	simm.s32 $0x307;
	v11 =	vshrl.u32 v11, $0x10;
	v18 =	vld [tilespmem:s18+$0x100];
	v12 =	vor.u32 v12, v13  }
0x35d: {  	s30 =	sor.u32 s0, s5;
	s4 =	sor.u32 $0x7180, s1;
	v13 =	vld [tilespmem:s18+$0x180];
	v7 =	vshrl.u32 v7, $0x10;
	v8 =	vadd.s32 $0x8000, v8;
	[tilespmem:v15+s20+$0x0] =	vst.idx.msk $0xffff, v12;
	v12 =	vor.u32 s24, v0  }
0x35e: {  	s17 =	sor.u32 s0, s4;
	v15 =	vadd.s32 $0x8000, v17;
	v14 =	vadd.s32 $0x8000, v14;
	v8 =	vand.u32 $0xFFFF0000, v8;
	v17 =	vld [tilespmem:s30+$0x0]  }
0x35f: {  	s23 =	simm.s32 $0x501;
	v8 =	vor.u32 v11, v8;
	v11 =	vld [tilespmem:s17+$0x0];
	v21 =	vadd.s32 $0x8000, v21;
	v22 =	vadd.s32 $0x8000, v22  }
0x360: {  	s24 =	simm.s32 $0x401;
	[tilespmem:v19+s20+$0x0] =	vst.idx.msk $0xffff, v8;
	v8 =	vor.u32 s23, v0;
	v19 =	vshrl.u32 v21, $0x10;
	v21 =	vand.u32 $0xFFFF0000, v22  }
0x361: {  	s16 =	sor.u32 $0x6000, s22;
	v15 =	vand.u32 $0xFFFF0000, v15;
	v23 =	vor.u32 s24, v0;
	v22 =	vld [tilespmem:s19+$0x100];
	v19 =	vor.u32 v19, v21  }
0x362: {  	s24 =	sor.u32 s3, s16;
	s17 =	sor.u32 $0x6080, s22;
	v7 =	vor.u32 v7, v15;
	s23 =	simm.s32 $0x10D;
	v21 =	vld [tilespmem:s19+$0x180];
	v18 =	vadd.s32 $0x8000, v18;
	v13 =	vadd.s32 $0x8000, v13;
	[tilespmem:v12+s20+$0x0] =	vst.idx.msk $0xffff, v19  }
0x363: {  	s30 =	sor.u32 s3, s17;
	v12 =	vshrl.u32 v18, $0x10;
	v13 =	vand.u32 $0xFFFF0000, v13;
	v18 =	vor.u32 s23, v0;
	v19 =	vld [tilespmem:s24+$0x0]  }
0x364: {  	s14 =	sor.u32 s21, s14;
	[tilespmem:v16+s20+$0x0] =	vst.idx.msk $0xffff, v7;
	v12 =	vor.u32 v12, v13;
	v13 =	vld [tilespmem:s30+$0x0];
	v15 =	vadd.s32 $0x8000, v17;
	v11 =	vadd.s32 $0x8000, v11  }
0x365: {  	v14 =	vshrl.u32 v14, $0x10;
	s24 =	simm.s32 $0x308;
	v17 =	vld [tilespmem:s14+$0x0];
	[tilespmem:v8+s20+$0x0] =	vst.idx.msk $0xffff, v12;
	v12 =	vshrl.u32 v15, $0x10;
	v11 =	vand.u32 $0xFFFF0000, v11  }
0x366: {  	v8 =	vadd.s32 $0x8000, v20;
	v20 =	vor.u32 s24, v0;
	v15 =	vld [tilespmem:s18+$0x200];
	v7 =	vor.u32 v12, v11  }
0x367: {  	s30 =	sor.u32 s21, s11;
	v11 =	vadd.s32 $0x8000, v22;
	v16 =	vld [tilespmem:s18+$0x280];
	v12 =	vadd.s32 $0x8000, v21;
	v8 =	vand.u32 $0xFFFF0000, v8  }
0x368: {  	s11 =	sor.u32 $0x7200, s1;
	v21 =	vld [tilespmem:s30+$0x0];
	v11 =	vshrl.u32 v11, $0x10;
	v12 =	vand.u32 $0xFFFF0000, v12;
	v8 =	vor.u32 v14, v8  }
0x369: {  	s23 =	sor.u32 s0, s11;
	s24 =	simm.s32 $0x502;
	s30 =	simm.s32 $0x4;
	[tilespmem:v18+s20+$0x0] =	vst.idx.msk $0xffff, v7;
	v7 =	vor.u32 v11, v12;
	v11 =	vadd.s32 $0x8000, v19;
	v13 =	vadd.s32 $0x8000, v13  }
0x36a: {  	v12 =	vld [tilespmem:s23+$0x0];
	s23 =	sand.u32 $0x7, s30;
	[tilespmem:v23+s20+$0x0] =	vst.idx.msk $0xffff, v7;
	v7 =	vor.u32 s24, v0;
	s24 =	simm.s32 $0x209;
	v11 =	vshrl.u32 v11, $0x10;
	v13 =	vand.u32 $0xFFFF0000, v13  }
0x36b: {  	s9 =	sor.u32 s29, s9;
	[tilespmem:v6+s20+$0x0] =	vst.idx.msk $0xffff, v8;
	s14 =	sshll.u32 s23, $0x4;
	v18 =	vld [tilespmem:s19+$0x280];
	v6 =	vor.u32 v11, v13;
	v8 =	vor.u32 s24, v0  }
0x36c: {  	s23 =	simm.s32 $0x20A;
	v14 =	vld [tilespmem:s19+$0x200];
	s30 =	sadd.s32 $0x200, s14;
	s14 =	sor.u32 $0x6100, s22;
	v11 =	vadd.s32 $0x8000, v15;
	v13 =	vadd.s32 $0x8000, v16;
	v16 =	vadd.s32 $0x8000, v17  }
0x36d: {  	v15 =	vld [tilespmem:s9+$0x0];
	s9 =	sor.u32 $0x6180, s22;
	[tilespmem:v20+s20+$0x0] =	vst.idx.msk $0xffff, v6;
	s24 =	sadd.s32 $0x10, s30;
	s30 =	sor.u32 s3, s14;
	v17 =	vadd.s32 $0x8000, v21;
	v6 =	vshrl.u32 v11, $0x10;
	v11 =	vand.u32 $0xFFFF0000, v13  }
0x36e: {  	v13 =	vld [tilespmem:s30+$0x0];
	s18 =	sor.u32 $0x300, s24;
	s24 =	simm.s32 $0x402;
	s30 =	sor.u32 s3, s9;
	v16 =	vshrl.u32 v16, $0x10;
	v17 =	vand.u32 $0xFFFF0000, v17;
	v6 =	vor.u32 v6, v11  }
0x36f: {  	s10 =	sor.u32 s10, s8;
	v19 =	vor.u32 s24, v0;
	v20 =	vld [tilespmem:s30+$0x0];
	s24 =	simm.s32 $0x20B;
	s30 =	simm.s32 $0x20C;
	v11 =	vor.u32 s23, v0;
	v16 =	vor.u32 v16, v17;
	[tilespmem:v7+s20+$0x0] =	vst.idx.msk $0xffff, v6  }
0x370: {  	s10 =	sor.u32 $0x380, s10;
	s23 =	simm.s32 $0x2;
	v7 =	vor.u32 s24, v0;
	v6 =	vor.u32 s30, v0;
	[tilespmem:v10+s20+$0x0] =	vst.idx.msk $0xffff, v16;
	s30 =	simm.s32 $0x20E;
	v21 =	vld [tilespmem:s18+$0x4000];
	v16 =	vadd.s32 $0x8000, v18  }
0x371: {  	s15 =	sor.u32 s21, s15;
	s24 =	simm.s32 $0x309;
	s19 =	sand.u32 $0x3, s23;
	v10 =	vadd.s32 $0x8000, v14;
	v14 =	vld [tilespmem:s10+$0x4000];
	v22 =	vand.u32 $0xFFFF0000, v16;
	v16 =	vor.u32 s30, v0  }
0x372: {  	s13 =	sor.u32 s21, s13;
	s18 =	simm.s32 $0x20D;
	v17 =	vld [tilespmem:s15+$0x0];
	v18 =	vor.u32 s24, v0;
	s23 =	sshll.u32 s19, $0x5;
	v10 =	vshrl.u32 v10, $0x10;
	[tilespmem:$0x1FEE0] =	vst v16  }
0x373: {  	s2 =	sor.u32 s29, s2;
	s24 =	simm.s32 $0x503;
	v28 =	vor.u32 s18, v0;
	s10 =	sadd.s32 $0x200, s23;
	v10 =	vor.u32 v10, v22;
	v23 =	vld [tilespmem:s13+$0x0]  }
0x374: {  	s8 =	sor.u32 s12, s8;
	v13 =	vadd.s32 $0x8000, v13;
	s15 =	sor.u32 $0x300, s10;
	v22 =	vld [tilespmem:s2+$0x0];
	v20 =	vadd.s32 $0x8000, v20;
	[tilespmem:v19+s20+$0x0] =	vst.idx.msk $0xffff, v10;
	v10 =	vor.u32 s24, v0  }
0x375: {  	s8 =	sor.u32 $0x380, s8;
	s19 =	sor.u32 $0x7280, s1;
	v15 =	vadd.s32 $0x8000, v15;
	v13 =	vshrl.u32 v13, $0x10;
	v20 =	vand.u32 $0xFFFF0000, v20;
	v24 =	vld [tilespmem:s15+$0x4000]  }
0x376: {  	s30 =	simm.s32 $0x403;
	s18 =	sor.u32 s0, s19;
	s13 =	sor.u32 $0x6200, s22;
	v13 =	vor.u32 v13, v20;
	v20 =	vld [tilespmem:s8+$0x4000];
	v21 =	vadd.s32 $0x8000, v21;
	v14 =	vadd.s32 $0x8000, v14  }
0x377: {  	v19 =	vor.u32 s30, v0;
	v25 =	vld [tilespmem:s18+$0x0];
	s15 =	sor.u32 $0x6280, s22;
	s23 =	sor.u32 s3, s13;
	[tilespmem:v18+s20+$0x0] =	vst.idx.msk $0xffff, v13;
	v13 =	vshrl.u32 v21, $0x10;
	v14 =	vand.u32 $0xFFFF0000, v14  }
0x378: {  	v17 =	vadd.s32 $0x8000, v17;
	s24 =	sor.u32 s3, s15;
	s8 =	sor.u32 $0x5000, s26;
	v21 =	vld [tilespmem:s23+$0x0];
	v13 =	vor.u32 v13, v14;
	v18 =	vadd.s32 $0x8000, v23  }
0x379: {  	s2 =	sor.u32 $0x5080, s26;
	v17 =	vshrl.u32 v17, $0x10;
	s30 =	sor.u32 s28, s8;
	v14 =	vadd.s32 $0x8000, v22;
	v22 =	vld [tilespmem:s24+$0x0];
	[tilespmem:v10+s20+$0x0] =	vst.idx.msk $0xffff, v13;
	v18 =	vand.u32 $0xFFFF0000, v18  }
0x37a: {  	s12 =	sor.u32 s28, s2;
	v10 =	vshrl.u32 v15, $0x10;
	v13 =	vand.u32 $0xFFFF0000, v14;
	v15 =	vld [tilespmem:s30+$0x0];
	v14 =	vor.u32 v17, v18  }
0x37b: {  	s18 =	simm.s32 $0x30A;
	[tilespmem:v9+s20+$0x0] =	vst.idx.msk $0xffff, v14;
	v9 =	vor.u32 v10, v13;
	v10 =	vadd.s32 $0x8000, v24;
	v13 =	vadd.s32 $0x8000, v20;
	v14 =	vld [tilespmem:s12+$0x0]  }
0x37c: {  	s16 =	sor.u32 s21, s16;
	v18 =	vor.u32 s18, v0;
	v10 =	vshrl.u32 v10, $0x10;
	v13 =	vand.u32 $0xFFFF0000, v13  }
0x37d: {  	s17 =	sor.u32 s21, s17;
	s30 =	simm.s32 $0x504;
	v17 =	vld [tilespmem:s16+$0x0];
	[tilespmem:v3+s20+$0x0] =	vst.idx.msk $0xffff, v9;
	v9 =	vor.u32 v10, v13  }
0x37e: {  	s6 =	sor.u32 s29, s6;
	v3 =	vld [tilespmem:s17+$0x0];
	v10 =	vadd.s32 $0x8000, v21;
	v13 =	vadd.s32 $0x8000, v22;
	v22 =	vor.u32 s30, v0  }
0x37f: {  	s7 =	sor.u32 s29, s7;
	v21 =	vld [tilespmem:s6+$0x0];
	[tilespmem:v19+s20+$0x0] =	vst.idx.msk $0xffff, v9;
	v9 =	vshrl.u32 v10, $0x10;
	v10 =	vand.u32 $0xFFFF0000, v13  }
0x380: {  	s24 =	simm.s32 $0x10E;
	s12 =	sor.u32 s25, s8;
	v13 =	vld [tilespmem:s7+$0x0];
	v9 =	vor.u32 v9, v10;
	v10 =	vadd.s32 $0x8000, v15;
	v14 =	vadd.s32 $0x8000, v14  }
0x381: {  	s2 =	sor.u32 s25, s2;
	v23 =	vor.u32 s24, v0;
	s7 =	sor.u32 $0x6300, s22;
	v19 =	vld [tilespmem:s12+$0x0];
	[tilespmem:v18+s20+$0x0] =	vst.idx.msk $0xffff, v9;
	v9 =	vshrl.u32 v10, $0x10;
	v10 =	vand.u32 $0xFFFF0000, v14  }
0x382: {  	v12 =	vadd.s32 $0x8000, v12;
	s23 =	simm.s32 $0x404;
	s8 =	sor.u32 $0x6380, s22;
	v15 =	vadd.s32 $0x8000, v25;
	v24 =	vld [tilespmem:s2+$0x0];
	s16 =	sor.u32 s3, s7;
	v9 =	vor.u32 v9, v10  }
0x383: {  	v12 =	vshrl.u32 v12, $0x10;
	s10 =	sor.u32 $0x5100, s26;
	v20 =	vor.u32 s23, v0;
	s23 =	sor.u32 $0x7300, s1;
	s17 =	sor.u32 s3, s8;
	v14 =	vand.u32 $0xFFFF0000, v15;
	v15 =	vld [tilespmem:s16+$0x0];
	[tilespmem:v22+s20+$0x0] =	vst.idx.msk $0xffff, v9  }
0x384: {  	s18 =	sor.u32 s28, s10;
	s30 =	sor.u32 $0x7380, s1;
	v10 =	vor.u32 v12, v14;
	v14 =	vld [tilespmem:s17+$0x0];
	[smem:$0x7D6] =	sst s23  }
0x385: {  	v12 =	vadd.s32 $0x8000, v17;
	v17 =	vld [tilespmem:s18+$0x0];
	[smem:$0x7D7] =	sst s30  }
0x386: {  	s16 =	sor.u32 s0, s23;
	[tilespmem:v23+s20+$0x0] =	vst.idx.msk $0xffff, v10  }
0x387: {  	v10 =	vadd.s32 $0x8000, v13;
	v13 =	vld [tilespmem:s16+$0x0];
	_ =	sdelay $0x2  }
0x388: {  	s2 =	sor.u32 $0x5180, s26;
	v3 =	vadd.s32 $0x8000, v3  }
0x389: {  	s24 =	sor.u32 s28, s2;
	v3 =	vand.u32 $0xFFFF0000, v3;
	v9 =	vshrl.u32 v12, $0x10;
	v12 =	vadd.s32 $0x8000, v21  }
0x38a: {  	s0 =	sor.u32 s0, s30;
	v3 =	vor.u32 v9, v3;
	v9 =	vshrl.u32 v12, $0x10;
	v12 =	vld [tilespmem:s24+$0x0];
	[tilespmem:$0x1FDF0] =	vst v13  }
0x38b: {  	v16 =	vld [tilespmem:s0+$0x0];
	_ =	sdelay $0x3  }
0x38c: {  	v18 =	vadd.s32 $0x8000, v24;
	s30 =	simm.s32 $0x407;
	v10 =	vand.u32 $0xFFFF0000, v10  }
0x38d: {  	s18 =	simm.s32 $0x30B;
	s24 =	simm.s32 $0x505;
	v25 =	vor.u32 s30, v0;
	v9 =	vor.u32 v9, v10;
	v10 =	vadd.s32 $0x8000, v15;
	[tilespmem:$0x1FE00] =	vst v16  }
0x38e: {  	s23 =	sor.u32 s21, s14;
	s16 =	simm.s32 $0x405;
	v15 =	vor.u32 s24, v0;
	v13 =	vadd.s32 $0x8000, v19;
	[tilespmem:v4+s20+$0x0] =	vst.idx.msk $0xffff, v3;
	v4 =	vor.u32 s18, v0  }
0x38f: {  	s5 =	sor.u32 s29, s5;
	s9 =	sor.u32 s21, s9;
	s6 =	simm.s32 $0x10F;
	v26 =	vor.u32 s16, v0;
	v3 =	vshrl.u32 v13, $0x10;
	v13 =	vand.u32 $0xFFFF0000, v18;
	v21 =	vld [tilespmem:s23+$0x0]  }
0x390: {  	s12 =	simm.s32 $0x20F;
	s2 =	sor.u32 s25, s2;
	s16 =	sor.u32 $0x5200, s26;
	[tilespmem:v2+s20+$0x0] =	vst.idx.msk $0xffff, v9;
	v2 =	vshrl.u32 v10, $0x10;
	v22 =	vld [tilespmem:s9+$0x0];
	v3 =	vor.u32 v3, v13;
	v13 =	vadd.s32 $0x8000, v14  }
0x391: {  	s17 =	simm.s32 $0x406;
	s14 =	sor.u32 s25, s10;
	s30 =	sor.u32 s28, s16;
	v9 =	vadd.s32 $0x8000, v17;
	v10 =	vadd.s32 $0x8000, v12;
	v24 =	vld [tilespmem:s5+$0x0];
	[tilespmem:v20+s20+$0x0] =	vst.idx.msk $0xffff, v3;
	v3 =	vand.u32 $0xFFFF0000, v13  }
0x392: {  	s23 =	simm.s32 $0x40A;
	s5 =	sor.u32 $0x7000, s22;
	v9 =	vshrl.u32 v9, $0x10;
	v10 =	vand.u32 $0xFFFF0000, v10;
	v23 =	vld [tilespmem:s14+$0x0];
	v3 =	vor.u32 v2, v3;
	s14 =	simm.s32 $0x300  }
0x393: {  	v31 =	vor.u32 s17, v0;
	s9 =	simm.s32 $0x70;
	s24 =	sor.u32 s3, s5;
	v32 =	vld [tilespmem:s2+$0x0];
	s2 =	sand.u32 $0xC00, s14;
	[tilespmem:v4+s20+$0x0] =	vst.idx.msk $0xffff, v3;
	v3 =	vor.u32 v9, v10  }
0x394: {  	s10 =	sand.u32 $0x70, s9;
	v17 =	vor.u32 s23, v0;
	s23 =	simm.s32 $0x40D;
	s17 =	sor.u32 $0x4000, s2;
	v29 =	vld [tilespmem:s24+$0x0];
	[tilespmem:v15+s20+$0x0] =	vst.idx.msk $0xffff, v3;
	v3 =	vor.u32 s6, v0  }
0x395: {  	s18 =	simm.s32 $0x409;
	v2 =	vor.u32 s12, v0;
	s12 =	simm.s32 $0x40B;
	s0 =	sor.u32 s10, s17;
	v15 =	vld [tilespmem:s30+$0x0];
	[tilespmem:$0x1FE80] =	vst v3;
	v3 =	vor.u32 s23, v0  }
0x396: {  	v20 =	vor.u32 s12, v0;
	s12 =	sor.u32 $0x7080, s22;
	v10 =	vor.u32 s18, v0;
	s18 =	simm.s32 $0x40C;
	v30 =	vld [tilespmem:s0+$0x0];
	[tilespmem:$0x1FEA0] =	vst v3  }
0x397: {  	v27 =	vor.u32 s18, v0;
	s24 =	simm.s32 $0x40E;
	v13 =	vadd.s32 $0x8000, v22;
	s30 =	sor.u32 s3, s12;
	s23 =	sor.u32 $0x5280, s26;
	v3 =	vadd.s32 $0x8000, v21;
	v21 =	vld [tilespmem:s0+$0x80]  }
0x398: {  	s18 =	simm.s32 $0x40F;
	v4 =	vor.u32 s24, v0;
	v13 =	vand.u32 $0xFFFF0000, v13;
	s24 =	simm.s32 $0x30C;
	v22 =	vld [tilespmem:s30+$0x0];
	v14 =	vshrl.u32 v3, $0x10;
	s30 =	sor.u32 s28, s23  }
0x399: {  	v33 =	vor.u32 s24, v0;
	s24 =	simm.s32 $0x600;
	v3 =	vor.u32 s18, v0;
	s18 =	simm.s32 $0x506;
	v34 =	vld [tilespmem:s30+$0x0];
	v13 =	vor.u32 v14, v13;
	s30 =	simm.s32 $0x700  }
0x39a: {  	s1 =	simm.s32 $0x408;
	v36 =	vor.u32 s24, v0;
	s24 =	simm.s32 $0x601;
	v35 =	vor.u32 s18, v0;
	s18 =	sor.u32 s21, s13;
	v37 =	vor.u32 s30, v0;
	[tilespmem:v8+s20+$0x0] =	vst.idx.msk $0xffff, v13  }
0x39b: {  	v12 =	vor.u32 s1, v0;
	s6 =	sor.u32 s21, s15;
	s15 =	simm.s32 $0x60;
	v23 =	vadd.s32 $0x8000, v23;
	v14 =	vor.u32 s24, v0;
	v38 =	vld [tilespmem:s18+$0x0]  }
0x39c: {  	s18 =	sor.u32 s29, s4;
	v40 =	vld [tilespmem:s6+$0x0];
	s4 =	sand.u32 $0x60, s15;
	v8 =	vadd.s32 $0x8000, v15;
	v15 =	vadd.s32 $0x8000, v30;
	v21 =	vadd.s32 $0x8000, v21  }
0x39d: {  	s24 =	simm.s32 $0x30D;
	v39 =	vadd.s32 $0x8000, v29;
	v30 =	vld [tilespmem:s18+$0x0];
	s18 =	sor.u32 s4, s17;
	v15 =	vshrl.u32 v15, $0x10;
	v21 =	vand.u32 $0xFFFF0000, v21  }
0x39e: {  	s13 =	simm.s32 $0x507;
	v41 =	vor.u32 s24, v0;
	v42 =	vld [tilespmem:s18+$0x0];
	v34 =	vadd.s32 $0x8000, v34;
	v15 =	vor.u32 v15, v21  }
0x39f: {  	v43 =	vor.u32 s13, v0;
	s6 =	simm.s32 $0x603;
	v8 =	vshrl.u32 v8, $0x10;
	v54 =	vld [tilespmem:s18+$0x80];
	v21 =	vand.u32 $0xFFFF0000, v34;
	[tilespmem:v37+s20+$0x0] =	vst.idx.msk $0xffff, v15  }
0x3a0: {  	v29 =	vor.u32 s6, v0;
	s17 =	simm.s32 $0x604;
	s6 =	sor.u32 $0x5300, s26;
	v22 =	vadd.s32 $0x8000, v22;
	v21 =	vor.u32 v8, v21;
	v37 =	vld [tilespmem:s0+$0x100]  }
0x3a1: {  	s24 =	simm.s32 $0x605;
	v39 =	vshrl.u32 v39, $0x10;
	s13 =	sor.u32 s28, s6;
	v22 =	vand.u32 $0xFFFF0000, v22;
	v15 =	vor.u32 s17, v0;
	s17 =	sor.u32 $0x5380, s26;
	[tilespmem:v35+s20+$0x0] =	vst.idx.msk $0xffff, v21;
	v21 =	vld [tilespmem:s0+$0x180]  }
0x3a2: {  	v32 =	vadd.s32 $0x8000, v32;
	v22 =	vor.u32 v39, v22;
	v8 =	vor.u32 s24, v0;
	s24 =	simm.s32 $0x701;
	s1 =	sor.u32 s28, s17;
	v35 =	vld [tilespmem:s13+$0x0];
	s13 =	sor.u32 $0x7100, s22  }
0x3a3: {  	v23 =	vshrl.u32 v23, $0x10;
	v32 =	vand.u32 $0xFFFF0000, v32;
	[tilespmem:v33+s20+$0x0] =	vst.idx.msk $0xffff, v22;
	v44 =	vor.u32 s24, v0;
	v55 =	vld [tilespmem:s1+$0x0];
	s1 =	sor.u32 $0x7180, s22;
	s24 =	sor.u32 s3, s13  }
0x3a4: {  	v32 =	vor.u32 v23, v32;
	v56 =	vadd.s32 $0x8000, v42;
	v34 =	vadd.s32 $0x8000, v54;
	v22 =	vld [tilespmem:s24+$0x0];
	s24 =	sor.u32 s3, s1  }
0x3a5: {  	s16 =	sor.u32 s25, s16;
	[tilespmem:v26+s20+$0x0] =	vst.idx.msk $0xffff, v32;
	v26 =	vshrl.u32 v56, $0x10;
	v58 =	vand.u32 $0xFFFF0000, v34;
	v57 =	vld [tilespmem:s24+$0x0]  }
0x3a6: {  	s23 =	sor.u32 s25, s23;
	s30 =	simm.s32 $0x602;
	v34 =	vld [tilespmem:s16+$0x0];
	v26 =	vor.u32 v26, v58;
	v59 =	vadd.s32 $0x8000, v37;
	v21 =	vadd.s32 $0x8000, v21  }
0x3a7: {  	v13 =	vor.u32 s30, v0;
	[tilespmem:v36+s20+$0x0] =	vst.idx.msk $0xffff, v26;
	v37 =	vld [tilespmem:s23+$0x0];
	v26 =	vshrl.u32 v59, $0x10;
	v21 =	vand.u32 $0xFFFF0000, v21  }
0x3a8: {  	s24 =	simm.s32 $0x30E;
	v62 =	vld [tilespmem:s18+$0x100];
	v60 =	vadd.s32 $0x8000, v35;
	v61 =	vadd.s32 $0x8000, v55;
	v21 =	vor.u32 v26, v21  }
0x3a9: {  	v45 =	vor.u32 s24, v0;
	v49 =	vld [tilespmem:s18+$0x180];
	v26 =	vshrl.u32 v60, $0x10;
	v48 =	vand.u32 $0xFFFF0000, v61;
	[tilespmem:v44+s20+$0x0] =	vst.idx.msk $0xffff, v21  }
0x3aa: {  	s16 =	sor.u32 $0x6000, s26;
	s24 =	simm.s32 $0x607;
	v21 =	vadd.s32 $0x8000, v22;
	v26 =	vor.u32 v26, v48;
	v50 =	vadd.s32 $0x8000, v57;
	v51 =	vld [tilespmem:s0+$0x200]  }
0x3ab: {  	s31 =	sor.u32 $0x7200, s22;
	s30 =	smov.u32 s29;
	v22 =	vor.u32 s24, v0;
	s24 =	sor.u32 s28, s16;
	v52 =	vld [tilespmem:s0+$0x280];
	v21 =	vshrl.u32 v21, $0x10;
	[tilespmem:v43+s20+$0x0] =	vst.idx.msk $0xffff, v26;
	v39 =	vand.u32 $0xFFFF0000, v50  }
0x3ac: {  	v38 =	vadd.s32 $0x8000, v38;
	s23 =	simm.s32 $0x508;
	s0 =	sor.u32 $0x6080, s26;
	v26 =	vld [tilespmem:s24+$0x0];
	s24 =	simm.s32 $0x702;
	v21 =	vor.u32 v21, v39  }
0x3ad: {  	s29 =	simm.s32 $0x606;
	v40 =	vadd.s32 $0x8000, v40;
	v63 =	vor.u32 s23, v0;
	s23 =	sor.u32 s28, s0;
	v54 =	vor.u32 s24, v0;
	s24 =	sor.u32 $0x7280, s22;
	[tilespmem:v41+s20+$0x0] =	vst.idx.msk $0xffff, v21  }
0x3ae: {  	v23 =	vor.u32 s29, v0;
	v38 =	vshrl.u32 v38, $0x10;
	v40 =	vand.u32 $0xFFFF0000, v40;
	v53 =	vld [tilespmem:s23+$0x0];
	s23 =	sor.u32 s3, s31;
	[smem:$0x7D4] =	sst s24  }
0x3af: {  	s29 =	simm.s32 $0x6;
	v38 =	vor.u32 v38, v40;
	v35 =	vadd.s32 $0x8000, v62;
	v33 =	vadd.s32 $0x8000, v49;
	s24 =	sor.u32 s3, s24;
	v41 =	vld [tilespmem:s23+$0x0]  }
0x3b0: {  	s7 =	sor.u32 s21, s7;
	v33 =	vand.u32 $0xFFFF0000, v33;
	s23 =	simm.s32 $0x608;
	v55 =	vld [tilespmem:s24+$0x0];
	[tilespmem:v11+s20+$0x0] =	vst.idx.msk $0xffff, v38;
	v11 =	vshrl.u32 v35, $0x10;
	s24 =	sand.u32 $0x7, s29  }
0x3b1: {  	v32 =	vadd.s32 $0x8000, v51;
	v44 =	vld [tilespmem:s7+$0x0];
	s7 =	sor.u32 s21, s8;
	v11 =	vor.u32 v11, v33;
	s8 =	sshll.u32 s24, $0x4;
	s24 =	simm.s32 $0x609  }
0x3b2: {  	v56 =	vadd.s32 $0x8000, v52;
	v21 =	vor.u32 s23, v0;
	v57 =	vld [tilespmem:s7+$0x0];
	v38 =	vor.u32 s24, v0;
	[tilespmem:v14+s20+$0x0] =	vst.idx.msk $0xffff, v11;
	s24 =	simm.s32 $0x60A  }
0x3b3: {  	s23 =	sadd.s32 $0x300, s8;
	v11 =	vshrl.u32 v32, $0x10;
	v14 =	vand.u32 $0xFFFF0000, v56;
	v59 =	vld [tilespmem:s18+$0x200];
	v9 =	vor.u32 s24, v0  }
0x3b4: {  	v26 =	vadd.s32 $0x8000, v26;
	v58 =	vadd.s32 $0x8000, v53;
	v11 =	vor.u32 v11, v14;
	s7 =	sadd.s32 $0x10, s23;
	v14 =	vld [tilespmem:s18+$0x280];
	s24 =	simm.s32 $0x30F;
	[tilespmem:$0x1FE20] =	vst v9  }
0x3b5: {  	v26 =	vshrl.u32 v26, $0x10;
	v32 =	vand.u32 $0xFFFF0000, v58;
	s18 =	sor.u32 s9, s14;
	s7 =	sor.u32 $0x300, s7;
	v9 =	vor.u32 s24, v0;
	[tilespmem:v54+s20+$0x0] =	vst.idx.msk $0xffff, v11  }
0x3b6: {  	v34 =	vadd.s32 $0x8000, v34;
	v37 =	vadd.s32 $0x8000, v37;
	s9 =	sor.u32 $0x6100, s26;
	v32 =	vor.u32 v26, v32;
	s23 =	sor.u32 $0x380, s18;
	v11 =	vld [tilespmem:s7+$0x4000];
	[tilespmem:$0x1FE90] =	vst v9  }
0x3b7: {  	v34 =	vshrl.u32 v34, $0x10;
	v37 =	vand.u32 $0xFFFF0000, v37;
	s18 =	sor.u32 s28, s9;
	s7 =	sor.u32 $0x6180, s26;
	v60 =	vld [tilespmem:s23+$0x4000];
	[tilespmem:v63+s20+$0x0] =	vst.idx.msk $0xffff, v32  }
0x3b8: {  	s6 =	sor.u32 s25, s6;
	v34 =	vor.u32 v34, v37;
	s8 =	sor.u32 s25, s17;
	s23 =	sor.u32 s28, s7;
	v32 =	vld [tilespmem:s18+$0x0]  }
0x3b9: {  	s24 =	simm.s32 $0x703;
	v61 =	vadd.s32 $0x8000, v41;
	v40 =	vadd.s32 $0x8000, v55;
	[tilespmem:v31+s20+$0x0] =	vst.idx.msk $0xffff, v34;
	v62 =	vld [tilespmem:s23+$0x0];
	s23 =	simm.s32 $0x3;
	s18 =	sor.u32 $0x7300, s22  }
0x3ba: {  	v36 =	vshrl.u32 v61, $0x10;
	v40 =	vand.u32 $0xFFFF0000, v40;
	v31 =	vld [tilespmem:s6+$0x0];
	s6 =	sand.u32 $0x3, s23;
	[smem:$0x7D8] =	sst s18;
	s23 =	sor.u32 $0x7380, s22  }
0x3bb: {  	v63 =	vor.u32 s24, v0;
	v46 =	vor.u32 v36, v40;
	s24 =	simm.s32 $0x509;
	v47 =	vld [tilespmem:s8+$0x0];
	[smem:$0x7D9] =	sst s23  }
0x3bc: {  	v48 =	vor.u32 s24, v0;
	s24 =	sor.u32 s3, s18;
	[tilespmem:v45+s20+$0x0] =	vst.idx.msk $0xffff, v46  }
0x3bd: {  	v9 =	vld [tilespmem:s24+$0x0];
	_ =	sdelay $0x4  }
0x3be: {  	s3 =	sor.u32 s3, s23;
	[tilespmem:$0x1FE10] =	vst v9  }
0x3bf: {  	v9 =	vld [tilespmem:s3+$0x0];
	_ =	sdelay $0x2  }
0x3c0: {  	v35 =	vadd.s32 $0x8000, v59;
	v14 =	vadd.s32 $0x8000, v14  }
0x3c1: {  	v49 =	vshrl.u32 v35, $0x10;
	v14 =	vand.u32 $0xFFFF0000, v14;
	s6 =	sshll.u32 s6, $0x5  }
0x3c2: {  	v14 =	vor.u32 v49, v14;
	s6 =	sadd.s32 $0x300, s6;
	v11 =	vadd.s32 $0x8000, v11;
	v50 =	vadd.s32 $0x8000, v60;
	[tilespmem:$0x1FE30] =	vst v9  }
0x3c3: {  	s17 =	sor.u32 s15, s14;
	s18 =	sor.u32 $0x300, s6;
	v11 =	vshrl.u32 v11, $0x10;
	[tilespmem:v13+s20+$0x0] =	vst.idx.msk $0xffff, v14;
	v13 =	vand.u32 $0xFFFF0000, v50  }
0x3c4: {  	s23 =	sor.u32 $0x380, s17;
	s8 =	sor.u32 $0x5000, s2;
	v32 =	vadd.s32 $0x8000, v32;
	v51 =	vadd.s32 $0x8000, v62;
	v14 =	vld [tilespmem:s18+$0x4000];
	v11 =	vor.u32 v11, v13  }
0x3c5: {  	s14 =	sor.u32 s10, s8;
	v32 =	vshrl.u32 v32, $0x10;
	v34 =	vand.u32 $0xFFFF0000, v51;
	s3 =	sor.u32 $0x5080, s2;
	v13 =	vld [tilespmem:s23+$0x4000];
	[tilespmem:v63+s20+$0x0] =	vst.idx.msk $0xffff, v11  }
0x3c6: {  	s6 =	sor.u32 $0x6200, s26;
	v31 =	vadd.s32 $0x8000, v31;
	v40 =	vadd.s32 $0x8000, v47;
	v32 =	vor.u32 v32, v34;
	s15 =	sor.u32 s10, s3;
	v11 =	vld [tilespmem:s14+$0x0]  }
0x3c7: {  	v42 =	vadd.s32 $0x8000, v57;
	s17 =	sor.u32 s28, s6;
	v31 =	vshrl.u32 v31, $0x10;
	v40 =	vand.u32 $0xFFFF0000, v40;
	[tilespmem:v48+s20+$0x0] =	vst.idx.msk $0xffff, v32;
	v54 =	vld [tilespmem:s15+$0x0];
	s15 =	sor.u32 $0x6280, s26  }
0x3c8: {  	v56 =	vadd.s32 $0x8000, v44;
	v42 =	vand.u32 $0xFFFF0000, v42;
	s22 =	simm.s32 $0x50A;
	s24 =	simm.s32 $0x704;
	v31 =	vor.u32 v31, v40;
	v55 =	vld [tilespmem:s17+$0x0];
	s18 =	sor.u32 s28, s15  }
0x3c9: {  	v52 =	vor.u32 s22, v0;
	s22 =	sor.u32 s25, s16;
	v53 =	vor.u32 s24, v0;
	v32 =	vshrl.u32 v56, $0x10;
	[tilespmem:v25+s20+$0x0] =	vst.idx.msk $0xffff, v31;
	v57 =	vld [tilespmem:s18+$0x0]  }
0x3ca: {  	s0 =	sor.u32 s25, s0;
	s24 =	sor.u32 s21, s12;
	s12 =	simm.s32 $0x60B;
	v25 =	vld [tilespmem:s22+$0x0];
	v31 =	vor.u32 v32, v42;
	v14 =	vadd.s32 $0x8000, v14;
	v13 =	vadd.s32 $0x8000, v13  }
0x3cb: {  	v9 =	vor.u32 s12, v0;
	v58 =	vld [tilespmem:s0+$0x0];
	s23 =	sor.u32 s21, s5;
	[tilespmem:v7+s20+$0x0] =	vst.idx.msk $0xffff, v31;
	v7 =	vshrl.u32 v14, $0x10;
	v13 =	vand.u32 $0xFFFF0000, v13  }
0x3cc: {  	s16 =	simm.s32 $0x60C;
	v14 =	vld [tilespmem:s23+$0x0];
	[tilespmem:$0x1FE60] =	vst v9;
	v7 =	vor.u32 v7, v13;
	v11 =	vadd.s32 $0x8000, v11;
	v13 =	vadd.s32 $0x8000, v54  }
0x3cd: {  	s14 =	sor.u32 s4, s8;
	v9 =	vor.u32 s16, v0;
	[tilespmem:v29+s20+$0x0] =	vst.idx.msk $0xffff, v7;
	v7 =	vld [tilespmem:s24+$0x0];
	v11 =	vshrl.u32 v11, $0x10;
	v13 =	vand.u32 $0xFFFF0000, v13  }
0x3ce: {  	s3 =	sor.u32 s4, s3;
	s0 =	sor.u32 $0x5100, s2;
	v29 =	vadd.s32 $0x8000, v55;
	v59 =	vadd.s32 $0x8000, v57;
	v60 =	vld [tilespmem:s14+$0x0];
	v11 =	vor.u32 v11, v13;
	[tilespmem:$0x1FEB0] =	vst v9  }
0x3cf: {  	v24 =	vadd.s32 $0x8000, v24;
	s17 =	sor.u32 s10, s0;
	v13 =	vshrl.u32 v29, $0x10;
	v29 =	vand.u32 $0xFFFF0000, v59;
	v61 =	vld [tilespmem:s3+$0x0];
	s3 =	sor.u32 $0x5180, s2;
	[tilespmem:v53+s20+$0x0] =	vst.idx.msk $0xffff, v11  }
0x3d0: {  	v24 =	vshrl.u32 v24, $0x10;
	s16 =	sor.u32 $0x6300, s26;
	v13 =	vor.u32 v13, v29;
	v29 =	vld [tilespmem:s17+$0x0];
	s18 =	sor.u32 s10, s3  }
0x3d1: {  	v30 =	vadd.s32 $0x8000, v30;
	s8 =	sor.u32 $0x6380, s26;
	s23 =	sor.u32 s28, s16;
	v11 =	vadd.s32 $0x8000, v25;
	v25 =	vadd.s32 $0x8000, v58;
	v39 =	vld [tilespmem:s18+$0x0];
	[tilespmem:v52+s20+$0x0] =	vst.idx.msk $0xffff, v13  }
0x3d2: {  	v30 =	vand.u32 $0xFFFF0000, v30;
	s24 =	sor.u32 s28, s8;
	v11 =	vshrl.u32 v11, $0x10;
	v25 =	vand.u32 $0xFFFF0000, v25;
	v13 =	vld [tilespmem:s23+$0x0]  }
0x3d3: {  	v24 =	vor.u32 v24, v30;
	v11 =	vor.u32 v11, v25;
	v25 =	vld [tilespmem:s24+$0x0];
	[smem:$0x7D5] =	sst s30  }
0x3d4: {  	s12 =	sor.u32 s30, s11;
	[tilespmem:v5+s20+$0x0] =	vst.idx.msk $0xffff, v24  }
0x3d5: {  	v9 =	vld [tilespmem:s12+$0x0];
	_ =	sdelay $0x1  }
0x3d6: {  	s22 =	simm.s32 $0x705;
	v14 =	vadd.s32 $0x8000, v14  }
0x3d7: {  	s9 =	sor.u32 s25, s9;
	v62 =	vor.u32 s22, v0;
	v7 =	vadd.s32 $0x8000, v7;
	[tilespmem:v12+s20+$0x0] =	vst.idx.msk $0xffff, v11;
	v11 =	vshrl.u32 v14, $0x10  }
0x3d8: {  	s7 =	sor.u32 s25, s7;
	v14 =	vadd.s32 $0x8000, v60;
	v7 =	vand.u32 $0xFFFF0000, v7;
	v12 =	vld [tilespmem:s9+$0x0];
	v30 =	vadd.s32 $0x8000, v61  }
0x3d9: {  	v63 =	vld [tilespmem:s7+$0x0];
	v5 =	vshrl.u32 v14, $0x10;
	v7 =	vor.u32 v11, v7;
	v14 =	vand.u32 $0xFFFF0000, v30;
	[tilespmem:$0x1FE40] =	vst v9  }
0x3da: {  	s13 =	sor.u32 s21, s13;
	v5 =	vor.u32 v5, v14;
	v11 =	vadd.s32 $0x8000, v39;
	[tilespmem:v6+s20+$0x0] =	vst.idx.msk $0xffff, v7;
	v6 =	vadd.s32 $0x8000, v29  }
0x3db: {  	s6 =	sor.u32 s25, s6;
	s18 =	sor.u32 s4, s0;
	s23 =	simm.s32 $0x50B;
	v11 =	vand.u32 $0xFFFF0000, v11;
	[tilespmem:v15+s20+$0x0] =	vst.idx.msk $0xffff, v5;
	v5 =	vshrl.u32 v6, $0x10  }
0x3dc: {  	s0 =	sor.u32 $0x5200, s2;
	s24 =	simm.s32 $0x50C;
	v14 =	vor.u32 s23, v0;
	s23 =	simm.s32 $0x801;
	v24 =	vld [tilespmem:s13+$0x0];
	v11 =	vor.u32 v5, v11  }
0x3dd: {  	s22 =	simm.s32 $0x60F;
	s11 =	sor.u32 s10, s0;
	v53 =	vor.u32 s24, v0;
	s9 =	sor.u32 $0x5280, s2;
	v45 =	vor.u32 s23, v0;
	v49 =	vld [tilespmem:s18+$0x0];
	[tilespmem:v62+s20+$0x0] =	vst.idx.msk $0xffff, v11  }
0x3de: {  	s14 =	simm.s32 $0x60D;
	s17 =	simm.s32 $0x60E;
	s5 =	sor.u32 s10, s9;
	v13 =	vadd.s32 $0x8000, v13;
	v12 =	vadd.s32 $0x8000, v12;
	v34 =	vadd.s32 $0x8000, v63;
	v11 =	vld [tilespmem:s11+$0x0]  }
0x3df: {  	s3 =	sor.u32 s4, s3;
	v25 =	vadd.s32 $0x8000, v25;
	v12 =	vshrl.u32 v12, $0x10;
	v34 =	vand.u32 $0xFFFF0000, v34;
	s13 =	simm.s32 $0x400;
	s18 =	simm.s32 $0x706;
	v29 =	vld [tilespmem:s5+$0x0]  }
0x3e0: {  	s7 =	simm.s32 $0x90;
	v7 =	vor.u32 s14, v0;
	s14 =	simm.s32 $0x50D;
	v12 =	vor.u32 v12, v34;
	v15 =	vor.u32 s18, v0;
	s18 =	sand.u32 $0xC00, s13  }
0x3e1: {  	s23 =	sand.u32 $0x70, s7;
	v13 =	vshrl.u32 v13, $0x10;
	v25 =	vand.u32 $0xFFFF0000, v25;
	v54 =	vld [tilespmem:s3+$0x0];
	v50 =	vor.u32 s14, v0;
	s14 =	sor.u32 $0x7000, s26;
	[tilespmem:v10+s20+$0x0] =	vst.idx.msk $0xffff, v12;
	s5 =	sor.u32 $0x4000, s18  }
0x3e2: {  	v13 =	vor.u32 v13, v25;
	v6 =	vor.u32 s17, v0;
	s17 =	simm.s32 $0x803;
	v5 =	vor.u32 s22, v0;
	s22 =	simm.s32 $0x800;
	v59 =	vld [tilespmem:s6+$0x0];
	s11 =	sor.u32 s23, s5  }
0x3e3: {  	[tilespmem:v14+s20+$0x0] =	vst.idx.msk $0xffff, v13;
	v25 =	vor.u32 s17, v0;
	s17 =	simm.s32 $0x804;
	v48 =	vor.u32 s22, v0;
	s22 =	sor.u32 s28, s14;
	v14 =	vld [tilespmem:s11+$0x80]  }
0x3e4: {  	s1 =	sor.u32 s21, s1;
	s3 =	sor.u32 $0x7080, s26;
	v61 =	vor.u32 s17, v0;
	v55 =	vld [tilespmem:s22+$0x0];
	s22 =	simm.s32 $0x805;
	v10 =	vadd.s32 $0x8000, v11;
	v11 =	vadd.s32 $0x8000, v29  }
0x3e5: {  	s24 =	simm.s32 $0x900;
	s17 =	sor.u32 s28, s3;
	v44 =	vor.u32 s22, v0;
	s22 =	simm.s32 $0x806;
	v37 =	vld [tilespmem:s11+$0x0];
	v10 =	vshrl.u32 v10, $0x10;
	v11 =	vand.u32 $0xFFFF0000, v11  }
0x3e6: {  	v43 =	vor.u32 s24, v0;
	s24 =	simm.s32 $0x707;
	v57 =	vld [tilespmem:s17+$0x0];
	s17 =	sor.u32 s25, s15;
	v42 =	vor.u32 s22, v0;
	s22 =	sor.u32 $0x5300, s2;
	v10 =	vor.u32 v10, v11  }
0x3e7: {  	s12 =	simm.s32 $0x802;
	v56 =	vor.u32 s24, v0;
	s24 =	simm.s32 $0x901;
	v62 =	vld [tilespmem:s17+$0x0];
	s15 =	sor.u32 s10, s22;
	[tilespmem:v15+s20+$0x0] =	vst.idx.msk $0xffff, v10  }
0x3e8: {  	v30 =	vor.u32 s12, v0;
	s12 =	simm.s32 $0x708;
	s17 =	sor.u32 $0x5380, s2;
	v11 =	vadd.s32 $0x8000, v14;
	v14 =	vld [tilespmem:s15+$0x0];
	s15 =	simm.s32 $0x808  }
0x3e9: {  	v60 =	vor.u32 s24, v0;
	s24 =	simm.s32 $0x50E;
	v51 =	vor.u32 s12, v0;
	s12 =	sor.u32 s10, s17;
	v29 =	vld [tilespmem:s1+$0x0];
	v9 =	vor.u32 s15, v0;
	s15 =	simm.s32 $0x809  }
0x3ea: {  	v16 =	vor.u32 s24, v0;
	s1 =	simm.s32 $0x50F;
	v10 =	vadd.s32 $0x8000, v37;
	v58 =	vld [tilespmem:s12+$0x0];
	[tilespmem:$0x1FE70] =	vst v9;
	v9 =	vor.u32 s15, v0  }
0x3eb: {  	s24 =	simm.s32 $0x807;
	v11 =	vand.u32 $0xFFFF0000, v11;
	v10 =	vshrl.u32 v10, $0x10;
	[tilespmem:$0x1FED0] =	vst v9;
	v9 =	vor.u32 s1, v0  }
0x3ec: {  	v41 =	vor.u32 s24, v0;
	s24 =	simm.s32 $0x902;
	v10 =	vor.u32 v10, v11;
	[tilespmem:$0x1FEC0] =	vst v9  }
0x3ed: {  	v52 =	vor.u32 s24, v0;
	s24 =	simm.s32 $0x80A;
	v49 =	vadd.s32 $0x8000, v49;
	s1 =	simm.s32 $0x80B;
	[tilespmem:v43+s20+$0x0] =	vst.idx.msk $0xffff, v10  }
0x3ee: {  	v55 =	vadd.s32 $0x8000, v55;
	v15 =	vor.u32 s24, v0;
	s24 =	simm.s32 $0x903;
	s15 =	simm.s32 $0x709;
	v12 =	vor.u32 s1, v0;
	s1 =	simm.s32 $0x80;
	v10 =	vld [tilespmem:s11+$0x100]  }
0x3ef: {  	v57 =	vadd.s32 $0x8000, v57;
	v46 =	vor.u32 s24, v0;
	v47 =	vor.u32 s15, v0;
	s15 =	sor.u32 s30, s19;
	s24 =	sand.u32 $0x60, s1;
	v63 =	vld [tilespmem:s11+$0x180]  }
0x3f0: {  	v54 =	vadd.s32 $0x8000, v54;
	v55 =	vshrl.u32 v55, $0x10;
	v57 =	vand.u32 $0xFFFF0000, v57;
	s12 =	simm.s32 $0x80C;
	v43 =	vld [tilespmem:s15+$0x0];
	s6 =	sor.u32 s24, s5  }
0x3f1: {  	v49 =	vshrl.u32 v49, $0x10;
	v55 =	vor.u32 v55, v57;
	v11 =	vor.u32 s12, v0;
	s12 =	sor.u32 $0x7180, s26;
	v34 =	vld [tilespmem:s6+$0x0]  }
0x3f2: {  	v35 =	vand.u32 $0xFFFF0000, v54;
	s30 =	sor.u32 s28, s12;
	s15 =	sor.u32 $0x7100, s26;
	[tilespmem:v53+s20+$0x0] =	vst.idx.msk $0xffff, v55;
	v14 =	vadd.s32 $0x8000, v14;
	v37 =	vadd.s32 $0x8000, v58;
	v36 =	vld [tilespmem:s6+$0x80]  }
0x3f3: {  	v49 =	vor.u32 v49, v35;
	s19 =	sor.u32 s28, s15;
	v14 =	vshrl.u32 v14, $0x10;
	v39 =	vand.u32 $0xFFFF0000, v37;
	v40 =	vld [tilespmem:s30+$0x0]  }
0x3f4: {  	s0 =	sor.u32 s4, s0;
	[tilespmem:v8+s20+$0x0] =	vst.idx.msk $0xffff, v49;
	s5 =	sor.u32 $0x6000, s2;
	v13 =	vld [tilespmem:s19+$0x0];
	v8 =	vor.u32 v14, v39;
	s19 =	simm.s32 $0x80D;
	v14 =	vadd.s32 $0x8000, v10;
	v63 =	vadd.s32 $0x8000, v63  }
0x3f5: {  	s29 =	sor.u32 $0x6080, s2;
	v53 =	vld [tilespmem:s0+$0x0];
	s0 =	sor.u32 s10, s5;
	[tilespmem:v56+s20+$0x0] =	vst.idx.msk $0xffff, v8;
	v10 =	vor.u32 s19, v0;
	s19 =	simm.s32 $0x70A;
	v14 =	vshrl.u32 v14, $0x10;
	v49 =	vand.u32 $0xFFFF0000, v63  }
0x3f6: {  	v33 =	vadd.s32 $0x8000, v59;
	v56 =	vld [tilespmem:s0+$0x0];
	v58 =	vor.u32 s19, v0;
	s19 =	sor.u32 s10, s29;
	v49 =	vor.u32 v14, v49  }
0x3f7: {  	v35 =	vadd.s32 $0x8000, v62;
	s30 =	simm.s32 $0x80E;
	v57 =	vadd.s32 $0x8000, v34;
	v54 =	vadd.s32 $0x8000, v36;
	v32 =	vld [tilespmem:s19+$0x0];
	[tilespmem:v60+s20+$0x0] =	vst.idx.msk $0xffff, v49  }
0x3f8: {  	v8 =	vor.u32 s30, v0;
	v57 =	vshrl.u32 v57, $0x10;
	v54 =	vand.u32 $0xFFFF0000, v54;
	v60 =	vld [tilespmem:s11+$0x200]  }
0x3f9: {  	s9 =	sor.u32 s4, s9;
	s30 =	simm.s32 $0x904;
	v55 =	vadd.s32 $0x8000, v40;
	v13 =	vadd.s32 $0x8000, v13;
	v54 =	vor.u32 v57, v54;
	v9 =	vld [tilespmem:s11+$0x280]  }
0x3fa: {  	v19 =	vor.u32 s30, v0;
	s30 =	simm.s32 $0x70B;
	v34 =	vand.u32 $0xFFFF0000, v55;
	v13 =	vshrl.u32 v13, $0x10;
	s19 =	sor.u32 $0x7200, s26;
	v57 =	vld [tilespmem:s9+$0x0];
	[tilespmem:v48+s20+$0x0] =	vst.idx.msk $0xffff, v54  }
0x3fb: {  	v49 =	vor.u32 s30, v0;
	v13 =	vor.u32 v13, v34;
	v39 =	vadd.s32 $0x8000, v56;
	v36 =	vld [tilespmem:s6+$0x100];
	[smem:$0x7DA] =	sst s19  }
0x3fc: {  	s30 =	sor.u32 $0x7280, s26;
	s11 =	simm.s32 $0x8;
	v48 =	vshrl.u32 v33, $0x10;
	[tilespmem:v50+s20+$0x0] =	vst.idx.msk $0xffff, v13;
	v13 =	vand.u32 $0xFFFF0000, v35;
	v37 =	vld [tilespmem:s6+$0x180];
	v40 =	vadd.s32 $0x8000, v32  }
0x3fd: {  	s9 =	sor.u32 s28, s19;
	v33 =	vshrl.u32 v39, $0x10;
	s0 =	sand.u32 $0x7, s11;
	[smem:$0x7DB] =	sst s30;
	v13 =	vor.u32 v48, v13;
	v34 =	vand.u32 $0xFFFF0000, v40  }
0x3fe: {  	s19 =	sor.u32 s28, s30;
	s0 =	sshll.u32 s0, $0x4;
	v32 =	vld [tilespmem:s9+$0x0];
	[tilespmem:v17+s20+$0x0] =	vst.idx.msk $0xffff, v13;
	v13 =	vor.u32 v33, v34;
	v17 =	vadd.s32 $0x8000, v60;
	v9 =	vadd.s32 $0x8000, v9  }
0x3ff: {  	s11 =	sadd.s32 $0x400, s0;
	s9 =	sor.u32 s25, s16;
	v35 =	vld [tilespmem:s19+$0x0];
	s19 =	sor.u32 $0x6100, s2;
	[tilespmem:v51+s20+$0x0] =	vst.idx.msk $0xffff, v13;
	v13 =	vshrl.u32 v17, $0x10;
	v17 =	vand.u32 $0xFFFF0000, v9  }
0x400: {  	s0 =	sor.u32 $0x6180, s2;
	s16 =	simm.s32 $0x80F;
	v48 =	vld [tilespmem:s9+$0x0];
	s9 =	sor.u32 s10, s19;
	v13 =	vor.u32 v13, v17  }
0x401: {  	s30 =	simm.s32 $0x905;
	v9 =	vor.u32 s16, v0;
	s16 =	sor.u32 s10, s0;
	v51 =	vld [tilespmem:s9+$0x0];
	s9 =	sadd.s32 $0x10, s11;
	v50 =	vadd.s32 $0x8000, v37;
	[tilespmem:v52+s20+$0x0] =	vst.idx.msk $0xffff, v13;
	v13 =	vadd.s32 $0x8000, v36  }
0x402: {  	s7 =	sor.u32 s7, s13;
	v56 =	vor.u32 s30, v0;
	v17 =	vld [tilespmem:s16+$0x0];
	s9 =	sor.u32 $0x300, s9;
	v50 =	vand.u32 $0xFFFF0000, v50;
	v13 =	vshrl.u32 v13, $0x10  }
0x403: {  	s7 =	sor.u32 $0x380, s7;
	s30 =	simm.s32 $0x70C;
	v39 =	vadd.s32 $0x8000, v57;
	v37 =	vadd.s32 $0x8000, v53;
	v59 =	vld [tilespmem:s9+$0x4000];
	v13 =	vor.u32 v13, v50  }
0x404: {  	v55 =	vor.u32 s30, v0;
	s30 =	simm.s32 $0x906;
	v40 =	vand.u32 $0xFFFF0000, v39;
	v36 =	vld [tilespmem:s7+$0x4000];
	s9 =	sor.u32 s25, s8;
	[tilespmem:v45+s20+$0x0] =	vst.idx.msk $0xffff, v13;
	v13 =	vshrl.u32 v37, $0x10  }
0x405: {  	v54 =	vor.u32 s30, v0;
	s30 =	simm.s32 $0xA00;
	v53 =	vadd.s32 $0x8000, v32;
	v14 =	vld [tilespmem:s9+$0x0];
	v13 =	vor.u32 v13, v40  }
0x406: {  	s16 =	sor.u32 $0x7300, s26;
	v52 =	vor.u32 s30, v0;
	v57 =	vadd.s32 $0x8000, v35;
	v50 =	vshrl.u32 v53, $0x10;
	v32 =	vld [tilespmem:s6+$0x200];
	[tilespmem:v23+s20+$0x0] =	vst.idx.msk $0xffff, v13  }
0x407: {  	s11 =	sor.u32 s4, s22;
	v33 =	vld [tilespmem:s6+$0x280];
	v17 =	vadd.s32 $0x8000, v17;
	v13 =	vand.u32 $0xFFFF0000, v57;
	v23 =	vadd.s32 $0x8000, v51;
	[smem:$0x7DC] =	sst s16  }
0x408: {  	s22 =	simm.s32 $0x4;
	s30 =	sor.u32 s4, s17;
	v17 =	vand.u32 $0xFFFF0000, v17;
	v13 =	vor.u32 v50, v13;
	v23 =	vshrl.u32 v23, $0x10;
	v34 =	vld [tilespmem:s11+$0x0]  }
0x409: {  	s8 =	sor.u32 s28, s16;
	s9 =	sand.u32 $0x3, s22;
	s6 =	sor.u32 $0x6200, s2;
	v35 =	vld [tilespmem:s30+$0x0];
	[tilespmem:v16+s20+$0x0] =	vst.idx.msk $0xffff, v13;
	v13 =	vor.u32 v23, v17;
	v16 =	vadd.s32 $0x8000, v59;
	v17 =	vadd.s32 $0x8000, v36  }
0x40a: {  	s22 =	sor.u32 $0x6280, s2;
	s16 =	sor.u32 s10, s6;
	s11 =	simm.s32 $0xB00;
	v50 =	vld [tilespmem:s8+$0x0];
	[tilespmem:v47+s20+$0x0] =	vst.idx.msk $0xffff, v13;
	v13 =	vshrl.u32 v16, $0x10;
	v16 =	vand.u32 $0xFFFF0000, v17  }
0x40b: {  	s17 =	simm.s32 $0xA01;
	s7 =	sor.u32 $0x5000, s18;
	v57 =	vor.u32 s11, v0;
	s11 =	sor.u32 s10, s22;
	v18 =	vld [tilespmem:s16+$0x0];
	v13 =	vor.u32 v13, v16  }
0x40c: {  	v51 =	vor.u32 s17, v0;
	s17 =	sor.u32 s23, s7;
	s30 =	simm.s32 $0xA02;
	v14 =	vadd.s32 $0x8000, v14;
	v16 =	vld [tilespmem:s11+$0x0];
	[tilespmem:v46+s20+$0x0] =	vst.idx.msk $0xffff, v13  }
0x40d: {  	v47 =	vor.u32 s30, v0;
	s8 =	sor.u32 $0x5080, s18;
	s30 =	simm.s32 $0xA03;
	v23 =	vadd.s32 $0x8000, v33;
	v13 =	vadd.s32 $0x8000, v32;
	v36 =	vld [tilespmem:s17+$0x0];
	s17 =	sor.u32 $0x7380, s26  }
0x40e: {  	s9 =	sshll.u32 s9, $0x5;
	v46 =	vor.u32 s30, v0;
	v23 =	vand.u32 $0xFFFF0000, v23;
	v13 =	vshrl.u32 v13, $0x10;
	s26 =	sor.u32 s23, s8;
	[smem:$0x7DD] =	sst s17  }
0x40f: {  	s9 =	sadd.s32 $0x400, s9;
	v13 =	vor.u32 v13, v23;
	s30 =	sor.u32 s28, s17;
	v23 =	vadd.s32 $0x8000, v34;
	v39 =	vadd.s32 $0x8000, v35;
	v37 =	vld [tilespmem:s26+$0x0]  }
0x410: {  	s1 =	sor.u32 s1, s13;
	s9 =	sor.u32 $0x300, s9;
	v14 =	vand.u32 $0xFFFF0000, v14;
	s16 =	simm.s32 $0x70D;
	v53 =	vld [tilespmem:s30+$0x0];
	[tilespmem:v30+s20+$0x0] =	vst.idx.msk $0xffff, v13;
	v23 =	vshrl.u32 v23, $0x10;
	v30 =	vand.u32 $0xFFFF0000, v39  }
0x411: {  	s1 =	sor.u32 $0x380, s1;
	v59 =	vor.u32 s16, v0;
	v13 =	vadd.s32 $0x8000, v48;
	v40 =	vld [tilespmem:s9+$0x4000];
	v23 =	vor.u32 v23, v30  }
0x412: {  	s13 =	sor.u32 s4, s5;
	v13 =	vshrl.u32 v13, $0x10;
	v17 =	vld [tilespmem:s1+$0x4000];
	v18 =	vadd.s32 $0x8000, v18;
	v16 =	vadd.s32 $0x8000, v16;
	[tilespmem:v22+s20+$0x0] =	vst.idx.msk $0xffff, v23  }
0x413: {  	s26 =	sor.u32 s4, s29;
	v13 =	vor.u32 v13, v14;
	v14 =	vshrl.u32 v18, $0x10;
	v16 =	vand.u32 $0xFFFF0000, v16;
	v23 =	vld [tilespmem:s13+$0x0]  }
0x414: {  	s14 =	sor.u32 s25, s14;
	s16 =	sor.u32 $0x6380, s2;
	s17 =	sor.u32 $0x6300, s2;
	v18 =	vld [tilespmem:s26+$0x0];
	[tilespmem:v20+s20+$0x0] =	vst.idx.msk $0xffff, v13;
	v13 =	vor.u32 v14, v16;
	v14 =	vadd.s32 $0x8000, v36;
	v16 =	vadd.s32 $0x8000, v37  }
0x415: {  	s30 =	simm.s32 $0x907;
	s5 =	sor.u32 s10, s17;
	s9 =	simm.s32 $0xA04;
	v20 =	vld [tilespmem:s14+$0x0];
	[tilespmem:v58+s20+$0x0] =	vst.idx.msk $0xffff, v13;
	v13 =	vshrl.u32 v14, $0x10;
	v14 =	vand.u32 $0xFFFF0000, v16  }
0x416: {  	s11 =	simm.s32 $0xA05;
	v48 =	vor.u32 s30, v0;
	v45 =	vor.u32 s9, v0;
	s9 =	sor.u32 $0x5100, s18;
	s13 =	sor.u32 s10, s16;
	v16 =	vld [tilespmem:s5+$0x0];
	v13 =	vor.u32 v13, v14  }
0x417: {  	v30 =	vor.u32 s11, v0;
	s26 =	sor.u32 s23, s9;
	s14 =	simm.s32 $0xB01;
	v17 =	vadd.s32 $0x8000, v17;
	s5 =	sor.u32 $0x5180, s18;
	v14 =	vld [tilespmem:s13+$0x0];
	[tilespmem:v19+s20+$0x0] =	vst.idx.msk $0xffff, v13;
	v13 =	vadd.s32 $0x8000, v40  }
0x418: {  	v60 =	vor.u32 s14, v0;
	v17 =	vand.u32 $0xFFFF0000, v17;
	s13 =	sor.u32 s23, s5;
	v19 =	vld [tilespmem:s26+$0x0];
	v13 =	vshrl.u32 v13, $0x10  }
0x419: {  	v18 =	vadd.s32 $0x8000, v18;
	v63 =	vld [tilespmem:s13+$0x0];
	v13 =	vor.u32 v13, v17;
	v17 =	vadd.s32 $0x8000, v23  }
0x41a: {  	v18 =	vand.u32 $0xFFFF0000, v18;
	[tilespmem:v25+s20+$0x0] =	vst.idx.msk $0xffff, v13;
	v13 =	vadd.s32 $0x8000, v24;
	v17 =	vshrl.u32 v17, $0x10  }
0x41b: {  	s14 =	sor.u32 s25, s3;
	v16 =	vadd.s32 $0x8000, v16;
	v17 =	vor.u32 v17, v18;
	v18 =	vadd.s32 $0x8000, v29  }
0x41c: {  	v23 =	vld [tilespmem:s14+$0x0];
	v13 =	vshrl.u32 v13, $0x10;
	v14 =	vadd.s32 $0x8000, v14;
	[tilespmem:v21+s20+$0x0] =	vst.idx.msk $0xffff, v17;
	v17 =	vand.u32 $0xFFFF0000, v18  }
0x41d: {  	v16 =	vshrl.u32 v16, $0x10;
	v14 =	vand.u32 $0xFFFF0000, v14;
	v13 =	vor.u32 v13, v17  }
0x41e: {  	s30 =	simm.s32 $0xA06;
	s26 =	sor.u32 s24, s7;
	v14 =	vor.u32 v16, v14;
	v16 =	vadd.s32 $0x8000, v19;
	v17 =	vadd.s32 $0x8000, v63  }
0x41f: {  	s11 =	sor.u32 $0x7000, s2;
	v22 =	vor.u32 s30, v0;
	s30 =	sor.u32 s24, s8;
	s8 =	simm.s32 $0x70E;
	v24 =	vld [tilespmem:s26+$0x0];
	[tilespmem:v49+s20+$0x0] =	vst.idx.msk $0xffff, v14;
	v14 =	vshrl.u32 v16, $0x10;
	v16 =	vand.u32 $0xFFFF0000, v17  }
0x420: {  	v39 =	vor.u32 s8, v0;
	s1 =	sor.u32 s24, s9;
	s9 =	sor.u32 s10, s11;
	s8 =	sor.u32 $0x5200, s18;
	v25 =	vld [tilespmem:s30+$0x0];
	v16 =	vor.u32 v14, v16  }
0x421: {  	s3 =	sor.u32 s4, s19;
	s19 =	sor.u32 s23, s8;
	v19 =	vadd.s32 $0x8000, v20;
	v20 =	vadd.s32 $0x8000, v23;
	v17 =	vld [tilespmem:s9+$0x0];
	s9 =	sor.u32 $0x5280, s18;
	[tilespmem:v56+s20+$0x0] =	vst.idx.msk $0xffff, v16  }
0x422: {  	v19 =	vshrl.u32 v19, $0x10;
	v20 =	vand.u32 $0xFFFF0000, v20;
	s26 =	sor.u32 s23, s9;
	v16 =	vld [tilespmem:s19+$0x0]  }
0x423: {  	s0 =	sor.u32 s4, s0;
	s13 =	sor.u32 $0x7080, s2;
	v19 =	vor.u32 v19, v20;
	v20 =	vld [tilespmem:s26+$0x0]  }
0x424: {  	s14 =	sor.u32 s10, s13;
	v31 =	vld [tilespmem:s0+$0x0];
	s0 =	sor.u32 s25, s15;
	s15 =	simm.s32 $0x908  }
0x425: {  	s30 =	simm.s32 $0xA07;
	v40 =	vor.u32 s15, v0;
	v21 =	vld [tilespmem:s14+$0x0];
	v23 =	vadd.s32 $0x8000, v24  }
0x426: {  	v32 =	vld [tilespmem:s3+$0x0];
	s15 =	simm.s32 $0xA08;
	v24 =	vadd.s32 $0x8000, v25;
	v25 =	vor.u32 s30, v0;
	s30 =	simm.s32 $0xB02;
	v23 =	vshrl.u32 v23, $0x10  }
0x427: {  	[tilespmem:v28+s20+$0x0] =	vst.idx.msk $0xffff, v13;
	v29 =	vand.u32 $0xFFFF0000, v24;
	v24 =	vor.u32 s15, v0;
	v62 =	vor.u32 s30, v0  }
0x428: {  	s7 =	sor.u32 s21, s31;
	s19 =	simm.s32 $0x500;
	[tilespmem:v27+s20+$0x0] =	vst.idx.msk $0xffff, v19;
	v19 =	vor.u32 v23, v29;
	v16 =	vadd.s32 $0x8000, v16;
	v20 =	vadd.s32 $0x8000, v20  }
0x429: {  	s3 =	simm.s32 $0xB0;
	v58 =	vld [tilespmem:s7+$0x0];
	s26 =	sand.u32 $0xC00, s19;
	v31 =	vadd.s32 $0x8000, v31;
	v16 =	vshrl.u32 v16, $0x10;
	v35 =	vand.u32 $0xFFFF0000, v20  }
0x42a: {  	s28 =	sand.u32 $0x70, s3;
	v63 =	vld [tilespmem:s0+$0x0];
	[tilespmem:v61+s20+$0x0] =	vst.idx.msk $0xffff, v19;
	s0 =	sor.u32 $0x4000, s26;
	v17 =	vadd.s32 $0x8000, v17;
	v21 =	vadd.s32 $0x8000, v21;
	v13 =	vor.u32 v16, v35  }
0x42b: {  	s29 =	simm.s32 $0xA0B;
	s5 =	sor.u32 s24, s5;
	v37 =	vld [tilespmem:s1+$0x0];
	s1 =	sor.u32 s28, s0;
	v17 =	vshrl.u32 v17, $0x10;
	v21 =	vand.u32 $0xFFFF0000, v21;
	[tilespmem:v54+s20+$0x0] =	vst.idx.msk $0xffff, v13;
	v13 =	vadd.s32 $0x8000, v32  }
0x42c: {  	s31 =	simm.s32 $0xA0D;
	s15 =	simm.s32 $0xA09;
	s30 =	simm.s32 $0xA0A;
	v31 =	vand.u32 $0xFFFF0000, v31;
	v27 =	vld [tilespmem:s1+$0x0];
	v17 =	vor.u32 v17, v21;
	v13 =	vshrl.u32 v13, $0x10  }
0x42d: {  	s7 =	simm.s32 $0x70F;
	s14 =	simm.s32 $0x909;
	v23 =	vor.u32 s15, v0;
	v29 =	vor.u32 s30, v0;
	s15 =	simm.s32 $0xB03;
	v19 =	vld [tilespmem:s1+$0x80];
	[tilespmem:v55+s20+$0x0] =	vst.idx.msk $0xffff, v17;
	v13 =	vor.u32 v13, v31  }
0x42e: {  	s30 =	simm.s32 $0xA0;
	v61 =	vor.u32 s14, v0;
	v56 =	vor.u32 s15, v0;
	s15 =	sor.u32 $0x7100, s2;
	s14 =	sor.u32 $0x7180, s2;
	v36 =	vld [tilespmem:s5+$0x0];
	[tilespmem:v38+s20+$0x0] =	vst.idx.msk $0xffff, v13  }
0x42f: {  	v49 =	vor.u32 s7, v0;
	s7 =	sor.u32 s10, s15;
	s5 =	sor.u32 s10, s14;
	v21 =	vor.u32 s29, v0;
	s29 =	simm.s32 $0xA0C;
	v13 =	vld [tilespmem:$0x1FDF0]  }
0x430: {  	v20 =	vor.u32 s29, v0;
	v17 =	vor.u32 s31, v0;
	s31 =	sor.u32 $0x5300, s18;
	s29 =	simm.s32 $0x90A;
	v26 =	vld [tilespmem:s7+$0x0];
	s7 =	simm.s32 $0xA0E  }
0x431: {  	v14 =	vld [tilespmem:s5+$0x0];
	v55 =	vor.u32 s29, v0;
	s5 =	sor.u32 s23, s31;
	s29 =	simm.s32 $0xB04;
	v16 =	vor.u32 s7, v0;
	s7 =	sor.u32 $0x5380, s18  }
0x432: {  	v54 =	vor.u32 s29, v0;
	s29 =	sand.u32 $0x60, s30;
	v33 =	vld [tilespmem:s5+$0x0];
	s30 =	sor.u32 s23, s7;
	v27 =	vadd.s32 $0x8000, v27;
	v19 =	vadd.s32 $0x8000, v19  }
0x433: {  	v32 =	vld [tilespmem:s30+$0x0];
	v27 =	vshrl.u32 v27, $0x10;
	v19 =	vand.u32 $0xFFFF0000, v19  }
0x434: {  	s0 =	sor.u32 s29, s0;
	v28 =	vor.u32 v27, v19;
	v19 =	vadd.s32 $0x8000, v13;
	v13 =	vld [tilespmem:$0x1FE00]  }
0x435: {  	v31 =	vld [tilespmem:s0+$0x0]  }
0x436: {  	s30 =	sor.u32 s4, s6;
	v38 =	vld [tilespmem:s0+$0x80]  }
0x437: {  	v35 =	vld [tilespmem:s30+$0x0];
	v26 =	vadd.s32 $0x8000, v26;
	s30 =	simm.s32 $0x90B  }
0x438: {  	v14 =	vadd.s32 $0x8000, v14;
	v18 =	vshrl.u32 v26, $0x10;
	v26 =	vor.u32 s30, v0  }
0x439: {  	s6 =	sor.u32 s4, s22;
	v19 =	vshrl.u32 v19, $0x10;
	v27 =	vadd.s32 $0x8000, v13;
	v13 =	vand.u32 $0xFFFF0000, v14  }
0x43a: {  	v34 =	vld [tilespmem:s6+$0x0];
	[tilespmem:v57+s20+$0x0] =	vst.idx.msk $0xffff, v28;
	v27 =	vand.u32 $0xFFFF0000, v27;
	v13 =	vor.u32 v18, v13;
	v18 =	vadd.s32 $0x8000, v31  }
0x43b: {  	s22 =	sor.u32 s25, s12;
	v28 =	vld [tilespmem:s1+$0x100];
	v57 =	vor.u32 v19, v27;
	v19 =	vadd.s32 $0x8000, v33;
	v27 =	vadd.s32 $0x8000, v32  }
0x43c: {  	s12 =	sor.u32 $0x7200, s2;
	v14 =	vld [tilespmem:s22+$0x0];
	[tilespmem:v59+s20+$0x0] =	vst.idx.msk $0xffff, v13;
	v13 =	vadd.s32 $0x8000, v38;
	v19 =	vshrl.u32 v19, $0x10;
	v27 =	vand.u32 $0xFFFF0000, v27  }
0x43d: {  	s6 =	sor.u32 s10, s12;
	s22 =	sor.u32 $0x7280, s2;
	v31 =	vld [tilespmem:s1+$0x180];
	v18 =	vshrl.u32 v18, $0x10;
	v13 =	vand.u32 $0xFFFF0000, v13;
	v19 =	vor.u32 v19, v27  }
0x43e: {  	s30 =	sor.u32 s10, s22;
	v32 =	vld [tilespmem:s6+$0x0];
	s6 =	sor.u32 $0x6000, s18;
	v13 =	vor.u32 v18, v13;
	v18 =	vadd.s32 $0x8000, v37;
	[tilespmem:v48+s20+$0x0] =	vst.idx.msk $0xffff, v19;
	v19 =	vadd.s32 $0x8000, v36  }
0x43f: {  	s5 =	sor.u32 $0x6080, s18;
	v27 =	vld [tilespmem:s30+$0x0];
	s30 =	sor.u32 s23, s6;
	[tilespmem:v52+s20+$0x0] =	vst.idx.msk $0xffff, v13;
	v13 =	vshrl.u32 v18, $0x10;
	v18 =	vand.u32 $0xFFFF0000, v19  }
0x440: {  	v33 =	vld [tilespmem:s30+$0x0];
	s30 =	sor.u32 s23, s5;
	v13 =	vor.u32 v13, v18  }
0x441: {  	v59 =	vld [tilespmem:s30+$0x0];
	s30 =	sld [smem:$0x7D4];
	[tilespmem:v44+s20+$0x0] =	vst.idx.msk $0xffff, v13  }
0x442: {  	v44 =	vld [tilespmem:$0x1FE20];
	_ =	sdelay $0x3  }
0x443: {  	v28 =	vadd.s32 $0x8000, v28;
	v19 =	vadd.s32 $0x8000, v35;
	v18 =	vadd.s32 $0x8000, v34  }
0x444: {  	v31 =	vadd.s32 $0x8000, v31;
	v19 =	vshrl.u32 v19, $0x10;
	v18 =	vand.u32 $0xFFFF0000, v18  }
0x445: {  	v48 =	vld [tilespmem:s0+$0x100];
	v18 =	vor.u32 v19, v18;
	v19 =	vshrl.u32 v28, $0x10;
	v28 =	vand.u32 $0xFFFF0000, v31  }
0x446: {  	v52 =	vld [tilespmem:s0+$0x180];
	v27 =	vadd.s32 $0x8000, v27;
	v13 =	vor.u32 v19, v28;
	v19 =	vadd.s32 $0x8000, v32  }
0x447: {  	v31 =	vld [tilespmem:$0x1FE10];
	v27 =	vand.u32 $0xFFFF0000, v27;
	v19 =	vshrl.u32 v19, $0x10;
	[tilespmem:v44+s20+$0x0] =	vst.idx.msk $0xffff, v18  }
0x448: {  	s8 =	sor.u32 s24, s8;
	v18 =	vor.u32 v19, v27;
	v19 =	vld [tilespmem:$0x1FE30]  }
0x449: {  	s9 =	sor.u32 s24, s9;
	v28 =	vld [tilespmem:s8+$0x0]  }
0x44a: {  	v32 =	vld [tilespmem:s9+$0x0]  }
0x44b: {  	s30 =	sor.u32 s21, s30  }
0x44c: {  	v38 =	vld [tilespmem:s30+$0x0];
	v34 =	vadd.s32 $0x8000, v48;
	v35 =	vadd.s32 $0x8000, v52;
	v33 =	vadd.s32 $0x8000, v33;
	[tilespmem:v60+s20+$0x0] =	vst.idx.msk $0xffff, v13  }
0x44d: {  	v48 =	vadd.s32 $0x8000, v59;
	v31 =	vadd.s32 $0x8000, v31;
	v59 =	vld [tilespmem:s1+$0x200];
	v19 =	vadd.s32 $0x8000, v19  }
0x44e: {  	v52 =	vshrl.u32 v33, $0x10;
	v27 =	vshrl.u32 v31, $0x10;
	[tilespmem:v39+s20+$0x0] =	vst.idx.msk $0xffff, v18;
	v60 =	vld [tilespmem:s1+$0x280];
	v19 =	vand.u32 $0xFFFF0000, v19  }
0x44f: {  	s17 =	sor.u32 s4, s17;
	v28 =	vadd.s32 $0x8000, v28;
	v32 =	vadd.s32 $0x8000, v32;
	v33 =	vor.u32 v27, v19;
	v27 =	vld [tilespmem:$0x1FE40]  }
0x450: {  	s9 =	sor.u32 $0x7300, s2;
	s30 =	sor.u32 s4, s16;
	v28 =	vshrl.u32 v28, $0x10;
	v32 =	vand.u32 $0xFFFF0000, v32;
	v31 =	vld [tilespmem:s17+$0x0];
	s1 =	sor.u32 $0x7380, s2  }
0x451: {  	s8 =	sor.u32 s10, s9;
	v37 =	vld [tilespmem:s30+$0x0];
	v13 =	vshrl.u32 v34, $0x10;
	v18 =	vand.u32 $0xFFFF0000, v35;
	v34 =	vand.u32 $0xFFFF0000, v48;
	s10 =	sor.u32 s10, s1  }
0x452: {  	v48 =	vadd.s32 $0x8000, v50;
	v50 =	vadd.s32 $0x8000, v53;
	v13 =	vor.u32 v13, v18;
	v44 =	vld [tilespmem:s10+$0x0]  }
0x453: {  	v18 =	vor.u32 v52, v34;
	v52 =	vand.u32 $0xFFFF0000, v50;
	v53 =	vadd.s32 $0x8000, v59;
	v19 =	vld [tilespmem:s8+$0x0];
	[tilespmem:v51+s20+$0x0] =	vst.idx.msk $0xffff, v13  }
0x454: {  	s17 =	simm.s32 $0xA;
	v59 =	vadd.s32 $0x8000, v60;
	v13 =	vshrl.u32 v48, $0x10;
	[tilespmem:v40+s20+$0x0] =	vst.idx.msk $0xffff, v18;
	v48 =	vld [tilespmem:s0+$0x200];
	v27 =	vadd.s32 $0x8000, v27  }
0x455: {  	v50 =	vld [tilespmem:s0+$0x280];
	[dreg:$0xa] =	wrdreg s17;
	v18 =	vshrl.u32 v27, $0x10;
	v27 =	vor.u32 v28, v32;
	v28 =	vadd.s32 $0x8000, v43  }
0x456: {  	v60 =	vand.u32 $0xFFFF0000, v59;
	[tilespmem:v42+s20+$0x0] =	vst.idx.msk $0xffff, v27;
	v27 =	vand.u32 $0xFFFF0000, v28;
	v28 =	vshrl.u32 v53, $0x10  }
0x457: {  	v28 =	vor.u32 v28, v60  }
0x458: {  	[tilespmem:v62+s20+$0x0] =	vst.idx.msk $0xffff, v28  }
0x459: {  	v62 =	vld [tilespmem:$0x1FE50]  }
0x45a: {  	s16 =	simm.s32 $0xA;
	s8 =	sor.u32 $0x6180, s18  }
0x45b: {  	s30 =	sand.u32 $0x7, s16;
	s2 =	sor.u32 $0x6100, s18;
	s17 =	sor.u32 s23, s8  }
0x45c: {  	s16 =	sor.u32 s23, s2;
	s0 =	sshll.u32 s30, $0x4;
	v36 =	vld [tilespmem:s17+$0x0]  }
0x45d: {  	s30 =	sor.u32 s24, s31;
	s0 =	sadd.s32 $0x500, s0;
	v32 =	vld [tilespmem:s16+$0x0]  }
0x45e: {  	s7 =	sor.u32 s24, s7;
	s0 =	sadd.s32 $0x10, s0;
	v39 =	vld [tilespmem:s30+$0x0]  }
0x45f: {  	s0 =	sor.u32 $0x300, s0;
	v53 =	vld [tilespmem:s7+$0x0];
	s30 =	simm.s32 $0x5  }
0x460: {  	v51 =	vadd.s32 $0x8000, v58;
	v18 =	vor.u32 v18, v27;
	v58 =	vld [tilespmem:s0+$0x4000];
	[dreg:$0xc] =	wrdreg s30  }
0x461: {  	s3 =	sor.u32 s3, s19;
	s10 =	simm.s32 $0x5;
	[tilespmem:v62+s20+$0x0] =	vst.idx.msk $0xffff, v18  }
0x462: {  	s17 =	sor.u32 $0x380, s3;
	s3 =	sand.u32 $0x3, s10;
	s10 =	sld [smem:$0x7D5]  }
0x463: {  	v60 =	vld [tilespmem:s17+$0x4000];
	s17 =	sld [smem:$0x7D6]  }
0x464: {  	v14 =	vadd.s32 $0x8000, v14;
	v13 =	vor.u32 v13, v52;
	v59 =	vadd.s32 $0x8000, v50  }
0x465: {  	v52 =	vadd.s32 $0x8000, v63;
	v42 =	vand.u32 $0xFFFF0000, v59;
	v28 =	vadd.s32 $0x8000, v48  }
0x466: {  	v36 =	vadd.s32 $0x8000, v36;
	s7 =	sshll.u32 s3, $0x5;
	v18 =	vand.u32 $0xFFFF0000, v14;
	v14 =	vshrl.u32 v28, $0x10;
	s0 =	sor.u32 s10, s17;
	s17 =	simm.s32 $0xA0  }
0x467: {  	v27 =	vshrl.u32 v52, $0x10;
	s7 =	sadd.s32 $0x500, s7;
	v32 =	vadd.s32 $0x8000, v32;
	v42 =	vor.u32 v14, v42;
	s19 =	sor.u32 s17, s19  }
0x468: {  	v36 =	vand.u32 $0xFFFF0000, v36;
	v32 =	vshrl.u32 v32, $0x10;
	v39 =	vadd.s32 $0x8000, v39;
	s30 =	sld [smem:$0x7D7];
	[tilespmem:v47+s20+$0x0] =	vst.idx.msk $0xffff, v42;
	v28 =	vld [tilespmem:s0+$0x0];
	s0 =	sor.u32 $0x300, s7;
	s7 =	sor.u32 $0x380, s19  }
0x469: {  	v34 =	vadd.s32 $0x8000, v53;
	v32 =	vor.u32 v32, v36;
	v48 =	vshrl.u32 v39, $0x10;
	v63 =	vld [tilespmem:s7+$0x4000]  }
0x46a: {  	v34 =	vand.u32 $0xFFFF0000, v34;
	v40 =	vadd.s32 $0x8000, v58;
	v43 =	vadd.s32 $0x8000, v60  }
0x46b: {  	v34 =	vor.u32 v48, v34;
	v52 =	vshrl.u32 v40, $0x10;
	v53 =	vand.u32 $0xFFFF0000, v43;
	[tilespmem:v61+s20+$0x0] =	vst.idx.msk $0xffff, v32  }
0x46c: {  	[tilespmem:v41+s20+$0x0] =	vst.idx.msk $0xffff, v34;
	v34 =	vor.u32 v52, v53  }
0x46d: {  	[tilespmem:v56+s20+$0x0] =	vst.idx.msk $0xffff, v34  }
0x46e: {  	v36 =	vadd.s32 $0x8000, v63;
	v63 =	vld [tilespmem:$0x1FE60]  }
0x46f: {  	v42 =	vld [tilespmem:s0+$0x4000];
	s0 =	sor.u32 $0x6200, s18  }
0x470: {  	s10 =	sor.u32 s10, s30;
	s7 =	sor.u32 $0x6280, s18;
	s30 =	sor.u32 s23, s0  }
0x471: {  	v50 =	vld [tilespmem:s30+$0x0];
	s3 =	sor.u32 s23, s7  }
0x472: {  	v35 =	vshrl.u32 v51, $0x10;
	v51 =	vld [tilespmem:s3+$0x0]  }
0x473: {  	v31 =	vadd.s32 $0x8000, v31;
	v47 =	vadd.s32 $0x8000, v37  }
0x474: {  	v31 =	vshrl.u32 v31, $0x10;
	v32 =	vand.u32 $0xFFFF0000, v47  }
0x475: {  	v31 =	vor.u32 v31, v32;
	v61 =	vadd.s32 $0x8000, v42  }
0x476: {  	v48 =	vand.u32 $0xFFFF0000, v36;
	[tilespmem:v63+s20+$0x0] =	vst.idx.msk $0xffff, v31;
	v31 =	vshrl.u32 v61, $0x10  }
0x477: {  	s6 =	sor.u32 s24, s6;
	v50 =	vadd.s32 $0x8000, v50;
	v51 =	vadd.s32 $0x8000, v51;
	v31 =	vor.u32 v31, v48  }
0x478: {  	s5 =	sor.u32 s24, s5;
	v18 =	vor.u32 v27, v18;
	v41 =	vld [tilespmem:s6+$0x0];
	v27 =	vshrl.u32 v50, $0x10;
	[tilespmem:v46+s20+$0x0] =	vst.idx.msk $0xffff, v31;
	v31 =	vand.u32 $0xFFFF0000, v51  }
0x479: {  	v59 =	vld [tilespmem:s5+$0x0];
	v27 =	vor.u32 v27, v31  }
0x47a: {  	s6 =	sor.u32 $0x5000, s26;
	v14 =	vld [tilespmem:s10+$0x0];
	[tilespmem:v55+s20+$0x0] =	vst.idx.msk $0xffff, v27  }
0x47b: {  	s5 =	sor.u32 $0x5080, s26;
	s17 =	sor.u32 s28, s6;
	v46 =	vld [tilespmem:$0x1FE70]  }
0x47c: {  	v43 =	vld [tilespmem:s17+$0x0];
	s19 =	sor.u32 s28, s5  }
0x47d: {  	v62 =	vld [tilespmem:s19+$0x0];
	s30 =	sor.u32 s4, s11;
	s10 =	sld [smem:$0x7D8]  }
0x47e: {  	s3 =	sor.u32 s4, s13;
	v34 =	vld [tilespmem:s30+$0x0];
	s13 =	sld [smem:$0x7D9]  }
0x47f: {  	v58 =	vadd.s32 $0x8000, v44;
	s6 =	sor.u32 s29, s6;
	v52 =	vld [tilespmem:s3+$0x0]  }
0x480: {  	v60 =	vand.u32 $0xFFFF0000, v58;
	s5 =	sor.u32 s29, s5;
	v56 =	vadd.s32 $0x8000, v41;
	v58 =	vadd.s32 $0x8000, v59;
	v53 =	vld [tilespmem:s6+$0x0];
	s3 =	sor.u32 s21, s10  }
0x481: {  	v59 =	vand.u32 $0xFFFF0000, v58;
	v36 =	vshrl.u32 v56, $0x10;
	v31 =	vld [tilespmem:s5+$0x0];
	[dreg:$0x3] =	wrdreg s3;
	s3 =	sor.u32 s21, s13  }
0x482: {  	v36 =	vor.u32 v36, v59;
	[dreg:$0x4] =	wrdreg s3  }
0x483: {  	s17 =	sld [smem:$0x7DA];
	[tilespmem:v46+s20+$0x0] =	vst.idx.msk $0xffff, v36  }
0x484: {  	v42 =	vld [tilespmem:$0x1FE80];
	_ =	sdelay $0x1  }
0x485: {  	s21 =	sld [smem:$0x7DB]  }
0x486: {  	v19 =	vadd.s32 $0x8000, v19;
	s6 =	sor.u32 $0x6300, s18  }
0x487: {  	v19 =	vshrl.u32 v19, $0x10;
	v62 =	vadd.s32 $0x8000, v62;
	v61 =	vadd.s32 $0x8000, v43;
	s5 =	sor.u32 $0x6380, s18;
	s11 =	sor.u32 s23, s6  }
0x488: {  	v19 =	vor.u32 v19, v60;
	v47 =	vshrl.u32 v61, $0x10;
	v48 =	vand.u32 $0xFFFF0000, v62;
	s19 =	sor.u32 s23, s5;
	v60 =	vld [tilespmem:s11+$0x0];
	s30 =	sld [smem:$0x7DC];
	s3 =	sor.u32 s25, s21  }
0x489: {  	v63 =	vld [tilespmem:s19+$0x0];
	v36 =	vor.u32 v47, v48;
	[dreg:$0xe] =	wrdreg s3  }
0x48a: {  	s11 =	sld [smem:$0x7DD];
	[tilespmem:v54+s20+$0x0] =	vst.idx.msk $0xffff, v36  }
0x48b: {  	[tilespmem:v42+s20+$0x0] =	vst.idx.msk $0xffff, v57  }
0x48c: {  	v42 =	vld [tilespmem:$0x1FE90];
	_ =	sdelay $0x7  }
0x48d: {  	[tilespmem:v42+s20+$0x0] =	vst.idx.msk $0xffff, v33  }
0x48e: {  	v56 =	vld [tilespmem:$0x1FEA0];
	_ =	sdelay $0x2  }
0x48f: {  	s2 =	sor.u32 s24, s2  }
0x490: {  	s13 =	sor.u32 s24, s8;
	s8 =	sor.u32 $0x5100, s26;
	v50 =	vld [tilespmem:s2+$0x0]  }
0x491: {  	s10 =	sor.u32 s25, s17;
	s19 =	sor.u32 s28, s8;
	s21 =	sor.u32 s4, s14;
	v51 =	vld [tilespmem:s13+$0x0]  }
0x492: {  	v32 =	vadd.s32 $0x8000, v53;
	s17 =	sor.u32 s25, s30;
	s30 =	sor.u32 s4, s22;
	v53 =	vld [tilespmem:s19+$0x0];
	[dreg:$0xd] =	wrdreg s21  }
0x493: {  	[dreg:$0x6] =	wrdreg s30  }
0x494: {  	[tilespmem:v56+s20+$0x0] =	vst.idx.msk $0xffff, v18  }
0x495: {  	v59 =	vld [tilespmem:$0x1FEB0];
	_ =	sdelay $0x3  }
0x496: {  	v27 =	vadd.s32 $0x8000, v38;
	s31 =	sor.u32 s25, s11;
	s11 =	sor.u32 $0x5180, s26  }
0x497: {  	v27 =	vand.u32 $0xFFFF0000, v27;
	v34 =	vadd.s32 $0x8000, v34;
	v37 =	vadd.s32 $0x8000, v52;
	s25 =	sor.u32 s28, s11  }
0x498: {  	v34 =	vshrl.u32 v34, $0x10;
	v52 =	vand.u32 $0xFFFF0000, v37;
	v31 =	vadd.s32 $0x8000, v31;
	s13 =	sor.u32 s4, s9;
	s9 =	sor.u32 s24, s6;
	v55 =	vld [tilespmem:s25+$0x0]  }
0x499: {  	v57 =	vadd.s32 $0x8000, v28;
	v18 =	vand.u32 $0xFFFF0000, v31;
	v31 =	vor.u32 v34, v52;
	v28 =	vld [tilespmem:s10+$0x0];
	[dreg:$0x10] =	wrdreg s9  }
0x49a: {  	v54 =	vor.u32 v35, v27;
	v27 =	vshrl.u32 v32, $0x10;
	s10 =	sor.u32 s24, s5;
	[tilespmem:v59+s20+$0x0] =	vst.idx.msk $0xffff, v31  }
0x49b: {  	v18 =	vor.u32 v27, v18;
	[dreg:$0x11] =	wrdreg s10  }
0x49c: {  	[tilespmem:v45+s20+$0x0] =	vst.idx.msk $0xffff, v18  }
0x49d: {  	v36 =	vld [tilespmem:$0x1FEC0];
	_ =	sdelay $0x2  }
0x49e: {  	v58 =	vadd.s32 $0x8000, v63;
	v27 =	vadd.s32 $0x8000, v60  }
0x49f: {  	v32 =	vand.u32 $0xFFFF0000, v58;
	v27 =	vshrl.u32 v27, $0x10  }
0x4a0: {  	s21 =	sor.u32 s29, s11;
	s11 =	simm.s32 $0xA000;
	v27 =	vor.u32 v27, v32  }
0x4a1: {  	[tilespmem:v26+s11+$0x0] =	vst.idx.msk $0xffff, v27  }
0x4a2: {  	[tilespmem:v49+s11+$0x0] =	vst.idx.msk $0xffff, v19  }
0x4a3: {  	[tilespmem:v36+s20+$0x0] =	vst.idx.msk $0xffff, v13  }
0x4a4: {  	v63 =	vld [tilespmem:$0x1FED0];
	_ =	sdelay $0x4  }
0x4a5: {  	v18 =	vadd.s32 $0x8000, v50;
	v13 =	vadd.s32 $0x8000, v51  }
0x4a6: {  	v62 =	vshrl.u32 v18, $0x10;
	v13 =	vand.u32 $0xFFFF0000, v13  }
0x4a7: {  	v13 =	vor.u32 v62, v13  }
0x4a8: {  	[tilespmem:v63+s11+$0x0] =	vst.idx.msk $0xffff, v13  }
0x4a9: {  	s16 =	simm.s32 $0xB0;
	s2 =	sor.u32 s4, s15;
	v35 =	vld [tilespmem:$0x1FEE0]  }
0x4aa: {  	s15 =	sor.u32 s4, s12;
	s12 =	sor.u32 s29, s8;
	s19 =	simm.s32 $0xB05;
	v31 =	vld [tilespmem:s2+$0x0]  }
0x4ab: {  	s0 =	sor.u32 s24, s0;
	s7 =	sor.u32 s24, s7;
	s22 =	sor.u32 $0x7000, s18;
	v61 =	vor.u32 s19, v0;
	v60 =	vld [tilespmem:s12+$0x0]  }
0x4ac: {  	s14 =	sor.u32 s4, s1;
	s1 =	sor.u32 s23, s22;
	s6 =	simm.s32 $0xB0F  }
0x4ad: {  	s4 =	simm.s32 $0x500;
	s8 =	sor.u32 $0x5200, s26;
	s25 =	sor.u32 $0x7080, s18;
	v32 =	vld [tilespmem:s21+$0x0];
	v18 =	vadd.s32 $0x8000, v14;
	v14 =	vadd.s32 $0x8000, v53;
	v19 =	vadd.s32 $0x8000, v55  }
0x4ae: {  	s19 =	simm.s32 $0x610;
	s30 =	sor.u32 s23, s25;
	s5 =	simm.s32 $0xA;
	v26 =	vld [tilespmem:s1+$0x0];
	v14 =	vshrl.u32 v14, $0x10;
	v19 =	vand.u32 $0xFFFF0000, v19  }
0x4af: {  	s9 =	sor.u32 s28, s8;
	s10 =	sor.u32 s24, s22;
	s22 =	simm.s32 $0xA0F;
	v27 =	vld [tilespmem:s30+$0x0];
	v14 =	vor.u32 v14, v19  }
0x4b0: {  	s21 =	sor.u32 s24, s25;
	s25 =	simm.s32 $0x90F;
	s1 =	sor.u32 $0x5280, s26;
	v19 =	vadd.s32 $0x8000, v31;
	v33 =	vadd.s32 $0x8000, v60;
	v13 =	vadd.s32 $0x8000, v28;
	v28 =	vld [tilespmem:s0+$0x0];
	[tilespmem:v61+s11+$0x0] =	vst.idx.msk $0xffff, v14  }
0x4b1: {  	s20 =	smov.u32 s24;
	s24 =	simm.s32 $0xB0F;
	v13 =	vshrl.u32 v13, $0x10;
	v31 =	vld [tilespmem:s7+$0x0];
	v14 =	vshrl.u32 v19, $0x10;
	v19 =	vshrl.u32 v57, $0x10;
	s0 =	simm.s32 $0x90C;
	[tilespmem:v35+s11+$0x0] =	vst.idx.msk $0xffff, v54  }
.LBB2_8:
0x4b2: {  	[smem:$0x7CE] =	sst s14  }
0x4b3: {  	[smem:$0x7CD] =	sst s13  }
0x4b4: {  	[dreg:$0x1e] =	wrdreg s31  }
0x4b5: {  	[dreg:$0x1d] =	wrdreg s17  }
0x4b6: {  	[dreg:$0x18] =	wrdreg s10  }
0x4b7: {  	[dreg:$0x17] =	wrdreg s15  }
0x4b8: {  	[dreg:$0x16] =	wrdreg s21  }
0x4b9: {  	s7 =	sadd.s32 $0xFFFFFFF0, s19;
	s8 =	sor.u32 s29, s8;
	s2 =	sor.u32 s28, s1  }
0x4ba: {  	s1 =	sor.u32 s29, s1;
	s17 =	sadd.s32 $0x20, s16;
	s3 =	rddreg [dreg:$0xd]  }
0x4bb: {  	v33 =	vshrl.u32 v33, $0x10;
	v34 =	vld [tilespmem:s9+$0x0];
	v35 =	vor.u32 s0, v0;
	v36 =	vor.u32 s22, v0;
	s13 =	sadd.s32 $0xFFFFFFF7, s6;
	s14 =	rddreg [dreg:$0xe];
	s21 =	sand.u32 $0xC00, s7  }
0x4bc: {  	v38 =	vand.u32 $0xFFFF0000, v18;
	s6 =	sadd.s32 $0x200, s6;
	v37 =	vld [tilespmem:s2+$0x0];
	s30 =	sand.u32 $0x70, s17;
	v55 =	vor.u32 s13, v0;
	v32 =	vadd.s32 $0x8000, v32;
	s22 =	sor.u32 $0x4000, s21  }
0x4bd: {  	s0 =	sadd.s32 $0xFFFFFFFE, s25;
	s4 =	sadd.s32 $0x100, s4;
	v54 =	vld [tilespmem:s3+$0x0];
	v32 =	vand.u32 $0xFFFF0000, v32;
	s2 =	sor.u32 s30, s22;
	v26 =	vadd.s32 $0x8000, v26;
	v27 =	vadd.s32 $0x8000, v27  }
0x4be: {  	s15 =	sadd.s32 $0xFFFFFFF0, s17;
	s3 =	simm.s32 $0xA000;
	s10 =	sadd.s32 $0xFFFFFEF4, s6;
	v18 =	vor.u32 v33, v32;
	v39 =	vld [tilespmem:s2+$0x80];
	v26 =	vshrl.u32 v26, $0x10;
	v27 =	vand.u32 $0xFFFF0000, v27  }
0x4bf: {  	s12 =	sand.u32 $0x60, s15;
	s9 =	sor.u32 s15, s7;
	s15 =	sor.u32 $0x7100, s18;
	v28 =	vadd.s32 $0x8000, v28;
	v31 =	vadd.s32 $0x8000, v31;
	[tilespmem:v30+s11+$0x0] =	vst.idx.msk $0xffff, v18;
	v30 =	vld [tilespmem:s2+$0x0];
	v26 =	vor.u32 v26, v27  }
0x4c0: {  	v19 =	vor.u32 v19, v38;
	s31 =	sor.u32 s12, s22;
	s22 =	sor.u32 s23, s15;
	s11 =	sor.u32 $0x7180, s18;
	v18 =	vld [tilespmem:s14+$0x0];
	v27 =	vshrl.u32 v28, $0x10;
	v28 =	vand.u32 $0xFFFF0000, v31;
	[tilespmem:v35+s3+$0x0] =	vst.idx.msk $0xffff, v26  }
0x4c1: {  	[smem:$0x7CB] =	sst s12;
	s16 =	sor.u32 $0x380, s9;
	s13 =	sor.u32 s23, s11;
	[tilespmem:v1+s3+$0x0] =	vst.idx.msk $0xffff, v19;
	v27 =	vor.u32 v27, v28;
	v56 =	vld [tilespmem:s22+$0x0]  }
0x4c2: {  	v61 =	vor.u32 s0, v0;
	s12 =	sor.u32 s20, s15;
	s15 =	sadd.s32 $0xFFFFFFF1, s6;
	[smem:$0x7CF] =	sst s16;
	v31 =	vadd.s32 $0x8000, v37;
	v26 =	vadd.s32 $0x8000, v34;
	[tilespmem:v15+s3+$0x0] =	vst.idx.msk $0xffff, v27;
	v35 =	vld [tilespmem:s13+$0x0]  }
0x4c3: {  	s0 =	sadd.s32 $0xFFFFFF00, s6;
	s9 =	sor.u32 $0x5380, s26;
	[dreg:$0x15] =	wrdreg s12;
	v59 =	vor.u32 s15, v0;
	v19 =	vshrl.u32 v26, $0x10;
	v26 =	vand.u32 $0xFFFF0000, v31;
	v57 =	vld [tilespmem:s31+$0x0]  }
0x4c4: {  	s12 =	sadd.s32 $0xFFFFFEF2, s6;
	s14 =	sadd.s32 $0xFFFFFEF1, s6;
	v40 =	vadd.s32 $0x8000, v54;
	s13 =	sor.u32 $0x5300, s26;
	v19 =	vor.u32 v19, v26;
	v60 =	vld [tilespmem:s31+$0x80]  }
0x4c5: {  	s16 =	sadd.s32 $0xFFFFFEF3, s6;
	s15 =	sor.u32 s29, s9;
	v58 =	vor.u32 s14, v0;
	v15 =	vmovc v29;
	s22 =	sor.u32 s28, s13;
	v29 =	vadd.s32 $0x8000, v39;
	v63 =	vld [tilespmem:s1+$0x0];
	[tilespmem:v55+s3+$0x0] =	vst.idx.msk $0xffff, v19;
	v19 =	vadd.s32 $0x8000, v30  }
0x4c6: {  	[smem:$0x7CC] =	sst s15;
	v28 =	vor.u32 s12, v0;
	s12 =	sor.u32 s28, s9;
	s1 =	sadd.s32 $0xFFFFFFF8, s24;
	v29 =	vand.u32 $0xFFFF0000, v29;
	v30 =	vld [tilespmem:s22+$0x0];
	v19 =	vshrl.u32 v19, $0x10  }
0x4c7: {  	s15 =	sadd.s32 $0xFFFFFEF9, s6;
	s14 =	sadd.s32 $0xFFFFFEF5, s6;
	v31 =	vor.u32 s16, v0;
	s16 =	sadd.s32 $0xFFFFFEF6, s6;
	v48 =	vor.u32 s1, v0;
	v62 =	vld [tilespmem:s12+$0x0];
	v19 =	vor.u32 v19, v29  }
0x4c8: {  	s13 =	sor.u32 s29, s13;
	s1 =	sor.u32 $0x7200, s18;
	v29 =	vld [tilespmem:s8+$0x0];
	s8 =	sadd.s32 $0xFFFFFEFC, s6;
	v34 =	vadd.s32 $0x8000, v56;
	v35 =	vadd.s32 $0x8000, v35;
	[tilespmem:v59+s3+$0x0] =	vst.idx.msk $0xffff, v19;
	v32 =	vadd.s32 $0x8000, v57  }
0x4c9: {  	s22 =	smov.u32 s20;
	[smem:$0x7D1] =	sst s8;
	s8 =	sadd.s32 $0xFFFFFEFD, s6;
	v19 =	vshrl.u32 v34, $0x10;
	v45 =	vand.u32 $0xFFFF0000, v35;
	v46 =	vadd.s32 $0x8000, v60;
	v47 =	vld [tilespmem:s2+$0x100]  }
0x4ca: {  	s20 =	sadd.s32 $0xFFFFFEF7, s6;
	[smem:$0x7D0] =	sst s8;
	s8 =	sor.u32 s22, s11;
	v41 =	vld [tilespmem:s2+$0x180];
	v34 =	vor.u32 v19, v45;
	v32 =	vshrl.u32 v32, $0x10;
	v35 =	vand.u32 $0xFFFF0000, v46  }
0x4cb: {  	v42 =	vor.u32 s20, v0;
	[dreg:$0xd] =	wrdreg s8;
	v19 =	vor.u32 s14, v0;
	s8 =	sor.u32 $0x7280, s18;
	s14 =	sor.u32 s23, s1;
	[tilespmem:v61+s3+$0x0] =	vst.idx.msk $0xffff, v34;
	v32 =	vor.u32 v32, v35  }
0x4cc: {  	s11 =	sadd.s32 $0xFFFFFEFE, s6;
	v49 =	vadd.s32 $0x8000, v30;
	v50 =	vadd.s32 $0x8000, v62;
	v30 =	vor.u32 s16, v0;
	s16 =	sadd.s32 $0xFFFFFFF2, s6;
	v51 =	vld [tilespmem:s14+$0x0];
	s14 =	sor.u32 s23, s8  }
0x4cd: {  	s20 =	sadd.s32 $0xFFFFFFFF, s25;
	[smem:$0x7D2] =	sst s11;
	s1 =	sor.u32 s22, s1;
	[tilespmem:v58+s3+$0x0] =	vst.idx.msk $0xffff, v32;
	v52 =	vshrl.u32 v49, $0x10;
	v53 =	vand.u32 $0xFFFF0000, v50;
	v55 =	vor.u32 s16, v0;
	v54 =	vld [tilespmem:s14+$0x0]  }
0x4ce: {  	v1 =	vmov v2;
	s11 =	sor.u32 $0x6000, s26;
	[dreg:$0x1c] =	wrdreg s1;
	s1 =	sadd.s32 $0xFFFFFEFF, s6;
	v37 =	vld [tilespmem:s31+$0x100];
	v32 =	vor.u32 v52, v53  }
0x4cf: {  	v2 =	vmovc v3;
	v3 =	vmovc v5;
	v27 =	vand.u32 $0xFFFF0000, v40;
	[smem:$0x7D3] =	sst s1;
	s16 =	sor.u32 s28, s11;
	v56 =	vld [tilespmem:s31+$0x180];
	s14 =	sor.u32 $0x6080, s26;
	[tilespmem:v48+s3+$0x0] =	vst.idx.msk $0xffff, v32;
	v57 =	vadd.s32 $0x8000, v47;
	v58 =	vadd.s32 $0x8000, v41  }
0x4d0: {  	v5 =	vmovc v9;
	v9 =	vmovc v36;
	v59 =	vor.u32 s20, v0;
	s1 =	sor.u32 s29, s14;
	s14 =	sor.u32 s28, s14;
	v40 =	vld [tilespmem:s16+$0x0];
	v32 =	vshrl.u32 v57, $0x10;
	v36 =	vand.u32 $0xFFFF0000, v58;
	s16 =	rddreg [dreg:$0x6]  }
0x4d1: {  	v38 =	vadd.s32 $0x8000, v63;
	s8 =	sor.u32 s22, s8;
	v29 =	vadd.s32 $0x8000, v29;
	v43 =	vld [tilespmem:s14+$0x0];
	s14 =	rddreg [dreg:$0x10];
	s20 =	smov.u32 s16;
	v32 =	vor.u32 v32, v36  }
0x4d2: {  	v26 =	vor.u32 s10, v0;
	s10 =	sadd.s32 $0xFFFFFEF8, s6;
	v38 =	vand.u32 $0xFFFF0000, v38;
	v29 =	vshrl.u32 v29, $0x10;
	[dreg:$0xe] =	wrdreg s20;
	s20 =	smov.u32 s8;
	[tilespmem:v55+s3+$0x0] =	vst.idx.msk $0xffff, v32  }
0x4d3: {  	s12 =	sadd.s32 $0xFFFFFEFB, s6;
	v58 =	vor.u32 s25, v0;
	s16 =	sadd.s32 $0xFFFFFFF9, s24;
	v35 =	vadd.s32 $0x8000, v51;
	[dreg:$0x6] =	wrdreg s20;
	v34 =	vadd.s32 $0x8000, v54;
	v63 =	vld [tilespmem:s2+$0x200]  }
0x4d4: {  	s11 =	sor.u32 s29, s11;
	v44 =	vor.u32 s16, v0;
	s16 =	sor.u32 $0x7300, s18;
	s20 =	rddreg [dreg:$0x11];
	v62 =	vshrl.u32 v35, $0x10;
	v49 =	vld [tilespmem:s2+$0x280];
	v34 =	vand.u32 $0xFFFF0000, v34  }
0x4d5: {  	s25 =	sadd.s32 $0xFFFFFFFA, s24;
	v37 =	vadd.s32 $0x8000, v37;
	v33 =	vadd.s32 $0x8000, v56;
	s2 =	sor.u32 s22, s16;
	v61 =	vld [tilespmem:s20+$0x0];
	s20 =	sor.u32 $0x7380, s18;
	v32 =	vor.u32 v62, v34  }
0x4d6: {  	v29 =	vor.u32 v29, v38;
	v60 =	vld [tilespmem:s14+$0x0];
	v48 =	vshrl.u32 v37, $0x10;
	v33 =	vand.u32 $0xFFFF0000, v33;
	s18 =	sor.u32 s23, s16;
	s8 =	sor.u32 s22, s20;
	s22 =	smov.u32 s0;
	[tilespmem:v59+s3+$0x0] =	vst.idx.msk $0xffff, v32  }
0x4d7: {  	[tilespmem:v22+s3+$0x0] =	vst.idx.msk $0xffff, v29;
	v50 =	vor.u32 v48, v33;
	s14 =	sor.u32 s23, s20;
	s20 =	sadd.s32 $0xFFFFFFF3, s6;
	s23 =	smov.u32 s28;
	v52 =	vld [tilespmem:s18+$0x0]  }
0x4d8: {  	s0 =	rddreg [dreg:$0xa];
	s28 =	smov.u32 s30;
	[tilespmem:v28+s3+$0x0] =	vst.idx.msk $0xffff, v50;
	s18 =	smov.u32 s26;
	v53 =	vld [tilespmem:s14+$0x0]  }
0x4d9: {  	s26 =	smov.u32 s21;
	s14 =	sadd.s32 $0x2, s0;
	v59 =	vld [tilespmem:s13+$0x0];
	s13 =	rddreg [dreg:$0xc]  }
0x4da: {  	v38 =	vor.u32 s10, v0;
	v29 =	vadd.s32 $0x8000, v40;
	v51 =	vadd.s32 $0x8000, v43;
	s21 =	sor.u32 $0x6100, s18;
	[dreg:$0xa] =	wrdreg s14;
	s14 =	sand.u32 $0x7, s14  }
0x4db: {  	v28 =	vshrl.u32 v29, $0x10;
	v29 =	vand.u32 $0xFFFF0000, v51;
	v32 =	vor.u32 s15, v0;
	v54 =	vld [tilespmem:s31+$0x200];
	s15 =	sor.u32 $0x6180, s18;
	s10 =	sadd.s32 $0x1, s13;
	s16 =	sor.u32 s23, s21  }
0x4dc: {  	v55 =	vor.u32 s20, v0;
	v56 =	vor.u32 v28, v29;
	v57 =	vld [tilespmem:s31+$0x280];
	s14 =	sshll.u32 s14, $0x4;
	s21 =	sor.u32 s29, s21;
	s20 =	sor.u32 s23, s15  }
0x4dd: {  	[tilespmem:v44+s3+$0x0] =	vst.idx.msk $0xffff, v56;
	s30 =	sor.u32 s29, s15;
	s0 =	sadd.s32 s7, s14;
	s14 =	sld [smem:$0x7CB]  }
0x4de: {  	v22 =	vmovc v42;
	v36 =	vadd.s32 $0x8000, v60;
	v35 =	vadd.s32 $0x8000, v63;
	v37 =	vadd.s32 $0x8000, v49;
	v42 =	vld [tilespmem:s16+$0x0];
	s16 =	smov.u32 s17;
	s7 =	sor.u32 s17, s7;
	s17 =	sld [smem:$0x7CC]  }
0x4df: {  	v29 =	vor.u32 s12, v0;
	v35 =	vshrl.u32 v35, $0x10;
	v37 =	vand.u32 $0xFFFF0000, v37;
	[dreg:$0xc] =	wrdreg s10;
	s10 =	sand.u32 $0x3, s10;
	s12 =	sadd.s32 $0x10, s0  }
0x4e0: {  	v39 =	vadd.s32 $0x8000, v61;
	v45 =	vld [tilespmem:s20+$0x0];
	v35 =	vor.u32 v35, v37;
	v34 =	vadd.s32 $0x8000, v52;
	s15 =	sor.u32 $0x300, s12;
	s12 =	sshll.u32 s10, $0x5;
	s10 =	sld [smem:$0x7CD]  }
0x4e1: {  	s20 =	smov.u32 s29;
	[tilespmem:v55+s3+$0x0] =	vst.idx.msk $0xffff, v35;
	v33 =	vadd.s32 $0x8000, v53;
	v40 =	vadd.s32 $0x8000, v54;
	v61 =	vadd.s32 $0x8000, v57;
	s29 =	smov.u32 s14;
	v60 =	vld [tilespmem:s17+$0x0];
	s14 =	rddreg [dreg:$0x3]  }
0x4e2: {  	v34 =	vshrl.u32 v34, $0x10;
	v33 =	vand.u32 $0xFFFF0000, v33;
	v62 =	vld [tilespmem:s15+$0x4000];
	v63 =	vshrl.u32 v40, $0x10;
	s13 =	sadd.s32 s12, s4;
	s15 =	rddreg [dreg:$0x1d];
	s12 =	sadd.s32 $0xFFFFFFF4, s6  }
0x4e3: {  	s7 =	sor.u32 $0x380, s7;
	v47 =	vand.u32 $0xFFFF0000, v61;
	v33 =	vor.u32 v34, v33;
	s17 =	smov.u32 s15;
	v55 =	vor.u32 s12, v0;
	s12 =	sld [smem:$0x7CF]  }
0x4e4: {  	s9 =	sadd.s32 $0xFFFFFEFA, s6;
	v46 =	vor.u32 s25, v0;
	v48 =	vld [tilespmem:s7+$0x4000];
	v34 =	vor.u32 v63, v47;
	[tilespmem:v58+s3+$0x0] =	vst.idx.msk $0xffff, v33;
	[dreg:$0x3] =	wrdreg s17  }
0x4e5: {  	v28 =	vor.u32 s9, v0;
	s0 =	sor.u32 $0x300, s13;
	s13 =	smov.u32 s2;
	v33 =	vld [tilespmem:s14+$0x0];
	[tilespmem:v31+s3+$0x0] =	vst.idx.msk $0xffff, v34;
	s14 =	rddreg [dreg:$0x4]  }
0x4e6: {  	v51 =	vadd.s32 $0x8000, v59;
	s15 =	sor.u32 $0x6200, s18;
	v49 =	vadd.s32 $0x8000, v42;
	v50 =	vadd.s32 $0x8000, v45;
	s17 =	smov.u32 s10;
	v54 =	vld [tilespmem:s0+$0x4000];
	s0 =	rddreg [dreg:$0x1e]  }
0x4e7: {  	s10 =	sld [smem:$0x7CE];
	v52 =	vshrl.u32 v49, $0x10;
	v53 =	vand.u32 $0xFFFF0000, v50;
	v31 =	vld [tilespmem:s14+$0x0];
	s14 =	sor.u32 $0x6280, s18;
	s9 =	smov.u32 s0;
	v35 =	vadd.s32 $0x8000, v60  }
0x4e8: {  	v34 =	vshrl.u32 v51, $0x10;
	v37 =	vor.u32 v52, v53;
	v56 =	vld [tilespmem:s12+$0x4000];
	s0 =	sor.u32 s20, s15;
	s15 =	sor.u32 s23, s15;
	s2 =	sor.u32 s20, s14;
	v35 =	vand.u32 $0xFFFF0000, v35  }
0x4e9: {  	v18 =	vadd.s32 $0x8000, v18;
	v36 =	vshrl.u32 v36, $0x10;
	s7 =	sor.u32 s23, s14;
	s14 =	smov.u32 s8;
	s8 =	sld [smem:$0x7D0];
	[tilespmem:v46+s3+$0x0] =	vst.idx.msk $0xffff, v37;
	v34 =	vor.u32 v34, v35  }
0x4ea: {  	v57 =	vand.u32 $0xFFFF0000, v39;
	v41 =	vadd.s32 $0x8000, v48;
	[dreg:$0x4] =	wrdreg s9;
	v58 =	vadd.s32 $0x8000, v62;
	v59 =	vld [tilespmem:s15+$0x0];
	[tilespmem:v25+s3+$0x0] =	vst.idx.msk $0xffff, v34  }
0x4eb: {  	v36 =	vor.u32 v36, v57;
	s31 =	smov.u32 s10;
	v41 =	vand.u32 $0xFFFF0000, v41;
	s10 =	sld [smem:$0x7D2];
	v39 =	vshrl.u32 v58, $0x10;
	v62 =	vld [tilespmem:s11+$0x0];
	s11 =	simm.s32 $0xA000  }
0x4ec: {  	v14 =	vor.u32 v14, v27;
	v18 =	vand.u32 $0xFFFF0000, v18;
	s25 =	smov.u32 s24;
	s9 =	sld [smem:$0x7D1];
	v60 =	vld [tilespmem:s7+$0x0];
	s7 =	sor.u32 $0x5000, s26;
	v61 =	vor.u32 v39, v41;
	[tilespmem:v12+s11+$0x0] =	vst.idx.msk $0xffff, v36  }
0x4ed: {  	s15 =	sadd.s32 $0xFFFFFFFB, s25;
	v37 =	vor.u32 s8, v0;
	s8 =	sor.u32 $0x5080, s26;
	s12 =	sor.u32 s28, s7;
	v63 =	vadd.s32 $0x8000, v54;
	v47 =	vadd.s32 $0x8000, v56;
	[tilespmem:v55+s11+$0x0] =	vst.idx.msk $0xffff, v61;
	v46 =	vld [tilespmem:s1+$0x0]  }
0x4ee: {  	v45 =	vor.u32 s10, v0;
	s10 =	sor.u32 s29, s8;
	s8 =	sor.u32 s28, s8;
	s3 =	sld [smem:$0x7D3];
	v27 =	vshrl.u32 v63, $0x10;
	v48 =	vld [tilespmem:s12+$0x0];
	[tilespmem:v7+s11+$0x0] =	vst.idx.msk $0xffff, v14;
	v14 =	vand.u32 $0xFFFF0000, v47  }
0x4ef: {  	v49 =	vor.u32 s15, v0;
	v12 =	vmovc v21;
	v21 =	vor.u32 s9, v0;
	s9 =	rddreg [dreg:$0x18];
	v51 =	vld [tilespmem:s8+$0x0];
	v14 =	vor.u32 v27, v14  }
0x4f0: {  	v13 =	vor.u32 v13, v18;
	s15 =	rddreg [dreg:$0x16];
	v52 =	vld [tilespmem:s9+$0x0];
	[tilespmem:v26+s11+$0x0] =	vst.idx.msk $0xffff, v14  }
0x4f1: {  	s7 =	sor.u32 s29, s7;
	v50 =	vor.u32 s3, v0;
	v34 =	vadd.s32 $0x8000, v60;
	s12 =	sadd.s32 $0xFFFFFFF5, s6;
	v27 =	vadd.s32 $0x8000, v59;
	v53 =	vld [tilespmem:s15+$0x0]  }
0x4f2: {  	v55 =	vor.u32 s12, v0;
	s9 =	sor.u32 $0x6380, s18;
	v26 =	vshrl.u32 v27, $0x10;
	v27 =	vand.u32 $0xFFFF0000, v34;
	v54 =	vld [tilespmem:s7+$0x0]  }
0x4f3: {  	v25 =	vmovc v38;
	v14 =	vadd.s32 $0x8000, v62;
	s7 =	sor.u32 $0x6300, s18;
	v26 =	vor.u32 v26, v27;
	v27 =	vld [tilespmem:s10+$0x0];
	s10 =	sor.u32 s20, s9;
	v38 =	vadd.s32 $0x8000, v46  }
0x4f4: {  	v14 =	vshrl.u32 v14, $0x10;
	[tilespmem:v49+s11+$0x0] =	vst.idx.msk $0xffff, v26;
	s1 =	sor.u32 s23, s7;
	[dreg:$0x11] =	wrdreg s10;
	s10 =	sadd.s32 $0xFFFFFFFC, s25;
	v26 =	vadd.s32 $0x8000, v48;
	v38 =	vand.u32 $0xFFFF0000, v38  }
0x4f5: {  	s12 =	sor.u32 s23, s9;
	v56 =	vadd.s32 $0x8000, v51;
	v57 =	vld [tilespmem:s1+$0x0];
	v60 =	vor.u32 s10, v0;
	v14 =	vor.u32 v14, v38  }
0x4f6: {  	v26 =	vshrl.u32 v26, $0x10;
	v40 =	vand.u32 $0xFFFF0000, v56;
	v35 =	vadd.s32 $0x8000, v52;
	[tilespmem:v24+s11+$0x0] =	vst.idx.msk $0xffff, v14;
	v14 =	vld [tilespmem:s12+$0x0]  }
0x4f7: {  	s3 =	sor.u32 $0x5180, s26;
	v26 =	vor.u32 v26, v40;
	v35 =	vshrl.u32 v35, $0x10;
	v34 =	vadd.s32 $0x8000, v53;
	v58 =	vld [tilespmem:s21+$0x0]  }
0x4f8: {  	s15 =	sor.u32 $0x5100, s26;
	s8 =	sor.u32 s20, s7;
	s7 =	sor.u32 s28, s3;
	v39 =	vadd.s32 $0x8000, v54;
	[tilespmem:v55+s11+$0x0] =	vst.idx.msk $0xffff, v26;
	v27 =	vadd.s32 $0x8000, v27;
	v26 =	vld [tilespmem:s30+$0x0];
	v34 =	vand.u32 $0xFFFF0000, v34  }
0x4f9: {  	s9 =	sor.u32 s28, s15;
	[dreg:$0x10] =	wrdreg s8;
	v18 =	vshrl.u32 v39, $0x10;
	[tilespmem:v4+s11+$0x0] =	vst.idx.msk $0xffff, v13;
	v13 =	vand.u32 $0xFFFF0000, v27;
	v27 =	vld [tilespmem:s7+$0x0];
	v34 =	vor.u32 v35, v34  }
0x4fa: {  	s1 =	sor.u32 s29, s15;
	s15 =	rddreg [dreg:$0x17];
	v59 =	vld [tilespmem:s9+$0x0];
	v13 =	vor.u32 v18, v13;
	[tilespmem:v11+s11+$0x0] =	vst.idx.msk $0xffff, v34  }
0x4fb: {  	v61 =	vadd.s32 $0x8000, v33;
	s8 =	rddreg [dreg:$0x15];
	s30 =	sadd.s32 $0xFFFFFFF6, s6;
	v18 =	vadd.s32 $0x8000, v57;
	v62 =	vld [tilespmem:s15+$0x0];
	[tilespmem:v19+s11+$0x0] =	vst.idx.msk $0xffff, v13;
	v14 =	vadd.s32 $0x8000, v14  }
0x4fc: {  	s5 =	sadd.s32 $0x2, s5;
	v63 =	vor.u32 s30, v0;
	v18 =	vshrl.u32 v18, $0x10;
	v19 =	vld [tilespmem:s8+$0x0];
	v14 =	vand.u32 $0xFFFF0000, v14  }
0x4fd: {  	p1 =	slt.u32 s5, $0x1E;
	v7 =	vmovc v10;
	s12 =	sor.u32 s29, s3;
	s9 =	sor.u32 $0x7000, s18;
	v34 =	vld [tilespmem:s1+$0x0];
	v13 =	vadd.s32 $0x8000, v58;
	v26 =	vadd.s32 $0x8000, v26;
	v14 =	vor.u32 v18, v14  }
.Ltmp7:
0x4fe: {  	v10 =	vmovc v17;
	v24 =	vmovc v32;
	v32 =	vld [tilespmem:s12+$0x0];
	s12 =	sor.u32 $0x7080, s18;
	s1 =	sor.u32 s23, s9;
	v27 =	vadd.s32 $0x8000, v27;
	v13 =	vshrl.u32 v13, $0x10;
	v26 =	vand.u32 $0xFFFF0000, v26;
	[tilespmem:v60+s11+$0x0] =	vst.idx.msk $0xffff, v14;
	(pc) =	sbr.rel @p1 .LBB2_8-.Ltmp7, $4  }
0x4ff: {  	s19 =	sadd.s32 $0x100, s19;
	v17 =	vmovc v45;
	v4 =	vmovc v6;
	s30 =	sor.u32 s23, s12;
	v18 =	vadd.s32 $0x8000, v31;
	v14 =	vadd.s32 $0x8000, v59;
	v13 =	vor.u32 v13, v26;
	v26 =	vld [tilespmem:s1+$0x0]  }
0x500: {  	s24 =	smov.u32 s6;
	v6 =	vmovc v8;
	v8 =	vmovc v16;
	s21 =	rddreg [dreg:$0x1c];
	s10 =	sor.u32 s20, s9;
	v31 =	vand.u32 $0xFFFF0000, v27;
	v14 =	vshrl.u32 v14, $0x10;
	[tilespmem:v23+s11+$0x0] =	vst.idx.msk $0xffff, v13;
	v27 =	vld [tilespmem:s30+$0x0];
	v13 =	vadd.s32 $0x8000, v62  }
0x501: {  	v16 =	vmovc v50;
	s15 =	smov.u32 s21;
	s8 =	sor.u32 $0x5200, s26;
	s21 =	sor.u32 s20, s12;
	v23 =	vmovc v28;
	v14 =	vor.u32 v14, v31;
	v28 =	vld [tilespmem:s0+$0x0];
	v19 =	vadd.s32 $0x8000, v19;
	v13 =	vshrl.u32 v13, $0x10  }
0x502: {  	v11 =	vmovc v20;
	v20 =	vmovc v37;
	s9 =	sor.u32 s28, s8;
	s1 =	sor.u32 $0x5280, s26;
	v33 =	vadd.s32 $0x8000, v34;
	v31 =	vld [tilespmem:s2+$0x0];
	s0 =	sadd.s32 $0xFFFFFFFD, s25;
	[tilespmem:v63+s11+$0x0] =	vst.idx.msk $0xffff, v14;
	v14 =	vshrl.u32 v19, $0x10;
	v19 =	vshrl.u32 v61, $0x10  }
0x503: {  	v34 =	vld [tilespmem:s9+$0x0];
	s2 =	sor.u32 s28, s1  }
0x504: {  	v35 =	vld [tilespmem:s2+$0x0];
	_ =	sdelay $0x1  }
0x505: {  	s12 =	sadd.s32 $0xFFFFFFF7, s6  }
0x506: {  	v32 =	vadd.s32 $0x8000, v32;
	v36 =	vor.u32 s12, v0  }
0x507: {  	v33 =	vshrl.u32 v33, $0x10;
	v32 =	vand.u32 $0xFFFF0000, v32  }
0x508: {  	v32 =	vor.u32 v33, v32;
	v49 =	vadd.s32 $0x8000, v34;
	v50 =	vadd.s32 $0x8000, v35  }
0x509: {  	s16 =	sor.u32 s29, s8;
	[tilespmem:v30+s11+$0x0] =	vst.idx.msk $0xffff, v32;
	v51 =	vshrl.u32 v49, $0x10;
	v52 =	vand.u32 $0xFFFF0000, v50  }
0x50a: {  	s19 =	sor.u32 s29, s1;
	s30 =	sor.u32 $0x5300, s26;
	v53 =	vld [tilespmem:s16+$0x0];
	v30 =	vor.u32 v51, v52  }
0x50b: {  	s4 =	sor.u32 $0x5380, s26;
	s3 =	sor.u32 s28, s30;
	v54 =	vld [tilespmem:s19+$0x0];
	[tilespmem:v36+s11+$0x0] =	vst.idx.msk $0xffff, v30  }
0x50c: {  	s5 =	sor.u32 s28, s4;
	v30 =	vld [tilespmem:s3+$0x0]  }
0x50d: {  	v55 =	vld [tilespmem:s5+$0x0];
	_ =	sdelay $0x1  }
0x50e: {  	s6 =	sadd.s32 $0xFFFFFFF8, s24  }
0x50f: {  	v56 =	vor.u32 s6, v0;
	v33 =	vadd.s32 $0x8000, v53;
	v32 =	vadd.s32 $0x8000, v54  }
0x510: {  	v33 =	vshrl.u32 v33, $0x10;
	v32 =	vand.u32 $0xFFFF0000, v32  }
0x511: {  	v32 =	vor.u32 v33, v32;
	v30 =	vadd.s32 $0x8000, v30;
	v34 =	vadd.s32 $0x8000, v55  }
0x512: {  	s2 =	sor.u32 s29, s30;
	[tilespmem:v22+s11+$0x0] =	vst.idx.msk $0xffff, v32;
	v30 =	vshrl.u32 v30, $0x10;
	v57 =	vand.u32 $0xFFFF0000, v34  }
0x513: {  	s7 =	sor.u32 $0x6000, s26;
	s1 =	sor.u32 s29, s4;
	v22 =	vld [tilespmem:s2+$0x0];
	v30 =	vor.u32 v30, v57  }
0x514: {  	s8 =	sor.u32 $0x6080, s26;
	s9 =	sor.u32 s28, s7;
	v32 =	vld [tilespmem:s1+$0x0];
	[tilespmem:v56+s11+$0x0] =	vst.idx.msk $0xffff, v30  }
0x515: {  	s12 =	sor.u32 s28, s8;
	v30 =	vld [tilespmem:s9+$0x0]  }
0x516: {  	v58 =	vld [tilespmem:s12+$0x0];
	_ =	sdelay $0x1  }
0x517: {  	s16 =	sadd.s32 $0xFFFFFFF9, s24  }
0x518: {  	v59 =	vor.u32 s16, v0;
	v22 =	vadd.s32 $0x8000, v22;
	v32 =	vadd.s32 $0x8000, v32  }
0x519: {  	v22 =	vshrl.u32 v22, $0x10;
	v32 =	vand.u32 $0xFFFF0000, v32  }
0x51a: {  	v22 =	vor.u32 v22, v32;
	v30 =	vadd.s32 $0x8000, v30;
	v33 =	vadd.s32 $0x8000, v58  }
0x51b: {  	s2 =	sor.u32 s29, s7;
	[tilespmem:v25+s11+$0x0] =	vst.idx.msk $0xffff, v22;
	v30 =	vshrl.u32 v30, $0x10;
	v60 =	vand.u32 $0xFFFF0000, v33  }
0x51c: {  	s19 =	sor.u32 $0x6100, s26;
	s1 =	sor.u32 s29, s8;
	v22 =	vld [tilespmem:s2+$0x0];
	v61 =	vor.u32 v30, v60  }
0x51d: {  	s30 =	sor.u32 $0x6180, s26;
	s4 =	sor.u32 s28, s19;
	v62 =	vld [tilespmem:s1+$0x0];
	[tilespmem:v59+s11+$0x0] =	vst.idx.msk $0xffff, v61  }
0x51e: {  	s5 =	sor.u32 s28, s30;
	v25 =	vld [tilespmem:s4+$0x0]  }
0x51f: {  	v63 =	vld [tilespmem:s5+$0x0];
	_ =	sdelay $0x1  }
0x520: {  	s6 =	sadd.s32 $0xFFFFFFFA, s24  }
0x521: {  	v36 =	vor.u32 s6, v0;
	v22 =	vadd.s32 $0x8000, v22;
	v30 =	vadd.s32 $0x8000, v62  }
0x522: {  	v22 =	vshrl.u32 v22, $0x10;
	v30 =	vand.u32 $0xFFFF0000, v30  }
0x523: {  	v22 =	vor.u32 v22, v30;
	v25 =	vadd.s32 $0x8000, v25;
	v32 =	vadd.s32 $0x8000, v63  }
0x524: {  	s2 =	sor.u32 s29, s19;
	[tilespmem:v24+s11+$0x0] =	vst.idx.msk $0xffff, v22;
	v25 =	vshrl.u32 v25, $0x10;
	v37 =	vand.u32 $0xFFFF0000, v32  }
0x525: {  	s7 =	sor.u32 $0x6200, s26;
	s1 =	sor.u32 s29, s30;
	v22 =	vld [tilespmem:s2+$0x0];
	v38 =	vor.u32 v25, v37  }
0x526: {  	s8 =	sor.u32 $0x6280, s26;
	s9 =	sor.u32 s28, s7;
	v39 =	vld [tilespmem:s1+$0x0];
	[tilespmem:v36+s11+$0x0] =	vst.idx.msk $0xffff, v38  }
0x527: {  	s12 =	sor.u32 s28, s8;
	v24 =	vld [tilespmem:s9+$0x0]  }
0x528: {  	v40 =	vld [tilespmem:s12+$0x0];
	_ =	sdelay $0x1  }
0x529: {  	s16 =	sadd.s32 $0xFFFFFFFB, s24  }
0x52a: {  	v41 =	vor.u32 s16, v0;
	v22 =	vadd.s32 $0x8000, v22;
	v25 =	vadd.s32 $0x8000, v39  }
0x52b: {  	v22 =	vshrl.u32 v22, $0x10;
	v25 =	vand.u32 $0xFFFF0000, v25  }
0x52c: {  	v22 =	vor.u32 v22, v25;
	v24 =	vadd.s32 $0x8000, v24;
	v30 =	vadd.s32 $0x8000, v40  }
0x52d: {  	v43 =	vor.u32 s0, v0;
	s2 =	sor.u32 s29, s7;
	[tilespmem:v23+s11+$0x0] =	vst.idx.msk $0xffff, v22;
	v24 =	vshrl.u32 v24, $0x10;
	v42 =	vand.u32 $0xFFFF0000, v30  }
0x52e: {  	v26 =	vadd.s32 $0x8000, v26;
	s19 =	sor.u32 s29, s8;
	s30 =	sor.u32 $0x6300, s26;
	v23 =	vld [tilespmem:s2+$0x0];
	v24 =	vor.u32 v24, v42  }
0x52f: {  	v27 =	vadd.s32 $0x8000, v27;
	v26 =	vshrl.u32 v26, $0x10;
	s6 =	sor.u32 s28, s30;
	s5 =	sor.u32 $0x6380, s26;
	v44 =	vld [tilespmem:s19+$0x0];
	[tilespmem:v41+s11+$0x0] =	vst.idx.msk $0xffff, v24  }
0x530: {  	v27 =	vand.u32 $0xFFFF0000, v27;
	v28 =	vadd.s32 $0x8000, v28;
	v31 =	vadd.s32 $0x8000, v31;
	s7 =	sor.u32 s28, s5;
	v24 =	vld [tilespmem:s6+$0x0]  }
0x531: {  	v26 =	vor.u32 v26, v27;
	v28 =	vshrl.u32 v28, $0x10;
	v31 =	vand.u32 $0xFFFF0000, v31;
	s3 =	sor.u32 $0x7180, s18;
	v45 =	vld [tilespmem:s7+$0x0]  }
0x532: {  	[tilespmem:v43+s11+$0x0] =	vst.idx.msk $0xffff, v26;
	v47 =	vor.u32 v28, v31;
	s9 =	sor.u32 s23, s3;
	s2 =	sor.u32 $0x7100, s18  }
0x533: {  	[tilespmem:v15+s11+$0x0] =	vst.idx.msk $0xffff, v47;
	s8 =	sadd.s32 $0xFFFFFFFC, s24;
	v48 =	vld [tilespmem:s9+$0x0];
	s4 =	sor.u32 s23, s2  }
0x534: {  	v46 =	vor.u32 s8, v0;
	v22 =	vld [tilespmem:s4+$0x0];
	v23 =	vadd.s32 $0x8000, v23;
	v25 =	vadd.s32 $0x8000, v44;
	s12 =	rddreg [dreg:$0x10]  }
0x535: {  	v49 =	vshrl.u32 v23, $0x10;
	v50 =	vand.u32 $0xFFFF0000, v25;
	s16 =	rddreg [dreg:$0x11];
	v51 =	vld [tilespmem:s12+$0x0]  }
0x536: {  	s19 =	sadd.s32 $0xFFFFFFFE, s25;
	v15 =	vor.u32 v49, v50;
	v53 =	vld [tilespmem:s16+$0x0];
	v24 =	vadd.s32 $0x8000, v24;
	v52 =	vadd.s32 $0x8000, v45  }
0x537: {  	s1 =	sor.u32 s29, s30;
	v54 =	vor.u32 s19, v0;
	[tilespmem:v29+s11+$0x0] =	vst.idx.msk $0xffff, v15;
	v24 =	vshrl.u32 v24, $0x10;
	v26 =	vand.u32 $0xFFFF0000, v52  }
0x538: {  	s0 =	sor.u32 s29, s5;
	s30 =	sor.u32 $0x7000, s26;
	v29 =	vld [tilespmem:s1+$0x0];
	v24 =	vor.u32 v24, v26  }
0x539: {  	s8 =	sor.u32 s28, s30;
	v56 =	vadd.s32 $0x8000, v48;
	s7 =	sor.u32 $0x7080, s26;
	v22 =	vadd.s32 $0x8000, v22;
	v55 =	vld [tilespmem:s0+$0x0];
	[tilespmem:v46+s11+$0x0] =	vst.idx.msk $0xffff, v24  }
0x53a: {  	v27 =	vand.u32 $0xFFFF0000, v56;
	s9 =	sor.u32 s28, s7;
	v22 =	vshrl.u32 v22, $0x10;
	v24 =	vld [tilespmem:s8+$0x0]  }
0x53b: {  	s5 =	sadd.s32 $0xFFFFFFFD, s24;
	s4 =	sor.u32 $0x7200, s18;
	v22 =	vor.u32 v22, v27;
	v25 =	vadd.s32 $0x8000, v51;
	v23 =	vadd.s32 $0x8000, v53;
	v57 =	vld [tilespmem:s9+$0x0]  }
0x53c: {  	v58 =	vor.u32 s5, v0;
	s5 =	sor.u32 $0x7280, s18;
	s12 =	sor.u32 s23, s4;
	[tilespmem:v54+s11+$0x0] =	vst.idx.msk $0xffff, v22;
	v59 =	vshrl.u32 v25, $0x10;
	v60 =	vand.u32 $0xFFFF0000, v23  }
0x53d: {  	s16 =	sor.u32 s23, s5;
	v61 =	vld [tilespmem:s12+$0x0];
	v15 =	vor.u32 v59, v60  }
0x53e: {  	v62 =	vadd.s32 $0x8000, v29;
	v63 =	vadd.s32 $0x8000, v55;
	v29 =	vld [tilespmem:s16+$0x0];
	[tilespmem:v12+s11+$0x0] =	vst.idx.msk $0xffff, v15  }
0x53f: {  	v30 =	vshrl.u32 v62, $0x10;
	v31 =	vand.u32 $0xFFFF0000, v63;
	v32 =	vld [tilespmem:s10+$0x0]  }
0x540: {  	v12 =	vor.u32 v30, v31;
	v34 =	vld [tilespmem:s21+$0x0];
	v24 =	vadd.s32 $0x8000, v24;
	v33 =	vadd.s32 $0x8000, v57  }
0x541: {  	s19 =	sadd.s32 $0xFFFFFFFF, s25;
	s1 =	sor.u32 s29, s30;
	[tilespmem:v21+s11+$0x0] =	vst.idx.msk $0xffff, v12;
	v24 =	vshrl.u32 v24, $0x10;
	v25 =	vand.u32 $0xFFFF0000, v33  }
0x542: {  	v35 =	vor.u32 s19, v0;
	s0 =	sor.u32 s29, s7;
	s21 =	sor.u32 $0x7100, s26;
	v21 =	vld [tilespmem:s1+$0x0];
	v24 =	vor.u32 v24, v25  }
0x543: {  	s7 =	sor.u32 $0x7180, s26;
	v23 =	vadd.s32 $0x8000, v61;
	s30 =	sor.u32 s28, s21;
	v36 =	vld [tilespmem:s0+$0x0];
	[tilespmem:v58+s11+$0x0] =	vst.idx.msk $0xffff, v24  }
0x544: {  	v23 =	vshrl.u32 v23, $0x10;
	s1 =	sor.u32 s28, s7;
	v26 =	vadd.s32 $0x8000, v29;
	v24 =	vld [tilespmem:s30+$0x0]  }
0x545: {  	v26 =	vand.u32 $0xFFFF0000, v26;
	v22 =	vadd.s32 $0x8000, v32;
	v15 =	vadd.s32 $0x8000, v34;
	v27 =	vld [tilespmem:s1+$0x0];
	s8 =	rddreg [dreg:$0xd]  }
0x546: {  	s0 =	sor.u32 $0x7300, s18;
	v23 =	vor.u32 v23, v26;
	v22 =	vshrl.u32 v22, $0x10;
	v15 =	vand.u32 $0xFFFF0000, v15;
	s10 =	rddreg [dreg:$0xe];
	v37 =	vld [tilespmem:s8+$0x0]  }
0x547: {  	s9 =	sadd.s32 $0xFFFFFFFE, s24;
	s12 =	sor.u32 s23, s0;
	v15 =	vor.u32 v22, v15;
	[tilespmem:v35+s11+$0x0] =	vst.idx.msk $0xffff, v23;
	v38 =	vld [tilespmem:s10+$0x0]  }
0x548: {  	s2 =	sor.u32 s20, s2;
	v39 =	vor.u32 s9, v0;
	v21 =	vadd.s32 $0x8000, v21;
	v40 =	vadd.s32 $0x8000, v36;
	[tilespmem:v11+s11+$0x0] =	vst.idx.msk $0xffff, v15;
	v23 =	vld [tilespmem:s12+$0x0]  }
0x549: {  	s1 =	sor.u32 $0x7380, s18;
	v42 =	vshrl.u32 v21, $0x10;
	v43 =	vand.u32 $0xFFFF0000, v40;
	s18 =	sor.u32 s20, s3;
	v44 =	vld [tilespmem:s2+$0x0]  }
0x54a: {  	s16 =	sor.u32 s23, s1;
	v11 =	vor.u32 v42, v43;
	v47 =	vld [tilespmem:s18+$0x0];
	v45 =	vadd.s32 $0x8000, v24;
	v46 =	vadd.s32 $0x8000, v27  }
0x54b: {  	s19 =	sor.u32 s29, s21;
	v41 =	vld [tilespmem:s16+$0x0];
	[tilespmem:v20+s11+$0x0] =	vst.idx.msk $0xffff, v11;
	v22 =	vshrl.u32 v45, $0x10;
	v24 =	vand.u32 $0xFFFF0000, v46  }
0x54c: {  	s21 =	sor.u32 s29, s7;
	s23 =	sor.u32 $0x7200, s26;
	v20 =	vld [tilespmem:s19+$0x0];
	v48 =	vor.u32 v22, v24  }
0x54d: {  	s30 =	sor.u32 $0x7280, s26;
	s7 =	sor.u32 s28, s23;
	v49 =	vld [tilespmem:s21+$0x0];
	[tilespmem:v39+s11+$0x0] =	vst.idx.msk $0xffff, v48  }
0x54e: {  	v18 =	vand.u32 $0xFFFF0000, v18;
	s8 =	sor.u32 s28, s30;
	v50 =	vadd.s32 $0x8000, v37;
	v51 =	vld [tilespmem:s7+$0x0]  }
0x54f: {  	v32 =	vor.u32 v19, v18;
	v12 =	vand.u32 $0xFFFF0000, v50;
	v52 =	vld [tilespmem:s8+$0x0];
	s9 =	rddreg [dreg:$0x3]  }
0x550: {  	s10 =	sadd.s32 $0xFFFFFFFF, s24;
	v53 =	vadd.s32 $0x8000, v44;
	v15 =	vadd.s32 $0x8000, v47;
	v12 =	vor.u32 v14, v12;
	s12 =	rddreg [dreg:$0x4];
	v29 =	vld [tilespmem:s9+$0x0]  }
0x551: {  	v54 =	vor.u32 s10, v0;
	v55 =	vshrl.u32 v53, $0x10;
	v56 =	vand.u32 $0xFFFF0000, v15;
	[tilespmem:v7+s11+$0x0] =	vst.idx.msk $0xffff, v12;
	v21 =	vld [tilespmem:s12+$0x0]  }
0x552: {  	v58 =	vadd.s32 $0x8000, v20;
	v11 =	vadd.s32 $0x8000, v49;
	v7 =	vor.u32 v55, v56;
	v57 =	vld [tilespmem:s15+$0x0];
	s16 =	rddreg [dreg:$0x6]  }
0x553: {  	s18 =	sor.u32 s20, s4;
	v27 =	vor.u32 s25, v0;
	v60 =	vshrl.u32 v58, $0x10;
	v61 =	vand.u32 $0xFFFF0000, v11;
	[tilespmem:v10+s11+$0x0] =	vst.idx.msk $0xffff, v7;
	v59 =	vld [tilespmem:s16+$0x0]  }
0x554: {  	s19 =	sor.u32 s20, s5;
	v33 =	vadd.s32 $0x8000, v38;
	v35 =	vadd.s32 $0x8000, v23;
	v7 =	vor.u32 v60, v61;
	v62 =	vld [tilespmem:s18+$0x0]  }
0x555: {  	s21 =	sor.u32 s29, s23;
	v24 =	vor.u32 s22, v0;
	v36 =	vadd.s32 $0x8000, v41;
	v31 =	vld [tilespmem:s19+$0x0];
	[tilespmem:v17+s11+$0x0] =	vst.idx.msk $0xffff, v7;
	v17 =	vand.u32 $0xFFFF0000, v33  }
0x556: {  	s2 =	sor.u32 s29, s30;
	v34 =	vld [tilespmem:s21+$0x0];
	v13 =	vor.u32 v13, v17;
	v63 =	vadd.s32 $0x8000, v51;
	v28 =	vadd.s32 $0x8000, v52  }
0x557: {  	v19 =	vshrl.u32 v35, $0x10;
	v37 =	vld [tilespmem:s2+$0x0];
	[tilespmem:v4+s11+$0x0] =	vst.idx.msk $0xffff, v13;
	v12 =	vshrl.u32 v63, $0x10;
	v22 =	vand.u32 $0xFFFF0000, v28  }
0x558: {  	s22 =	sor.u32 $0x7300, s26;
	v42 =	vld [tilespmem:s17+$0x0];
	v14 =	vadd.s32 $0x8000, v57;
	v12 =	vor.u32 v12, v22;
	v15 =	vadd.s32 $0x8000, v59  }
0x559: {  	s23 =	sor.u32 $0x7380, s26;
	v20 =	vor.u32 s24, v0;
	s24 =	sor.u32 s28, s22;
	v43 =	vld [tilespmem:s31+$0x0];
	v40 =	vshrl.u32 v14, $0x10;
	[tilespmem:v54+s11+$0x0] =	vst.idx.msk $0xffff, v12;
	v41 =	vand.u32 $0xFFFF0000, v15  }
0x55a: {  	s25 =	sor.u32 s28, s23;
	v11 =	vadd.s32 $0x8000, v62;
	v10 =	vadd.s32 $0x8000, v31;
	v38 =	vld [tilespmem:s24+$0x0];
	v4 =	vor.u32 v40, v41  }
0x55b: {  	v44 =	vand.u32 $0xFFFF0000, v36;
	v45 =	vshrl.u32 v11, $0x10;
	v46 =	vand.u32 $0xFFFF0000, v10;
	v39 =	vld [tilespmem:s25+$0x0];
	[tilespmem:v6+s11+$0x0] =	vst.idx.msk $0xffff, v4  }
0x55c: {  	v48 =	vadd.s32 $0x8000, v34;
	v49 =	vadd.s32 $0x8000, v37;
	v4 =	vor.u32 v45, v46;
	v47 =	vld [tilespmem:s13+$0x0]  }
0x55d: {  	s0 =	sor.u32 s20, s0;
	v53 =	vadd.s32 $0x8000, v29;
	v51 =	vshrl.u32 v48, $0x10;
	v52 =	vand.u32 $0xFFFF0000, v49;
	v50 =	vld [tilespmem:s14+$0x0];
	[tilespmem:v8+s11+$0x0] =	vst.idx.msk $0xffff, v4  }
0x55e: {  	s1 =	sor.u32 s20, s1;
	v15 =	vor.u32 v19, v44;
	v54 =	vadd.s32 $0x8000, v21;
	v4 =	vor.u32 v51, v52;
	v8 =	vld [tilespmem:s0+$0x0]  }
0x55f: {  	s26 =	sor.u32 s29, s22;
	v11 =	vshrl.u32 v53, $0x10;
	v18 =	vand.u32 $0xFFFF0000, v54;
	v14 =	vadd.s32 $0x8000, v42;
	v55 =	vld [tilespmem:s1+$0x0];
	[tilespmem:v16+s11+$0x0] =	vst.idx.msk $0xffff, v4  }
0x560: {  	s28 =	sor.u32 s29, s23;
	v11 =	vor.u32 v11, v18;
	v13 =	vadd.s32 $0x8000, v43;
	v60 =	vshrl.u32 v14, $0x10;
	v4 =	vld [tilespmem:s26+$0x0]  }
0x561: {  	v13 =	vand.u32 $0xFFFF0000, v13;
	v59 =	vld [tilespmem:s28+$0x0];
	v56 =	vadd.s32 $0x8000, v38;
	v57 =	vadd.s32 $0x8000, v39  }
0x562: {  	[tilespmem:v1+s11+$0x0] =	vst.idx.msk $0xffff, v32;
	v7 =	vor.u32 v60, v13;
	v58 =	vshrl.u32 v56, $0x10;
	v16 =	vand.u32 $0xFFFF0000, v57  }
0x563: {  	[tilespmem:v27+s11+$0x0] =	vst.idx.msk $0xffff, v15;
	v1 =	vor.u32 v58, v16;
	v10 =	vadd.s32 $0x8000, v47;
	v12 =	vadd.s32 $0x8000, v50  }
0x564: {  	[tilespmem:v2+s11+$0x0] =	vst.idx.msk $0xffff, v11;
	v2 =	vshrl.u32 v10, $0x10;
	v61 =	vand.u32 $0xFFFF0000, v12;
	v8 =	vadd.s32 $0x8000, v8  }
0x565: {  	[tilespmem:v20+s11+$0x0] =	vst.idx.msk $0xffff, v1;
	v1 =	vor.u32 v2, v61;
	v2 =	vadd.s32 $0x8000, v55;
	v62 =	vshrl.u32 v8, $0x10  }
0x566: {  	[tilespmem:v3+s11+$0x0] =	vst.idx.msk $0xffff, v7;
	v3 =	vadd.s32 $0x8000, v4;
	v63 =	vadd.s32 $0x8000, v59;
	v2 =	vand.u32 $0xFFFF0000, v2  }
0x567: {  	[tilespmem:v5+s11+$0x0] =	vst.idx.msk $0xffff, v1;
	v1 =	vor.u32 v62, v2;
	v2 =	vshrl.u32 v3, $0x10;
	v3 =	vand.u32 $0xFFFF0000, v63  }
0x568: {  	[tilespmem:v9+s11+$0x0] =	vst.idx.msk $0xffff, v1;
	v1 =	vor.u32 v2, v3  }
0x569: {  	s29 =	sld [smem:$0x7F5];
	[tilespmem:v24+s11+$0x0] =	vst.idx.msk $0xffff, v1  }
.Ltmp8:
0x56a: {  	s30 =	sld [smem:$0x7FB];
	(pc) =	sbr.rel .LBB2_10-.Ltmp8, $4  }
0x56b: {  	_ = 	snop  }
0x56c: {  	s4 =	sld [smem:$0x7F6];
	s0 =	sshll.u32 s29, $0xF  }
0x56d: {  	s9 =	simm.s32 $0x8000;
	s31 =	simm.s32 $0x0;
	s0 =	sadd.s32 s0, s30  }
0x56e: {  	[hbm4b:s0+s31] =	stream.linear.scatter [tilespmem:s11], [sflag:$0x4], $0x2000, $0x38;
	[tilespmem:$0xC000] =	vst v63  }
.LBB2_12:
0x56f: {  	_ =	sfence.sel $0x180000  }
0x570: {  	[bflag:$0x0] =	sbarrier.arrive $0xFFFF  }
0x571: {  	_ =	strace $0x90000047  }
0x572: {  	s0 =	stileid.u32;
	[bflag:$0x2] =	sbarrier.arrive $0xFFFF  }
0x573: {  	p0 =	sne.s32 s0, $0x0;
	s0 =	rddreg [dreg:$0x2]  }
0x574: {  	s0 =	sadd.s32 @!p0 $0x100000, s0  }
0x575: {  	[sflag:s0] =	ssyncadd.tile.s32 @!p0 $0x1;
	_ =	shalt  }
.Lfunc_end2:
_tile_overlayer_lowered:
.L_overlay_start_2:
0x576: {  	(tag) =	ssettag $0x2  }
0x577: {  	s0 =	rddreg [dreg:$0x0];
	s2 =	stileid.u32  }
0x578: {  	s1 =	rddreg [dreg:$0x1];
	p0 =	sne.s32 s2, $0x0  }
0x579: {  	s3 =	rddreg [dreg:$0x2];
	[bflag:$0x3] =	sbarrier.arrive $0xFFFF;
	s2 =	simm.s32 @!p0 $0x1C05  }
0x57a: {  	[timem:s3], [sflag:s2] =	dma.local @!p0 [hbm:s0], s1  }
0x57b: {  	s0 =	simm.s32 @!p0 $0x5  }
0x57c: {  	_ =	swait.ge @!p0 [sflag:s0], s1  }
0x57d: {  	s1 =	ssub.s32 @!p0 $0x0, s1;
	[sflag:s0] =	ssyncset.done @!p0 $0x0  }
0x57e: {  	[sflag:s0] =	ssyncadd.s32 @!p0 s1  }
0x57f: {  	[bflag:$0x3] =	sbarrier.arrive $0xFFFF  }
0x580: {  	_ =	shalt  }

// kernel: kernel.8.cloned.1.call-start
scs
__scs_entry_jumppad:
0x0: {  	(pc) =	sbr.rel $0x88, $3  }
0x1: {  	(tag) =	ssettag $0x0;
	lr =	simm.s32 $0x1  }
0x2: {  	[smem:$0x3F99] =	sst lr;
	_ =	strace $0xD0000000  }
0x3: {  	_ = 	snop  }
0x4: {  	_ = 	snop  }
0x5: {  	_ = 	snop  }
0x6: {  	_ = 	snop  }
0x7: {  	_ = 	snop  }
__scs_overlays_trampoline_lowered:
0x8: {  	[smem:$0x3FA8] =	sst s0  }
0x9: {  	[smem:$0x3FA9] =	sst s1  }
0xa: {  	[smem:$0x3FAA] =	sst s2  }
0xb: {  	[smem:$0x3FAB] =	sst s3  }
0xc: {  	[smem:$0x3FAC] =	sst s4  }
0xd: {  	[smem:$0x3FAD] =	sst s5  }
0xe: {  	[smem:$0x3FAE] =	sst s6  }
0xf: {  	[smem:$0x3FAF] =	sst s7  }
0x10: {  	[smem:$0x3FB0] =	sst s8  }
0x11: {  	[smem:$0x3FB1] =	sst s9;
	s0 =	simm.s32 @!p0 $0x0  }
0x12: {  	s1 =	sld [smem:$0x3F97];
	s0 =	simm.s32 @p0 $0x1  }
0x13: {  	[smem:$0x3FB2] =	sst s0;
	s0 =	simm.s32 @!p1 $0x0  }
0x14: {  	s2 =	sld [smem:$0x3F96];
	s0 =	simm.s32 @p1 $0x1  }
0x15: {  	[smem:$0x3FB3] =	sst s0;
	s0 =	simm.s32 @!p2 $0x0  }
0x16: {  	s3 =	sld [smem:$0x3FDB];
	s0 =	simm.s32 @p2 $0x1  }
0x17: {  	s4 =	simm.s32 $0x1BF5;
	[smem:$0x3FB5] =	sst s0  }
0x18: {  	s0 =	sld [smem:$0x3F98];
	_ =	swait.ge [sflag:s4], $0x0  }
0x19: {  	s7 =	sld [smem:$0x3F99]  }
0x1a: {  	s8 =	sadd.s32 $0xFFFFE003, lr  }
0x1b: {  	s9 =	sadd.s32 $0xFFFFFEF7, lr;
	s5 =	simm.s32 $0xFFFFFFFF;
	p2 =	slt.u32 s8, $0xFFFFF086  }
0x1c: {  	p1 =	slt.u32 s9, $0xF7A;
	s5 =	simm.s32 @!p2 $0x0  }
0x1d: {  	s5 =	simm.s32 @p1 $0x1;
	p0 =	seq.s32 s7, s2  }
0x1e: {  	s7 =	smul.u32 @!p0 $0xF7A, s2;
	p2 =	seq.s32 @!p0 s5, $0x0  }
0x1f: {  	s9 =	smul.u32 $0xF7A, s1;
	s8 =	simm.s32 @!p0 $0x1BF5;
	p2 =	por !p2, p0  }
0x20: {  	[sflag:s8] =	ssyncset.s32 @!p0 $0xFFFFF086;
	s6 =	sadd.s32 @!p0 s3, s7;
	s7 =	simm.s32 @!p0 $0x108  }
0x21: {  	s3 =	sadd.s32 s3, s9;
	s6 =	sadd.s32 @!p0 $0x88, s6;
	s7 =	simm.s32 @p2 $0x1082  }
0x22: {  	[simem:s7], [sflag:s8] =	dma.local @!p0 [hbm:s6], $0xF7A  }
0x23: {  	s9 =	sor.u32 $0xD0000000, s2;
	s6 =	simm.s32 $0x108;
	_ =	swait.ge @!p0 [sflag:s8], $0x0  }
0x24: {  	s3 =	sadd.s32 $0x88, s3;
	s6 =	simm.s32 @!p1 $0x1082;
	[sflag:s4] =	ssyncset.s32 $0xFFFFF086  }
0x25: {  	[simem:s6], [sflag:s4] =	dma.local [hbm:s3], $0xF7A  }
0x26: {  	[smem:$0x3F99] =	sst s1;
	(tag) =	ssettag s2;
	_ =	strace s9  }
0x27: {  	s1 =	sld [smem:$0x3FA9]  }
0x28: {  	s2 =	sld [smem:$0x3FAA]  }
0x29: {  	s4 =	sld [smem:$0x3FAC]  }
0x2a: {  	p0 =	seq.s32 s5, $0x0;
	s5 =	sld [smem:$0x3FAD]  }
0x2b: {  	s6 =	sld [smem:$0x3FAE]  }
0x2c: {  	s7 =	sld [smem:$0x3FAF]  }
0x2d: {  	s3 =	simm.s32 $0x108;
	s8 =	sld [smem:$0x3FB0]  }
0x2e: {  	s3 =	simm.s32 @!p0 $0x1082;
	s9 =	sld [smem:$0x3FB1]  }
0x2f: {  	lr =	sadd.s32 s0, s3;
	s0 =	sld [smem:$0x3FA8]  }
0x30: {  	s3 =	sld [smem:$0x3FAB]  }
0x31: {  	[smem:$0x3FB4] =	sst s10  }
0x32: {  	s10 =	sld [smem:$0x3FB2];
	_ =	sdelay $0x3  }
0x33: {  	p0 =	seq.s32 s10, $0x1;
	s10 =	sld [smem:$0x3FB4];
	_ =	sdelay $0x3  }
0x34: {  	[smem:$0x3FB4] =	sst s10  }
0x35: {  	s10 =	sld [smem:$0x3FB3];
	_ =	sdelay $0x3  }
0x36: {  	p1 =	seq.s32 s10, $0x1;
	s10 =	sld [smem:$0x3FB4];
	_ =	sdelay $0x3  }
0x37: {  	[smem:$0x3FB4] =	sst s10  }
0x38: {  	s10 =	sld [smem:$0x3FB5]  }
0x39: {  	_ = 	snop;
	(pc) =	sbr.ind lr, $3  }
0x3a: {  	_ = 	snop  }
0x3b: {  	_ = 	snop  }
0x3c: {  	p2 =	seq.s32 s10, $0x1;
	s10 =	sld [smem:$0x3FB4]  }
0x3d: {  	_ =	shalt  }
0x3e: {  	_ =	shalt  }
0x3f: {  	_ =	shalt  }
0x40: {  	_ =	shalt  }
0x41: {  	_ =	shalt  }
0x42: {  	_ =	shalt  }
0x43: {  	_ =	shalt  }
0x44: {  	_ =	shalt  }
0x45: {  	_ =	shalt  }
0x46: {  	_ =	shalt  }
0x47: {  	_ =	shalt  }
0x48: {  	_ =	shalt  }
0x49: {  	_ =	shalt  }
0x4a: {  	_ =	shalt  }
0x4b: {  	_ =	shalt  }
0x4c: {  	_ =	shalt  }
0x4d: {  	_ =	shalt  }
0x4e: {  	_ =	shalt  }
0x4f: {  	_ =	shalt  }
0x50: {  	_ =	shalt  }
0x51: {  	_ =	shalt  }
0x52: {  	_ =	shalt  }
0x53: {  	_ =	shalt  }
0x54: {  	_ =	shalt  }
0x55: {  	_ =	shalt  }
0x56: {  	_ =	shalt  }
0x57: {  	_ =	shalt  }
0x58: {  	_ =	shalt  }
0x59: {  	_ =	shalt  }
0x5a: {  	_ =	shalt  }
0x5b: {  	_ =	shalt  }
0x5c: {  	_ =	shalt  }
0x5d: {  	_ =	shalt  }
0x5e: {  	_ =	shalt  }
0x5f: {  	_ =	shalt  }
0x60: {  	_ =	shalt  }
0x61: {  	_ =	shalt  }
0x62: {  	_ =	shalt  }
0x63: {  	_ =	shalt  }
0x64: {  	_ =	shalt  }
0x65: {  	_ =	shalt  }
0x66: {  	_ =	shalt  }
0x67: {  	_ =	shalt  }
0x68: {  	_ =	shalt  }
0x69: {  	_ =	shalt  }
0x6a: {  	_ =	shalt  }
0x6b: {  	_ =	shalt  }
0x6c: {  	_ =	shalt  }
0x6d: {  	_ =	shalt  }
0x6e: {  	_ =	shalt  }
0x6f: {  	_ =	shalt  }
0x70: {  	_ =	shalt  }
0x71: {  	_ =	shalt  }
0x72: {  	_ =	shalt  }
0x73: {  	_ =	shalt  }
0x74: {  	_ =	shalt  }
0x75: {  	_ =	shalt  }
0x76: {  	_ =	shalt  }
0x77: {  	_ =	shalt  }
0x78: {  	_ =	shalt  }
0x79: {  	_ =	shalt  }
0x7a: {  	_ =	shalt  }
0x7b: {  	_ =	shalt  }
0x7c: {  	_ =	shalt  }
0x7d: {  	_ =	shalt  }
0x7e: {  	_ =	shalt  }
0x7f: {  	_ =	shalt  }
0x80: {  	_ =	shalt  }
0x81: {  	_ =	shalt  }
0x82: {  	_ =	shalt  }
0x83: {  	_ =	shalt  }
0x84: {  	_ =	shalt  }
0x85: {  	_ =	shalt  }
0x86: {  	_ =	shalt  }
0x87: {  	_ =	shalt  }
.Lfunc_end0:
.L_simem_size_0:
called_computation.1_lowered:
.L_overlay_start_0:
0x88: {  	s2 =	sld [smem:$0x3FD9]  }
0x89: {  	s3 =	sld [smem:$0x3FFE];
	_ =	sdelay $0x1  }
0x8a: {  	s1 =	srdreg.scid  }
0x8b: {  	s0 =	sand.u32 $0x1, s1  }
0x8c: {  	s17 =	sshll.u32 s0, $0xA;
	s2 =	sadd.s32 s3, s2  }
0x8d: {  	s2 =	sadd.s32 s2, s17  }
0x8e: {  	[smem:$0x3FC0] =	sst s2  }
0x8f: {  	_ = 	snop  }
0x90: {  	s2 =	sld [smem:$0x3FD0];
	(tm) =	ssettm $0x1  }
0x91: {  	s18 =	sld [smem:$0x3FFB];
	_ =	sdelay $0x3  }
0x92: {  	_ =	strace s18  }
0x93: {  	s3 =	sld [smem:$0x3FFC];
	_ =	sdelay $0x3  }
0x94: {  	_ =	strace s3  }
0x95: {  	s3 =	sld [smem:$0x3FFD];
	_ =	sdelay $0x3  }
0x96: {  	_ =	strace s3  }
0x97: {  	_ =	strace $0x8FFFFFFF  }
0x98: {  	s19 =	sld [smem:$0x3FDB];
	_ =	sdelay $0x1  }
0x99: {  	s4 =	simm.s32 $_scs_section_size  }
0x9a: {  	s5 =	simm.s32 $_size__tile_overlayer_lowered;
	s6 =	simm.s32 $_tile_overlayer_lowered  }
0x9b: {  	s22 =	simm.s32 $0x1BFF;
	s21 =	sshll.u32 s6, $0x1;
	s3 =	sadd.s32 s4, s19  }
0x9c: {  	s7 =	simm.s32 $0x0;
	s20 =	sshll.u32 s5, $0x1;
	s5 =	sadd.s32 s21, s3  }
0x9d: {  	[timem:s7], [sflag:s22] =	dma.local [hbm:s5], s20  }
0x9e: {  	_ =	swait.ge [sflag:s22], s20  }
0x9f: {  	s4 =	ssub.s32 $0x0, s20;
	[sflag:s22] =	ssyncset.done $0x0  }
0xa0: {  	[sflag:s22] =	ssyncadd.s32 s4;
	_ =	sdelay $0x1  }
0xa1: {  	s23 =	simm.s32 $0x1B8B  }
0xa2: {  	_ =	swait.ge [sflag:s23], $0x1  }
0xa3: {  	[sflag:s23] =	ssyncset.done $0x0  }
0xa4: {  	s25 =	simm.s32 $0x1B8E;
	s24 =	sld [smem:$0x3FFE];
	[sflag:s23] =	ssyncadd.s32 $0xFFFFFFFF  }
0xa5: {  	s26 =	simm.s32 $execute0_lowered;
	[smem:$0x3FD2] =	sst s25  }
0xa6: {  	s5 =	sshll.u32 s26, $0x1;
	_ =	strace $0x80000049;
	[dreg:$0x1] =	wrdreg $0xFFFFFFFF  }
0xa7: {  	s28 =	simm.s32 $_size_execute0_lowered;
	s3 =	sadd.s32 s3, s5;
	[dreg:$0x0] =	wrdreg $0x0  }
0xa8: {  	s5 =	sshll.u32 s28, $0x1;
	[dreg:$0x2] =	wrdreg s3  }
0xa9: {  	[dreg:$0x3] =	wrdreg s5  }
0xaa: {  	[dreg:$0x4] =	wrdreg $0xC0  }
0xab: {  	_ =	task [dreg:s7], $0x5FFFF  }
0xac: {  	[dreg:$0x1] =	wrdreg $0xFFFFFFFF  }
0xad: {  	[dreg:$0x0] =	wrdreg $0x60  }
0xae: {  	[dreg:$0x2] =	wrdreg s2  }
0xaf: {  	[dreg:$0x3] =	wrdreg s24  }
0xb0: {  	[dreg:$0x4] =	wrdreg $0x9  }
0xb1: {  	_ =	task.clear_ibuf [dreg:s7], $0x5FFFF;
	_ =	strace $0x90000049  }
0xb2: {  	s29 =	simm.s32 $0x9;
	_ =	strace $0x8000004B  }
0xb3: {  	_ =	swait.ge [sflag:s29], $0x1  }
0xb4: {  	[sflag:s29] =	ssyncadd.s32 $0xFFFFFFFF  }
0xb5: {  	_ =	strace $0x9000004B  }
0xb6: {  	_ =	sfence  }
0xb7: {  	s30 =	sld [smem:$0x0];
	_ =	sdelay $0x2  }
0xb8: {  	s31 =	sshll.u32 s1, $0xD;
	s1 =	sshrl.u32 s1, $0x2  }
0xb9: {  	s3 =	sand.u32 $0x4000, s31;
	s1 =	sadd.s32 s1, s30  }
0xba: {  	s0 =	sor.u32 s3, s0;
	s1 =	sshll.u32 s1, $0x11  }
0xbb: {  	s0 =	sor.u32 s1, s0  }
0xbc: {  	s0 =	sadd.s32 $0x8F2B, s0  }
0xbd: {  	[sflag:s0] =	ssyncadd.remote.s32 $0x1  }
0xbe: {  	_ =	sfence.sel $0xFFFF  }
0xbf: {  	[dreg:$0x0] =	wrdreg $0xFFFFFFFF;
	(pc) =	sbr.abs _section_cstart, $3  }
0xc0: {  	[dreg:$0x1] =	wrdreg $0xFFFFFFFF  }
0xc1: {  	_ =	task.clear_ibuf [dreg:s7], $0x2FFFF;
	_ =	strace $0x9FFFFFFF  }
0xc2: {  	(tm) =	ssettm $0x7FFFFFFF  }
0xc3: {  	_ =	shalt  }
tec
execute0_lowered:
.L_overlay_start_1:
0x0: {  	(tag) =	ssettag $0x1  }
0x1: {  	s4 =	rddreg [dreg:$0x0]  }
0x2: {  	s1 =	srdreg.scid;
	s0 =	stileid.u32  }
0x3: {  	s5 =	rddreg [dreg:$0x1];
	s2 =	simm.s32 $0x0;
	s10 =	simm.s32 $0x1  }
0x4: {  	s11 =	simm.s32 $0x1400;
	s12 =	simm.s32 $0x2;
	s13 =	simm.s32 $0x1C00  }
0x5: {  	s14 =	simm.s32 $0x3;
	s3 =	sand.u32 $0x1, s1;
	s6 =	sshll.u32 s0, $0x1  }
0x6: {  	s15 =	simm.s32 $0x0;
	s1 =	rddreg [dreg:$0x2];
	s6 =	sor.u32 s3, s6  }
0x7: {  	[smem:$0x7FF] =	sst s2;
	s8 =	ssub.s32 $0x2, s3;
	s7 =	smul.u32 $0x3000, s6  }
0x8: {  	_ =	strace $0x8000004A;
	s9 =	sshrl.u32 s8, $0x1;
	s6 =	smul.u32 $0x180, s6  }
0x9: {  	s3 =	sadd.s32 $0x1600, s5;
	s31 =	ssub.s32 s8, s9;
	s8 =	simm.s32 $0x80  }
0xa: {  	s9 =	simm.s32 $0xC00;
	s5 =	sadd.s32 s7, s5;
	s4 =	sadd.s32 s4, s6  }
0xb: {  	s6 =	smax.u32 s31, $0x1;
	s7 =	simm.s32 $0x4;
	s5 =	sadd.s32 $0x1E9C00, s5  }
.LBB2_1:
0xc: {  	[tilespmem:s2], [sflag:$0x4] =	stream.linear.gather [hbm4b:s4+s2], $0xC00, $0x38;
	[tilespmem:$0x19C00] =	vst v63  }
0xd: {  	_ =	swait.ge [sflag:s7], $0xC00  }
0xe: {  	s16 =	simm.s32 $0x1C40;
	[sflag:s7] =	ssyncset.done $0x0  }
0xf: {  	s17 =	simm.s32 $0x2C70;
	s18 =	simm.s32 $0x0;
	[sflag:s7] =	ssyncadd.s32 $0xFFFFF400  }
0x10: {  	[tilespmem:s9], [sflag:$0x1] =	stream.indirect.gather [hbm4b:s3+s8], $0x10, s2, s8, $0xb8;
	[tilespmem:$0x19C00] =	vst v63  }
.LBB2_2:
0x11: {  	s19 =	sshll.u32 s18, $0x8;
	_ =	swait.ge [sflag:s10], $0x800  }
0x12: {  	[sflag:s10] =	ssyncset.done $0x0;
	s19 =	sor.u32 $0x80, s19  }
0x13: {  	s31 =	simm.s32 $0xC20;
	[sflag:s10] =	ssyncadd.s32 $0xFFFFF800;
	s19 =	sand.u32 $0x3FFFFF80, s19  }
0x14: {  	[tilespmem:s11], [sflag:$0x2] =	stream.indirect.gather [hbm4b:s3+s8], $0x10, s19, s8, $0xb8;
	[tilespmem:$0x19C00] =	vst v63  }
0x15: {  	v0 =	vld [tilespmem:s31+$0x10];
	_ =	sdelay $0x3  }
0x16: {  	v2 =	vld [tilespmem:s31+$0xFFFFFFF0]  }
0x17: {  	v5 =	vld [tilespmem:s31+$0x0];
	v1 =	vand.u32 $0xFFFF0000, v0  }
0x18: {  	[tilespmem:s16+$0x30] =	vst v1;
	v1 =	vld [tilespmem:s31+$0xFFFFFFE0];
	_ =	sdelay $0x2  }
0x19: {  	v0 =	vshll.u32 v0, $0x10;
	v3 =	vshll.u32 v2, $0x10  }
0x1a: {  	s20 =	simm.s32 $0x0;
	s21 =	simm.s32 $0xC60;
	s19 =	smov.u32 s16;
	v4 =	vand.u32 $0xFFFF0000, v2;
	v2 =	vand.u32 $0xFFFF0000, v5;
	[tilespmem:s16+$0xFFFFFFE0] =	vst v3;
	v3 =	vshll.u32 v5, $0x10  }
.LBB2_3:
0x1b: {  	v5 =	vld [tilespmem:s21+$0x10];
	s20 =	sadd.s32 $0x4, s20;
	v6 =	vshll.u32 v1, $0x10;
	v1 =	vand.u32 $0xFFFF0000, v1;
	[tilespmem:s19+$0xFFFFFFF0] =	vst v4  }
0x1c: {  	v4 =	vld [tilespmem:s21+$0xFFFFFFF0];
	p0 =	slt.u32 s20, $0x7C;
	[tilespmem:s19+$0xFFFFFFC0] =	vst v6  }
0x1d: {  	v6 =	vld [tilespmem:s21+$0x0];
	[tilespmem:s19+$0xFFFFFFD0] =	vst v1  }
.Ltmp0:
0x1e: {  	v1 =	vld [tilespmem:s21+$0xFFFFFFE0];
	[tilespmem:s19+$0x0] =	vst v3;
	(pc) =	sbr.rel @p0 .LBB2_3-.Ltmp0, $4  }
0x1f: {  	[tilespmem:s19+$0x10] =	vst v2  }
0x20: {  	v2 =	vand.u32 $0xFFFF0000, v5;
	[tilespmem:s19+$0x20] =	vst v0;
	v0 =	vshll.u32 v5, $0x10;
	s19 =	sadd.s32 $0x80, s19  }
0x21: {  	v3 =	vshll.u32 v4, $0x10;
	v4 =	vand.u32 $0xFFFF0000, v4;
	[tilespmem:s19+$0x30] =	vst v2  }
0x22: {  	s21 =	sadd.s32 $0x40, s21;
	[tilespmem:s19+$0xFFFFFFE0] =	vst v3;
	v3 =	vshll.u32 v6, $0x10;
	v2 =	vand.u32 $0xFFFF0000, v6  }
0x23: {  	[tilespmem:s19+$0xFFFFFFF0] =	vst v4  }
0x24: {  	[tilespmem:s19+$0x0] =	vst v3  }
0x25: {  	[tilespmem:s19+$0x10] =	vst v2  }
0x26: {  	v5 =	vshll.u32 v1, $0x10;
	[tilespmem:s19+$0x20] =	vst v0  }
0x27: {  	v1 =	vand.u32 $0xFFFF0000, v1;
	[tilespmem:s19+$0xFFFFFFC0] =	vst v5  }
0x28: {  	p0 =	seq.s32 s18, $0xB;
	[tilespmem:s19+$0xFFFFFFD0] =	vst v1  }
0x29: {  	s31 =	simm.s32 $0x1420;
	s19 =	sshll.u32 @!p0 s18, $0x8;
	_ =	swait.ge [sflag:s12], $0x800  }
0x2a: {  	s20 =	simm.s32 @!p0 $0x80;
	s19 =	sand.u32 @!p0 $0x3FFFFF00, s19;
	[sflag:s12] =	ssyncset.done $0x0  }
0x2b: {  	s21 =	simm.s32 @!p0 $0xC00;
	s19 =	sadd.s32 @!p0 $0x100, s19;
	[sflag:s12] =	ssyncadd.s32 $0xFFFFF800  }
0x2c: {  	[tilespmem:s21], [sflag:$0x1] =	stream.indirect.gather @!p0 [hbm4b:s3+s20], $0x10, s19, s20, $0xb8;
	[tilespmem:$0x19C00] =	vst v63  }
0x2d: {  	v0 =	vld [tilespmem:s31+$0x10];
	_ =	sdelay $0x3  }
0x2e: {  	v2 =	vld [tilespmem:s31+$0xFFFFFFF0]  }
0x2f: {  	v5 =	vld [tilespmem:s31+$0x0];
	v1 =	vand.u32 $0xFFFF0000, v0  }
0x30: {  	[tilespmem:s17+$0x0] =	vst v1;
	v1 =	vld [tilespmem:s31+$0xFFFFFFE0];
	_ =	sdelay $0x2  }
0x31: {  	v0 =	vshll.u32 v0, $0x10;
	v3 =	vshll.u32 v2, $0x10  }
0x32: {  	s20 =	simm.s32 $0x0;
	s21 =	simm.s32 $0x1460;
	s19 =	smov.u32 s17;
	v4 =	vand.u32 $0xFFFF0000, v2;
	v2 =	vand.u32 $0xFFFF0000, v5;
	[tilespmem:s17+$0xFFFFFFB0] =	vst v3;
	v3 =	vshll.u32 v5, $0x10  }
.LBB2_5:
0x33: {  	v5 =	vld [tilespmem:s21+$0x10];
	s20 =	sadd.s32 $0x4, s20;
	v6 =	vshll.u32 v1, $0x10;
	v1 =	vand.u32 $0xFFFF0000, v1;
	[tilespmem:s19+$0xFFFFFFC0] =	vst v4  }
0x34: {  	v4 =	vld [tilespmem:s21+$0xFFFFFFF0];
	p0 =	slt.u32 s20, $0x7C;
	[tilespmem:s19+$0xFFFFFF90] =	vst v6  }
0x35: {  	v6 =	vld [tilespmem:s21+$0x0];
	[tilespmem:s19+$0xFFFFFFA0] =	vst v1  }
.Ltmp1:
0x36: {  	v1 =	vld [tilespmem:s21+$0xFFFFFFE0];
	[tilespmem:s19+$0xFFFFFFD0] =	vst v3;
	(pc) =	sbr.rel @p0 .LBB2_5-.Ltmp1, $4  }
0x37: {  	[tilespmem:s19+$0xFFFFFFE0] =	vst v2  }
0x38: {  	v2 =	vand.u32 $0xFFFF0000, v5;
	[tilespmem:s19+$0xFFFFFFF0] =	vst v0;
	v0 =	vshll.u32 v5, $0x10;
	s19 =	sadd.s32 $0x80, s19  }
0x39: {  	v3 =	vshll.u32 v4, $0x10;
	v4 =	vand.u32 $0xFFFF0000, v4;
	[tilespmem:s19+$0x0] =	vst v2  }
0x3a: {  	s21 =	sadd.s32 $0x40, s21;
	[tilespmem:s19+$0xFFFFFFB0] =	vst v3;
	v3 =	vshll.u32 v6, $0x10;
	v2 =	vand.u32 $0xFFFF0000, v6  }
0x3b: {  	s18 =	sadd.s32 $0x1, s18  }
0x3c: {  	[tilespmem:s19+$0xFFFFFFC0] =	vst v4;
	p0 =	sne.s32 s18, $0xC  }
.Ltmp2:
0x3d: {  	[tilespmem:s19+$0xFFFFFFD0] =	vst v3;
	(pc) =	sbr.rel @p0 .LBB2_2-.Ltmp2, $4  }
0x3e: {  	[tilespmem:s19+$0xFFFFFFE0] =	vst v2  }
0x3f: {  	v5 =	vshll.u32 v1, $0x10;
	[tilespmem:s19+$0xFFFFFFF0] =	vst v0  }
0x40: {  	v63 =	vand.u32 $0xFFFF0000, v1;
	[tilespmem:s19+$0xFFFFFF90] =	vst v5  }
0x41: {  	s16 =	sadd.s32 $0x2000, s16;
	s17 =	sadd.s32 $0x2000, s17;
	[tilespmem:s19+$0xFFFFFFA0] =	vst v63  }
0x42: {  	s15 =	sadd.s32 $0x1, s15  }
0x43: {  	p0 =	sne.s32 s15, s6  }
.Ltmp3:
0x44: {  	_ = 	snop;
	(pc) =	sbr.rel @p0 .LBB2_1-.Ltmp3, $4  }
0x45: {  	[hbm4b:s5+s2] =	stream.linear.scatter [tilespmem:s13], [sflag:$0x3], $0x18000, $0x38;
	[tilespmem:$0x19C00] =	vst v63  }
0x46: {  	_ =	swait.ge [sflag:s14], $0x18000  }
0x47: {  	[sflag:s14] =	ssyncset.done $0x0  }
0x48: {  	[sflag:s14] =	ssyncadd.s32 $0xFFFE8000  }
0x49: {  	_ =	sfence.sel $0x180000  }
0x4a: {  	[bflag:$0x0] =	sbarrier.arrive $0xFFFF  }
0x4b: {  	p0 =	sne.s32 s0, $0x0;
	_ =	strace $0x9000004A  }
0x4c: {  	s0 =	sadd.s32 @!p0 $0x100000, s1;
	[bflag:$0x2] =	sbarrier.arrive $0xFFFF  }
0x4d: {  	[sflag:s0] =	ssyncadd.tile.s32 @!p0 $0x1;
	_ =	shalt  }
.Lfunc_end2:
_tile_overlayer_lowered:
.L_overlay_start_2:
0x4e: {  	(tag) =	ssettag $0x2  }
0x4f: {  	s0 =	rddreg [dreg:$0x0];
	s2 =	stileid.u32  }
0x50: {  	s1 =	rddreg [dreg:$0x1];
	p0 =	sne.s32 s2, $0x0  }
0x51: {  	s3 =	rddreg [dreg:$0x2];
	[bflag:$0x3] =	sbarrier.arrive $0xFFFF;
	s2 =	simm.s32 @!p0 $0x1C04  }
0x52: {  	[timem:s3], [sflag:s2] =	dma.local @!p0 [hbm:s0], s1  }
0x53: {  	s0 =	simm.s32 @!p0 $0x4  }
0x54: {  	_ =	swait.ge @!p0 [sflag:s0], s1  }
0x55: {  	s1 =	ssub.s32 @!p0 $0x0, s1;
	[sflag:s0] =	ssyncset.done @!p0 $0x0  }
0x56: {  	[sflag:s0] =	ssyncadd.s32 @!p0 s1  }
0x57: {  	[bflag:$0x3] =	sbarrier.arrive $0xFFFF  }
0x58: {  	_ =	shalt  }

</sc_bundles>
